<compile_context>
chip_gen: v7x
topology: tpu7x:2x2x1
jax: 0.10.2.dev20260603
libtpu: 0.0.44.dev20260713+nightly
codegen_flags: <defaults>
</compile_context>

<pallas_src>
import functools

import jax
import jax.numpy as jnp
from jax import lax
from jax.experimental import pallas as pl
from jax.experimental.pallas import tpu as pltpu
from jax.experimental.pallas import tpu_sc as plsc

B = 16384
D = 64
K = 20

NC = 2
NS = 16
NW = NC * NS
BW = B // NW
GB = 4
GROUPS = BW // GB
GROW = GB * K
NCHUNK = 128
NFC = BW // NCHUNK


def _sc_scores(focus_table, context_table, fi2, ci2, ni2):
    mesh = plsc.VectorSubcoreMesh(
        core_axis_name="c", subcore_axis_name="s", num_cores=NC,
        num_subcores=NS)

    @functools.partial(
        pl.kernel,
        out_type=(
            jax.ShapeDtypeStruct((B, 16), jnp.float32),
            jax.ShapeDtypeStruct((B, 16), jnp.float32),
        ),
        mesh=mesh,
        compiler_params=pltpu.CompilerParams(use_tc_tiling_on_sc=False),
        scratch_types=[
            pltpu.VMEM((NFC, NCHUNK), jnp.int32),
            pltpu.VMEM((NFC, NCHUNK), jnp.int32),
            pltpu.VMEM((GROUPS, GROW), jnp.int32),
            pltpu.VMEM((BW, D), jnp.float32),
            pltpu.VMEM((BW, D), jnp.float32),
            pltpu.VMEM((2, GROW, D), jnp.float32),
            pltpu.VMEM((BW, 16), jnp.float32),
            pltpu.VMEM((BW, 16), jnp.float32),
            pltpu.SemaphoreType.DMA,
            pltpu.SemaphoreType.DMA,
        ],
    )
    def k(ft_hbm, ct_hbm, fi_hbm, ci_hbm, ni_hbm, posi_hbm, neg_hbm,
          fidx_v, cidx_v, nidx_v, fe_v, ce_v, nce_v, posi_v, neg_v,
          sem_fc, sem_n):
        wid = lax.axis_index("s") * NC + lax.axis_index("c")
        base = wid * BW

        pltpu.sync_copy(fi_hbm.at[pl.ds(wid * NFC, NFC)], fidx_v)
        pltpu.sync_copy(ci_hbm.at[pl.ds(wid * NFC, NFC)], cidx_v)
        pltpu.sync_copy(ni_hbm.at[pl.ds(wid * GROUPS, GROUPS)], nidx_v)

        for j in range(NFC):
            pltpu.make_async_copy(
                ft_hbm.at[fidx_v.at[j]],
                fe_v.at[pl.ds(j * NCHUNK, NCHUNK)], sem_fc).start()
        for j in range(NFC):
            pltpu.make_async_copy(
                ct_hbm.at[cidx_v.at[j]],
                ce_v.at[pl.ds(j * NCHUNK, NCHUNK)], sem_fc).start()
        pltpu.make_async_copy(
            ct_hbm.at[nidx_v.at[0]], nce_v.at[0], sem_n).start()
        for j in range(NFC):
            pltpu.make_async_copy(
                ft_hbm.at[fidx_v.at[j]],
                fe_v.at[pl.ds(j * NCHUNK, NCHUNK)], sem_fc).wait()
            pltpu.make_async_copy(
                ct_hbm.at[cidx_v.at[j]],
                ce_v.at[pl.ds(j * NCHUNK, NCHUNK)], sem_fc).wait()

        def group_body(g, carry):
            par = lax.rem(g, 2)
            pltpu.make_async_copy(
                ct_hbm.at[nidx_v.at[g]], nce_v.at[par], sem_n).wait()

            @pl.when(g < GROUPS - 1)
            def _():
                pltpu.make_async_copy(
                    ct_hbm.at[nidx_v.at[g + 1]],
                    nce_v.at[1 - par], sem_n).start()

            for bb in range(GB):
                b = g * GB + bb
                f = [fe_v[b, pl.ds(j * 16, 16)] for j in range(4)]
                acc = [jnp.zeros((16,), jnp.float32) for _ in range(4)]
                for kk in range(K):
                    r = bb * K + kk
                    for j in range(4):
                        acc[j] = acc[j] + nce_v[par, r, pl.ds(j * 16, 16)] * f[j]
                neg_v[b, :] = acc[0] + acc[1] + acc[2] + acc[3]
                c = [ce_v[b, pl.ds(j * 16, 16)] for j in range(4)]
                posi_v[b, :] = (
                    c[0] * f[0] + c[1] * f[1] + c[2] * f[2] + c[3] * f[3])
            return carry

        lax.fori_loop(0, GROUPS, group_body, 0)

        pltpu.sync_copy(posi_v, posi_hbm.at[pl.ds(base, BW)])
        pltpu.sync_copy(neg_v, neg_hbm.at[pl.ds(base, BW)])

    return k(focus_table, context_table, fi2, ci2, ni2)


def _tc_loss_body(p_ref, n_ref, o_ref):
    i = lax.broadcasted_iota(jnp.int32, (128, 8), 0)
    j = lax.broadcasted_iota(jnp.int32, (128, 8), 1)
    m = jnp.where(i // 16 == j, 1.0, 0.0).astype(jnp.float32)
    dn = (((1,), (0,)), ((), ()))
    ps = lax.dot_general(p_ref[...], m, dn, precision=lax.Precision.HIGHEST)
    ns = lax.dot_general(n_ref[...], m, dn, precision=lax.Precision.HIGHEST)
    ls_p = jnp.minimum(ps, 0.0) - jnp.log1p(jnp.exp(-jnp.abs(ps)))
    ls_n = jnp.minimum(ns, 0.0) - jnp.log1p(jnp.exp(-jnp.abs(ns)))
    o_ref[0, 0] = jnp.sum(jnp.square(1.0 - ls_p)) + jnp.sum(jnp.square(ls_n))


def _tc_loss(posi_part, neg_part):
    out = pl.pallas_call(
        _tc_loss_body,
        out_shape=jax.ShapeDtypeStruct((1, 1), jnp.float32),
        in_specs=[
            pl.BlockSpec(memory_space=pltpu.VMEM),
            pl.BlockSpec(memory_space=pltpu.VMEM),
        ],
        out_specs=pl.BlockSpec(memory_space=pltpu.SMEM),
    )(posi_part.reshape(B // 8, 128), neg_part.reshape(B // 8, 128))
    return out.reshape(())


def kernel(focus_table, context_table, focus_idx, context_idx,
           neg_context_idx):
    fi2 = focus_idx.astype(jnp.int32).reshape(B // NCHUNK, NCHUNK)
    ci2 = context_idx.astype(jnp.int32).reshape(B // NCHUNK, NCHUNK)
    ni2 = neg_context_idx.astype(jnp.int32).reshape(B * K // GROW, GROW)
    posi, neg = _sc_scores(focus_table, context_table, fi2, ci2, ni2)
    return _tc_loss(posi, neg)

# --- scband reference (transcript-rebuilt; emitter-appended) ---
"""Pipeline reference for scband-skip-gram-55396488184470 (READ-ONLY COPY).

The authoritative reference and input builder live on the scoring server;
editing this copy changes nothing except your own understanding.
"""

import jax, jax.numpy as jnp
import numpy as np

VOCAB = 1000000
DIM = 64
B = 16384
K = 20


def setup_inputs(seed: int = 0) -> dict:
    key = jax.random.key(seed)
    k1, k2, k3, k4 = jax.random.split(key, 4)
    init_range = 0.5 / DIM
    focus_table = jax.random.uniform(k1, (VOCAB, DIM), minval=-init_range, maxval=init_range, dtype=jnp.float32)
    context_table = jnp.zeros((VOCAB, DIM), dtype=jnp.float32)
    focus_idx = jax.random.randint(k2, (B,), 0, VOCAB)
    context_idx = jax.random.randint(k3, (B,), 0, VOCAB)
    neg_context_idx = jax.random.randint(k4, (B, K), 0, VOCAB)
    return {
        "focus_table": focus_table,
        "context_table": context_table,
        "focus_idx": focus_idx,
        "context_idx": context_idx,
        "neg_context_idx": neg_context_idx,
    }


def reference(focus_table, context_table, focus_idx, context_idx, neg_context_idx):
    # focus_embedding = self.focus_embedding(focus_idx)
    fe = jnp.take(focus_table, focus_idx, axis=0)            # [B, D]
    # context_embedding = self.context_embedding(context_idx)
    ce = jnp.take(context_table, context_idx, axis=0)        # [B, D]
    # posi_score = mul + sum(dim=1); posi_predi = logsigmoid
    posi_score = jnp.sum(fe * ce, axis=1)                    # [B]
    posi_predi = jax.nn.log_sigmoid(posi_score)              # [B]
    # neg_context_embedding = self.context_embedding(neg_context_idx)
    nce = jnp.take(context_table, neg_context_idx, axis=0)   # [B, K, D]
    # neg_score = bmm([B,K,D],[B,D,1]).squeeze() -> [B,K]; sum(dim=1) -> [B]
    neg_score = jnp.einsum("bkd,bd->bk", nce, fe)
    neg_score = jnp.sum(neg_score, axis=1)                   # [B]
    neg_predi = jax.nn.log_sigmoid(neg_score)                # [B]
    # loss = sum((1 - posi_predi)^2) + sum((neg_predi - 0)^2)  (non-'mine' branch)
    loss = jnp.sum(jnp.square(1.0 - posi_predi)) + jnp.sum(jnp.square(neg_predi))
    return loss

if __name__ == "__main__":
    import jax
    _d = setup_inputs()
    print(jax.jit(kernel)(*tuple(_d.values())))

</pallas_src>

<mosaic_0001>
#map = affine_map<(d0, d1) -> (0, 0)>
module attributes {stable_mosaic.version = 14 : i64} {
  func.func @k(%arg0: i32, %arg1: i32, %arg2: memref<1000000x64xf32, #tpu.memory_space<hbm>>, %arg3: memref<1000000x64xf32, #tpu.memory_space<hbm>>, %arg4: memref<128x128xi32, #tpu.memory_space<hbm>>, %arg5: memref<128x128xi32, #tpu.memory_space<hbm>>, %arg6: memref<4096x80xi32, #tpu.memory_space<hbm>>, %arg7: memref<16384x16xf32, #tpu.memory_space<hbm>>, %arg8: memref<16384x16xf32, #tpu.memory_space<hbm>>, %arg9: memref<4x128xi32, #tpu.memory_space<vmem>>, %arg10: memref<4x128xi32, #tpu.memory_space<vmem>>, %arg11: memref<128x80xi32, #tpu.memory_space<vmem>>, %arg12: memref<512x64xf32, #tpu.memory_space<vmem>>, %arg13: memref<512x64xf32, #tpu.memory_space<vmem>>, %arg14: memref<2x80x64xf32, #tpu.memory_space<vmem>>, %arg15: memref<512x16xf32, #tpu.memory_space<vmem>>, %arg16: memref<512x16xf32, #tpu.memory_space<vmem>>, %arg17: memref<!tpu.dma_semaphore, #tpu.memory_space<semaphore_mem>>, %arg18: memref<!tpu.dma_semaphore, #tpu.memory_space<semaphore_mem>>) attributes {dimension_semantics = [#tpu.dimension_semantics<core_parallel>, #tpu.dimension_semantics<subcore_parallel>], iteration_bounds = array<i64: 2, 16>, scalar_prefetch = 0 : i64, scratch_operands = 10 : i64, tpu.core_type = #tpu.core_type<sc_vector_subcore>, window_params = [{transform_indices = #map}, {transform_indices = #map}, {transform_indices = #map}, {transform_indices = #map}, {transform_indices = #map}, {transform_indices = #map}, {transform_indices = #map}]} {
    %mul3A = arith.constant 2 : i32
    %mul3A_0 = arith.muli %arg1, %mul3A : i32
    %add3A = arith.addi %mul3A_0, %arg0 : i32
    %mul3A_1 = arith.constant 512 : i32
    %mul3A_2 = arith.muli %add3A, %mul3A_1 : i32
    %mul3A_3 = arith.constant 4 : i32
    %mul3A_4 = arith.muli %add3A, %mul3A_3 : i32
    "tpu.region"() ({
      %run_scoped3A = tpu.sem_alloc : memref<!tpu.dma_semaphore, #tpu.memory_space<semaphore_mem>>
      %dma_start3A_184 = arith.constant 0 : i32
      %dma_start3A_185 = tpu.memref_slice %arg4[%mul3A_4, %dma_start3A_184] : memref<128x128xi32, #tpu.memory_space<hbm>> -> memref<4x128xi32, #tpu.memory_space<hbm>>
      %dma_start3A_186 = arith.constant 0 : i32
      %dma_start3A_187 = tpu.memref_slice %arg4[%mul3A_4, %dma_start3A_186] : memref<128x128xi32, #tpu.memory_space<hbm>> -> memref<4x128xi32, #tpu.memory_space<hbm>>
      tpu.enqueue_dma source(%dma_start3A_187 : memref<4x128xi32, #tpu.memory_space<hbm>>) target(%arg9 : memref<4x128xi32, #tpu.memory_space<vmem>>) target_semaphore(%run_scoped3A : memref<!tpu.dma_semaphore, #tpu.memory_space<semaphore_mem>>)
      %dma_wait3A_188 = arith.constant 0 : i32
      %dma_wait3A_189 = tpu.memref_slice %arg4[%mul3A_4, %dma_wait3A_188] : memref<128x128xi32, #tpu.memory_space<hbm>> -> memref<4x128xi32, #tpu.memory_space<hbm>>
      %dma_wait3A_190 = arith.constant 0 : i32
      %dma_wait3A_191 = tpu.memref_slice %arg4[%mul3A_4, %dma_wait3A_190] : memref<128x128xi32, #tpu.memory_space<hbm>> -> memref<4x128xi32, #tpu.memory_space<hbm>>
      tpu.wait_dma2 semaphore(%run_scoped3A : memref<!tpu.dma_semaphore, #tpu.memory_space<semaphore_mem>>) src(%dma_wait3A_191 : memref<4x128xi32, #tpu.memory_space<hbm>>) dst(%arg9 : memref<4x128xi32, #tpu.memory_space<vmem>>)
      tpu.yield
    }) : () -> ()
    %mul3A_5 = arith.constant 4 : i32
    %mul3A_6 = arith.muli %add3A, %mul3A_5 : i32
    "tpu.region"() ({
      %run_scoped3A = tpu.sem_alloc : memref<!tpu.dma_semaphore, #tpu.memory_space<semaphore_mem>>
      %dma_start3A_184 = arith.constant 0 : i32
      %dma_start3A_185 = tpu.memref_slice %arg5[%mul3A_6, %dma_start3A_184] : memref<128x128xi32, #tpu.memory_space<hbm>> -> memref<4x128xi32, #tpu.memory_space<hbm>>
      %dma_start3A_186 = arith.constant 0 : i32
      %dma_start3A_187 = tpu.memref_slice %arg5[%mul3A_6, %dma_start3A_186] : memref<128x128xi32, #tpu.memory_space<hbm>> -> memref<4x128xi32, #tpu.memory_space<hbm>>
      tpu.enqueue_dma source(%dma_start3A_187 : memref<4x128xi32, #tpu.memory_space<hbm>>) target(%arg10 : memref<4x128xi32, #tpu.memory_space<vmem>>) target_semaphore(%run_scoped3A : memref<!tpu.dma_semaphore, #tpu.memory_space<semaphore_mem>>)
      %dma_wait3A_188 = arith.constant 0 : i32
      %dma_wait3A_189 = tpu.memref_slice %arg5[%mul3A_6, %dma_wait3A_188] : memref<128x128xi32, #tpu.memory_space<hbm>> -> memref<4x128xi32, #tpu.memory_space<hbm>>
      %dma_wait3A_190 = arith.constant 0 : i32
      %dma_wait3A_191 = tpu.memref_slice %arg5[%mul3A_6, %dma_wait3A_190] : memref<128x128xi32, #tpu.memory_space<hbm>> -> memref<4x128xi32, #tpu.memory_space<hbm>>
      tpu.wait_dma2 semaphore(%run_scoped3A : memref<!tpu.dma_semaphore, #tpu.memory_space<semaphore_mem>>) src(%dma_wait3A_191 : memref<4x128xi32, #tpu.memory_space<hbm>>) dst(%arg10 : memref<4x128xi32, #tpu.memory_space<vmem>>)
      tpu.yield
    }) : () -> ()
    %mul3A_7 = arith.constant 128 : i32
    %mul3A_8 = arith.muli %add3A, %mul3A_7 : i32
    "tpu.region"() ({
      %run_scoped3A = tpu.sem_alloc : memref<!tpu.dma_semaphore, #tpu.memory_space<semaphore_mem>>
      %dma_start3A_184 = arith.constant 0 : i32
      %dma_start3A_185 = tpu.memref_slice %arg6[%mul3A_8, %dma_start3A_184] : memref<4096x80xi32, #tpu.memory_space<hbm>> -> memref<128x80xi32, #tpu.memory_space<hbm>>
      %dma_start3A_186 = arith.constant 0 : i32
      %dma_start3A_187 = tpu.memref_slice %arg6[%mul3A_8, %dma_start3A_186] : memref<4096x80xi32, #tpu.memory_space<hbm>> -> memref<128x80xi32, #tpu.memory_space<hbm>>
      tpu.enqueue_dma source(%dma_start3A_187 : memref<128x80xi32, #tpu.memory_space<hbm>>) target(%arg11 : memref<128x80xi32, #tpu.memory_space<vmem>>) target_semaphore(%run_scoped3A : memref<!tpu.dma_semaphore, #tpu.memory_space<semaphore_mem>>)
      %dma_wait3A_188 = arith.constant 0 : i32
      %dma_wait3A_189 = tpu.memref_slice %arg6[%mul3A_8, %dma_wait3A_188] : memref<4096x80xi32, #tpu.memory_space<hbm>> -> memref<128x80xi32, #tpu.memory_space<hbm>>
      %dma_wait3A_190 = arith.constant 0 : i32
      %dma_wait3A_191 = tpu.memref_slice %arg6[%mul3A_8, %dma_wait3A_190] : memref<4096x80xi32, #tpu.memory_space<hbm>> -> memref<128x80xi32, #tpu.memory_space<hbm>>
      tpu.wait_dma2 semaphore(%run_scoped3A : memref<!tpu.dma_semaphore, #tpu.memory_space<semaphore_mem>>) src(%dma_wait3A_191 : memref<128x80xi32, #tpu.memory_space<hbm>>) dst(%arg11 : memref<128x80xi32, #tpu.memory_space<vmem>>)
      tpu.yield
    }) : () -> ()
    %dma_start3A = arith.constant 0 : i32
    %dma_start3A_9 = arith.constant 0 : i32
    %dma_start3A_10 = arith.constant 0 : i32
    %dma_start3A_11 = tpu.memref_slice %arg12[%dma_start3A_9, %dma_start3A_10] : memref<512x64xf32, #tpu.memory_space<vmem>> -> memref<128x64xf32, #tpu.memory_space<vmem>>
    %dma_start3A_12 = arith.constant 0 : i32
    %dma_start3A_13 = tpu.memref_slice %arg9[%dma_start3A, %dma_start3A_12] : memref<4x128xi32, #tpu.memory_space<vmem>> -> memref<1x128xi32, #tpu.memory_space<vmem>>
    %dma_start3A_14 = tpu.memref_squeeze %dma_start3A_13 : memref<1x128xi32, #tpu.memory_space<vmem>> -> memref<128xi32, #tpu.memory_space<vmem>>
    %dma_start3A_15 = arith.constant 0 : i32
    %dma_start3A_16 = arith.constant 0 : i32
    %dma_start3A_17 = tpu.memref_slice %arg2[%dma_start3A_15, %dma_start3A_16] : memref<1000000x64xf32, #tpu.memory_space<hbm>> -> memref<1000000x64xf32, #tpu.memory_space<hbm>>
    tpu.enqueue_indirect_dma source(%dma_start3A_17 : memref<1000000x64xf32, #tpu.memory_space<hbm>>) target(%dma_start3A_11 : memref<128x64xf32, #tpu.memory_space<vmem>>) offsets(%dma_start3A_14 : memref<128xi32, #tpu.memory_space<vmem>>) semaphore(%arg17 : memref<!tpu.dma_semaphore, #tpu.memory_space<semaphore_mem>>)
    %dma_start3A_18 = arith.constant 1 : i32
    %dma_start3A_19 = arith.constant 128 : i32
    %dma_start3A_20 = arith.constant 0 : i32
    %dma_start3A_21 = tpu.memref_slice %arg12[%dma_start3A_19, %dma_start3A_20] : memref<512x64xf32, #tpu.memory_space<vmem>> -> memref<128x64xf32, #tpu.memory_space<vmem>>
    %dma_start3A_22 = arith.constant 0 : i32
    %dma_start3A_23 = tpu.memref_slice %arg9[%dma_start3A_18, %dma_start3A_22] : memref<4x128xi32, #tpu.memory_space<vmem>> -> memref<1x128xi32, #tpu.memory_space<vmem>>
    %dma_start3A_24 = tpu.memref_squeeze %dma_start3A_23 : memref<1x128xi32, #tpu.memory_space<vmem>> -> memref<128xi32, #tpu.memory_space<vmem>>
    %dma_start3A_25 = arith.constant 0 : i32
    %dma_start3A_26 = arith.constant 0 : i32
    %dma_start3A_27 = tpu.memref_slice %arg2[%dma_start3A_25, %dma_start3A_26] : memref<1000000x64xf32, #tpu.memory_space<hbm>> -> memref<1000000x64xf32, #tpu.memory_space<hbm>>
    tpu.enqueue_indirect_dma source(%dma_start3A_27 : memref<1000000x64xf32, #tpu.memory_space<hbm>>) target(%dma_start3A_21 : memref<128x64xf32, #tpu.memory_space<vmem>>) offsets(%dma_start3A_24 : memref<128xi32, #tpu.memory_space<vmem>>) semaphore(%arg17 : memref<!tpu.dma_semaphore, #tpu.memory_space<semaphore_mem>>)
    %dma_start3A_28 = arith.constant 2 : i32
    %dma_start3A_29 = arith.constant 256 : i32
    %dma_start3A_30 = arith.constant 0 : i32
    %dma_start3A_31 = tpu.memref_slice %arg12[%dma_start3A_29, %dma_start3A_30] : memref<512x64xf32, #tpu.memory_space<vmem>> -> memref<128x64xf32, #tpu.memory_space<vmem>>
    %dma_start3A_32 = arith.constant 0 : i32
    %dma_start3A_33 = tpu.memref_slice %arg9[%dma_start3A_28, %dma_start3A_32] : memref<4x128xi32, #tpu.memory_space<vmem>> -> memref<1x128xi32, #tpu.memory_space<vmem>>
    %dma_start3A_34 = tpu.memref_squeeze %dma_start3A_33 : memref<1x128xi32, #tpu.memory_space<vmem>> -> memref<128xi32, #tpu.memory_space<vmem>>
    %dma_start3A_35 = arith.constant 0 : i32
    %dma_start3A_36 = arith.constant 0 : i32
    %dma_start3A_37 = tpu.memref_slice %arg2[%dma_start3A_35, %dma_start3A_36] : memref<1000000x64xf32, #tpu.memory_space<hbm>> -> memref<1000000x64xf32, #tpu.memory_space<hbm>>
    tpu.enqueue_indirect_dma source(%dma_start3A_37 : memref<1000000x64xf32, #tpu.memory_space<hbm>>) target(%dma_start3A_31 : memref<128x64xf32, #tpu.memory_space<vmem>>) offsets(%dma_start3A_34 : memref<128xi32, #tpu.memory_space<vmem>>) semaphore(%arg17 : memref<!tpu.dma_semaphore, #tpu.memory_space<semaphore_mem>>)
    %dma_start3A_38 = arith.constant 3 : i32
    %dma_start3A_39 = arith.constant 384 : i32
    %dma_start3A_40 = arith.constant 0 : i32
    %dma_start3A_41 = tpu.memref_slice %arg12[%dma_start3A_39, %dma_start3A_40] : memref<512x64xf32, #tpu.memory_space<vmem>> -> memref<128x64xf32, #tpu.memory_space<vmem>>
    %dma_start3A_42 = arith.constant 0 : i32
    %dma_start3A_43 = tpu.memref_slice %arg9[%dma_start3A_38, %dma_start3A_42] : memref<4x128xi32, #tpu.memory_space<vmem>> -> memref<1x128xi32, #tpu.memory_space<vmem>>
    %dma_start3A_44 = tpu.memref_squeeze %dma_start3A_43 : memref<1x128xi32, #tpu.memory_space<vmem>> -> memref<128xi32, #tpu.memory_space<vmem>>
    %dma_start3A_45 = arith.constant 0 : i32
    %dma_start3A_46 = arith.constant 0 : i32
    %dma_start3A_47 = tpu.memref_slice %arg2[%dma_start3A_45, %dma_start3A_46] : memref<1000000x64xf32, #tpu.memory_space<hbm>> -> memref<1000000x64xf32, #tpu.memory_space<hbm>>
    tpu.enqueue_indirect_dma source(%dma_start3A_47 : memref<1000000x64xf32, #tpu.memory_space<hbm>>) target(%dma_start3A_41 : memref<128x64xf32, #tpu.memory_space<vmem>>) offsets(%dma_start3A_44 : memref<128xi32, #tpu.memory_space<vmem>>) semaphore(%arg17 : memref<!tpu.dma_semaphore, #tpu.memory_space<semaphore_mem>>)
    %dma_start3A_48 = arith.constant 0 : i32
    %dma_start3A_49 = arith.constant 0 : i32
    %dma_start3A_50 = arith.constant 0 : i32
    %dma_start3A_51 = tpu.memref_slice %arg13[%dma_start3A_49, %dma_start3A_50] : memref<512x64xf32, #tpu.memory_space<vmem>> -> memref<128x64xf32, #tpu.memory_space<vmem>>
    %dma_start3A_52 = arith.constant 0 : i32
    %dma_start3A_53 = tpu.memref_slice %arg10[%dma_start3A_48, %dma_start3A_52] : memref<4x128xi32, #tpu.memory_space<vmem>> -> memref<1x128xi32, #tpu.memory_space<vmem>>
    %dma_start3A_54 = tpu.memref_squeeze %dma_start3A_53 : memref<1x128xi32, #tpu.memory_space<vmem>> -> memref<128xi32, #tpu.memory_space<vmem>>
    %dma_start3A_55 = arith.constant 0 : i32
    %dma_start3A_56 = arith.constant 0 : i32
    %dma_start3A_57 = tpu.memref_slice %arg3[%dma_start3A_55, %dma_start3A_56] : memref<1000000x64xf32, #tpu.memory_space<hbm>> -> memref<1000000x64xf32, #tpu.memory_space<hbm>>
    tpu.enqueue_indirect_dma source(%dma_start3A_57 : memref<1000000x64xf32, #tpu.memory_space<hbm>>) target(%dma_start3A_51 : memref<128x64xf32, #tpu.memory_space<vmem>>) offsets(%dma_start3A_54 : memref<128xi32, #tpu.memory_space<vmem>>) semaphore(%arg17 : memref<!tpu.dma_semaphore, #tpu.memory_space<semaphore_mem>>)
    %dma_start3A_58 = arith.constant 1 : i32
    %dma_start3A_59 = arith.constant 128 : i32
    %dma_start3A_60 = arith.constant 0 : i32
    %dma_start3A_61 = tpu.memref_slice %arg13[%dma_start3A_59, %dma_start3A_60] : memref<512x64xf32, #tpu.memory_space<vmem>> -> memref<128x64xf32, #tpu.memory_space<vmem>>
    %dma_start3A_62 = arith.constant 0 : i32
    %dma_start3A_63 = tpu.memref_slice %arg10[%dma_start3A_58, %dma_start3A_62] : memref<4x128xi32, #tpu.memory_space<vmem>> -> memref<1x128xi32, #tpu.memory_space<vmem>>
    %dma_start3A_64 = tpu.memref_squeeze %dma_start3A_63 : memref<1x128xi32, #tpu.memory_space<vmem>> -> memref<128xi32, #tpu.memory_space<vmem>>
    %dma_start3A_65 = arith.constant 0 : i32
    %dma_start3A_66 = arith.constant 0 : i32
    %dma_start3A_67 = tpu.memref_slice %arg3[%dma_start3A_65, %dma_start3A_66] : memref<1000000x64xf32, #tpu.memory_space<hbm>> -> memref<1000000x64xf32, #tpu.memory_space<hbm>>
    tpu.enqueue_indirect_dma source(%dma_start3A_67 : memref<1000000x64xf32, #tpu.memory_space<hbm>>) target(%dma_start3A_61 : memref<128x64xf32, #tpu.memory_space<vmem>>) offsets(%dma_start3A_64 : memref<128xi32, #tpu.memory_space<vmem>>) semaphore(%arg17 : memref<!tpu.dma_semaphore, #tpu.memory_space<semaphore_mem>>)
    %dma_start3A_68 = arith.constant 2 : i32
    %dma_start3A_69 = arith.constant 256 : i32
    %dma_start3A_70 = arith.constant 0 : i32
    %dma_start3A_71 = tpu.memref_slice %arg13[%dma_start3A_69, %dma_start3A_70] : memref<512x64xf32, #tpu.memory_space<vmem>> -> memref<128x64xf32, #tpu.memory_space<vmem>>
    %dma_start3A_72 = arith.constant 0 : i32
    %dma_start3A_73 = tpu.memref_slice %arg10[%dma_start3A_68, %dma_start3A_72] : memref<4x128xi32, #tpu.memory_space<vmem>> -> memref<1x128xi32, #tpu.memory_space<vmem>>
    %dma_start3A_74 = tpu.memref_squeeze %dma_start3A_73 : memref<1x128xi32, #tpu.memory_space<vmem>> -> memref<128xi32, #tpu.memory_space<vmem>>
    %dma_start3A_75 = arith.constant 0 : i32
    %dma_start3A_76 = arith.constant 0 : i32
    %dma_start3A_77 = tpu.memref_slice %arg3[%dma_start3A_75, %dma_start3A_76] : memref<1000000x64xf32, #tpu.memory_space<hbm>> -> memref<1000000x64xf32, #tpu.memory_space<hbm>>
    tpu.enqueue_indirect_dma source(%dma_start3A_77 : memref<1000000x64xf32, #tpu.memory_space<hbm>>) target(%dma_start3A_71 : memref<128x64xf32, #tpu.memory_space<vmem>>) offsets(%dma_start3A_74 : memref<128xi32, #tpu.memory_space<vmem>>) semaphore(%arg17 : memref<!tpu.dma_semaphore, #tpu.memory_space<semaphore_mem>>)
    %dma_start3A_78 = arith.constant 3 : i32
    %dma_start3A_79 = arith.constant 384 : i32
    %dma_start3A_80 = arith.constant 0 : i32
    %dma_start3A_81 = tpu.memref_slice %arg13[%dma_start3A_79, %dma_start3A_80] : memref<512x64xf32, #tpu.memory_space<vmem>> -> memref<128x64xf32, #tpu.memory_space<vmem>>
    %dma_start3A_82 = arith.constant 0 : i32
    %dma_start3A_83 = tpu.memref_slice %arg10[%dma_start3A_78, %dma_start3A_82] : memref<4x128xi32, #tpu.memory_space<vmem>> -> memref<1x128xi32, #tpu.memory_space<vmem>>
    %dma_start3A_84 = tpu.memref_squeeze %dma_start3A_83 : memref<1x128xi32, #tpu.memory_space<vmem>> -> memref<128xi32, #tpu.memory_space<vmem>>
    %dma_start3A_85 = arith.constant 0 : i32
    %dma_start3A_86 = arith.constant 0 : i32
    %dma_start3A_87 = tpu.memref_slice %arg3[%dma_start3A_85, %dma_start3A_86] : memref<1000000x64xf32, #tpu.memory_space<hbm>> -> memref<1000000x64xf32, #tpu.memory_space<hbm>>
    tpu.enqueue_indirect_dma source(%dma_start3A_87 : memref<1000000x64xf32, #tpu.memory_space<hbm>>) target(%dma_start3A_81 : memref<128x64xf32, #tpu.memory_space<vmem>>) offsets(%dma_start3A_84 : memref<128xi32, #tpu.memory_space<vmem>>) semaphore(%arg17 : memref<!tpu.dma_semaphore, #tpu.memory_space<semaphore_mem>>)
    %dma_start3A_88 = arith.constant 0 : i32
    %dma_start3A_89 = arith.constant 0 : i32
    %dma_start3A_90 = arith.constant 0 : i32
    %dma_start3A_91 = arith.constant 0 : i32
    %dma_start3A_92 = tpu.memref_slice %arg14[%dma_start3A_89, %dma_start3A_90, %dma_start3A_91] : memref<2x80x64xf32, #tpu.memory_space<vmem>> -> memref<1x80x64xf32, #tpu.memory_space<vmem>>
    %dma_start3A_93 = tpu.memref_squeeze %dma_start3A_92 : memref<1x80x64xf32, #tpu.memory_space<vmem>> -> memref<80x64xf32, #tpu.memory_space<vmem>>
    %dma_start3A_94 = arith.constant 0 : i32
    %dma_start3A_95 = tpu.memref_slice %arg11[%dma_start3A_88, %dma_start3A_94] : memref<128x80xi32, #tpu.memory_space<vmem>> -> memref<1x80xi32, #tpu.memory_space<vmem>>
    %dma_start3A_96 = tpu.memref_squeeze %dma_start3A_95 : memref<1x80xi32, #tpu.memory_space<vmem>> -> memref<80xi32, #tpu.memory_space<vmem>>
    %dma_start3A_97 = arith.constant 0 : i32
    %dma_start3A_98 = arith.constant 0 : i32
    %dma_start3A_99 = tpu.memref_slice %arg3[%dma_start3A_97, %dma_start3A_98] : memref<1000000x64xf32, #tpu.memory_space<hbm>> -> memref<1000000x64xf32, #tpu.memory_space<hbm>>
    tpu.enqueue_indirect_dma source(%dma_start3A_99 : memref<1000000x64xf32, #tpu.memory_space<hbm>>) target(%dma_start3A_93 : memref<80x64xf32, #tpu.memory_space<vmem>>) offsets(%dma_start3A_96 : memref<80xi32, #tpu.memory_space<vmem>>) semaphore(%arg18 : memref<!tpu.dma_semaphore, #tpu.memory_space<semaphore_mem>>)
    %dma_wait3A = arith.constant 0 : i32
    %dma_wait3A_100 = arith.constant 0 : i32
    %dma_wait3A_101 = arith.constant 0 : i32
    %dma_wait3A_102 = tpu.memref_slice %arg12[%dma_wait3A_100, %dma_wait3A_101] : memref<512x64xf32, #tpu.memory_space<vmem>> -> memref<128x64xf32, #tpu.memory_space<vmem>>
    %dma_wait3A_103 = arith.constant 0 : i32
    %dma_wait3A_104 = tpu.memref_slice %arg9[%dma_wait3A, %dma_wait3A_103] : memref<4x128xi32, #tpu.memory_space<vmem>> -> memref<1x128xi32, #tpu.memory_space<vmem>>
    %dma_wait3A_105 = tpu.memref_squeeze %dma_wait3A_104 : memref<1x128xi32, #tpu.memory_space<vmem>> -> memref<128xi32, #tpu.memory_space<vmem>>
    %dma_wait3A_106 = arith.constant 0 : i32
    %dma_wait3A_107 = arith.constant 0 : i32
    %dma_wait3A_108 = tpu.memref_slice %arg2[%dma_wait3A_106, %dma_wait3A_107] : memref<1000000x64xf32, #tpu.memory_space<hbm>> -> memref<1000000x64xf32, #tpu.memory_space<hbm>>
    tpu.wait_indirect_dma semaphore(%arg17 : memref<!tpu.dma_semaphore, #tpu.memory_space<semaphore_mem>>) src(%dma_wait3A_108 : memref<1000000x64xf32, #tpu.memory_space<hbm>>) dst(%dma_wait3A_102 : memref<128x64xf32, #tpu.memory_space<vmem>>)
    %dma_wait3A_109 = arith.constant 0 : i32
    %dma_wait3A_110 = arith.constant 0 : i32
    %dma_wait3A_111 = arith.constant 0 : i32
    %dma_wait3A_112 = tpu.memref_slice %arg13[%dma_wait3A_110, %dma_wait3A_111] : memref<512x64xf32, #tpu.memory_space<vmem>> -> memref<128x64xf32, #tpu.memory_space<vmem>>
    %dma_wait3A_113 = arith.constant 0 : i32
    %dma_wait3A_114 = tpu.memref_slice %arg10[%dma_wait3A_109, %dma_wait3A_113] : memref<4x128xi32, #tpu.memory_space<vmem>> -> memref<1x128xi32, #tpu.memory_space<vmem>>
    %dma_wait3A_115 = tpu.memref_squeeze %dma_wait3A_114 : memref<1x128xi32, #tpu.memory_space<vmem>> -> memref<128xi32, #tpu.memory_space<vmem>>
    %dma_wait3A_116 = arith.constant 0 : i32
    %dma_wait3A_117 = arith.constant 0 : i32
    %dma_wait3A_118 = tpu.memref_slice %arg3[%dma_wait3A_116, %dma_wait3A_117] : memref<1000000x64xf32, #tpu.memory_space<hbm>> -> memref<1000000x64xf32, #tpu.memory_space<hbm>>
    tpu.wait_indirect_dma semaphore(%arg17 : memref<!tpu.dma_semaphore, #tpu.memory_space<semaphore_mem>>) src(%dma_wait3A_118 : memref<1000000x64xf32, #tpu.memory_space<hbm>>) dst(%dma_wait3A_112 : memref<128x64xf32, #tpu.memory_space<vmem>>)
    %dma_wait3A_119 = arith.constant 1 : i32
    %dma_wait3A_120 = arith.constant 128 : i32
    %dma_wait3A_121 = arith.constant 0 : i32
    %dma_wait3A_122 = tpu.memref_slice %arg12[%dma_wait3A_120, %dma_wait3A_121] : memref<512x64xf32, #tpu.memory_space<vmem>> -> memref<128x64xf32, #tpu.memory_space<vmem>>
    %dma_wait3A_123 = arith.constant 0 : i32
    %dma_wait3A_124 = tpu.memref_slice %arg9[%dma_wait3A_119, %dma_wait3A_123] : memref<4x128xi32, #tpu.memory_space<vmem>> -> memref<1x128xi32, #tpu.memory_space<vmem>>
    %dma_wait3A_125 = tpu.memref_squeeze %dma_wait3A_124 : memref<1x128xi32, #tpu.memory_space<vmem>> -> memref<128xi32, #tpu.memory_space<vmem>>
    %dma_wait3A_126 = arith.constant 0 : i32
    %dma_wait3A_127 = arith.constant 0 : i32
    %dma_wait3A_128 = tpu.memref_slice %arg2[%dma_wait3A_126, %dma_wait3A_127] : memref<1000000x64xf32, #tpu.memory_space<hbm>> -> memref<1000000x64xf32, #tpu.memory_space<hbm>>
    tpu.wait_indirect_dma semaphore(%arg17 : memref<!tpu.dma_semaphore, #tpu.memory_space<semaphore_mem>>) src(%dma_wait3A_128 : memref<1000000x64xf32, #tpu.memory_space<hbm>>) dst(%dma_wait3A_122 : memref<128x64xf32, #tpu.memory_space<vmem>>)
    %dma_wait3A_129 = arith.constant 1 : i32
    %dma_wait3A_130 = arith.constant 128 : i32
    %dma_wait3A_131 = arith.constant 0 : i32
    %dma_wait3A_132 = tpu.memref_slice %arg13[%dma_wait3A_130, %dma_wait3A_131] : memref<512x64xf32, #tpu.memory_space<vmem>> -> memref<128x64xf32, #tpu.memory_space<vmem>>
    %dma_wait3A_133 = arith.constant 0 : i32
    %dma_wait3A_134 = tpu.memref_slice %arg10[%dma_wait3A_129, %dma_wait3A_133] : memref<4x128xi32, #tpu.memory_space<vmem>> -> memref<1x128xi32, #tpu.memory_space<vmem>>
    %dma_wait3A_135 = tpu.memref_squeeze %dma_wait3A_134 : memref<1x128xi32, #tpu.memory_space<vmem>> -> memref<128xi32, #tpu.memory_space<vmem>>
    %dma_wait3A_136 = arith.constant 0 : i32
    %dma_wait3A_137 = arith.constant 0 : i32
    %dma_wait3A_138 = tpu.memref_slice %arg3[%dma_wait3A_136, %dma_wait3A_137] : memref<1000000x64xf32, #tpu.memory_space<hbm>> -> memref<1000000x64xf32, #tpu.memory_space<hbm>>
    tpu.wait_indirect_dma semaphore(%arg17 : memref<!tpu.dma_semaphore, #tpu.memory_space<semaphore_mem>>) src(%dma_wait3A_138 : memref<1000000x64xf32, #tpu.memory_space<hbm>>) dst(%dma_wait3A_132 : memref<128x64xf32, #tpu.memory_space<vmem>>)
    %dma_wait3A_139 = arith.constant 2 : i32
    %dma_wait3A_140 = arith.constant 256 : i32
    %dma_wait3A_141 = arith.constant 0 : i32
    %dma_wait3A_142 = tpu.memref_slice %arg12[%dma_wait3A_140, %dma_wait3A_141] : memref<512x64xf32, #tpu.memory_space<vmem>> -> memref<128x64xf32, #tpu.memory_space<vmem>>
    %dma_wait3A_143 = arith.constant 0 : i32
    %dma_wait3A_144 = tpu.memref_slice %arg9[%dma_wait3A_139, %dma_wait3A_143] : memref<4x128xi32, #tpu.memory_space<vmem>> -> memref<1x128xi32, #tpu.memory_space<vmem>>
    %dma_wait3A_145 = tpu.memref_squeeze %dma_wait3A_144 : memref<1x128xi32, #tpu.memory_space<vmem>> -> memref<128xi32, #tpu.memory_space<vmem>>
    %dma_wait3A_146 = arith.constant 0 : i32
    %dma_wait3A_147 = arith.constant 0 : i32
    %dma_wait3A_148 = tpu.memref_slice %arg2[%dma_wait3A_146, %dma_wait3A_147] : memref<1000000x64xf32, #tpu.memory_space<hbm>> -> memref<1000000x64xf32, #tpu.memory_space<hbm>>
    tpu.wait_indirect_dma semaphore(%arg17 : memref<!tpu.dma_semaphore, #tpu.memory_space<semaphore_mem>>) src(%dma_wait3A_148 : memref<1000000x64xf32, #tpu.memory_space<hbm>>) dst(%dma_wait3A_142 : memref<128x64xf32, #tpu.memory_space<vmem>>)
    %dma_wait3A_149 = arith.constant 2 : i32
    %dma_wait3A_150 = arith.constant 256 : i32
    %dma_wait3A_151 = arith.constant 0 : i32
    %dma_wait3A_152 = tpu.memref_slice %arg13[%dma_wait3A_150, %dma_wait3A_151] : memref<512x64xf32, #tpu.memory_space<vmem>> -> memref<128x64xf32, #tpu.memory_space<vmem>>
    %dma_wait3A_153 = arith.constant 0 : i32
    %dma_wait3A_154 = tpu.memref_slice %arg10[%dma_wait3A_149, %dma_wait3A_153] : memref<4x128xi32, #tpu.memory_space<vmem>> -> memref<1x128xi32, #tpu.memory_space<vmem>>
    %dma_wait3A_155 = tpu.memref_squeeze %dma_wait3A_154 : memref<1x128xi32, #tpu.memory_space<vmem>> -> memref<128xi32, #tpu.memory_space<vmem>>
    %dma_wait3A_156 = arith.constant 0 : i32
    %dma_wait3A_157 = arith.constant 0 : i32
    %dma_wait3A_158 = tpu.memref_slice %arg3[%dma_wait3A_156, %dma_wait3A_157] : memref<1000000x64xf32, #tpu.memory_space<hbm>> -> memref<1000000x64xf32, #tpu.memory_space<hbm>>
    tpu.wait_indirect_dma semaphore(%arg17 : memref<!tpu.dma_semaphore, #tpu.memory_space<semaphore_mem>>) src(%dma_wait3A_158 : memref<1000000x64xf32, #tpu.memory_space<hbm>>) dst(%dma_wait3A_152 : memref<128x64xf32, #tpu.memory_space<vmem>>)
    %dma_wait3A_159 = arith.constant 3 : i32
    %dma_wait3A_160 = arith.constant 384 : i32
    %dma_wait3A_161 = arith.constant 0 : i32
    %dma_wait3A_162 = tpu.memref_slice %arg12[%dma_wait3A_160, %dma_wait3A_161] : memref<512x64xf32, #tpu.memory_space<vmem>> -> memref<128x64xf32, #tpu.memory_space<vmem>>
    %dma_wait3A_163 = arith.constant 0 : i32
    %dma_wait3A_164 = tpu.memref_slice %arg9[%dma_wait3A_159, %dma_wait3A_163] : memref<4x128xi32, #tpu.memory_space<vmem>> -> memref<1x128xi32, #tpu.memory_space<vmem>>
    %dma_wait3A_165 = tpu.memref_squeeze %dma_wait3A_164 : memref<1x128xi32, #tpu.memory_space<vmem>> -> memref<128xi32, #tpu.memory_space<vmem>>
    %dma_wait3A_166 = arith.constant 0 : i32
    %dma_wait3A_167 = arith.constant 0 : i32
    %dma_wait3A_168 = tpu.memref_slice %arg2[%dma_wait3A_166, %dma_wait3A_167] : memref<1000000x64xf32, #tpu.memory_space<hbm>> -> memref<1000000x64xf32, #tpu.memory_space<hbm>>
    tpu.wait_indirect_dma semaphore(%arg17 : memref<!tpu.dma_semaphore, #tpu.memory_space<semaphore_mem>>) src(%dma_wait3A_168 : memref<1000000x64xf32, #tpu.memory_space<hbm>>) dst(%dma_wait3A_162 : memref<128x64xf32, #tpu.memory_space<vmem>>)
    %dma_wait3A_169 = arith.constant 3 : i32
    %dma_wait3A_170 = arith.constant 384 : i32
    %dma_wait3A_171 = arith.constant 0 : i32
    %dma_wait3A_172 = tpu.memref_slice %arg13[%dma_wait3A_170, %dma_wait3A_171] : memref<512x64xf32, #tpu.memory_space<vmem>> -> memref<128x64xf32, #tpu.memory_space<vmem>>
    %dma_wait3A_173 = arith.constant 0 : i32
    %dma_wait3A_174 = tpu.memref_slice %arg10[%dma_wait3A_169, %dma_wait3A_173] : memref<4x128xi32, #tpu.memory_space<vmem>> -> memref<1x128xi32, #tpu.memory_space<vmem>>
    %dma_wait3A_175 = tpu.memref_squeeze %dma_wait3A_174 : memref<1x128xi32, #tpu.memory_space<vmem>> -> memref<128xi32, #tpu.memory_space<vmem>>
    %dma_wait3A_176 = arith.constant 0 : i32
    %dma_wait3A_177 = arith.constant 0 : i32
    %dma_wait3A_178 = tpu.memref_slice %arg3[%dma_wait3A_176, %dma_wait3A_177] : memref<1000000x64xf32, #tpu.memory_space<hbm>> -> memref<1000000x64xf32, #tpu.memory_space<hbm>>
    tpu.wait_indirect_dma semaphore(%arg17 : memref<!tpu.dma_semaphore, #tpu.memory_space<semaphore_mem>>) src(%dma_wait3A_178 : memref<1000000x64xf32, #tpu.memory_space<hbm>>) dst(%dma_wait3A_172 : memref<128x64xf32, #tpu.memory_space<vmem>>)
    %scan3A = arith.constant 0 : i32
    %scan3A_179 = arith.constant 0 : i32
    %scan3A_180 = arith.constant 128 : i32
    %scan3A_181 = arith.addi %scan3A_179, %scan3A_180 : i32
    %scan3A_182 = arith.constant 1 : i32
    scf.for %scan3A_184 = %scan3A_179 to %scan3A_181 step %scan3A_182  : i32 {
      %rem3A = arith.constant 2 : i32
      %rem3A_185 = arith.remsi %scan3A_184, %rem3A : i32
      %dma_wait3A_186 = arith.constant 0 : i32
      %dma_wait3A_187 = arith.constant 0 : i32
      %dma_wait3A_188 = tpu.memref_slice %arg14[%rem3A_185, %dma_wait3A_186, %dma_wait3A_187] : memref<2x80x64xf32, #tpu.memory_space<vmem>> -> memref<1x80x64xf32, #tpu.memory_space<vmem>>
      %dma_wait3A_189 = tpu.memref_squeeze %dma_wait3A_188 : memref<1x80x64xf32, #tpu.memory_space<vmem>> -> memref<80x64xf32, #tpu.memory_space<vmem>>
      %dma_wait3A_190 = arith.constant 0 : i32
      %dma_wait3A_191 = tpu.memref_slice %arg11[%scan3A_184, %dma_wait3A_190] : memref<128x80xi32, #tpu.memory_space<vmem>> -> memref<1x80xi32, #tpu.memory_space<vmem>>
      %dma_wait3A_192 = tpu.memref_squeeze %dma_wait3A_191 : memref<1x80xi32, #tpu.memory_space<vmem>> -> memref<80xi32, #tpu.memory_space<vmem>>
      %dma_wait3A_193 = arith.constant 0 : i32
      %dma_wait3A_194 = arith.constant 0 : i32
      %dma_wait3A_195 = tpu.memref_slice %arg3[%dma_wait3A_193, %dma_wait3A_194] : memref<1000000x64xf32, #tpu.memory_space<hbm>> -> memref<1000000x64xf32, #tpu.memory_space<hbm>>
      tpu.wait_indirect_dma semaphore(%arg18 : memref<!tpu.dma_semaphore, #tpu.memory_space<semaphore_mem>>) src(%dma_wait3A_195 : memref<1000000x64xf32, #tpu.memory_space<hbm>>) dst(%dma_wait3A_189 : memref<80x64xf32, #tpu.memory_space<vmem>>)
      %lt3A = arith.constant 127 : i32
      %lt3A_196 = arith.cmpi slt, %scan3A_184, %lt3A : i32
      %convert_element_type3A = arith.extui %lt3A_196 : i1 to i32
      %cond3A = arith.constant 0 : i32
      %cond3A_197 = arith.cmpi ne, %convert_element_type3A, %cond3A : i32
      scf.if %cond3A_197 {
        %add3A_3011 = arith.constant 1 : i32
        %add3A_3012 = arith.addi %scan3A_184, %add3A_3011 : i32
        %sub3A = arith.constant 1 : i32
        %sub3A_3013 = arith.subi %sub3A, %rem3A_185 : i32
        %dma_start3A_3014 = arith.constant 0 : i32
        %dma_start3A_3015 = arith.constant 0 : i32
        %dma_start3A_3016 = tpu.memref_slice %arg14[%sub3A_3013, %dma_start3A_3014, %dma_start3A_3015] : memref<2x80x64xf32, #tpu.memory_space<vmem>> -> memref<1x80x64xf32, #tpu.memory_space<vmem>>
        %dma_start3A_3017 = tpu.memref_squeeze %dma_start3A_3016 : memref<1x80x64xf32, #tpu.memory_space<vmem>> -> memref<80x64xf32, #tpu.memory_space<vmem>>
        %dma_start3A_3018 = arith.constant 0 : i32
        %dma_start3A_3019 = tpu.memref_slice %arg11[%add3A_3012, %dma_start3A_3018] : memref<128x80xi32, #tpu.memory_space<vmem>> -> memref<1x80xi32, #tpu.memory_space<vmem>>
        %dma_start3A_3020 = tpu.memref_squeeze %dma_start3A_3019 : memref<1x80xi32, #tpu.memory_space<vmem>> -> memref<80xi32, #tpu.memory_space<vmem>>
        %dma_start3A_3021 = arith.constant 0 : i32
        %dma_start3A_3022 = arith.constant 0 : i32
        %dma_start3A_3023 = tpu.memref_slice %arg3[%dma_start3A_3021, %dma_start3A_3022] : memref<1000000x64xf32, #tpu.memory_space<hbm>> -> memref<1000000x64xf32, #tpu.memory_space<hbm>>
        tpu.enqueue_indirect_dma source(%dma_start3A_3023 : memref<1000000x64xf32, #tpu.memory_space<hbm>>) target(%dma_start3A_3017 : memref<80x64xf32, #tpu.memory_space<vmem>>) offsets(%dma_start3A_3020 : memref<80xi32, #tpu.memory_space<vmem>>) semaphore(%arg18 : memref<!tpu.dma_semaphore, #tpu.memory_space<semaphore_mem>>)
      } else {
      }
      %mul3A_198 = arith.constant 4 : i32
      %mul3A_199 = arith.muli %scan3A_184, %mul3A_198 : i32
      %add3A_200 = arith.constant 0 : i32
      %add3A_201 = arith.addi %mul3A_199, %add3A_200 : i32
      %get3A = arith.index_cast %add3A_201 : i32 to index
      %get3A_202 = arith.constant 0 : index
      %get3A_203 = tpu.vector_load %arg12[%get3A, %get3A_202] {strides = array<i32>} : memref<512x64xf32, #tpu.memory_space<vmem>>, vector<1x16xf32>,
      %get3A_204 = vector.shape_cast %get3A_203 : vector<1x16xf32> to vector<16xf32>
      %get3A_205 = arith.index_cast %add3A_201 : i32 to index
      %get3A_206 = arith.constant 16 : index
      %get3A_207 = tpu.vector_load %arg12[%get3A_205, %get3A_206] {strides = array<i32>} : memref<512x64xf32, #tpu.memory_space<vmem>>, vector<1x16xf32>,
      %get3A_208 = vector.shape_cast %get3A_207 : vector<1x16xf32> to vector<16xf32>
      %get3A_209 = arith.index_cast %add3A_201 : i32 to index
      %get3A_210 = arith.constant 32 : index
      %get3A_211 = tpu.vector_load %arg12[%get3A_209, %get3A_210] {strides = array<i32>} : memref<512x64xf32, #tpu.memory_space<vmem>>, vector<1x16xf32>,
      %get3A_212 = vector.shape_cast %get3A_211 : vector<1x16xf32> to vector<16xf32>
      %get3A_213 = arith.index_cast %add3A_201 : i32 to index
      %get3A_214 = arith.constant 48 : index
      %get3A_215 = tpu.vector_load %arg12[%get3A_213, %get3A_214] {strides = array<i32>} : memref<512x64xf32, #tpu.memory_space<vmem>>, vector<1x16xf32>,
      %get3A_216 = vector.shape_cast %get3A_215 : vector<1x16xf32> to vector<16xf32>
      %broadcast_in_dim3A = arith.constant 0.000000e+00 : f32
      %broadcast_in_dim3A_217 = vector.broadcast %broadcast_in_dim3A : f32 to vector<16xf32>
      %broadcast_in_dim3A_218 = arith.constant 0.000000e+00 : f32
      %broadcast_in_dim3A_219 = vector.broadcast %broadcast_in_dim3A_218 : f32 to vector<16xf32>
      %broadcast_in_dim3A_220 = arith.constant 0.000000e+00 : f32
      %broadcast_in_dim3A_221 = vector.broadcast %broadcast_in_dim3A_220 : f32 to vector<16xf32>
      %broadcast_in_dim3A_222 = arith.constant 0.000000e+00 : f32
      %broadcast_in_dim3A_223 = vector.broadcast %broadcast_in_dim3A_222 : f32 to vector<16xf32>
      %get3A_224 = arith.constant 0 : i32
      %get3A_225 = arith.index_cast %rem3A_185 : i32 to index
      %get3A_226 = arith.index_cast %get3A_224 : i32 to index
      %get3A_227 = arith.constant 0 : index
      %get3A_228 = tpu.vector_load %arg14[%get3A_225, %get3A_226, %get3A_227] {strides = array<i32>} : memref<2x80x64xf32, #tpu.memory_space<vmem>>, vector<1x1x16xf32>,
      %get3A_229 = vector.shape_cast %get3A_228 : vector<1x1x16xf32> to vector<16xf32>
      %mul3A_230 = arith.mulf %get3A_229, %get3A_204 : vector<16xf32>
      %add3A_231 = arith.addf %broadcast_in_dim3A_217, %mul3A_230 : vector<16xf32>
      %get3A_232 = arith.constant 0 : i32
      %get3A_233 = arith.index_cast %rem3A_185 : i32 to index
      %get3A_234 = arith.index_cast %get3A_232 : i32 to index
      %get3A_235 = arith.constant 16 : index
      %get3A_236 = tpu.vector_load %arg14[%get3A_233, %get3A_234, %get3A_235] {strides = array<i32>} : memref<2x80x64xf32, #tpu.memory_space<vmem>>, vector<1x1x16xf32>,
      %get3A_237 = vector.shape_cast %get3A_236 : vector<1x1x16xf32> to vector<16xf32>
      %mul3A_238 = arith.mulf %get3A_237, %get3A_208 : vector<16xf32>
      %add3A_239 = arith.addf %broadcast_in_dim3A_219, %mul3A_238 : vector<16xf32>
      %get3A_240 = arith.constant 0 : i32
      %get3A_241 = arith.index_cast %rem3A_185 : i32 to index
      %get3A_242 = arith.index_cast %get3A_240 : i32 to index
      %get3A_243 = arith.constant 32 : index
      %get3A_244 = tpu.vector_load %arg14[%get3A_241, %get3A_242, %get3A_243] {strides = array<i32>} : memref<2x80x64xf32, #tpu.memory_space<vmem>>, vector<1x1x16xf32>,
      %get3A_245 = vector.shape_cast %get3A_244 : vector<1x1x16xf32> to vector<16xf32>
      %mul3A_246 = arith.mulf %get3A_245, %get3A_212 : vector<16xf32>
      %add3A_247 = arith.addf %broadcast_in_dim3A_221, %mul3A_246 : vector<16xf32>
      %get3A_248 = arith.constant 0 : i32
      %get3A_249 = arith.index_cast %rem3A_185 : i32 to index
      %get3A_250 = arith.index_cast %get3A_248 : i32 to index
      %get3A_251 = arith.constant 48 : index
      %get3A_252 = tpu.vector_load %arg14[%get3A_249, %get3A_250, %get3A_251] {strides = array<i32>} : memref<2x80x64xf32, #tpu.memory_space<vmem>>, vector<1x1x16xf32>,
      %get3A_253 = vector.shape_cast %get3A_252 : vector<1x1x16xf32> to vector<16xf32>
      %mul3A_254 = arith.mulf %get3A_253, %get3A_216 : vector<16xf32>
      %add3A_255 = arith.addf %broadcast_in_dim3A_223, %mul3A_254 : vector<16xf32>
      %get3A_256 = arith.constant 1 : i32
      %get3A_257 = arith.index_cast %rem3A_185 : i32 to index
      %get3A_258 = arith.index_cast %get3A_256 : i32 to index
      %get3A_259 = arith.constant 0 : index
      %get3A_260 = tpu.vector_load %arg14[%get3A_257, %get3A_258, %get3A_259] {strides = array<i32>} : memref<2x80x64xf32, #tpu.memory_space<vmem>>, vector<1x1x16xf32>,
      %get3A_261 = vector.shape_cast %get3A_260 : vector<1x1x16xf32> to vector<16xf32>
      %mul3A_262 = arith.mulf %get3A_261, %get3A_204 : vector<16xf32>
      %add3A_263 = arith.addf %add3A_231, %mul3A_262 : vector<16xf32>
      %get3A_264 = arith.constant 1 : i32
      %get3A_265 = arith.index_cast %rem3A_185 : i32 to index
      %get3A_266 = arith.index_cast %get3A_264 : i32 to index
      %get3A_267 = arith.constant 16 : index
      %get3A_268 = tpu.vector_load %arg14[%get3A_265, %get3A_266, %get3A_267] {strides = array<i32>} : memref<2x80x64xf32, #tpu.memory_space<vmem>>, vector<1x1x16xf32>,
      %get3A_269 = vector.shape_cast %get3A_268 : vector<1x1x16xf32> to vector<16xf32>
      %mul3A_270 = arith.mulf %get3A_269, %get3A_208 : vector<16xf32>
      %add3A_271 = arith.addf %add3A_239, %mul3A_270 : vector<16xf32>
      %get3A_272 = arith.constant 1 : i32
      %get3A_273 = arith.index_cast %rem3A_185 : i32 to index
      %get3A_274 = arith.index_cast %get3A_272 : i32 to index
      %get3A_275 = arith.constant 32 : index
      %get3A_276 = tpu.vector_load %arg14[%get3A_273, %get3A_274, %get3A_275] {strides = array<i32>} : memref<2x80x64xf32, #tpu.memory_space<vmem>>, vector<1x1x16xf32>,
      %get3A_277 = vector.shape_cast %get3A_276 : vector<1x1x16xf32> to vector<16xf32>
      %mul3A_278 = arith.mulf %get3A_277, %get3A_212 : vector<16xf32>
      %add3A_279 = arith.addf %add3A_247, %mul3A_278 : vector<16xf32>
      %get3A_280 = arith.constant 1 : i32
      %get3A_281 = arith.index_cast %rem3A_185 : i32 to index
      %get3A_282 = arith.index_cast %get3A_280 : i32 to index
      %get3A_283 = arith.constant 48 : index
      %get3A_284 = tpu.vector_load %arg14[%get3A_281, %get3A_282, %get3A_283] {strides = array<i32>} : memref<2x80x64xf32, #tpu.memory_space<vmem>>, vector<1x1x16xf32>,
      %get3A_285 = vector.shape_cast %get3A_284 : vector<1x1x16xf32> to vector<16xf32>
      %mul3A_286 = arith.mulf %get3A_285, %get3A_216 : vector<16xf32>
      %add3A_287 = arith.addf %add3A_255, %mul3A_286 : vector<16xf32>
      %get3A_288 = arith.constant 2 : i32
      %get3A_289 = arith.index_cast %rem3A_185 : i32 to index
      %get3A_290 = arith.index_cast %get3A_288 : i32 to index
      %get3A_291 = arith.constant 0 : index
      %get3A_292 = tpu.vector_load %arg14[%get3A_289, %get3A_290, %get3A_291] {strides = array<i32>} : memref<2x80x64xf32, #tpu.memory_space<vmem>>, vector<1x1x16xf32>,
      %get3A_293 = vector.shape_cast %get3A_292 : vector<1x1x16xf32> to vector<16xf32>
      %mul3A_294 = arith.mulf %get3A_293, %get3A_204 : vector<16xf32>
      %add3A_295 = arith.addf %add3A_263, %mul3A_294 : vector<16xf32>
      %get3A_296 = arith.constant 2 : i32
      %get3A_297 = arith.index_cast %rem3A_185 : i32 to index
      %get3A_298 = arith.index_cast %get3A_296 : i32 to index
      %get3A_299 = arith.constant 16 : index
      %get3A_300 = tpu.vector_load %arg14[%get3A_297, %get3A_298, %get3A_299] {strides = array<i32>} : memref<2x80x64xf32, #tpu.memory_space<vmem>>, vector<1x1x16xf32>,
      %get3A_301 = vector.shape_cast %get3A_300 : vector<1x1x16xf32> to vector<16xf32>
      %mul3A_302 = arith.mulf %get3A_301, %get3A_208 : vector<16xf32>
      %add3A_303 = arith.addf %add3A_271, %mul3A_302 : vector<16xf32>
      %get3A_304 = arith.constant 2 : i32
      %get3A_305 = arith.index_cast %rem3A_185 : i32 to index
      %get3A_306 = arith.index_cast %get3A_304 : i32 to index
      %get3A_307 = arith.constant 32 : index
      %get3A_308 = tpu.vector_load %arg14[%get3A_305, %get3A_306, %get3A_307] {strides = array<i32>} : memref<2x80x64xf32, #tpu.memory_space<vmem>>, vector<1x1x16xf32>,
      %get3A_309 = vector.shape_cast %get3A_308 : vector<1x1x16xf32> to vector<16xf32>
      %mul3A_310 = arith.mulf %get3A_309, %get3A_212 : vector<16xf32>
      %add3A_311 = arith.addf %add3A_279, %mul3A_310 : vector<16xf32>
      %get3A_312 = arith.constant 2 : i32
      %get3A_313 = arith.index_cast %rem3A_185 : i32 to index
      %get3A_314 = arith.index_cast %get3A_312 : i32 to index
      %get3A_315 = arith.constant 48 : index
      %get3A_316 = tpu.vector_load %arg14[%get3A_313, %get3A_314, %get3A_315] {strides = array<i32>} : memref<2x80x64xf32, #tpu.memory_space<vmem>>, vector<1x1x16xf32>,
      %get3A_317 = vector.shape_cast %get3A_316 : vector<1x1x16xf32> to vector<16xf32>
      %mul3A_318 = arith.mulf %get3A_317, %get3A_216 : vector<16xf32>
      %add3A_319 = arith.addf %add3A_287, %mul3A_318 : vector<16xf32>
      %get3A_320 = arith.constant 3 : i32
      %get3A_321 = arith.index_cast %rem3A_185 : i32 to index
      %get3A_322 = arith.index_cast %get3A_320 : i32 to index
      %get3A_323 = arith.constant 0 : index
      %get3A_324 = tpu.vector_load %arg14[%get3A_321, %get3A_322, %get3A_323] {strides = array<i32>} : memref<2x80x64xf32, #tpu.memory_space<vmem>>, vector<1x1x16xf32>,
      %get3A_325 = vector.shape_cast %get3A_324 : vector<1x1x16xf32> to vector<16xf32>
      %mul3A_326 = arith.mulf %get3A_325, %get3A_204 : vector<16xf32>
      %add3A_327 = arith.addf %add3A_295, %mul3A_326 : vector<16xf32>
      %get3A_328 = arith.constant 3 : i32
      %get3A_329 = arith.index_cast %rem3A_185 : i32 to index
      %get3A_330 = arith.index_cast %get3A_328 : i32 to index
      %get3A_331 = arith.constant 16 : index
      %get3A_332 = tpu.vector_load %arg14[%get3A_329, %get3A_330, %get3A_331] {strides = array<i32>} : memref<2x80x64xf32, #tpu.memory_space<vmem>>, vector<1x1x16xf32>,
      %get3A_333 = vector.shape_cast %get3A_332 : vector<1x1x16xf32> to vector<16xf32>
      %mul3A_334 = arith.mulf %get3A_333, %get3A_208 : vector<16xf32>
      %add3A_335 = arith.addf %add3A_303, %mul3A_334 : vector<16xf32>
      %get3A_336 = arith.constant 3 : i32
      %get3A_337 = arith.index_cast %rem3A_185 : i32 to index
      %get3A_338 = arith.index_cast %get3A_336 : i32 to index
      %get3A_339 = arith.constant 32 : index
      %get3A_340 = tpu.vector_load %arg14[%get3A_337, %get3A_338, %get3A_339] {strides = array<i32>} : memref<2x80x64xf32, #tpu.memory_space<vmem>>, vector<1x1x16xf32>,
      %get3A_341 = vector.shape_cast %get3A_340 : vector<1x1x16xf32> to vector<16xf32>
      %mul3A_342 = arith.mulf %get3A_341, %get3A_212 : vector<16xf32>
      %add3A_343 = arith.addf %add3A_311, %mul3A_342 : vector<16xf32>
      %get3A_344 = arith.constant 3 : i32
      %get3A_345 = arith.index_cast %rem3A_185 : i32 to index
      %get3A_346 = arith.index_cast %get3A_344 : i32 to index
      %get3A_347 = arith.constant 48 : index
      %get3A_348 = tpu.vector_load %arg14[%get3A_345, %get3A_346, %get3A_347] {strides = array<i32>} : memref<2x80x64xf32, #tpu.memory_space<vmem>>, vector<1x1x16xf32>,
      %get3A_349 = vector.shape_cast %get3A_348 : vector<1x1x16xf32> to vector<16xf32>
      %mul3A_350 = arith.mulf %get3A_349, %get3A_216 : vector<16xf32>
      %add3A_351 = arith.addf %add3A_319, %mul3A_350 : vector<16xf32>
      %get3A_352 = arith.constant 4 : i32
      %get3A_353 = arith.index_cast %rem3A_185 : i32 to index
      %get3A_354 = arith.index_cast %get3A_352 : i32 to index
      %get3A_355 = arith.constant 0 : index
      %get3A_356 = tpu.vector_load %arg14[%get3A_353, %get3A_354, %get3A_355] {strides = array<i32>} : memref<2x80x64xf32, #tpu.memory_space<vmem>>, vector<1x1x16xf32>,
      %get3A_357 = vector.shape_cast %get3A_356 : vector<1x1x16xf32> to vector<16xf32>
      %mul3A_358 = arith.mulf %get3A_357, %get3A_204 : vector<16xf32>
      %add3A_359 = arith.addf %add3A_327, %mul3A_358 : vector<16xf32>
      %get3A_360 = arith.constant 4 : i32
      %get3A_361 = arith.index_cast %rem3A_185 : i32 to index
      %get3A_362 = arith.index_cast %get3A_360 : i32 to index
      %get3A_363 = arith.constant 16 : index
      %get3A_364 = tpu.vector_load %arg14[%get3A_361, %get3A_362, %get3A_363] {strides = array<i32>} : memref<2x80x64xf32, #tpu.memory_space<vmem>>, vector<1x1x16xf32>,
      %get3A_365 = vector.shape_cast %get3A_364 : vector<1x1x16xf32> to vector<16xf32>
      %mul3A_366 = arith.mulf %get3A_365, %get3A_208 : vector<16xf32>
      %add3A_367 = arith.addf %add3A_335, %mul3A_366 : vector<16xf32>
      %get3A_368 = arith.constant 4 : i32
      %get3A_369 = arith.index_cast %rem3A_185 : i32 to index
      %get3A_370 = arith.index_cast %get3A_368 : i32 to index
      %get3A_371 = arith.constant 32 : index
      %get3A_372 = tpu.vector_load %arg14[%get3A_369, %get3A_370, %get3A_371] {strides = array<i32>} : memref<2x80x64xf32, #tpu.memory_space<vmem>>, vector<1x1x16xf32>,
      %get3A_373 = vector.shape_cast %get3A_372 : vector<1x1x16xf32> to vector<16xf32>
      %mul3A_374 = arith.mulf %get3A_373, %get3A_212 : vector<16xf32>
      %add3A_375 = arith.addf %add3A_343, %mul3A_374 : vector<16xf32>
      %get3A_376 = arith.constant 4 : i32
      %get3A_377 = arith.index_cast %rem3A_185 : i32 to index
      %get3A_378 = arith.index_cast %get3A_376 : i32 to index
      %get3A_379 = arith.constant 48 : index
      %get3A_380 = tpu.vector_load %arg14[%get3A_377, %get3A_378, %get3A_379] {strides = array<i32>} : memref<2x80x64xf32, #tpu.memory_space<vmem>>, vector<1x1x16xf32>,
      %get3A_381 = vector.shape_cast %get3A_380 : vector<1x1x16xf32> to vector<16xf32>
      %mul3A_382 = arith.mulf %get3A_381, %get3A_216 : vector<16xf32>
      %add3A_383 = arith.addf %add3A_351, %mul3A_382 : vector<16xf32>
      %get3A_384 = arith.constant 5 : i32
      %get3A_385 = arith.index_cast %rem3A_185 : i32 to index
      %get3A_386 = arith.index_cast %get3A_384 : i32 to index
      %get3A_387 = arith.constant 0 : index
      %get3A_388 = tpu.vector_load %arg14[%get3A_385, %get3A_386, %get3A_387] {strides = array<i32>} : memref<2x80x64xf32, #tpu.memory_space<vmem>>, vector<1x1x16xf32>,
      %get3A_389 = vector.shape_cast %get3A_388 : vector<1x1x16xf32> to vector<16xf32>
      %mul3A_390 = arith.mulf %get3A_389, %get3A_204 : vector<16xf32>
      %add3A_391 = arith.addf %add3A_359, %mul3A_390 : vector<16xf32>
      %get3A_392 = arith.constant 5 : i32
      %get3A_393 = arith.index_cast %rem3A_185 : i32 to index
      %get3A_394 = arith.index_cast %get3A_392 : i32 to index
      %get3A_395 = arith.constant 16 : index
      %get3A_396 = tpu.vector_load %arg14[%get3A_393, %get3A_394, %get3A_395] {strides = array<i32>} : memref<2x80x64xf32, #tpu.memory_space<vmem>>, vector<1x1x16xf32>,
      %get3A_397 = vector.shape_cast %get3A_396 : vector<1x1x16xf32> to vector<16xf32>
      %mul3A_398 = arith.mulf %get3A_397, %get3A_208 : vector<16xf32>
      %add3A_399 = arith.addf %add3A_367, %mul3A_398 : vector<16xf32>
      %get3A_400 = arith.constant 5 : i32
      %get3A_401 = arith.index_cast %rem3A_185 : i32 to index
      %get3A_402 = arith.index_cast %get3A_400 : i32 to index
      %get3A_403 = arith.constant 32 : index
      %get3A_404 = tpu.vector_load %arg14[%get3A_401, %get3A_402, %get3A_403] {strides = array<i32>} : memref<2x80x64xf32, #tpu.memory_space<vmem>>, vector<1x1x16xf32>,
      %get3A_405 = vector.shape_cast %get3A_404 : vector<1x1x16xf32> to vector<16xf32>
      %mul3A_406 = arith.mulf %get3A_405, %get3A_212 : vector<16xf32>
      %add3A_407 = arith.addf %add3A_375, %mul3A_406 : vector<16xf32>
      %get3A_408 = arith.constant 5 : i32
      %get3A_409 = arith.index_cast %rem3A_185 : i32 to index
      %get3A_410 = arith.index_cast %get3A_408 : i32 to index
      %get3A_411 = arith.constant 48 : index
      %get3A_412 = tpu.vector_load %arg14[%get3A_409, %get3A_410, %get3A_411] {strides = array<i32>} : memref<2x80x64xf32, #tpu.memory_space<vmem>>, vector<1x1x16xf32>,
      %get3A_413 = vector.shape_cast %get3A_412 : vector<1x1x16xf32> to vector<16xf32>
      %mul3A_414 = arith.mulf %get3A_413, %get3A_216 : vector<16xf32>
      %add3A_415 = arith.addf %add3A_383, %mul3A_414 : vector<16xf32>
      %get3A_416 = arith.constant 6 : i32
      %get3A_417 = arith.index_cast %rem3A_185 : i32 to index
      %get3A_418 = arith.index_cast %get3A_416 : i32 to index
      %get3A_419 = arith.constant 0 : index
      %get3A_420 = tpu.vector_load %arg14[%get3A_417, %get3A_418, %get3A_419] {strides = array<i32>} : memref<2x80x64xf32, #tpu.memory_space<vmem>>, vector<1x1x16xf32>,
      %get3A_421 = vector.shape_cast %get3A_420 : vector<1x1x16xf32> to vector<16xf32>
      %mul3A_422 = arith.mulf %get3A_421, %get3A_204 : vector<16xf32>
      %add3A_423 = arith.addf %add3A_391, %mul3A_422 : vector<16xf32>
      %get3A_424 = arith.constant 6 : i32
      %get3A_425 = arith.index_cast %rem3A_185 : i32 to index
      %get3A_426 = arith.index_cast %get3A_424 : i32 to index
      %get3A_427 = arith.constant 16 : index
      %get3A_428 = tpu.vector_load %arg14[%get3A_425, %get3A_426, %get3A_427] {strides = array<i32>} : memref<2x80x64xf32, #tpu.memory_space<vmem>>, vector<1x1x16xf32>,
      %get3A_429 = vector.shape_cast %get3A_428 : vector<1x1x16xf32> to vector<16xf32>
      %mul3A_430 = arith.mulf %get3A_429, %get3A_208 : vector<16xf32>
      %add3A_431 = arith.addf %add3A_399, %mul3A_430 : vector<16xf32>
      %get3A_432 = arith.constant 6 : i32
      %get3A_433 = arith.index_cast %rem3A_185 : i32 to index
      %get3A_434 = arith.index_cast %get3A_432 : i32 to index
      %get3A_435 = arith.constant 32 : index
      %get3A_436 = tpu.vector_load %arg14[%get3A_433, %get3A_434, %get3A_435] {strides = array<i32>} : memref<2x80x64xf32, #tpu.memory_space<vmem>>, vector<1x1x16xf32>,
      %get3A_437 = vector.shape_cast %get3A_436 : vector<1x1x16xf32> to vector<16xf32>
      %mul3A_438 = arith.mulf %get3A_437, %get3A_212 : vector<16xf32>
      %add3A_439 = arith.addf %add3A_407, %mul3A_438 : vector<16xf32>
      %get3A_440 = arith.constant 6 : i32
      %get3A_441 = arith.index_cast %rem3A_185 : i32 to index
      %get3A_442 = arith.index_cast %get3A_440 : i32 to index
      %get3A_443 = arith.constant 48 : index
      %get3A_444 = tpu.vector_load %arg14[%get3A_441, %get3A_442, %get3A_443] {strides = array<i32>} : memref<2x80x64xf32, #tpu.memory_space<vmem>>, vector<1x1x16xf32>,
      %get3A_445 = vector.shape_cast %get3A_444 : vector<1x1x16xf32> to vector<16xf32>
      %mul3A_446 = arith.mulf %get3A_445, %get3A_216 : vector<16xf32>
      %add3A_447 = arith.addf %add3A_415, %mul3A_446 : vector<16xf32>
      %get3A_448 = arith.constant 7 : i32
      %get3A_449 = arith.index_cast %rem3A_185 : i32 to index
      %get3A_450 = arith.index_cast %get3A_448 : i32 to index
      %get3A_451 = arith.constant 0 : index
      %get3A_452 = tpu.vector_load %arg14[%get3A_449, %get3A_450, %get3A_451] {strides = array<i32>} : memref<2x80x64xf32, #tpu.memory_space<vmem>>, vector<1x1x16xf32>,
      %get3A_453 = vector.shape_cast %get3A_452 : vector<1x1x16xf32> to vector<16xf32>
      %mul3A_454 = arith.mulf %get3A_453, %get3A_204 : vector<16xf32>
      %add3A_455 = arith.addf %add3A_423, %mul3A_454 : vector<16xf32>
      %get3A_456 = arith.constant 7 : i32
      %get3A_457 = arith.index_cast %rem3A_185 : i32 to index
      %get3A_458 = arith.index_cast %get3A_456 : i32 to index
      %get3A_459 = arith.constant 16 : index
      %get3A_460 = tpu.vector_load %arg14[%get3A_457, %get3A_458, %get3A_459] {strides = array<i32>} : memref<2x80x64xf32, #tpu.memory_space<vmem>>, vector<1x1x16xf32>,
      %get3A_461 = vector.shape_cast %get3A_460 : vector<1x1x16xf32> to vector<16xf32>
      %mul3A_462 = arith.mulf %get3A_461, %get3A_208 : vector<16xf32>
      %add3A_463 = arith.addf %add3A_431, %mul3A_462 : vector<16xf32>
      %get3A_464 = arith.constant 7 : i32
      %get3A_465 = arith.index_cast %rem3A_185 : i32 to index
      %get3A_466 = arith.index_cast %get3A_464 : i32 to index
      %get3A_467 = arith.constant 32 : index
      %get3A_468 = tpu.vector_load %arg14[%get3A_465, %get3A_466, %get3A_467] {strides = array<i32>} : memref<2x80x64xf32, #tpu.memory_space<vmem>>, vector<1x1x16xf32>,
      %get3A_469 = vector.shape_cast %get3A_468 : vector<1x1x16xf32> to vector<16xf32>
      %mul3A_470 = arith.mulf %get3A_469, %get3A_212 : vector<16xf32>
      %add3A_471 = arith.addf %add3A_439, %mul3A_470 : vector<16xf32>
      %get3A_472 = arith.constant 7 : i32
      %get3A_473 = arith.index_cast %rem3A_185 : i32 to index
      %get3A_474 = arith.index_cast %get3A_472 : i32 to index
      %get3A_475 = arith.constant 48 : index
      %get3A_476 = tpu.vector_load %arg14[%get3A_473, %get3A_474, %get3A_475] {strides = array<i32>} : memref<2x80x64xf32, #tpu.memory_space<vmem>>, vector<1x1x16xf32>,
      %get3A_477 = vector.shape_cast %get3A_476 : vector<1x1x16xf32> to vector<16xf32>
      %mul3A_478 = arith.mulf %get3A_477, %get3A_216 : vector<16xf32>
      %add3A_479 = arith.addf %add3A_447, %mul3A_478 : vector<16xf32>
      %get3A_480 = arith.constant 8 : i32
      %get3A_481 = arith.index_cast %rem3A_185 : i32 to index
      %get3A_482 = arith.index_cast %get3A_480 : i32 to index
      %get3A_483 = arith.constant 0 : index
      %get3A_484 = tpu.vector_load %arg14[%get3A_481, %get3A_482, %get3A_483] {strides = array<i32>} : memref<2x80x64xf32, #tpu.memory_space<vmem>>, vector<1x1x16xf32>,
      %get3A_485 = vector.shape_cast %get3A_484 : vector<1x1x16xf32> to vector<16xf32>
      %mul3A_486 = arith.mulf %get3A_485, %get3A_204 : vector<16xf32>
      %add3A_487 = arith.addf %add3A_455, %mul3A_486 : vector<16xf32>
      %get3A_488 = arith.constant 8 : i32
      %get3A_489 = arith.index_cast %rem3A_185 : i32 to index
      %get3A_490 = arith.index_cast %get3A_488 : i32 to index
      %get3A_491 = arith.constant 16 : index
      %get3A_492 = tpu.vector_load %arg14[%get3A_489, %get3A_490, %get3A_491] {strides = array<i32>} : memref<2x80x64xf32, #tpu.memory_space<vmem>>, vector<1x1x16xf32>,
      %get3A_493 = vector.shape_cast %get3A_492 : vector<1x1x16xf32> to vector<16xf32>
      %mul3A_494 = arith.mulf %get3A_493, %get3A_208 : vector<16xf32>
      %add3A_495 = arith.addf %add3A_463, %mul3A_494 : vector<16xf32>
      %get3A_496 = arith.constant 8 : i32
      %get3A_497 = arith.index_cast %rem3A_185 : i32 to index
      %get3A_498 = arith.index_cast %get3A_496 : i32 to index
      %get3A_499 = arith.constant 32 : index
      %get3A_500 = tpu.vector_load %arg14[%get3A_497, %get3A_498, %get3A_499] {strides = array<i32>} : memref<2x80x64xf32, #tpu.memory_space<vmem>>, vector<1x1x16xf32>,
      %get3A_501 = vector.shape_cast %get3A_500 : vector<1x1x16xf32> to vector<16xf32>
      %mul3A_502 = arith.mulf %get3A_501, %get3A_212 : vector<16xf32>
      %add3A_503 = arith.addf %add3A_471, %mul3A_502 : vector<16xf32>
      %get3A_504 = arith.constant 8 : i32
      %get3A_505 = arith.index_cast %rem3A_185 : i32 to index
      %get3A_506 = arith.index_cast %get3A_504 : i32 to index
      %get3A_507 = arith.constant 48 : index
      %get3A_508 = tpu.vector_load %arg14[%get3A_505, %get3A_506, %get3A_507] {strides = array<i32>} : memref<2x80x64xf32, #tpu.memory_space<vmem>>, vector<1x1x16xf32>,
      %get3A_509 = vector.shape_cast %get3A_508 : vector<1x1x16xf32> to vector<16xf32>
      %mul3A_510 = arith.mulf %get3A_509, %get3A_216 : vector<16xf32>
      %add3A_511 = arith.addf %add3A_479, %mul3A_510 : vector<16xf32>
      %get3A_512 = arith.constant 9 : i32
      %get3A_513 = arith.index_cast %rem3A_185 : i32 to index
      %get3A_514 = arith.index_cast %get3A_512 : i32 to index
      %get3A_515 = arith.constant 0 : index
      %get3A_516 = tpu.vector_load %arg14[%get3A_513, %get3A_514, %get3A_515] {strides = array<i32>} : memref<2x80x64xf32, #tpu.memory_space<vmem>>, vector<1x1x16xf32>,
      %get3A_517 = vector.shape_cast %get3A_516 : vector<1x1x16xf32> to vector<16xf32>
      %mul3A_518 = arith.mulf %get3A_517, %get3A_204 : vector<16xf32>
      %add3A_519 = arith.addf %add3A_487, %mul3A_518 : vector<16xf32>
      %get3A_520 = arith.constant 9 : i32
      %get3A_521 = arith.index_cast %rem3A_185 : i32 to index
      %get3A_522 = arith.index_cast %get3A_520 : i32 to index
      %get3A_523 = arith.constant 16 : index
      %get3A_524 = tpu.vector_load %arg14[%get3A_521, %get3A_522, %get3A_523] {strides = array<i32>} : memref<2x80x64xf32, #tpu.memory_space<vmem>>, vector<1x1x16xf32>,
      %get3A_525 = vector.shape_cast %get3A_524 : vector<1x1x16xf32> to vector<16xf32>
      %mul3A_526 = arith.mulf %get3A_525, %get3A_208 : vector<16xf32>
      %add3A_527 = arith.addf %add3A_495, %mul3A_526 : vector<16xf32>
      %get3A_528 = arith.constant 9 : i32
      %get3A_529 = arith.index_cast %rem3A_185 : i32 to index
      %get3A_530 = arith.index_cast %get3A_528 : i32 to index
      %get3A_531 = arith.constant 32 : index
      %get3A_532 = tpu.vector_load %arg14[%get3A_529, %get3A_530, %get3A_531] {strides = array<i32>} : memref<2x80x64xf32, #tpu.memory_space<vmem>>, vector<1x1x16xf32>,
      %get3A_533 = vector.shape_cast %get3A_532 : vector<1x1x16xf32> to vector<16xf32>
      %mul3A_534 = arith.mulf %get3A_533, %get3A_212 : vector<16xf32>
      %add3A_535 = arith.addf %add3A_503, %mul3A_534 : vector<16xf32>
      %get3A_536 = arith.constant 9 : i32
      %get3A_537 = arith.index_cast %rem3A_185 : i32 to index
      %get3A_538 = arith.index_cast %get3A_536 : i32 to index
      %get3A_539 = arith.constant 48 : index
      %get3A_540 = tpu.vector_load %arg14[%get3A_537, %get3A_538, %get3A_539] {strides = array<i32>} : memref<2x80x64xf32, #tpu.memory_space<vmem>>, vector<1x1x16xf32>,
      %get3A_541 = vector.shape_cast %get3A_540 : vector<1x1x16xf32> to vector<16xf32>
      %mul3A_542 = arith.mulf %get3A_541, %get3A_216 : vector<16xf32>
      %add3A_543 = arith.addf %add3A_511, %mul3A_542 : vector<16xf32>
      %get3A_544 = arith.constant 10 : i32
      %get3A_545 = arith.index_cast %rem3A_185 : i32 to index
      %get3A_546 = arith.index_cast %get3A_544 : i32 to index
      %get3A_547 = arith.constant 0 : index
      %get3A_548 = tpu.vector_load %arg14[%get3A_545, %get3A_546, %get3A_547] {strides = array<i32>} : memref<2x80x64xf32, #tpu.memory_space<vmem>>, vector<1x1x16xf32>,
      %get3A_549 = vector.shape_cast %get3A_548 : vector<1x1x16xf32> to vector<16xf32>
      %mul3A_550 = arith.mulf %get3A_549, %get3A_204 : vector<16xf32>
      %add3A_551 = arith.addf %add3A_519, %mul3A_550 : vector<16xf32>
      %get3A_552 = arith.constant 10 : i32
      %get3A_553 = arith.index_cast %rem3A_185 : i32 to index
      %get3A_554 = arith.index_cast %get3A_552 : i32 to index
      %get3A_555 = arith.constant 16 : index
      %get3A_556 = tpu.vector_load %arg14[%get3A_553, %get3A_554, %get3A_555] {strides = array<i32>} : memref<2x80x64xf32, #tpu.memory_space<vmem>>, vector<1x1x16xf32>,
      %get3A_557 = vector.shape_cast %get3A_556 : vector<1x1x16xf32> to vector<16xf32>
      %mul3A_558 = arith.mulf %get3A_557, %get3A_208 : vector<16xf32>
      %add3A_559 = arith.addf %add3A_527, %mul3A_558 : vector<16xf32>
      %get3A_560 = arith.constant 10 : i32
      %get3A_561 = arith.index_cast %rem3A_185 : i32 to index
      %get3A_562 = arith.index_cast %get3A_560 : i32 to index
      %get3A_563 = arith.constant 32 : index
      %get3A_564 = tpu.vector_load %arg14[%get3A_561, %get3A_562, %get3A_563] {strides = array<i32>} : memref<2x80x64xf32, #tpu.memory_space<vmem>>, vector<1x1x16xf32>,
      %get3A_565 = vector.shape_cast %get3A_564 : vector<1x1x16xf32> to vector<16xf32>
      %mul3A_566 = arith.mulf %get3A_565, %get3A_212 : vector<16xf32>
      %add3A_567 = arith.addf %add3A_535, %mul3A_566 : vector<16xf32>
      %get3A_568 = arith.constant 10 : i32
      %get3A_569 = arith.index_cast %rem3A_185 : i32 to index
      %get3A_570 = arith.index_cast %get3A_568 : i32 to index
      %get3A_571 = arith.constant 48 : index
      %get3A_572 = tpu.vector_load %arg14[%get3A_569, %get3A_570, %get3A_571] {strides = array<i32>} : memref<2x80x64xf32, #tpu.memory_space<vmem>>, vector<1x1x16xf32>,
      %get3A_573 = vector.shape_cast %get3A_572 : vector<1x1x16xf32> to vector<16xf32>
      %mul3A_574 = arith.mulf %get3A_573, %get3A_216 : vector<16xf32>
      %add3A_575 = arith.addf %add3A_543, %mul3A_574 : vector<16xf32>
      %get3A_576 = arith.constant 11 : i32
      %get3A_577 = arith.index_cast %rem3A_185 : i32 to index
      %get3A_578 = arith.index_cast %get3A_576 : i32 to index
      %get3A_579 = arith.constant 0 : index
      %get3A_580 = tpu.vector_load %arg14[%get3A_577, %get3A_578, %get3A_579] {strides = array<i32>} : memref<2x80x64xf32, #tpu.memory_space<vmem>>, vector<1x1x16xf32>,
      %get3A_581 = vector.shape_cast %get3A_580 : vector<1x1x16xf32> to vector<16xf32>
      %mul3A_582 = arith.mulf %get3A_581, %get3A_204 : vector<16xf32>
      %add3A_583 = arith.addf %add3A_551, %mul3A_582 : vector<16xf32>
      %get3A_584 = arith.constant 11 : i32
      %get3A_585 = arith.index_cast %rem3A_185 : i32 to index
      %get3A_586 = arith.index_cast %get3A_584 : i32 to index
      %get3A_587 = arith.constant 16 : index
      %get3A_588 = tpu.vector_load %arg14[%get3A_585, %get3A_586, %get3A_587] {strides = array<i32>} : memref<2x80x64xf32, #tpu.memory_space<vmem>>, vector<1x1x16xf32>,
      %get3A_589 = vector.shape_cast %get3A_588 : vector<1x1x16xf32> to vector<16xf32>
      %mul3A_590 = arith.mulf %get3A_589, %get3A_208 : vector<16xf32>
      %add3A_591 = arith.addf %add3A_559, %mul3A_590 : vector<16xf32>
      %get3A_592 = arith.constant 11 : i32
      %get3A_593 = arith.index_cast %rem3A_185 : i32 to index
      %get3A_594 = arith.index_cast %get3A_592 : i32 to index
      %get3A_595 = arith.constant 32 : index
      %get3A_596 = tpu.vector_load %arg14[%get3A_593, %get3A_594, %get3A_595] {strides = array<i32>} : memref<2x80x64xf32, #tpu.memory_space<vmem>>, vector<1x1x16xf32>,
      %get3A_597 = vector.shape_cast %get3A_596 : vector<1x1x16xf32> to vector<16xf32>
      %mul3A_598 = arith.mulf %get3A_597, %get3A_212 : vector<16xf32>
      %add3A_599 = arith.addf %add3A_567, %mul3A_598 : vector<16xf32>
      %get3A_600 = arith.constant 11 : i32
      %get3A_601 = arith.index_cast %rem3A_185 : i32 to index
      %get3A_602 = arith.index_cast %get3A_600 : i32 to index
      %get3A_603 = arith.constant 48 : index
      %get3A_604 = tpu.vector_load %arg14[%get3A_601, %get3A_602, %get3A_603] {strides = array<i32>} : memref<2x80x64xf32, #tpu.memory_space<vmem>>, vector<1x1x16xf32>,
      %get3A_605 = vector.shape_cast %get3A_604 : vector<1x1x16xf32> to vector<16xf32>
      %mul3A_606 = arith.mulf %get3A_605, %get3A_216 : vector<16xf32>
      %add3A_607 = arith.addf %add3A_575, %mul3A_606 : vector<16xf32>
      %get3A_608 = arith.constant 12 : i32
      %get3A_609 = arith.index_cast %rem3A_185 : i32 to index
      %get3A_610 = arith.index_cast %get3A_608 : i32 to index
      %get3A_611 = arith.constant 0 : index
      %get3A_612 = tpu.vector_load %arg14[%get3A_609, %get3A_610, %get3A_611] {strides = array<i32>} : memref<2x80x64xf32, #tpu.memory_space<vmem>>, vector<1x1x16xf32>,
      %get3A_613 = vector.shape_cast %get3A_612 : vector<1x1x16xf32> to vector<16xf32>
      %mul3A_614 = arith.mulf %get3A_613, %get3A_204 : vector<16xf32>
      %add3A_615 = arith.addf %add3A_583, %mul3A_614 : vector<16xf32>
      %get3A_616 = arith.constant 12 : i32
      %get3A_617 = arith.index_cast %rem3A_185 : i32 to index
      %get3A_618 = arith.index_cast %get3A_616 : i32 to index
      %get3A_619 = arith.constant 16 : index
      %get3A_620 = tpu.vector_load %arg14[%get3A_617, %get3A_618, %get3A_619] {strides = array<i32>} : memref<2x80x64xf32, #tpu.memory_space<vmem>>, vector<1x1x16xf32>,
      %get3A_621 = vector.shape_cast %get3A_620 : vector<1x1x16xf32> to vector<16xf32>
      %mul3A_622 = arith.mulf %get3A_621, %get3A_208 : vector<16xf32>
      %add3A_623 = arith.addf %add3A_591, %mul3A_622 : vector<16xf32>
      %get3A_624 = arith.constant 12 : i32
      %get3A_625 = arith.index_cast %rem3A_185 : i32 to index
      %get3A_626 = arith.index_cast %get3A_624 : i32 to index
      %get3A_627 = arith.constant 32 : index
      %get3A_628 = tpu.vector_load %arg14[%get3A_625, %get3A_626, %get3A_627] {strides = array<i32>} : memref<2x80x64xf32, #tpu.memory_space<vmem>>, vector<1x1x16xf32>,
      %get3A_629 = vector.shape_cast %get3A_628 : vector<1x1x16xf32> to vector<16xf32>
      %mul3A_630 = arith.mulf %get3A_629, %get3A_212 : vector<16xf32>
      %add3A_631 = arith.addf %add3A_599, %mul3A_630 : vector<16xf32>
      %get3A_632 = arith.constant 12 : i32
      %get3A_633 = arith.index_cast %rem3A_185 : i32 to index
      %get3A_634 = arith.index_cast %get3A_632 : i32 to index
      %get3A_635 = arith.constant 48 : index
      %get3A_636 = tpu.vector_load %arg14[%get3A_633, %get3A_634, %get3A_635] {strides = array<i32>} : memref<2x80x64xf32, #tpu.memory_space<vmem>>, vector<1x1x16xf32>,
      %get3A_637 = vector.shape_cast %get3A_636 : vector<1x1x16xf32> to vector<16xf32>
      %mul3A_638 = arith.mulf %get3A_637, %get3A_216 : vector<16xf32>
      %add3A_639 = arith.addf %add3A_607, %mul3A_638 : vector<16xf32>
      %get3A_640 = arith.constant 13 : i32
      %get3A_641 = arith.index_cast %rem3A_185 : i32 to index
      %get3A_642 = arith.index_cast %get3A_640 : i32 to index
      %get3A_643 = arith.constant 0 : index
      %get3A_644 = tpu.vector_load %arg14[%get3A_641, %get3A_642, %get3A_643] {strides = array<i32>} : memref<2x80x64xf32, #tpu.memory_space<vmem>>, vector<1x1x16xf32>,
      %get3A_645 = vector.shape_cast %get3A_644 : vector<1x1x16xf32> to vector<16xf32>
      %mul3A_646 = arith.mulf %get3A_645, %get3A_204 : vector<16xf32>
      %add3A_647 = arith.addf %add3A_615, %mul3A_646 : vector<16xf32>
      %get3A_648 = arith.constant 13 : i32
      %get3A_649 = arith.index_cast %rem3A_185 : i32 to index
      %get3A_650 = arith.index_cast %get3A_648 : i32 to index
      %get3A_651 = arith.constant 16 : index
      %get3A_652 = tpu.vector_load %arg14[%get3A_649, %get3A_650, %get3A_651] {strides = array<i32>} : memref<2x80x64xf32, #tpu.memory_space<vmem>>, vector<1x1x16xf32>,
      %get3A_653 = vector.shape_cast %get3A_652 : vector<1x1x16xf32> to vector<16xf32>
      %mul3A_654 = arith.mulf %get3A_653, %get3A_208 : vector<16xf32>
      %add3A_655 = arith.addf %add3A_623, %mul3A_654 : vector<16xf32>
      %get3A_656 = arith.constant 13 : i32
      %get3A_657 = arith.index_cast %rem3A_185 : i32 to index
      %get3A_658 = arith.index_cast %get3A_656 : i32 to index
      %get3A_659 = arith.constant 32 : index
      %get3A_660 = tpu.vector_load %arg14[%get3A_657, %get3A_658, %get3A_659] {strides = array<i32>} : memref<2x80x64xf32, #tpu.memory_space<vmem>>, vector<1x1x16xf32>,
      %get3A_661 = vector.shape_cast %get3A_660 : vector<1x1x16xf32> to vector<16xf32>
      %mul3A_662 = arith.mulf %get3A_661, %get3A_212 : vector<16xf32>
      %add3A_663 = arith.addf %add3A_631, %mul3A_662 : vector<16xf32>
      %get3A_664 = arith.constant 13 : i32
      %get3A_665 = arith.index_cast %rem3A_185 : i32 to index
      %get3A_666 = arith.index_cast %get3A_664 : i32 to index
      %get3A_667 = arith.constant 48 : index
      %get3A_668 = tpu.vector_load %arg14[%get3A_665, %get3A_666, %get3A_667] {strides = array<i32>} : memref<2x80x64xf32, #tpu.memory_space<vmem>>, vector<1x1x16xf32>,
      %get3A_669 = vector.shape_cast %get3A_668 : vector<1x1x16xf32> to vector<16xf32>
      %mul3A_670 = arith.mulf %get3A_669, %get3A_216 : vector<16xf32>
      %add3A_671 = arith.addf %add3A_639, %mul3A_670 : vector<16xf32>
      %get3A_672 = arith.constant 14 : i32
      %get3A_673 = arith.index_cast %rem3A_185 : i32 to index
      %get3A_674 = arith.index_cast %get3A_672 : i32 to index
      %get3A_675 = arith.constant 0 : index
      %get3A_676 = tpu.vector_load %arg14[%get3A_673, %get3A_674, %get3A_675] {strides = array<i32>} : memref<2x80x64xf32, #tpu.memory_space<vmem>>, vector<1x1x16xf32>,
      %get3A_677 = vector.shape_cast %get3A_676 : vector<1x1x16xf32> to vector<16xf32>
      %mul3A_678 = arith.mulf %get3A_677, %get3A_204 : vector<16xf32>
      %add3A_679 = arith.addf %add3A_647, %mul3A_678 : vector<16xf32>
      %get3A_680 = arith.constant 14 : i32
      %get3A_681 = arith.index_cast %rem3A_185 : i32 to index
      %get3A_682 = arith.index_cast %get3A_680 : i32 to index
      %get3A_683 = arith.constant 16 : index
      %get3A_684 = tpu.vector_load %arg14[%get3A_681, %get3A_682, %get3A_683] {strides = array<i32>} : memref<2x80x64xf32, #tpu.memory_space<vmem>>, vector<1x1x16xf32>,
      %get3A_685 = vector.shape_cast %get3A_684 : vector<1x1x16xf32> to vector<16xf32>
      %mul3A_686 = arith.mulf %get3A_685, %get3A_208 : vector<16xf32>
      %add3A_687 = arith.addf %add3A_655, %mul3A_686 : vector<16xf32>
      %get3A_688 = arith.constant 14 : i32
      %get3A_689 = arith.index_cast %rem3A_185 : i32 to index
      %get3A_690 = arith.index_cast %get3A_688 : i32 to index
      %get3A_691 = arith.constant 32 : index
      %get3A_692 = tpu.vector_load %arg14[%get3A_689, %get3A_690, %get3A_691] {strides = array<i32>} : memref<2x80x64xf32, #tpu.memory_space<vmem>>, vector<1x1x16xf32>,
      %get3A_693 = vector.shape_cast %get3A_692 : vector<1x1x16xf32> to vector<16xf32>
      %mul3A_694 = arith.mulf %get3A_693, %get3A_212 : vector<16xf32>
      %add3A_695 = arith.addf %add3A_663, %mul3A_694 : vector<16xf32>
      %get3A_696 = arith.constant 14 : i32
      %get3A_697 = arith.index_cast %rem3A_185 : i32 to index
      %get3A_698 = arith.index_cast %get3A_696 : i32 to index
      %get3A_699 = arith.constant 48 : index
      %get3A_700 = tpu.vector_load %arg14[%get3A_697, %get3A_698, %get3A_699] {strides = array<i32>} : memref<2x80x64xf32, #tpu.memory_space<vmem>>, vector<1x1x16xf32>,
      %get3A_701 = vector.shape_cast %get3A_700 : vector<1x1x16xf32> to vector<16xf32>
      %mul3A_702 = arith.mulf %get3A_701, %get3A_216 : vector<16xf32>
      %add3A_703 = arith.addf %add3A_671, %mul3A_702 : vector<16xf32>
      %get3A_704 = arith.constant 15 : i32
      %get3A_705 = arith.index_cast %rem3A_185 : i32 to index
      %get3A_706 = arith.index_cast %get3A_704 : i32 to index
      %get3A_707 = arith.constant 0 : index
      %get3A_708 = tpu.vector_load %arg14[%get3A_705, %get3A_706, %get3A_707] {strides = array<i32>} : memref<2x80x64xf32, #tpu.memory_space<vmem>>, vector<1x1x16xf32>,
      %get3A_709 = vector.shape_cast %get3A_708 : vector<1x1x16xf32> to vector<16xf32>
      %mul3A_710 = arith.mulf %get3A_709, %get3A_204 : vector<16xf32>
      %add3A_711 = arith.addf %add3A_679, %mul3A_710 : vector<16xf32>
      %get3A_712 = arith.constant 15 : i32
      %get3A_713 = arith.index_cast %rem3A_185 : i32 to index
      %get3A_714 = arith.index_cast %get3A_712 : i32 to index
      %get3A_715 = arith.constant 16 : index
      %get3A_716 = tpu.vector_load %arg14[%get3A_713, %get3A_714, %get3A_715] {strides = array<i32>} : memref<2x80x64xf32, #tpu.memory_space<vmem>>, vector<1x1x16xf32>,
      %get3A_717 = vector.shape_cast %get3A_716 : vector<1x1x16xf32> to vector<16xf32>
      %mul3A_718 = arith.mulf %get3A_717, %get3A_208 : vector<16xf32>
      %add3A_719 = arith.addf %add3A_687, %mul3A_718 : vector<16xf32>
      %get3A_720 = arith.constant 15 : i32
      %get3A_721 = arith.index_cast %rem3A_185 : i32 to index
      %get3A_722 = arith.index_cast %get3A_720 : i32 to index
      %get3A_723 = arith.constant 32 : index
      %get3A_724 = tpu.vector_load %arg14[%get3A_721, %get3A_722, %get3A_723] {strides = array<i32>} : memref<2x80x64xf32, #tpu.memory_space<vmem>>, vector<1x1x16xf32>,
      %get3A_725 = vector.shape_cast %get3A_724 : vector<1x1x16xf32> to vector<16xf32>
      %mul3A_726 = arith.mulf %get3A_725, %get3A_212 : vector<16xf32>
      %add3A_727 = arith.addf %add3A_695, %mul3A_726 : vector<16xf32>
      %get3A_728 = arith.constant 15 : i32
      %get3A_729 = arith.index_cast %rem3A_185 : i32 to index
      %get3A_730 = arith.index_cast %get3A_728 : i32 to index
      %get3A_731 = arith.constant 48 : index
      %get3A_732 = tpu.vector_load %arg14[%get3A_729, %get3A_730, %get3A_731] {strides = array<i32>} : memref<2x80x64xf32, #tpu.memory_space<vmem>>, vector<1x1x16xf32>,
      %get3A_733 = vector.shape_cast %get3A_732 : vector<1x1x16xf32> to vector<16xf32>
      %mul3A_734 = arith.mulf %get3A_733, %get3A_216 : vector<16xf32>
      %add3A_735 = arith.addf %add3A_703, %mul3A_734 : vector<16xf32>
      %get3A_736 = arith.constant 16 : i32
      %get3A_737 = arith.index_cast %rem3A_185 : i32 to index
      %get3A_738 = arith.index_cast %get3A_736 : i32 to index
      %get3A_739 = arith.constant 0 : index
      %get3A_740 = tpu.vector_load %arg14[%get3A_737, %get3A_738, %get3A_739] {strides = array<i32>} : memref<2x80x64xf32, #tpu.memory_space<vmem>>, vector<1x1x16xf32>,
      %get3A_741 = vector.shape_cast %get3A_740 : vector<1x1x16xf32> to vector<16xf32>
      %mul3A_742 = arith.mulf %get3A_741, %get3A_204 : vector<16xf32>
      %add3A_743 = arith.addf %add3A_711, %mul3A_742 : vector<16xf32>
      %get3A_744 = arith.constant 16 : i32
      %get3A_745 = arith.index_cast %rem3A_185 : i32 to index
      %get3A_746 = arith.index_cast %get3A_744 : i32 to index
      %get3A_747 = arith.constant 16 : index
      %get3A_748 = tpu.vector_load %arg14[%get3A_745, %get3A_746, %get3A_747] {strides = array<i32>} : memref<2x80x64xf32, #tpu.memory_space<vmem>>, vector<1x1x16xf32>,
      %get3A_749 = vector.shape_cast %get3A_748 : vector<1x1x16xf32> to vector<16xf32>
      %mul3A_750 = arith.mulf %get3A_749, %get3A_208 : vector<16xf32>
      %add3A_751 = arith.addf %add3A_719, %mul3A_750 : vector<16xf32>
      %get3A_752 = arith.constant 16 : i32
      %get3A_753 = arith.index_cast %rem3A_185 : i32 to index
      %get3A_754 = arith.index_cast %get3A_752 : i32 to index
      %get3A_755 = arith.constant 32 : index
      %get3A_756 = tpu.vector_load %arg14[%get3A_753, %get3A_754, %get3A_755] {strides = array<i32>} : memref<2x80x64xf32, #tpu.memory_space<vmem>>, vector<1x1x16xf32>,
      %get3A_757 = vector.shape_cast %get3A_756 : vector<1x1x16xf32> to vector<16xf32>
      %mul3A_758 = arith.mulf %get3A_757, %get3A_212 : vector<16xf32>
      %add3A_759 = arith.addf %add3A_727, %mul3A_758 : vector<16xf32>
      %get3A_760 = arith.constant 16 : i32
      %get3A_761 = arith.index_cast %rem3A_185 : i32 to index
      %get3A_762 = arith.index_cast %get3A_760 : i32 to index
      %get3A_763 = arith.constant 48 : index
      %get3A_764 = tpu.vector_load %arg14[%get3A_761, %get3A_762, %get3A_763] {strides = array<i32>} : memref<2x80x64xf32, #tpu.memory_space<vmem>>, vector<1x1x16xf32>,
      %get3A_765 = vector.shape_cast %get3A_764 : vector<1x1x16xf32> to vector<16xf32>
      %mul3A_766 = arith.mulf %get3A_765, %get3A_216 : vector<16xf32>
      %add3A_767 = arith.addf %add3A_735, %mul3A_766 : vector<16xf32>
      %get3A_768 = arith.constant 17 : i32
      %get3A_769 = arith.index_cast %rem3A_185 : i32 to index
      %get3A_770 = arith.index_cast %get3A_768 : i32 to index
      %get3A_771 = arith.constant 0 : index
      %get3A_772 = tpu.vector_load %arg14[%get3A_769, %get3A_770, %get3A_771] {strides = array<i32>} : memref<2x80x64xf32, #tpu.memory_space<vmem>>, vector<1x1x16xf32>,
      %get3A_773 = vector.shape_cast %get3A_772 : vector<1x1x16xf32> to vector<16xf32>
      %mul3A_774 = arith.mulf %get3A_773, %get3A_204 : vector<16xf32>
      %add3A_775 = arith.addf %add3A_743, %mul3A_774 : vector<16xf32>
      %get3A_776 = arith.constant 17 : i32
      %get3A_777 = arith.index_cast %rem3A_185 : i32 to index
      %get3A_778 = arith.index_cast %get3A_776 : i32 to index
      %get3A_779 = arith.constant 16 : index
      %get3A_780 = tpu.vector_load %arg14[%get3A_777, %get3A_778, %get3A_779] {strides = array<i32>} : memref<2x80x64xf32, #tpu.memory_space<vmem>>, vector<1x1x16xf32>,
      %get3A_781 = vector.shape_cast %get3A_780 : vector<1x1x16xf32> to vector<16xf32>
      %mul3A_782 = arith.mulf %get3A_781, %get3A_208 : vector<16xf32>
      %add3A_783 = arith.addf %add3A_751, %mul3A_782 : vector<16xf32>
      %get3A_784 = arith.constant 17 : i32
      %get3A_785 = arith.index_cast %rem3A_185 : i32 to index
      %get3A_786 = arith.index_cast %get3A_784 : i32 to index
      %get3A_787 = arith.constant 32 : index
      %get3A_788 = tpu.vector_load %arg14[%get3A_785, %get3A_786, %get3A_787] {strides = array<i32>} : memref<2x80x64xf32, #tpu.memory_space<vmem>>, vector<1x1x16xf32>,
      %get3A_789 = vector.shape_cast %get3A_788 : vector<1x1x16xf32> to vector<16xf32>
      %mul3A_790 = arith.mulf %get3A_789, %get3A_212 : vector<16xf32>
      %add3A_791 = arith.addf %add3A_759, %mul3A_790 : vector<16xf32>
      %get3A_792 = arith.constant 17 : i32
      %get3A_793 = arith.index_cast %rem3A_185 : i32 to index
      %get3A_794 = arith.index_cast %get3A_792 : i32 to index
      %get3A_795 = arith.constant 48 : index
      %get3A_796 = tpu.vector_load %arg14[%get3A_793, %get3A_794, %get3A_795] {strides = array<i32>} : memref<2x80x64xf32, #tpu.memory_space<vmem>>, vector<1x1x16xf32>,
      %get3A_797 = vector.shape_cast %get3A_796 : vector<1x1x16xf32> to vector<16xf32>
      %mul3A_798 = arith.mulf %get3A_797, %get3A_216 : vector<16xf32>
      %add3A_799 = arith.addf %add3A_767, %mul3A_798 : vector<16xf32>
      %get3A_800 = arith.constant 18 : i32
      %get3A_801 = arith.index_cast %rem3A_185 : i32 to index
      %get3A_802 = arith.index_cast %get3A_800 : i32 to index
      %get3A_803 = arith.constant 0 : index
      %get3A_804 = tpu.vector_load %arg14[%get3A_801, %get3A_802, %get3A_803] {strides = array<i32>} : memref<2x80x64xf32, #tpu.memory_space<vmem>>, vector<1x1x16xf32>,
      %get3A_805 = vector.shape_cast %get3A_804 : vector<1x1x16xf32> to vector<16xf32>
      %mul3A_806 = arith.mulf %get3A_805, %get3A_204 : vector<16xf32>
      %add3A_807 = arith.addf %add3A_775, %mul3A_806 : vector<16xf32>
      %get3A_808 = arith.constant 18 : i32
      %get3A_809 = arith.index_cast %rem3A_185 : i32 to index
      %get3A_810 = arith.index_cast %get3A_808 : i32 to index
      %get3A_811 = arith.constant 16 : index
      %get3A_812 = tpu.vector_load %arg14[%get3A_809, %get3A_810, %get3A_811] {strides = array<i32>} : memref<2x80x64xf32, #tpu.memory_space<vmem>>, vector<1x1x16xf32>,
      %get3A_813 = vector.shape_cast %get3A_812 : vector<1x1x16xf32> to vector<16xf32>
      %mul3A_814 = arith.mulf %get3A_813, %get3A_208 : vector<16xf32>
      %add3A_815 = arith.addf %add3A_783, %mul3A_814 : vector<16xf32>
      %get3A_816 = arith.constant 18 : i32
      %get3A_817 = arith.index_cast %rem3A_185 : i32 to index
      %get3A_818 = arith.index_cast %get3A_816 : i32 to index
      %get3A_819 = arith.constant 32 : index
      %get3A_820 = tpu.vector_load %arg14[%get3A_817, %get3A_818, %get3A_819] {strides = array<i32>} : memref<2x80x64xf32, #tpu.memory_space<vmem>>, vector<1x1x16xf32>,
      %get3A_821 = vector.shape_cast %get3A_820 : vector<1x1x16xf32> to vector<16xf32>
      %mul3A_822 = arith.mulf %get3A_821, %get3A_212 : vector<16xf32>
      %add3A_823 = arith.addf %add3A_791, %mul3A_822 : vector<16xf32>
      %get3A_824 = arith.constant 18 : i32
      %get3A_825 = arith.index_cast %rem3A_185 : i32 to index
      %get3A_826 = arith.index_cast %get3A_824 : i32 to index
      %get3A_827 = arith.constant 48 : index
      %get3A_828 = tpu.vector_load %arg14[%get3A_825, %get3A_826, %get3A_827] {strides = array<i32>} : memref<2x80x64xf32, #tpu.memory_space<vmem>>, vector<1x1x16xf32>,
      %get3A_829 = vector.shape_cast %get3A_828 : vector<1x1x16xf32> to vector<16xf32>
      %mul3A_830 = arith.mulf %get3A_829, %get3A_216 : vector<16xf32>
      %add3A_831 = arith.addf %add3A_799, %mul3A_830 : vector<16xf32>
      %get3A_832 = arith.constant 19 : i32
      %get3A_833 = arith.index_cast %rem3A_185 : i32 to index
      %get3A_834 = arith.index_cast %get3A_832 : i32 to index
      %get3A_835 = arith.constant 0 : index
      %get3A_836 = tpu.vector_load %arg14[%get3A_833, %get3A_834, %get3A_835] {strides = array<i32>} : memref<2x80x64xf32, #tpu.memory_space<vmem>>, vector<1x1x16xf32>,
      %get3A_837 = vector.shape_cast %get3A_836 : vector<1x1x16xf32> to vector<16xf32>
      %mul3A_838 = arith.mulf %get3A_837, %get3A_204 : vector<16xf32>
      %add3A_839 = arith.addf %add3A_807, %mul3A_838 : vector<16xf32>
      %get3A_840 = arith.constant 19 : i32
      %get3A_841 = arith.index_cast %rem3A_185 : i32 to index
      %get3A_842 = arith.index_cast %get3A_840 : i32 to index
      %get3A_843 = arith.constant 16 : index
      %get3A_844 = tpu.vector_load %arg14[%get3A_841, %get3A_842, %get3A_843] {strides = array<i32>} : memref<2x80x64xf32, #tpu.memory_space<vmem>>, vector<1x1x16xf32>,
      %get3A_845 = vector.shape_cast %get3A_844 : vector<1x1x16xf32> to vector<16xf32>
      %mul3A_846 = arith.mulf %get3A_845, %get3A_208 : vector<16xf32>
      %add3A_847 = arith.addf %add3A_815, %mul3A_846 : vector<16xf32>
      %get3A_848 = arith.constant 19 : i32
      %get3A_849 = arith.index_cast %rem3A_185 : i32 to index
      %get3A_850 = arith.index_cast %get3A_848 : i32 to index
      %get3A_851 = arith.constant 32 : index
      %get3A_852 = tpu.vector_load %arg14[%get3A_849, %get3A_850, %get3A_851] {strides = array<i32>} : memref<2x80x64xf32, #tpu.memory_space<vmem>>, vector<1x1x16xf32>,
      %get3A_853 = vector.shape_cast %get3A_852 : vector<1x1x16xf32> to vector<16xf32>
      %mul3A_854 = arith.mulf %get3A_853, %get3A_212 : vector<16xf32>
      %add3A_855 = arith.addf %add3A_823, %mul3A_854 : vector<16xf32>
      %get3A_856 = arith.constant 19 : i32
      %get3A_857 = arith.index_cast %rem3A_185 : i32 to index
      %get3A_858 = arith.index_cast %get3A_856 : i32 to index
      %get3A_859 = arith.constant 48 : index
      %get3A_860 = tpu.vector_load %arg14[%get3A_857, %get3A_858, %get3A_859] {strides = array<i32>} : memref<2x80x64xf32, #tpu.memory_space<vmem>>, vector<1x1x16xf32>,
      %get3A_861 = vector.shape_cast %get3A_860 : vector<1x1x16xf32> to vector<16xf32>
      %mul3A_862 = arith.mulf %get3A_861, %get3A_216 : vector<16xf32>
      %add3A_863 = arith.addf %add3A_831, %mul3A_862 : vector<16xf32>
      %add3A_864 = arith.addf %add3A_839, %add3A_847 : vector<16xf32>
      %add3A_865 = arith.addf %add3A_864, %add3A_855 : vector<16xf32>
      %add3A_866 = arith.addf %add3A_865, %add3A_863 : vector<16xf32>
      %swap3A = arith.index_cast %add3A_201 : i32 to index
      %swap3A_867 = arith.constant 0 : index
      %swap3A_868 = tpu.vector_load %arg16[%swap3A, %swap3A_867] {strides = array<i32>} : memref<512x16xf32, #tpu.memory_space<vmem>>, vector<1x16xf32>,
      %swap3A_869 = vector.shape_cast %swap3A_868 : vector<1x16xf32> to vector<16xf32>
      %swap3A_870 = vector.shape_cast %add3A_866 : vector<16xf32> to vector<1x16xf32>
      tpu.vector_store %arg16[%swap3A, %swap3A_867], %swap3A_870 {strides = array<i32>} : memref<512x16xf32, #tpu.memory_space<vmem>>, vector<1x16xf32>,
      %get3A_871 = arith.index_cast %add3A_201 : i32 to index
      %get3A_872 = arith.constant 0 : index
      %get3A_873 = tpu.vector_load %arg13[%get3A_871, %get3A_872] {strides = array<i32>} : memref<512x64xf32, #tpu.memory_space<vmem>>, vector<1x16xf32>,
      %get3A_874 = vector.shape_cast %get3A_873 : vector<1x16xf32> to vector<16xf32>
      %get3A_875 = arith.index_cast %add3A_201 : i32 to index
      %get3A_876 = arith.constant 16 : index
      %get3A_877 = tpu.vector_load %arg13[%get3A_875, %get3A_876] {strides = array<i32>} : memref<512x64xf32, #tpu.memory_space<vmem>>, vector<1x16xf32>,
      %get3A_878 = vector.shape_cast %get3A_877 : vector<1x16xf32> to vector<16xf32>
      %get3A_879 = arith.index_cast %add3A_201 : i32 to index
      %get3A_880 = arith.constant 32 : index
      %get3A_881 = tpu.vector_load %arg13[%get3A_879, %get3A_880] {strides = array<i32>} : memref<512x64xf32, #tpu.memory_space<vmem>>, vector<1x16xf32>,
      %get3A_882 = vector.shape_cast %get3A_881 : vector<1x16xf32> to vector<16xf32>
      %get3A_883 = arith.index_cast %add3A_201 : i32 to index
      %get3A_884 = arith.constant 48 : index
      %get3A_885 = tpu.vector_load %arg13[%get3A_883, %get3A_884] {strides = array<i32>} : memref<512x64xf32, #tpu.memory_space<vmem>>, vector<1x16xf32>,
      %get3A_886 = vector.shape_cast %get3A_885 : vector<1x16xf32> to vector<16xf32>
      %mul3A_887 = arith.mulf %get3A_874, %get3A_204 : vector<16xf32>
      %mul3A_888 = arith.mulf %get3A_878, %get3A_208 : vector<16xf32>
      %add3A_889 = arith.addf %mul3A_887, %mul3A_888 : vector<16xf32>
      %mul3A_890 = arith.mulf %get3A_882, %get3A_212 : vector<16xf32>
      %add3A_891 = arith.addf %add3A_889, %mul3A_890 : vector<16xf32>
      %mul3A_892 = arith.mulf %get3A_886, %get3A_216 : vector<16xf32>
      %add3A_893 = arith.addf %add3A_891, %mul3A_892 : vector<16xf32>
      %swap3A_894 = arith.index_cast %add3A_201 : i32 to index
      %swap3A_895 = arith.constant 0 : index
      %swap3A_896 = tpu.vector_load %arg15[%swap3A_894, %swap3A_895] {strides = array<i32>} : memref<512x16xf32, #tpu.memory_space<vmem>>, vector<1x16xf32>,
      %swap3A_897 = vector.shape_cast %swap3A_896 : vector<1x16xf32> to vector<16xf32>
      %swap3A_898 = vector.shape_cast %add3A_893 : vector<16xf32> to vector<1x16xf32>
      tpu.vector_store %arg15[%swap3A_894, %swap3A_895], %swap3A_898 {strides = array<i32>} : memref<512x16xf32, #tpu.memory_space<vmem>>, vector<1x16xf32>,
      %mul3A_899 = arith.constant 4 : i32
      %mul3A_900 = arith.muli %scan3A_184, %mul3A_899 : i32
      %add3A_901 = arith.constant 1 : i32
      %add3A_902 = arith.addi %mul3A_900, %add3A_901 : i32
      %get3A_903 = arith.index_cast %add3A_902 : i32 to index
      %get3A_904 = arith.constant 0 : index
      %get3A_905 = tpu.vector_load %arg12[%get3A_903, %get3A_904] {strides = array<i32>} : memref<512x64xf32, #tpu.memory_space<vmem>>, vector<1x16xf32>,
      %get3A_906 = vector.shape_cast %get3A_905 : vector<1x16xf32> to vector<16xf32>
      %get3A_907 = arith.index_cast %add3A_902 : i32 to index
      %get3A_908 = arith.constant 16 : index
      %get3A_909 = tpu.vector_load %arg12[%get3A_907, %get3A_908] {strides = array<i32>} : memref<512x64xf32, #tpu.memory_space<vmem>>, vector<1x16xf32>,
      %get3A_910 = vector.shape_cast %get3A_909 : vector<1x16xf32> to vector<16xf32>
      %get3A_911 = arith.index_cast %add3A_902 : i32 to index
      %get3A_912 = arith.constant 32 : index
      %get3A_913 = tpu.vector_load %arg12[%get3A_911, %get3A_912] {strides = array<i32>} : memref<512x64xf32, #tpu.memory_space<vmem>>, vector<1x16xf32>,
      %get3A_914 = vector.shape_cast %get3A_913 : vector<1x16xf32> to vector<16xf32>
      %get3A_915 = arith.index_cast %add3A_902 : i32 to index
      %get3A_916 = arith.constant 48 : index
      %get3A_917 = tpu.vector_load %arg12[%get3A_915, %get3A_916] {strides = array<i32>} : memref<512x64xf32, #tpu.memory_space<vmem>>, vector<1x16xf32>,
      %get3A_918 = vector.shape_cast %get3A_917 : vector<1x16xf32> to vector<16xf32>
      %broadcast_in_dim3A_919 = arith.constant 0.000000e+00 : f32
      %broadcast_in_dim3A_920 = vector.broadcast %broadcast_in_dim3A_919 : f32 to vector<16xf32>
      %broadcast_in_dim3A_921 = arith.constant 0.000000e+00 : f32
      %broadcast_in_dim3A_922 = vector.broadcast %broadcast_in_dim3A_921 : f32 to vector<16xf32>
      %broadcast_in_dim3A_923 = arith.constant 0.000000e+00 : f32
      %broadcast_in_dim3A_924 = vector.broadcast %broadcast_in_dim3A_923 : f32 to vector<16xf32>
      %broadcast_in_dim3A_925 = arith.constant 0.000000e+00 : f32
      %broadcast_in_dim3A_926 = vector.broadcast %broadcast_in_dim3A_925 : f32 to vector<16xf32>
      %get3A_927 = arith.constant 20 : i32
      %get3A_928 = arith.index_cast %rem3A_185 : i32 to index
      %get3A_929 = arith.index_cast %get3A_927 : i32 to index
      %get3A_930 = arith.constant 0 : index
      %get3A_931 = tpu.vector_load %arg14[%get3A_928, %get3A_929, %get3A_930] {strides = array<i32>} : memref<2x80x64xf32, #tpu.memory_space<vmem>>, vector<1x1x16xf32>,
      %get3A_932 = vector.shape_cast %get3A_931 : vector<1x1x16xf32> to vector<16xf32>
      %mul3A_933 = arith.mulf %get3A_932, %get3A_906 : vector<16xf32>
      %add3A_934 = arith.addf %broadcast_in_dim3A_920, %mul3A_933 : vector<16xf32>
      %get3A_935 = arith.constant 20 : i32
      %get3A_936 = arith.index_cast %rem3A_185 : i32 to index
      %get3A_937 = arith.index_cast %get3A_935 : i32 to index
      %get3A_938 = arith.constant 16 : index
      %get3A_939 = tpu.vector_load %arg14[%get3A_936, %get3A_937, %get3A_938] {strides = array<i32>} : memref<2x80x64xf32, #tpu.memory_space<vmem>>, vector<1x1x16xf32>,
      %get3A_940 = vector.shape_cast %get3A_939 : vector<1x1x16xf32> to vector<16xf32>
      %mul3A_941 = arith.mulf %get3A_940, %get3A_910 : vector<16xf32>
      %add3A_942 = arith.addf %broadcast_in_dim3A_922, %mul3A_941 : vector<16xf32>
      %get3A_943 = arith.constant 20 : i32
      %get3A_944 = arith.index_cast %rem3A_185 : i32 to index
      %get3A_945 = arith.index_cast %get3A_943 : i32 to index
      %get3A_946 = arith.constant 32 : index
      %get3A_947 = tpu.vector_load %arg14[%get3A_944, %get3A_945, %get3A_946] {strides = array<i32>} : memref<2x80x64xf32, #tpu.memory_space<vmem>>, vector<1x1x16xf32>,
      %get3A_948 = vector.shape_cast %get3A_947 : vector<1x1x16xf32> to vector<16xf32>
      %mul3A_949 = arith.mulf %get3A_948, %get3A_914 : vector<16xf32>
      %add3A_950 = arith.addf %broadcast_in_dim3A_924, %mul3A_949 : vector<16xf32>
      %get3A_951 = arith.constant 20 : i32
      %get3A_952 = arith.index_cast %rem3A_185 : i32 to index
      %get3A_953 = arith.index_cast %get3A_951 : i32 to index
      %get3A_954 = arith.constant 48 : index
      %get3A_955 = tpu.vector_load %arg14[%get3A_952, %get3A_953, %get3A_954] {strides = array<i32>} : memref<2x80x64xf32, #tpu.memory_space<vmem>>, vector<1x1x16xf32>,
      %get3A_956 = vector.shape_cast %get3A_955 : vector<1x1x16xf32> to vector<16xf32>
      %mul3A_957 = arith.mulf %get3A_956, %get3A_918 : vector<16xf32>
      %add3A_958 = arith.addf %broadcast_in_dim3A_926, %mul3A_957 : vector<16xf32>
      %get3A_959 = arith.constant 21 : i32
      %get3A_960 = arith.index_cast %rem3A_185 : i32 to index
      %get3A_961 = arith.index_cast %get3A_959 : i32 to index
      %get3A_962 = arith.constant 0 : index
      %get3A_963 = tpu.vector_load %arg14[%get3A_960, %get3A_961, %get3A_962] {strides = array<i32>} : memref<2x80x64xf32, #tpu.memory_space<vmem>>, vector<1x1x16xf32>,
      %get3A_964 = vector.shape_cast %get3A_963 : vector<1x1x16xf32> to vector<16xf32>
      %mul3A_965 = arith.mulf %get3A_964, %get3A_906 : vector<16xf32>
      %add3A_966 = arith.addf %add3A_934, %mul3A_965 : vector<16xf32>
      %get3A_967 = arith.constant 21 : i32
      %get3A_968 = arith.index_cast %rem3A_185 : i32 to index
      %get3A_969 = arith.index_cast %get3A_967 : i32 to index
      %get3A_970 = arith.constant 16 : index
      %get3A_971 = tpu.vector_load %arg14[%get3A_968, %get3A_969, %get3A_970] {strides = array<i32>} : memref<2x80x64xf32, #tpu.memory_space<vmem>>, vector<1x1x16xf32>,
      %get3A_972 = vector.shape_cast %get3A_971 : vector<1x1x16xf32> to vector<16xf32>
      %mul3A_973 = arith.mulf %get3A_972, %get3A_910 : vector<16xf32>
      %add3A_974 = arith.addf %add3A_942, %mul3A_973 : vector<16xf32>
      %get3A_975 = arith.constant 21 : i32
      %get3A_976 = arith.index_cast %rem3A_185 : i32 to index
      %get3A_977 = arith.index_cast %get3A_975 : i32 to index
      %get3A_978 = arith.constant 32 : index
      %get3A_979 = tpu.vector_load %arg14[%get3A_976, %get3A_977, %get3A_978] {strides = array<i32>} : memref<2x80x64xf32, #tpu.memory_space<vmem>>, vector<1x1x16xf32>,
      %get3A_980 = vector.shape_cast %get3A_979 : vector<1x1x16xf32> to vector<16xf32>
      %mul3A_981 = arith.mulf %get3A_980, %get3A_914 : vector<16xf32>
      %add3A_982 = arith.addf %add3A_950, %mul3A_981 : vector<16xf32>
      %get3A_983 = arith.constant 21 : i32
      %get3A_984 = arith.index_cast %rem3A_185 : i32 to index
      %get3A_985 = arith.index_cast %get3A_983 : i32 to index
      %get3A_986 = arith.constant 48 : index
      %get3A_987 = tpu.vector_load %arg14[%get3A_984, %get3A_985, %get3A_986] {strides = array<i32>} : memref<2x80x64xf32, #tpu.memory_space<vmem>>, vector<1x1x16xf32>,
      %get3A_988 = vector.shape_cast %get3A_987 : vector<1x1x16xf32> to vector<16xf32>
      %mul3A_989 = arith.mulf %get3A_988, %get3A_918 : vector<16xf32>
      %add3A_990 = arith.addf %add3A_958, %mul3A_989 : vector<16xf32>
      %get3A_991 = arith.constant 22 : i32
      %get3A_992 = arith.index_cast %rem3A_185 : i32 to index
      %get3A_993 = arith.index_cast %get3A_991 : i32 to index
      %get3A_994 = arith.constant 0 : index
      %get3A_995 = tpu.vector_load %arg14[%get3A_992, %get3A_993, %get3A_994] {strides = array<i32>} : memref<2x80x64xf32, #tpu.memory_space<vmem>>, vector<1x1x16xf32>,
      %get3A_996 = vector.shape_cast %get3A_995 : vector<1x1x16xf32> to vector<16xf32>
      %mul3A_997 = arith.mulf %get3A_996, %get3A_906 : vector<16xf32>
      %add3A_998 = arith.addf %add3A_966, %mul3A_997 : vector<16xf32>
      %get3A_999 = arith.constant 22 : i32
      %get3A_1000 = arith.index_cast %rem3A_185 : i32 to index
      %get3A_1001 = arith.index_cast %get3A_999 : i32 to index
      %get3A_1002 = arith.constant 16 : index
      %get3A_1003 = tpu.vector_load %arg14[%get3A_1000, %get3A_1001, %get3A_1002] {strides = array<i32>} : memref<2x80x64xf32, #tpu.memory_space<vmem>>, vector<1x1x16xf32>,
      %get3A_1004 = vector.shape_cast %get3A_1003 : vector<1x1x16xf32> to vector<16xf32>
      %mul3A_1005 = arith.mulf %get3A_1004, %get3A_910 : vector<16xf32>
      %add3A_1006 = arith.addf %add3A_974, %mul3A_1005 : vector<16xf32>
      %get3A_1007 = arith.constant 22 : i32
      %get3A_1008 = arith.index_cast %rem3A_185 : i32 to index
      %get3A_1009 = arith.index_cast %get3A_1007 : i32 to index
      %get3A_1010 = arith.constant 32 : index
      %get3A_1011 = tpu.vector_load %arg14[%get3A_1008, %get3A_1009, %get3A_1010] {strides = array<i32>} : memref<2x80x64xf32, #tpu.memory_space<vmem>>, vector<1x1x16xf32>,
      %get3A_1012 = vector.shape_cast %get3A_1011 : vector<1x1x16xf32> to vector<16xf32>
      %mul3A_1013 = arith.mulf %get3A_1012, %get3A_914 : vector<16xf32>
      %add3A_1014 = arith.addf %add3A_982, %mul3A_1013 : vector<16xf32>
      %get3A_1015 = arith.constant 22 : i32
      %get3A_1016 = arith.index_cast %rem3A_185 : i32 to index
      %get3A_1017 = arith.index_cast %get3A_1015 : i32 to index
      %get3A_1018 = arith.constant 48 : index
      %get3A_1019 = tpu.vector_load %arg14[%get3A_1016, %get3A_1017, %get3A_1018] {strides = array<i32>} : memref<2x80x64xf32, #tpu.memory_space<vmem>>, vector<1x1x16xf32>,
      %get3A_1020 = vector.shape_cast %get3A_1019 : vector<1x1x16xf32> to vector<16xf32>
      %mul3A_1021 = arith.mulf %get3A_1020, %get3A_918 : vector<16xf32>
      %add3A_1022 = arith.addf %add3A_990, %mul3A_1021 : vector<16xf32>
      %get3A_1023 = arith.constant 23 : i32
      %get3A_1024 = arith.index_cast %rem3A_185 : i32 to index
      %get3A_1025 = arith.index_cast %get3A_1023 : i32 to index
      %get3A_1026 = arith.constant 0 : index
      %get3A_1027 = tpu.vector_load %arg14[%get3A_1024, %get3A_1025, %get3A_1026] {strides = array<i32>} : memref<2x80x64xf32, #tpu.memory_space<vmem>>, vector<1x1x16xf32>,
      %get3A_1028 = vector.shape_cast %get3A_1027 : vector<1x1x16xf32> to vector<16xf32>
      %mul3A_1029 = arith.mulf %get3A_1028, %get3A_906 : vector<16xf32>
      %add3A_1030 = arith.addf %add3A_998, %mul3A_1029 : vector<16xf32>
      %get3A_1031 = arith.constant 23 : i32
      %get3A_1032 = arith.index_cast %rem3A_185 : i32 to index
      %get3A_1033 = arith.index_cast %get3A_1031 : i32 to index
      %get3A_1034 = arith.constant 16 : index
      %get3A_1035 = tpu.vector_load %arg14[%get3A_1032, %get3A_1033, %get3A_1034] {strides = array<i32>} : memref<2x80x64xf32, #tpu.memory_space<vmem>>, vector<1x1x16xf32>,
      %get3A_1036 = vector.shape_cast %get3A_1035 : vector<1x1x16xf32> to vector<16xf32>
      %mul3A_1037 = arith.mulf %get3A_1036, %get3A_910 : vector<16xf32>
      %add3A_1038 = arith.addf %add3A_1006, %mul3A_1037 : vector<16xf32>
      %get3A_1039 = arith.constant 23 : i32
      %get3A_1040 = arith.index_cast %rem3A_185 : i32 to index
      %get3A_1041 = arith.index_cast %get3A_1039 : i32 to index
      %get3A_1042 = arith.constant 32 : index
      %get3A_1043 = tpu.vector_load %arg14[%get3A_1040, %get3A_1041, %get3A_1042] {strides = array<i32>} : memref<2x80x64xf32, #tpu.memory_space<vmem>>, vector<1x1x16xf32>,
      %get3A_1044 = vector.shape_cast %get3A_1043 : vector<1x1x16xf32> to vector<16xf32>
      %mul3A_1045 = arith.mulf %get3A_1044, %get3A_914 : vector<16xf32>
      %add3A_1046 = arith.addf %add3A_1014, %mul3A_1045 : vector<16xf32>
      %get3A_1047 = arith.constant 23 : i32
      %get3A_1048 = arith.index_cast %rem3A_185 : i32 to index
      %get3A_1049 = arith.index_cast %get3A_1047 : i32 to index
      %get3A_1050 = arith.constant 48 : index
      %get3A_1051 = tpu.vector_load %arg14[%get3A_1048, %get3A_1049, %get3A_1050] {strides = array<i32>} : memref<2x80x64xf32, #tpu.memory_space<vmem>>, vector<1x1x16xf32>,
      %get3A_1052 = vector.shape_cast %get3A_1051 : vector<1x1x16xf32> to vector<16xf32>
      %mul3A_1053 = arith.mulf %get3A_1052, %get3A_918 : vector<16xf32>
      %add3A_1054 = arith.addf %add3A_1022, %mul3A_1053 : vector<16xf32>
      %get3A_1055 = arith.constant 24 : i32
      %get3A_1056 = arith.index_cast %rem3A_185 : i32 to index
      %get3A_1057 = arith.index_cast %get3A_1055 : i32 to index
      %get3A_1058 = arith.constant 0 : index
      %get3A_1059 = tpu.vector_load %arg14[%get3A_1056, %get3A_1057, %get3A_1058] {strides = array<i32>} : memref<2x80x64xf32, #tpu.memory_space<vmem>>, vector<1x1x16xf32>,
      %get3A_1060 = vector.shape_cast %get3A_1059 : vector<1x1x16xf32> to vector<16xf32>
      %mul3A_1061 = arith.mulf %get3A_1060, %get3A_906 : vector<16xf32>
      %add3A_1062 = arith.addf %add3A_1030, %mul3A_1061 : vector<16xf32>
      %get3A_1063 = arith.constant 24 : i32
      %get3A_1064 = arith.index_cast %rem3A_185 : i32 to index
      %get3A_1065 = arith.index_cast %get3A_1063 : i32 to index
      %get3A_1066 = arith.constant 16 : index
      %get3A_1067 = tpu.vector_load %arg14[%get3A_1064, %get3A_1065, %get3A_1066] {strides = array<i32>} : memref<2x80x64xf32, #tpu.memory_space<vmem>>, vector<1x1x16xf32>,
      %get3A_1068 = vector.shape_cast %get3A_1067 : vector<1x1x16xf32> to vector<16xf32>
      %mul3A_1069 = arith.mulf %get3A_1068, %get3A_910 : vector<16xf32>
      %add3A_1070 = arith.addf %add3A_1038, %mul3A_1069 : vector<16xf32>
      %get3A_1071 = arith.constant 24 : i32
      %get3A_1072 = arith.index_cast %rem3A_185 : i32 to index
      %get3A_1073 = arith.index_cast %get3A_1071 : i32 to index
      %get3A_1074 = arith.constant 32 : index
      %get3A_1075 = tpu.vector_load %arg14[%get3A_1072, %get3A_1073, %get3A_1074] {strides = array<i32>} : memref<2x80x64xf32, #tpu.memory_space<vmem>>, vector<1x1x16xf32>,
      %get3A_1076 = vector.shape_cast %get3A_1075 : vector<1x1x16xf32> to vector<16xf32>
      %mul3A_1077 = arith.mulf %get3A_1076, %get3A_914 : vector<16xf32>
      %add3A_1078 = arith.addf %add3A_1046, %mul3A_1077 : vector<16xf32>
      %get3A_1079 = arith.constant 24 : i32
      %get3A_1080 = arith.index_cast %rem3A_185 : i32 to index
      %get3A_1081 = arith.index_cast %get3A_1079 : i32 to index
      %get3A_1082 = arith.constant 48 : index
      %get3A_1083 = tpu.vector_load %arg14[%get3A_1080, %get3A_1081, %get3A_1082] {strides = array<i32>} : memref<2x80x64xf32, #tpu.memory_space<vmem>>, vector<1x1x16xf32>,
      %get3A_1084 = vector.shape_cast %get3A_1083 : vector<1x1x16xf32> to vector<16xf32>
      %mul3A_1085 = arith.mulf %get3A_1084, %get3A_918 : vector<16xf32>
      %add3A_1086 = arith.addf %add3A_1054, %mul3A_1085 : vector<16xf32>
      %get3A_1087 = arith.constant 25 : i32
      %get3A_1088 = arith.index_cast %rem3A_185 : i32 to index
      %get3A_1089 = arith.index_cast %get3A_1087 : i32 to index
      %get3A_1090 = arith.constant 0 : index
      %get3A_1091 = tpu.vector_load %arg14[%get3A_1088, %get3A_1089, %get3A_1090] {strides = array<i32>} : memref<2x80x64xf32, #tpu.memory_space<vmem>>, vector<1x1x16xf32>,
      %get3A_1092 = vector.shape_cast %get3A_1091 : vector<1x1x16xf32> to vector<16xf32>
      %mul3A_1093 = arith.mulf %get3A_1092, %get3A_906 : vector<16xf32>
      %add3A_1094 = arith.addf %add3A_1062, %mul3A_1093 : vector<16xf32>
      %get3A_1095 = arith.constant 25 : i32
      %get3A_1096 = arith.index_cast %rem3A_185 : i32 to index
      %get3A_1097 = arith.index_cast %get3A_1095 : i32 to index
      %get3A_1098 = arith.constant 16 : index
      %get3A_1099 = tpu.vector_load %arg14[%get3A_1096, %get3A_1097, %get3A_1098] {strides = array<i32>} : memref<2x80x64xf32, #tpu.memory_space<vmem>>, vector<1x1x16xf32>,
      %get3A_1100 = vector.shape_cast %get3A_1099 : vector<1x1x16xf32> to vector<16xf32>
      %mul3A_1101 = arith.mulf %get3A_1100, %get3A_910 : vector<16xf32>
      %add3A_1102 = arith.addf %add3A_1070, %mul3A_1101 : vector<16xf32>
      %get3A_1103 = arith.constant 25 : i32
      %get3A_1104 = arith.index_cast %rem3A_185 : i32 to index
      %get3A_1105 = arith.index_cast %get3A_1103 : i32 to index
      %get3A_1106 = arith.constant 32 : index
      %get3A_1107 = tpu.vector_load %arg14[%get3A_1104, %get3A_1105, %get3A_1106] {strides = array<i32>} : memref<2x80x64xf32, #tpu.memory_space<vmem>>, vector<1x1x16xf32>,
      %get3A_1108 = vector.shape_cast %get3A_1107 : vector<1x1x16xf32> to vector<16xf32>
      %mul3A_1109 = arith.mulf %get3A_1108, %get3A_914 : vector<16xf32>
      %add3A_1110 = arith.addf %add3A_1078, %mul3A_1109 : vector<16xf32>
      %get3A_1111 = arith.constant 25 : i32
      %get3A_1112 = arith.index_cast %rem3A_185 : i32 to index
      %get3A_1113 = arith.index_cast %get3A_1111 : i32 to index
      %get3A_1114 = arith.constant 48 : index
      %get3A_1115 = tpu.vector_load %arg14[%get3A_1112, %get3A_1113, %get3A_1114] {strides = array<i32>} : memref<2x80x64xf32, #tpu.memory_space<vmem>>, vector<1x1x16xf32>,
      %get3A_1116 = vector.shape_cast %get3A_1115 : vector<1x1x16xf32> to vector<16xf32>
      %mul3A_1117 = arith.mulf %get3A_1116, %get3A_918 : vector<16xf32>
      %add3A_1118 = arith.addf %add3A_1086, %mul3A_1117 : vector<16xf32>
      %get3A_1119 = arith.constant 26 : i32
      %get3A_1120 = arith.index_cast %rem3A_185 : i32 to index
      %get3A_1121 = arith.index_cast %get3A_1119 : i32 to index
      %get3A_1122 = arith.constant 0 : index
      %get3A_1123 = tpu.vector_load %arg14[%get3A_1120, %get3A_1121, %get3A_1122] {strides = array<i32>} : memref<2x80x64xf32, #tpu.memory_space<vmem>>, vector<1x1x16xf32>,
      %get3A_1124 = vector.shape_cast %get3A_1123 : vector<1x1x16xf32> to vector<16xf32>
      %mul3A_1125 = arith.mulf %get3A_1124, %get3A_906 : vector<16xf32>
      %add3A_1126 = arith.addf %add3A_1094, %mul3A_1125 : vector<16xf32>
      %get3A_1127 = arith.constant 26 : i32
      %get3A_1128 = arith.index_cast %rem3A_185 : i32 to index
      %get3A_1129 = arith.index_cast %get3A_1127 : i32 to index
      %get3A_1130 = arith.constant 16 : index
      %get3A_1131 = tpu.vector_load %arg14[%get3A_1128, %get3A_1129, %get3A_1130] {strides = array<i32>} : memref<2x80x64xf32, #tpu.memory_space<vmem>>, vector<1x1x16xf32>,
      %get3A_1132 = vector.shape_cast %get3A_1131 : vector<1x1x16xf32> to vector<16xf32>
      %mul3A_1133 = arith.mulf %get3A_1132, %get3A_910 : vector<16xf32>
      %add3A_1134 = arith.addf %add3A_1102, %mul3A_1133 : vector<16xf32>
      %get3A_1135 = arith.constant 26 : i32
      %get3A_1136 = arith.index_cast %rem3A_185 : i32 to index
      %get3A_1137 = arith.index_cast %get3A_1135 : i32 to index
      %get3A_1138 = arith.constant 32 : index
      %get3A_1139 = tpu.vector_load %arg14[%get3A_1136, %get3A_1137, %get3A_1138] {strides = array<i32>} : memref<2x80x64xf32, #tpu.memory_space<vmem>>, vector<1x1x16xf32>,
      %get3A_1140 = vector.shape_cast %get3A_1139 : vector<1x1x16xf32> to vector<16xf32>
      %mul3A_1141 = arith.mulf %get3A_1140, %get3A_914 : vector<16xf32>
      %add3A_1142 = arith.addf %add3A_1110, %mul3A_1141 : vector<16xf32>
      %get3A_1143 = arith.constant 26 : i32
      %get3A_1144 = arith.index_cast %rem3A_185 : i32 to index
      %get3A_1145 = arith.index_cast %get3A_1143 : i32 to index
      %get3A_1146 = arith.constant 48 : index
      %get3A_1147 = tpu.vector_load %arg14[%get3A_1144, %get3A_1145, %get3A_1146] {strides = array<i32>} : memref<2x80x64xf32, #tpu.memory_space<vmem>>, vector<1x1x16xf32>,
      %get3A_1148 = vector.shape_cast %get3A_1147 : vector<1x1x16xf32> to vector<16xf32>
      %mul3A_1149 = arith.mulf %get3A_1148, %get3A_918 : vector<16xf32>
      %add3A_1150 = arith.addf %add3A_1118, %mul3A_1149 : vector<16xf32>
      %get3A_1151 = arith.constant 27 : i32
      %get3A_1152 = arith.index_cast %rem3A_185 : i32 to index
      %get3A_1153 = arith.index_cast %get3A_1151 : i32 to index
      %get3A_1154 = arith.constant 0 : index
      %get3A_1155 = tpu.vector_load %arg14[%get3A_1152, %get3A_1153, %get3A_1154] {strides = array<i32>} : memref<2x80x64xf32, #tpu.memory_space<vmem>>, vector<1x1x16xf32>,
      %get3A_1156 = vector.shape_cast %get3A_1155 : vector<1x1x16xf32> to vector<16xf32>
      %mul3A_1157 = arith.mulf %get3A_1156, %get3A_906 : vector<16xf32>
      %add3A_1158 = arith.addf %add3A_1126, %mul3A_1157 : vector<16xf32>
      %get3A_1159 = arith.constant 27 : i32
      %get3A_1160 = arith.index_cast %rem3A_185 : i32 to index
      %get3A_1161 = arith.index_cast %get3A_1159 : i32 to index
      %get3A_1162 = arith.constant 16 : index
      %get3A_1163 = tpu.vector_load %arg14[%get3A_1160, %get3A_1161, %get3A_1162] {strides = array<i32>} : memref<2x80x64xf32, #tpu.memory_space<vmem>>, vector<1x1x16xf32>,
      %get3A_1164 = vector.shape_cast %get3A_1163 : vector<1x1x16xf32> to vector<16xf32>
      %mul3A_1165 = arith.mulf %get3A_1164, %get3A_910 : vector<16xf32>
      %add3A_1166 = arith.addf %add3A_1134, %mul3A_1165 : vector<16xf32>
      %get3A_1167 = arith.constant 27 : i32
      %get3A_1168 = arith.index_cast %rem3A_185 : i32 to index
      %get3A_1169 = arith.index_cast %get3A_1167 : i32 to index
      %get3A_1170 = arith.constant 32 : index
      %get3A_1171 = tpu.vector_load %arg14[%get3A_1168, %get3A_1169, %get3A_1170] {strides = array<i32>} : memref<2x80x64xf32, #tpu.memory_space<vmem>>, vector<1x1x16xf32>,
      %get3A_1172 = vector.shape_cast %get3A_1171 : vector<1x1x16xf32> to vector<16xf32>
      %mul3A_1173 = arith.mulf %get3A_1172, %get3A_914 : vector<16xf32>
      %add3A_1174 = arith.addf %add3A_1142, %mul3A_1173 : vector<16xf32>
      %get3A_1175 = arith.constant 27 : i32
      %get3A_1176 = arith.index_cast %rem3A_185 : i32 to index
      %get3A_1177 = arith.index_cast %get3A_1175 : i32 to index
      %get3A_1178 = arith.constant 48 : index
      %get3A_1179 = tpu.vector_load %arg14[%get3A_1176, %get3A_1177, %get3A_1178] {strides = array<i32>} : memref<2x80x64xf32, #tpu.memory_space<vmem>>, vector<1x1x16xf32>,
      %get3A_1180 = vector.shape_cast %get3A_1179 : vector<1x1x16xf32> to vector<16xf32>
      %mul3A_1181 = arith.mulf %get3A_1180, %get3A_918 : vector<16xf32>
      %add3A_1182 = arith.addf %add3A_1150, %mul3A_1181 : vector<16xf32>
      %get3A_1183 = arith.constant 28 : i32
      %get3A_1184 = arith.index_cast %rem3A_185 : i32 to index
      %get3A_1185 = arith.index_cast %get3A_1183 : i32 to index
      %get3A_1186 = arith.constant 0 : index
      %get3A_1187 = tpu.vector_load %arg14[%get3A_1184, %get3A_1185, %get3A_1186] {strides = array<i32>} : memref<2x80x64xf32, #tpu.memory_space<vmem>>, vector<1x1x16xf32>,
      %get3A_1188 = vector.shape_cast %get3A_1187 : vector<1x1x16xf32> to vector<16xf32>
      %mul3A_1189 = arith.mulf %get3A_1188, %get3A_906 : vector<16xf32>
      %add3A_1190 = arith.addf %add3A_1158, %mul3A_1189 : vector<16xf32>
      %get3A_1191 = arith.constant 28 : i32
      %get3A_1192 = arith.index_cast %rem3A_185 : i32 to index
      %get3A_1193 = arith.index_cast %get3A_1191 : i32 to index
      %get3A_1194 = arith.constant 16 : index
      %get3A_1195 = tpu.vector_load %arg14[%get3A_1192, %get3A_1193, %get3A_1194] {strides = array<i32>} : memref<2x80x64xf32, #tpu.memory_space<vmem>>, vector<1x1x16xf32>,
      %get3A_1196 = vector.shape_cast %get3A_1195 : vector<1x1x16xf32> to vector<16xf32>
      %mul3A_1197 = arith.mulf %get3A_1196, %get3A_910 : vector<16xf32>
      %add3A_1198 = arith.addf %add3A_1166, %mul3A_1197 : vector<16xf32>
      %get3A_1199 = arith.constant 28 : i32
      %get3A_1200 = arith.index_cast %rem3A_185 : i32 to index
      %get3A_1201 = arith.index_cast %get3A_1199 : i32 to index
      %get3A_1202 = arith.constant 32 : index
      %get3A_1203 = tpu.vector_load %arg14[%get3A_1200, %get3A_1201, %get3A_1202] {strides = array<i32>} : memref<2x80x64xf32, #tpu.memory_space<vmem>>, vector<1x1x16xf32>,
      %get3A_1204 = vector.shape_cast %get3A_1203 : vector<1x1x16xf32> to vector<16xf32>
      %mul3A_1205 = arith.mulf %get3A_1204, %get3A_914 : vector<16xf32>
      %add3A_1206 = arith.addf %add3A_1174, %mul3A_1205 : vector<16xf32>
      %get3A_1207 = arith.constant 28 : i32
      %get3A_1208 = arith.index_cast %rem3A_185 : i32 to index
      %get3A_1209 = arith.index_cast %get3A_1207 : i32 to index
      %get3A_1210 = arith.constant 48 : index
      %get3A_1211 = tpu.vector_load %arg14[%get3A_1208, %get3A_1209, %get3A_1210] {strides = array<i32>} : memref<2x80x64xf32, #tpu.memory_space<vmem>>, vector<1x1x16xf32>,
      %get3A_1212 = vector.shape_cast %get3A_1211 : vector<1x1x16xf32> to vector<16xf32>
      %mul3A_1213 = arith.mulf %get3A_1212, %get3A_918 : vector<16xf32>
      %add3A_1214 = arith.addf %add3A_1182, %mul3A_1213 : vector<16xf32>
      %get3A_1215 = arith.constant 29 : i32
      %get3A_1216 = arith.index_cast %rem3A_185 : i32 to index
      %get3A_1217 = arith.index_cast %get3A_1215 : i32 to index
      %get3A_1218 = arith.constant 0 : index
      %get3A_1219 = tpu.vector_load %arg14[%get3A_1216, %get3A_1217, %get3A_1218] {strides = array<i32>} : memref<2x80x64xf32, #tpu.memory_space<vmem>>, vector<1x1x16xf32>,
      %get3A_1220 = vector.shape_cast %get3A_1219 : vector<1x1x16xf32> to vector<16xf32>
      %mul3A_1221 = arith.mulf %get3A_1220, %get3A_906 : vector<16xf32>
      %add3A_1222 = arith.addf %add3A_1190, %mul3A_1221 : vector<16xf32>
      %get3A_1223 = arith.constant 29 : i32
      %get3A_1224 = arith.index_cast %rem3A_185 : i32 to index
      %get3A_1225 = arith.index_cast %get3A_1223 : i32 to index
      %get3A_1226 = arith.constant 16 : index
      %get3A_1227 = tpu.vector_load %arg14[%get3A_1224, %get3A_1225, %get3A_1226] {strides = array<i32>} : memref<2x80x64xf32, #tpu.memory_space<vmem>>, vector<1x1x16xf32>,
      %get3A_1228 = vector.shape_cast %get3A_1227 : vector<1x1x16xf32> to vector<16xf32>
      %mul3A_1229 = arith.mulf %get3A_1228, %get3A_910 : vector<16xf32>
      %add3A_1230 = arith.addf %add3A_1198, %mul3A_1229 : vector<16xf32>
      %get3A_1231 = arith.constant 29 : i32
      %get3A_1232 = arith.index_cast %rem3A_185 : i32 to index
      %get3A_1233 = arith.index_cast %get3A_1231 : i32 to index
      %get3A_1234 = arith.constant 32 : index
      %get3A_1235 = tpu.vector_load %arg14[%get3A_1232, %get3A_1233, %get3A_1234] {strides = array<i32>} : memref<2x80x64xf32, #tpu.memory_space<vmem>>, vector<1x1x16xf32>,
      %get3A_1236 = vector.shape_cast %get3A_1235 : vector<1x1x16xf32> to vector<16xf32>
      %mul3A_1237 = arith.mulf %get3A_1236, %get3A_914 : vector<16xf32>
      %add3A_1238 = arith.addf %add3A_1206, %mul3A_1237 : vector<16xf32>
      %get3A_1239 = arith.constant 29 : i32
      %get3A_1240 = arith.index_cast %rem3A_185 : i32 to index
      %get3A_1241 = arith.index_cast %get3A_1239 : i32 to index
      %get3A_1242 = arith.constant 48 : index
      %get3A_1243 = tpu.vector_load %arg14[%get3A_1240, %get3A_1241, %get3A_1242] {strides = array<i32>} : memref<2x80x64xf32, #tpu.memory_space<vmem>>, vector<1x1x16xf32>,
      %get3A_1244 = vector.shape_cast %get3A_1243 : vector<1x1x16xf32> to vector<16xf32>
      %mul3A_1245 = arith.mulf %get3A_1244, %get3A_918 : vector<16xf32>
      %add3A_1246 = arith.addf %add3A_1214, %mul3A_1245 : vector<16xf32>
      %get3A_1247 = arith.constant 30 : i32
      %get3A_1248 = arith.index_cast %rem3A_185 : i32 to index
      %get3A_1249 = arith.index_cast %get3A_1247 : i32 to index
      %get3A_1250 = arith.constant 0 : index
      %get3A_1251 = tpu.vector_load %arg14[%get3A_1248, %get3A_1249, %get3A_1250] {strides = array<i32>} : memref<2x80x64xf32, #tpu.memory_space<vmem>>, vector<1x1x16xf32>,
      %get3A_1252 = vector.shape_cast %get3A_1251 : vector<1x1x16xf32> to vector<16xf32>
      %mul3A_1253 = arith.mulf %get3A_1252, %get3A_906 : vector<16xf32>
      %add3A_1254 = arith.addf %add3A_1222, %mul3A_1253 : vector<16xf32>
      %get3A_1255 = arith.constant 30 : i32
      %get3A_1256 = arith.index_cast %rem3A_185 : i32 to index
      %get3A_1257 = arith.index_cast %get3A_1255 : i32 to index
      %get3A_1258 = arith.constant 16 : index
      %get3A_1259 = tpu.vector_load %arg14[%get3A_1256, %get3A_1257, %get3A_1258] {strides = array<i32>} : memref<2x80x64xf32, #tpu.memory_space<vmem>>, vector<1x1x16xf32>,
      %get3A_1260 = vector.shape_cast %get3A_1259 : vector<1x1x16xf32> to vector<16xf32>
      %mul3A_1261 = arith.mulf %get3A_1260, %get3A_910 : vector<16xf32>
      %add3A_1262 = arith.addf %add3A_1230, %mul3A_1261 : vector<16xf32>
      %get3A_1263 = arith.constant 30 : i32
      %get3A_1264 = arith.index_cast %rem3A_185 : i32 to index
      %get3A_1265 = arith.index_cast %get3A_1263 : i32 to index
      %get3A_1266 = arith.constant 32 : index
      %get3A_1267 = tpu.vector_load %arg14[%get3A_1264, %get3A_1265, %get3A_1266] {strides = array<i32>} : memref<2x80x64xf32, #tpu.memory_space<vmem>>, vector<1x1x16xf32>,
      %get3A_1268 = vector.shape_cast %get3A_1267 : vector<1x1x16xf32> to vector<16xf32>
      %mul3A_1269 = arith.mulf %get3A_1268, %get3A_914 : vector<16xf32>
      %add3A_1270 = arith.addf %add3A_1238, %mul3A_1269 : vector<16xf32>
      %get3A_1271 = arith.constant 30 : i32
      %get3A_1272 = arith.index_cast %rem3A_185 : i32 to index
      %get3A_1273 = arith.index_cast %get3A_1271 : i32 to index
      %get3A_1274 = arith.constant 48 : index
      %get3A_1275 = tpu.vector_load %arg14[%get3A_1272, %get3A_1273, %get3A_1274] {strides = array<i32>} : memref<2x80x64xf32, #tpu.memory_space<vmem>>, vector<1x1x16xf32>,
      %get3A_1276 = vector.shape_cast %get3A_1275 : vector<1x1x16xf32> to vector<16xf32>
      %mul3A_1277 = arith.mulf %get3A_1276, %get3A_918 : vector<16xf32>
      %add3A_1278 = arith.addf %add3A_1246, %mul3A_1277 : vector<16xf32>
      %get3A_1279 = arith.constant 31 : i32
      %get3A_1280 = arith.index_cast %rem3A_185 : i32 to index
      %get3A_1281 = arith.index_cast %get3A_1279 : i32 to index
      %get3A_1282 = arith.constant 0 : index
      %get3A_1283 = tpu.vector_load %arg14[%get3A_1280, %get3A_1281, %get3A_1282] {strides = array<i32>} : memref<2x80x64xf32, #tpu.memory_space<vmem>>, vector<1x1x16xf32>,
      %get3A_1284 = vector.shape_cast %get3A_1283 : vector<1x1x16xf32> to vector<16xf32>
      %mul3A_1285 = arith.mulf %get3A_1284, %get3A_906 : vector<16xf32>
      %add3A_1286 = arith.addf %add3A_1254, %mul3A_1285 : vector<16xf32>
      %get3A_1287 = arith.constant 31 : i32
      %get3A_1288 = arith.index_cast %rem3A_185 : i32 to index
      %get3A_1289 = arith.index_cast %get3A_1287 : i32 to index
      %get3A_1290 = arith.constant 16 : index
      %get3A_1291 = tpu.vector_load %arg14[%get3A_1288, %get3A_1289, %get3A_1290] {strides = array<i32>} : memref<2x80x64xf32, #tpu.memory_space<vmem>>, vector<1x1x16xf32>,
      %get3A_1292 = vector.shape_cast %get3A_1291 : vector<1x1x16xf32> to vector<16xf32>
      %mul3A_1293 = arith.mulf %get3A_1292, %get3A_910 : vector<16xf32>
      %add3A_1294 = arith.addf %add3A_1262, %mul3A_1293 : vector<16xf32>
      %get3A_1295 = arith.constant 31 : i32
      %get3A_1296 = arith.index_cast %rem3A_185 : i32 to index
      %get3A_1297 = arith.index_cast %get3A_1295 : i32 to index
      %get3A_1298 = arith.constant 32 : index
      %get3A_1299 = tpu.vector_load %arg14[%get3A_1296, %get3A_1297, %get3A_1298] {strides = array<i32>} : memref<2x80x64xf32, #tpu.memory_space<vmem>>, vector<1x1x16xf32>,
      %get3A_1300 = vector.shape_cast %get3A_1299 : vector<1x1x16xf32> to vector<16xf32>
      %mul3A_1301 = arith.mulf %get3A_1300, %get3A_914 : vector<16xf32>
      %add3A_1302 = arith.addf %add3A_1270, %mul3A_1301 : vector<16xf32>
      %get3A_1303 = arith.constant 31 : i32
      %get3A_1304 = arith.index_cast %rem3A_185 : i32 to index
      %get3A_1305 = arith.index_cast %get3A_1303 : i32 to index
      %get3A_1306 = arith.constant 48 : index
      %get3A_1307 = tpu.vector_load %arg14[%get3A_1304, %get3A_1305, %get3A_1306] {strides = array<i32>} : memref<2x80x64xf32, #tpu.memory_space<vmem>>, vector<1x1x16xf32>,
      %get3A_1308 = vector.shape_cast %get3A_1307 : vector<1x1x16xf32> to vector<16xf32>
      %mul3A_1309 = arith.mulf %get3A_1308, %get3A_918 : vector<16xf32>
      %add3A_1310 = arith.addf %add3A_1278, %mul3A_1309 : vector<16xf32>
      %get3A_1311 = arith.constant 32 : i32
      %get3A_1312 = arith.index_cast %rem3A_185 : i32 to index
      %get3A_1313 = arith.index_cast %get3A_1311 : i32 to index
      %get3A_1314 = arith.constant 0 : index
      %get3A_1315 = tpu.vector_load %arg14[%get3A_1312, %get3A_1313, %get3A_1314] {strides = array<i32>} : memref<2x80x64xf32, #tpu.memory_space<vmem>>, vector<1x1x16xf32>,
      %get3A_1316 = vector.shape_cast %get3A_1315 : vector<1x1x16xf32> to vector<16xf32>
      %mul3A_1317 = arith.mulf %get3A_1316, %get3A_906 : vector<16xf32>
      %add3A_1318 = arith.addf %add3A_1286, %mul3A_1317 : vector<16xf32>
      %get3A_1319 = arith.constant 32 : i32
      %get3A_1320 = arith.index_cast %rem3A_185 : i32 to index
      %get3A_1321 = arith.index_cast %get3A_1319 : i32 to index
      %get3A_1322 = arith.constant 16 : index
      %get3A_1323 = tpu.vector_load %arg14[%get3A_1320, %get3A_1321, %get3A_1322] {strides = array<i32>} : memref<2x80x64xf32, #tpu.memory_space<vmem>>, vector<1x1x16xf32>,
      %get3A_1324 = vector.shape_cast %get3A_1323 : vector<1x1x16xf32> to vector<16xf32>
      %mul3A_1325 = arith.mulf %get3A_1324, %get3A_910 : vector<16xf32>
      %add3A_1326 = arith.addf %add3A_1294, %mul3A_1325 : vector<16xf32>
      %get3A_1327 = arith.constant 32 : i32
      %get3A_1328 = arith.index_cast %rem3A_185 : i32 to index
      %get3A_1329 = arith.index_cast %get3A_1327 : i32 to index
      %get3A_1330 = arith.constant 32 : index
      %get3A_1331 = tpu.vector_load %arg14[%get3A_1328, %get3A_1329, %get3A_1330] {strides = array<i32>} : memref<2x80x64xf32, #tpu.memory_space<vmem>>, vector<1x1x16xf32>,
      %get3A_1332 = vector.shape_cast %get3A_1331 : vector<1x1x16xf32> to vector<16xf32>
      %mul3A_1333 = arith.mulf %get3A_1332, %get3A_914 : vector<16xf32>
      %add3A_1334 = arith.addf %add3A_1302, %mul3A_1333 : vector<16xf32>
      %get3A_1335 = arith.constant 32 : i32
      %get3A_1336 = arith.index_cast %rem3A_185 : i32 to index
      %get3A_1337 = arith.index_cast %get3A_1335 : i32 to index
      %get3A_1338 = arith.constant 48 : index
      %get3A_1339 = tpu.vector_load %arg14[%get3A_1336, %get3A_1337, %get3A_1338] {strides = array<i32>} : memref<2x80x64xf32, #tpu.memory_space<vmem>>, vector<1x1x16xf32>,
      %get3A_1340 = vector.shape_cast %get3A_1339 : vector<1x1x16xf32> to vector<16xf32>
      %mul3A_1341 = arith.mulf %get3A_1340, %get3A_918 : vector<16xf32>
      %add3A_1342 = arith.addf %add3A_1310, %mul3A_1341 : vector<16xf32>
      %get3A_1343 = arith.constant 33 : i32
      %get3A_1344 = arith.index_cast %rem3A_185 : i32 to index
      %get3A_1345 = arith.index_cast %get3A_1343 : i32 to index
      %get3A_1346 = arith.constant 0 : index
      %get3A_1347 = tpu.vector_load %arg14[%get3A_1344, %get3A_1345, %get3A_1346] {strides = array<i32>} : memref<2x80x64xf32, #tpu.memory_space<vmem>>, vector<1x1x16xf32>,
      %get3A_1348 = vector.shape_cast %get3A_1347 : vector<1x1x16xf32> to vector<16xf32>
      %mul3A_1349 = arith.mulf %get3A_1348, %get3A_906 : vector<16xf32>
      %add3A_1350 = arith.addf %add3A_1318, %mul3A_1349 : vector<16xf32>
      %get3A_1351 = arith.constant 33 : i32
      %get3A_1352 = arith.index_cast %rem3A_185 : i32 to index
      %get3A_1353 = arith.index_cast %get3A_1351 : i32 to index
      %get3A_1354 = arith.constant 16 : index
      %get3A_1355 = tpu.vector_load %arg14[%get3A_1352, %get3A_1353, %get3A_1354] {strides = array<i32>} : memref<2x80x64xf32, #tpu.memory_space<vmem>>, vector<1x1x16xf32>,
      %get3A_1356 = vector.shape_cast %get3A_1355 : vector<1x1x16xf32> to vector<16xf32>
      %mul3A_1357 = arith.mulf %get3A_1356, %get3A_910 : vector<16xf32>
      %add3A_1358 = arith.addf %add3A_1326, %mul3A_1357 : vector<16xf32>
      %get3A_1359 = arith.constant 33 : i32
      %get3A_1360 = arith.index_cast %rem3A_185 : i32 to index
      %get3A_1361 = arith.index_cast %get3A_1359 : i32 to index
      %get3A_1362 = arith.constant 32 : index
      %get3A_1363 = tpu.vector_load %arg14[%get3A_1360, %get3A_1361, %get3A_1362] {strides = array<i32>} : memref<2x80x64xf32, #tpu.memory_space<vmem>>, vector<1x1x16xf32>,
      %get3A_1364 = vector.shape_cast %get3A_1363 : vector<1x1x16xf32> to vector<16xf32>
      %mul3A_1365 = arith.mulf %get3A_1364, %get3A_914 : vector<16xf32>
      %add3A_1366 = arith.addf %add3A_1334, %mul3A_1365 : vector<16xf32>
      %get3A_1367 = arith.constant 33 : i32
      %get3A_1368 = arith.index_cast %rem3A_185 : i32 to index
      %get3A_1369 = arith.index_cast %get3A_1367 : i32 to index
      %get3A_1370 = arith.constant 48 : index
      %get3A_1371 = tpu.vector_load %arg14[%get3A_1368, %get3A_1369, %get3A_1370] {strides = array<i32>} : memref<2x80x64xf32, #tpu.memory_space<vmem>>, vector<1x1x16xf32>,
      %get3A_1372 = vector.shape_cast %get3A_1371 : vector<1x1x16xf32> to vector<16xf32>
      %mul3A_1373 = arith.mulf %get3A_1372, %get3A_918 : vector<16xf32>
      %add3A_1374 = arith.addf %add3A_1342, %mul3A_1373 : vector<16xf32>
      %get3A_1375 = arith.constant 34 : i32
      %get3A_1376 = arith.index_cast %rem3A_185 : i32 to index
      %get3A_1377 = arith.index_cast %get3A_1375 : i32 to index
      %get3A_1378 = arith.constant 0 : index
      %get3A_1379 = tpu.vector_load %arg14[%get3A_1376, %get3A_1377, %get3A_1378] {strides = array<i32>} : memref<2x80x64xf32, #tpu.memory_space<vmem>>, vector<1x1x16xf32>,
      %get3A_1380 = vector.shape_cast %get3A_1379 : vector<1x1x16xf32> to vector<16xf32>
      %mul3A_1381 = arith.mulf %get3A_1380, %get3A_906 : vector<16xf32>
      %add3A_1382 = arith.addf %add3A_1350, %mul3A_1381 : vector<16xf32>
      %get3A_1383 = arith.constant 34 : i32
      %get3A_1384 = arith.index_cast %rem3A_185 : i32 to index
      %get3A_1385 = arith.index_cast %get3A_1383 : i32 to index
      %get3A_1386 = arith.constant 16 : index
      %get3A_1387 = tpu.vector_load %arg14[%get3A_1384, %get3A_1385, %get3A_1386] {strides = array<i32>} : memref<2x80x64xf32, #tpu.memory_space<vmem>>, vector<1x1x16xf32>,
      %get3A_1388 = vector.shape_cast %get3A_1387 : vector<1x1x16xf32> to vector<16xf32>
      %mul3A_1389 = arith.mulf %get3A_1388, %get3A_910 : vector<16xf32>
      %add3A_1390 = arith.addf %add3A_1358, %mul3A_1389 : vector<16xf32>
      %get3A_1391 = arith.constant 34 : i32
      %get3A_1392 = arith.index_cast %rem3A_185 : i32 to index
      %get3A_1393 = arith.index_cast %get3A_1391 : i32 to index
      %get3A_1394 = arith.constant 32 : index
      %get3A_1395 = tpu.vector_load %arg14[%get3A_1392, %get3A_1393, %get3A_1394] {strides = array<i32>} : memref<2x80x64xf32, #tpu.memory_space<vmem>>, vector<1x1x16xf32>,
      %get3A_1396 = vector.shape_cast %get3A_1395 : vector<1x1x16xf32> to vector<16xf32>
      %mul3A_1397 = arith.mulf %get3A_1396, %get3A_914 : vector<16xf32>
      %add3A_1398 = arith.addf %add3A_1366, %mul3A_1397 : vector<16xf32>
      %get3A_1399 = arith.constant 34 : i32
      %get3A_1400 = arith.index_cast %rem3A_185 : i32 to index
      %get3A_1401 = arith.index_cast %get3A_1399 : i32 to index
      %get3A_1402 = arith.constant 48 : index
      %get3A_1403 = tpu.vector_load %arg14[%get3A_1400, %get3A_1401, %get3A_1402] {strides = array<i32>} : memref<2x80x64xf32, #tpu.memory_space<vmem>>, vector<1x1x16xf32>,
      %get3A_1404 = vector.shape_cast %get3A_1403 : vector<1x1x16xf32> to vector<16xf32>
      %mul3A_1405 = arith.mulf %get3A_1404, %get3A_918 : vector<16xf32>
      %add3A_1406 = arith.addf %add3A_1374, %mul3A_1405 : vector<16xf32>
      %get3A_1407 = arith.constant 35 : i32
      %get3A_1408 = arith.index_cast %rem3A_185 : i32 to index
      %get3A_1409 = arith.index_cast %get3A_1407 : i32 to index
      %get3A_1410 = arith.constant 0 : index
      %get3A_1411 = tpu.vector_load %arg14[%get3A_1408, %get3A_1409, %get3A_1410] {strides = array<i32>} : memref<2x80x64xf32, #tpu.memory_space<vmem>>, vector<1x1x16xf32>,
      %get3A_1412 = vector.shape_cast %get3A_1411 : vector<1x1x16xf32> to vector<16xf32>
      %mul3A_1413 = arith.mulf %get3A_1412, %get3A_906 : vector<16xf32>
      %add3A_1414 = arith.addf %add3A_1382, %mul3A_1413 : vector<16xf32>
      %get3A_1415 = arith.constant 35 : i32
      %get3A_1416 = arith.index_cast %rem3A_185 : i32 to index
      %get3A_1417 = arith.index_cast %get3A_1415 : i32 to index
      %get3A_1418 = arith.constant 16 : index
      %get3A_1419 = tpu.vector_load %arg14[%get3A_1416, %get3A_1417, %get3A_1418] {strides = array<i32>} : memref<2x80x64xf32, #tpu.memory_space<vmem>>, vector<1x1x16xf32>,
      %get3A_1420 = vector.shape_cast %get3A_1419 : vector<1x1x16xf32> to vector<16xf32>
      %mul3A_1421 = arith.mulf %get3A_1420, %get3A_910 : vector<16xf32>
      %add3A_1422 = arith.addf %add3A_1390, %mul3A_1421 : vector<16xf32>
      %get3A_1423 = arith.constant 35 : i32
      %get3A_1424 = arith.index_cast %rem3A_185 : i32 to index
      %get3A_1425 = arith.index_cast %get3A_1423 : i32 to index
      %get3A_1426 = arith.constant 32 : index
      %get3A_1427 = tpu.vector_load %arg14[%get3A_1424, %get3A_1425, %get3A_1426] {strides = array<i32>} : memref<2x80x64xf32, #tpu.memory_space<vmem>>, vector<1x1x16xf32>,
      %get3A_1428 = vector.shape_cast %get3A_1427 : vector<1x1x16xf32> to vector<16xf32>
      %mul3A_1429 = arith.mulf %get3A_1428, %get3A_914 : vector<16xf32>
      %add3A_1430 = arith.addf %add3A_1398, %mul3A_1429 : vector<16xf32>
      %get3A_1431 = arith.constant 35 : i32
      %get3A_1432 = arith.index_cast %rem3A_185 : i32 to index
      %get3A_1433 = arith.index_cast %get3A_1431 : i32 to index
      %get3A_1434 = arith.constant 48 : index
      %get3A_1435 = tpu.vector_load %arg14[%get3A_1432, %get3A_1433, %get3A_1434] {strides = array<i32>} : memref<2x80x64xf32, #tpu.memory_space<vmem>>, vector<1x1x16xf32>,
      %get3A_1436 = vector.shape_cast %get3A_1435 : vector<1x1x16xf32> to vector<16xf32>
      %mul3A_1437 = arith.mulf %get3A_1436, %get3A_918 : vector<16xf32>
      %add3A_1438 = arith.addf %add3A_1406, %mul3A_1437 : vector<16xf32>
      %get3A_1439 = arith.constant 36 : i32
      %get3A_1440 = arith.index_cast %rem3A_185 : i32 to index
      %get3A_1441 = arith.index_cast %get3A_1439 : i32 to index
      %get3A_1442 = arith.constant 0 : index
      %get3A_1443 = tpu.vector_load %arg14[%get3A_1440, %get3A_1441, %get3A_1442] {strides = array<i32>} : memref<2x80x64xf32, #tpu.memory_space<vmem>>, vector<1x1x16xf32>,
      %get3A_1444 = vector.shape_cast %get3A_1443 : vector<1x1x16xf32> to vector<16xf32>
      %mul3A_1445 = arith.mulf %get3A_1444, %get3A_906 : vector<16xf32>
      %add3A_1446 = arith.addf %add3A_1414, %mul3A_1445 : vector<16xf32>
      %get3A_1447 = arith.constant 36 : i32
      %get3A_1448 = arith.index_cast %rem3A_185 : i32 to index
      %get3A_1449 = arith.index_cast %get3A_1447 : i32 to index
      %get3A_1450 = arith.constant 16 : index
      %get3A_1451 = tpu.vector_load %arg14[%get3A_1448, %get3A_1449, %get3A_1450] {strides = array<i32>} : memref<2x80x64xf32, #tpu.memory_space<vmem>>, vector<1x1x16xf32>,
      %get3A_1452 = vector.shape_cast %get3A_1451 : vector<1x1x16xf32> to vector<16xf32>
      %mul3A_1453 = arith.mulf %get3A_1452, %get3A_910 : vector<16xf32>
      %add3A_1454 = arith.addf %add3A_1422, %mul3A_1453 : vector<16xf32>
      %get3A_1455 = arith.constant 36 : i32
      %get3A_1456 = arith.index_cast %rem3A_185 : i32 to index
      %get3A_1457 = arith.index_cast %get3A_1455 : i32 to index
      %get3A_1458 = arith.constant 32 : index
      %get3A_1459 = tpu.vector_load %arg14[%get3A_1456, %get3A_1457, %get3A_1458] {strides = array<i32>} : memref<2x80x64xf32, #tpu.memory_space<vmem>>, vector<1x1x16xf32>,
      %get3A_1460 = vector.shape_cast %get3A_1459 : vector<1x1x16xf32> to vector<16xf32>
      %mul3A_1461 = arith.mulf %get3A_1460, %get3A_914 : vector<16xf32>
      %add3A_1462 = arith.addf %add3A_1430, %mul3A_1461 : vector<16xf32>
      %get3A_1463 = arith.constant 36 : i32
      %get3A_1464 = arith.index_cast %rem3A_185 : i32 to index
      %get3A_1465 = arith.index_cast %get3A_1463 : i32 to index
      %get3A_1466 = arith.constant 48 : index
      %get3A_1467 = tpu.vector_load %arg14[%get3A_1464, %get3A_1465, %get3A_1466] {strides = array<i32>} : memref<2x80x64xf32, #tpu.memory_space<vmem>>, vector<1x1x16xf32>,
      %get3A_1468 = vector.shape_cast %get3A_1467 : vector<1x1x16xf32> to vector<16xf32>
      %mul3A_1469 = arith.mulf %get3A_1468, %get3A_918 : vector<16xf32>
      %add3A_1470 = arith.addf %add3A_1438, %mul3A_1469 : vector<16xf32>
      %get3A_1471 = arith.constant 37 : i32
      %get3A_1472 = arith.index_cast %rem3A_185 : i32 to index
      %get3A_1473 = arith.index_cast %get3A_1471 : i32 to index
      %get3A_1474 = arith.constant 0 : index
      %get3A_1475 = tpu.vector_load %arg14[%get3A_1472, %get3A_1473, %get3A_1474] {strides = array<i32>} : memref<2x80x64xf32, #tpu.memory_space<vmem>>, vector<1x1x16xf32>,
      %get3A_1476 = vector.shape_cast %get3A_1475 : vector<1x1x16xf32> to vector<16xf32>
      %mul3A_1477 = arith.mulf %get3A_1476, %get3A_906 : vector<16xf32>
      %add3A_1478 = arith.addf %add3A_1446, %mul3A_1477 : vector<16xf32>
      %get3A_1479 = arith.constant 37 : i32
      %get3A_1480 = arith.index_cast %rem3A_185 : i32 to index
      %get3A_1481 = arith.index_cast %get3A_1479 : i32 to index
      %get3A_1482 = arith.constant 16 : index
      %get3A_1483 = tpu.vector_load %arg14[%get3A_1480, %get3A_1481, %get3A_1482] {strides = array<i32>} : memref<2x80x64xf32, #tpu.memory_space<vmem>>, vector<1x1x16xf32>,
      %get3A_1484 = vector.shape_cast %get3A_1483 : vector<1x1x16xf32> to vector<16xf32>
      %mul3A_1485 = arith.mulf %get3A_1484, %get3A_910 : vector<16xf32>
      %add3A_1486 = arith.addf %add3A_1454, %mul3A_1485 : vector<16xf32>
      %get3A_1487 = arith.constant 37 : i32
      %get3A_1488 = arith.index_cast %rem3A_185 : i32 to index
      %get3A_1489 = arith.index_cast %get3A_1487 : i32 to index
      %get3A_1490 = arith.constant 32 : index
      %get3A_1491 = tpu.vector_load %arg14[%get3A_1488, %get3A_1489, %get3A_1490] {strides = array<i32>} : memref<2x80x64xf32, #tpu.memory_space<vmem>>, vector<1x1x16xf32>,
      %get3A_1492 = vector.shape_cast %get3A_1491 : vector<1x1x16xf32> to vector<16xf32>
      %mul3A_1493 = arith.mulf %get3A_1492, %get3A_914 : vector<16xf32>
      %add3A_1494 = arith.addf %add3A_1462, %mul3A_1493 : vector<16xf32>
      %get3A_1495 = arith.constant 37 : i32
      %get3A_1496 = arith.index_cast %rem3A_185 : i32 to index
      %get3A_1497 = arith.index_cast %get3A_1495 : i32 to index
      %get3A_1498 = arith.constant 48 : index
      %get3A_1499 = tpu.vector_load %arg14[%get3A_1496, %get3A_1497, %get3A_1498] {strides = array<i32>} : memref<2x80x64xf32, #tpu.memory_space<vmem>>, vector<1x1x16xf32>,
      %get3A_1500 = vector.shape_cast %get3A_1499 : vector<1x1x16xf32> to vector<16xf32>
      %mul3A_1501 = arith.mulf %get3A_1500, %get3A_918 : vector<16xf32>
      %add3A_1502 = arith.addf %add3A_1470, %mul3A_1501 : vector<16xf32>
      %get3A_1503 = arith.constant 38 : i32
      %get3A_1504 = arith.index_cast %rem3A_185 : i32 to index
      %get3A_1505 = arith.index_cast %get3A_1503 : i32 to index
      %get3A_1506 = arith.constant 0 : index
      %get3A_1507 = tpu.vector_load %arg14[%get3A_1504, %get3A_1505, %get3A_1506] {strides = array<i32>} : memref<2x80x64xf32, #tpu.memory_space<vmem>>, vector<1x1x16xf32>,
      %get3A_1508 = vector.shape_cast %get3A_1507 : vector<1x1x16xf32> to vector<16xf32>
      %mul3A_1509 = arith.mulf %get3A_1508, %get3A_906 : vector<16xf32>
      %add3A_1510 = arith.addf %add3A_1478, %mul3A_1509 : vector<16xf32>
      %get3A_1511 = arith.constant 38 : i32
      %get3A_1512 = arith.index_cast %rem3A_185 : i32 to index
      %get3A_1513 = arith.index_cast %get3A_1511 : i32 to index
      %get3A_1514 = arith.constant 16 : index
      %get3A_1515 = tpu.vector_load %arg14[%get3A_1512, %get3A_1513, %get3A_1514] {strides = array<i32>} : memref<2x80x64xf32, #tpu.memory_space<vmem>>, vector<1x1x16xf32>,
      %get3A_1516 = vector.shape_cast %get3A_1515 : vector<1x1x16xf32> to vector<16xf32>
      %mul3A_1517 = arith.mulf %get3A_1516, %get3A_910 : vector<16xf32>
      %add3A_1518 = arith.addf %add3A_1486, %mul3A_1517 : vector<16xf32>
      %get3A_1519 = arith.constant 38 : i32
      %get3A_1520 = arith.index_cast %rem3A_185 : i32 to index
      %get3A_1521 = arith.index_cast %get3A_1519 : i32 to index
      %get3A_1522 = arith.constant 32 : index
      %get3A_1523 = tpu.vector_load %arg14[%get3A_1520, %get3A_1521, %get3A_1522] {strides = array<i32>} : memref<2x80x64xf32, #tpu.memory_space<vmem>>, vector<1x1x16xf32>,
      %get3A_1524 = vector.shape_cast %get3A_1523 : vector<1x1x16xf32> to vector<16xf32>
      %mul3A_1525 = arith.mulf %get3A_1524, %get3A_914 : vector<16xf32>
      %add3A_1526 = arith.addf %add3A_1494, %mul3A_1525 : vector<16xf32>
      %get3A_1527 = arith.constant 38 : i32
      %get3A_1528 = arith.index_cast %rem3A_185 : i32 to index
      %get3A_1529 = arith.index_cast %get3A_1527 : i32 to index
      %get3A_1530 = arith.constant 48 : index
      %get3A_1531 = tpu.vector_load %arg14[%get3A_1528, %get3A_1529, %get3A_1530] {strides = array<i32>} : memref<2x80x64xf32, #tpu.memory_space<vmem>>, vector<1x1x16xf32>,
      %get3A_1532 = vector.shape_cast %get3A_1531 : vector<1x1x16xf32> to vector<16xf32>
      %mul3A_1533 = arith.mulf %get3A_1532, %get3A_918 : vector<16xf32>
      %add3A_1534 = arith.addf %add3A_1502, %mul3A_1533 : vector<16xf32>
      %get3A_1535 = arith.constant 39 : i32
      %get3A_1536 = arith.index_cast %rem3A_185 : i32 to index
      %get3A_1537 = arith.index_cast %get3A_1535 : i32 to index
      %get3A_1538 = arith.constant 0 : index
      %get3A_1539 = tpu.vector_load %arg14[%get3A_1536, %get3A_1537, %get3A_1538] {strides = array<i32>} : memref<2x80x64xf32, #tpu.memory_space<vmem>>, vector<1x1x16xf32>,
      %get3A_1540 = vector.shape_cast %get3A_1539 : vector<1x1x16xf32> to vector<16xf32>
      %mul3A_1541 = arith.mulf %get3A_1540, %get3A_906 : vector<16xf32>
      %add3A_1542 = arith.addf %add3A_1510, %mul3A_1541 : vector<16xf32>
      %get3A_1543 = arith.constant 39 : i32
      %get3A_1544 = arith.index_cast %rem3A_185 : i32 to index
      %get3A_1545 = arith.index_cast %get3A_1543 : i32 to index
      %get3A_1546 = arith.constant 16 : index
      %get3A_1547 = tpu.vector_load %arg14[%get3A_1544, %get3A_1545, %get3A_1546] {strides = array<i32>} : memref<2x80x64xf32, #tpu.memory_space<vmem>>, vector<1x1x16xf32>,
      %get3A_1548 = vector.shape_cast %get3A_1547 : vector<1x1x16xf32> to vector<16xf32>
      %mul3A_1549 = arith.mulf %get3A_1548, %get3A_910 : vector<16xf32>
      %add3A_1550 = arith.addf %add3A_1518, %mul3A_1549 : vector<16xf32>
      %get3A_1551 = arith.constant 39 : i32
      %get3A_1552 = arith.index_cast %rem3A_185 : i32 to index
      %get3A_1553 = arith.index_cast %get3A_1551 : i32 to index
      %get3A_1554 = arith.constant 32 : index
      %get3A_1555 = tpu.vector_load %arg14[%get3A_1552, %get3A_1553, %get3A_1554] {strides = array<i32>} : memref<2x80x64xf32, #tpu.memory_space<vmem>>, vector<1x1x16xf32>,
      %get3A_1556 = vector.shape_cast %get3A_1555 : vector<1x1x16xf32> to vector<16xf32>
      %mul3A_1557 = arith.mulf %get3A_1556, %get3A_914 : vector<16xf32>
      %add3A_1558 = arith.addf %add3A_1526, %mul3A_1557 : vector<16xf32>
      %get3A_1559 = arith.constant 39 : i32
      %get3A_1560 = arith.index_cast %rem3A_185 : i32 to index
      %get3A_1561 = arith.index_cast %get3A_1559 : i32 to index
      %get3A_1562 = arith.constant 48 : index
      %get3A_1563 = tpu.vector_load %arg14[%get3A_1560, %get3A_1561, %get3A_1562] {strides = array<i32>} : memref<2x80x64xf32, #tpu.memory_space<vmem>>, vector<1x1x16xf32>,
      %get3A_1564 = vector.shape_cast %get3A_1563 : vector<1x1x16xf32> to vector<16xf32>
      %mul3A_1565 = arith.mulf %get3A_1564, %get3A_918 : vector<16xf32>
      %add3A_1566 = arith.addf %add3A_1534, %mul3A_1565 : vector<16xf32>
      %add3A_1567 = arith.addf %add3A_1542, %add3A_1550 : vector<16xf32>
      %add3A_1568 = arith.addf %add3A_1567, %add3A_1558 : vector<16xf32>
      %add3A_1569 = arith.addf %add3A_1568, %add3A_1566 : vector<16xf32>
      %swap3A_1570 = arith.index_cast %add3A_902 : i32 to index
      %swap3A_1571 = arith.constant 0 : index
      %swap3A_1572 = tpu.vector_load %arg16[%swap3A_1570, %swap3A_1571] {strides = array<i32>} : memref<512x16xf32, #tpu.memory_space<vmem>>, vector<1x16xf32>,
      %swap3A_1573 = vector.shape_cast %swap3A_1572 : vector<1x16xf32> to vector<16xf32>
      %swap3A_1574 = vector.shape_cast %add3A_1569 : vector<16xf32> to vector<1x16xf32>
      tpu.vector_store %arg16[%swap3A_1570, %swap3A_1571], %swap3A_1574 {strides = array<i32>} : memref<512x16xf32, #tpu.memory_space<vmem>>, vector<1x16xf32>,
      %get3A_1575 = arith.index_cast %add3A_902 : i32 to index
      %get3A_1576 = arith.constant 0 : index
      %get3A_1577 = tpu.vector_load %arg13[%get3A_1575, %get3A_1576] {strides = array<i32>} : memref<512x64xf32, #tpu.memory_space<vmem>>, vector<1x16xf32>,
      %get3A_1578 = vector.shape_cast %get3A_1577 : vector<1x16xf32> to vector<16xf32>
      %get3A_1579 = arith.index_cast %add3A_902 : i32 to index
      %get3A_1580 = arith.constant 16 : index
      %get3A_1581 = tpu.vector_load %arg13[%get3A_1579, %get3A_1580] {strides = array<i32>} : memref<512x64xf32, #tpu.memory_space<vmem>>, vector<1x16xf32>,
      %get3A_1582 = vector.shape_cast %get3A_1581 : vector<1x16xf32> to vector<16xf32>
      %get3A_1583 = arith.index_cast %add3A_902 : i32 to index
      %get3A_1584 = arith.constant 32 : index
      %get3A_1585 = tpu.vector_load %arg13[%get3A_1583, %get3A_1584] {strides = array<i32>} : memref<512x64xf32, #tpu.memory_space<vmem>>, vector<1x16xf32>,
      %get3A_1586 = vector.shape_cast %get3A_1585 : vector<1x16xf32> to vector<16xf32>
      %get3A_1587 = arith.index_cast %add3A_902 : i32 to index
      %get3A_1588 = arith.constant 48 : index
      %get3A_1589 = tpu.vector_load %arg13[%get3A_1587, %get3A_1588] {strides = array<i32>} : memref<512x64xf32, #tpu.memory_space<vmem>>, vector<1x16xf32>,
      %get3A_1590 = vector.shape_cast %get3A_1589 : vector<1x16xf32> to vector<16xf32>
      %mul3A_1591 = arith.mulf %get3A_1578, %get3A_906 : vector<16xf32>
      %mul3A_1592 = arith.mulf %get3A_1582, %get3A_910 : vector<16xf32>
      %add3A_1593 = arith.addf %mul3A_1591, %mul3A_1592 : vector<16xf32>
      %mul3A_1594 = arith.mulf %get3A_1586, %get3A_914 : vector<16xf32>
      %add3A_1595 = arith.addf %add3A_1593, %mul3A_1594 : vector<16xf32>
      %mul3A_1596 = arith.mulf %get3A_1590, %get3A_918 : vector<16xf32>
      %add3A_1597 = arith.addf %add3A_1595, %mul3A_1596 : vector<16xf32>
      %swap3A_1598 = arith.index_cast %add3A_902 : i32 to index
      %swap3A_1599 = arith.constant 0 : index
      %swap3A_1600 = tpu.vector_load %arg15[%swap3A_1598, %swap3A_1599] {strides = array<i32>} : memref<512x16xf32, #tpu.memory_space<vmem>>, vector<1x16xf32>,
      %swap3A_1601 = vector.shape_cast %swap3A_1600 : vector<1x16xf32> to vector<16xf32>
      %swap3A_1602 = vector.shape_cast %add3A_1597 : vector<16xf32> to vector<1x16xf32>
      tpu.vector_store %arg15[%swap3A_1598, %swap3A_1599], %swap3A_1602 {strides = array<i32>} : memref<512x16xf32, #tpu.memory_space<vmem>>, vector<1x16xf32>,
      %mul3A_1603 = arith.constant 4 : i32
      %mul3A_1604 = arith.muli %scan3A_184, %mul3A_1603 : i32
      %add3A_1605 = arith.constant 2 : i32
      %add3A_1606 = arith.addi %mul3A_1604, %add3A_1605 : i32
      %get3A_1607 = arith.index_cast %add3A_1606 : i32 to index
      %get3A_1608 = arith.constant 0 : index
      %get3A_1609 = tpu.vector_load %arg12[%get3A_1607, %get3A_1608] {strides = array<i32>} : memref<512x64xf32, #tpu.memory_space<vmem>>, vector<1x16xf32>,
      %get3A_1610 = vector.shape_cast %get3A_1609 : vector<1x16xf32> to vector<16xf32>
      %get3A_1611 = arith.index_cast %add3A_1606 : i32 to index
      %get3A_1612 = arith.constant 16 : index
      %get3A_1613 = tpu.vector_load %arg12[%get3A_1611, %get3A_1612] {strides = array<i32>} : memref<512x64xf32, #tpu.memory_space<vmem>>, vector<1x16xf32>,
      %get3A_1614 = vector.shape_cast %get3A_1613 : vector<1x16xf32> to vector<16xf32>
      %get3A_1615 = arith.index_cast %add3A_1606 : i32 to index
      %get3A_1616 = arith.constant 32 : index
      %get3A_1617 = tpu.vector_load %arg12[%get3A_1615, %get3A_1616] {strides = array<i32>} : memref<512x64xf32, #tpu.memory_space<vmem>>, vector<1x16xf32>,
      %get3A_1618 = vector.shape_cast %get3A_1617 : vector<1x16xf32> to vector<16xf32>
      %get3A_1619 = arith.index_cast %add3A_1606 : i32 to index
      %get3A_1620 = arith.constant 48 : index
      %get3A_1621 = tpu.vector_load %arg12[%get3A_1619, %get3A_1620] {strides = array<i32>} : memref<512x64xf32, #tpu.memory_space<vmem>>, vector<1x16xf32>,
      %get3A_1622 = vector.shape_cast %get3A_1621 : vector<1x16xf32> to vector<16xf32>
      %broadcast_in_dim3A_1623 = arith.constant 0.000000e+00 : f32
      %broadcast_in_dim3A_1624 = vector.broadcast %broadcast_in_dim3A_1623 : f32 to vector<16xf32>
      %broadcast_in_dim3A_1625 = arith.constant 0.000000e+00 : f32
      %broadcast_in_dim3A_1626 = vector.broadcast %broadcast_in_dim3A_1625 : f32 to vector<16xf32>
      %broadcast_in_dim3A_1627 = arith.constant 0.000000e+00 : f32
      %broadcast_in_dim3A_1628 = vector.broadcast %broadcast_in_dim3A_1627 : f32 to vector<16xf32>
      %broadcast_in_dim3A_1629 = arith.constant 0.000000e+00 : f32
      %broadcast_in_dim3A_1630 = vector.broadcast %broadcast_in_dim3A_1629 : f32 to vector<16xf32>
      %get3A_1631 = arith.constant 40 : i32
      %get3A_1632 = arith.index_cast %rem3A_185 : i32 to index
      %get3A_1633 = arith.index_cast %get3A_1631 : i32 to index
      %get3A_1634 = arith.constant 0 : index
      %get3A_1635 = tpu.vector_load %arg14[%get3A_1632, %get3A_1633, %get3A_1634] {strides = array<i32>} : memref<2x80x64xf32, #tpu.memory_space<vmem>>, vector<1x1x16xf32>,
      %get3A_1636 = vector.shape_cast %get3A_1635 : vector<1x1x16xf32> to vector<16xf32>
      %mul3A_1637 = arith.mulf %get3A_1636, %get3A_1610 : vector<16xf32>
      %add3A_1638 = arith.addf %broadcast_in_dim3A_1624, %mul3A_1637 : vector<16xf32>
      %get3A_1639 = arith.constant 40 : i32
      %get3A_1640 = arith.index_cast %rem3A_185 : i32 to index
      %get3A_1641 = arith.index_cast %get3A_1639 : i32 to index
      %get3A_1642 = arith.constant 16 : index
      %get3A_1643 = tpu.vector_load %arg14[%get3A_1640, %get3A_1641, %get3A_1642] {strides = array<i32>} : memref<2x80x64xf32, #tpu.memory_space<vmem>>, vector<1x1x16xf32>,
      %get3A_1644 = vector.shape_cast %get3A_1643 : vector<1x1x16xf32> to vector<16xf32>
      %mul3A_1645 = arith.mulf %get3A_1644, %get3A_1614 : vector<16xf32>
      %add3A_1646 = arith.addf %broadcast_in_dim3A_1626, %mul3A_1645 : vector<16xf32>
      %get3A_1647 = arith.constant 40 : i32
      %get3A_1648 = arith.index_cast %rem3A_185 : i32 to index
      %get3A_1649 = arith.index_cast %get3A_1647 : i32 to index
      %get3A_1650 = arith.constant 32 : index
      %get3A_1651 = tpu.vector_load %arg14[%get3A_1648, %get3A_1649, %get3A_1650] {strides = array<i32>} : memref<2x80x64xf32, #tpu.memory_space<vmem>>, vector<1x1x16xf32>,
      %get3A_1652 = vector.shape_cast %get3A_1651 : vector<1x1x16xf32> to vector<16xf32>
      %mul3A_1653 = arith.mulf %get3A_1652, %get3A_1618 : vector<16xf32>
      %add3A_1654 = arith.addf %broadcast_in_dim3A_1628, %mul3A_1653 : vector<16xf32>
      %get3A_1655 = arith.constant 40 : i32
      %get3A_1656 = arith.index_cast %rem3A_185 : i32 to index
      %get3A_1657 = arith.index_cast %get3A_1655 : i32 to index
      %get3A_1658 = arith.constant 48 : index
      %get3A_1659 = tpu.vector_load %arg14[%get3A_1656, %get3A_1657, %get3A_1658] {strides = array<i32>} : memref<2x80x64xf32, #tpu.memory_space<vmem>>, vector<1x1x16xf32>,
      %get3A_1660 = vector.shape_cast %get3A_1659 : vector<1x1x16xf32> to vector<16xf32>
      %mul3A_1661 = arith.mulf %get3A_1660, %get3A_1622 : vector<16xf32>
      %add3A_1662 = arith.addf %broadcast_in_dim3A_1630, %mul3A_1661 : vector<16xf32>
      %get3A_1663 = arith.constant 41 : i32
      %get3A_1664 = arith.index_cast %rem3A_185 : i32 to index
      %get3A_1665 = arith.index_cast %get3A_1663 : i32 to index
      %get3A_1666 = arith.constant 0 : index
      %get3A_1667 = tpu.vector_load %arg14[%get3A_1664, %get3A_1665, %get3A_1666] {strides = array<i32>} : memref<2x80x64xf32, #tpu.memory_space<vmem>>, vector<1x1x16xf32>,
      %get3A_1668 = vector.shape_cast %get3A_1667 : vector<1x1x16xf32> to vector<16xf32>
      %mul3A_1669 = arith.mulf %get3A_1668, %get3A_1610 : vector<16xf32>
      %add3A_1670 = arith.addf %add3A_1638, %mul3A_1669 : vector<16xf32>
      %get3A_1671 = arith.constant 41 : i32
      %get3A_1672 = arith.index_cast %rem3A_185 : i32 to index
      %get3A_1673 = arith.index_cast %get3A_1671 : i32 to index
      %get3A_1674 = arith.constant 16 : index
      %get3A_1675 = tpu.vector_load %arg14[%get3A_1672, %get3A_1673, %get3A_1674] {strides = array<i32>} : memref<2x80x64xf32, #tpu.memory_space<vmem>>, vector<1x1x16xf32>,
      %get3A_1676 = vector.shape_cast %get3A_1675 : vector<1x1x16xf32> to vector<16xf32>
      %mul3A_1677 = arith.mulf %get3A_1676, %get3A_1614 : vector<16xf32>
      %add3A_1678 = arith.addf %add3A_1646, %mul3A_1677 : vector<16xf32>
      %get3A_1679 = arith.constant 41 : i32
      %get3A_1680 = arith.index_cast %rem3A_185 : i32 to index
      %get3A_1681 = arith.index_cast %get3A_1679 : i32 to index
      %get3A_1682 = arith.constant 32 : index
      %get3A_1683 = tpu.vector_load %arg14[%get3A_1680, %get3A_1681, %get3A_1682] {strides = array<i32>} : memref<2x80x64xf32, #tpu.memory_space<vmem>>, vector<1x1x16xf32>,
      %get3A_1684 = vector.shape_cast %get3A_1683 : vector<1x1x16xf32> to vector<16xf32>
      %mul3A_1685 = arith.mulf %get3A_1684, %get3A_1618 : vector<16xf32>
      %add3A_1686 = arith.addf %add3A_1654, %mul3A_1685 : vector<16xf32>
      %get3A_1687 = arith.constant 41 : i32
      %get3A_1688 = arith.index_cast %rem3A_185 : i32 to index
      %get3A_1689 = arith.index_cast %get3A_1687 : i32 to index
      %get3A_1690 = arith.constant 48 : index
      %get3A_1691 = tpu.vector_load %arg14[%get3A_1688, %get3A_1689, %get3A_1690] {strides = array<i32>} : memref<2x80x64xf32, #tpu.memory_space<vmem>>, vector<1x1x16xf32>,
      %get3A_1692 = vector.shape_cast %get3A_1691 : vector<1x1x16xf32> to vector<16xf32>
      %mul3A_1693 = arith.mulf %get3A_1692, %get3A_1622 : vector<16xf32>
      %add3A_1694 = arith.addf %add3A_1662, %mul3A_1693 : vector<16xf32>
      %get3A_1695 = arith.constant 42 : i32
      %get3A_1696 = arith.index_cast %rem3A_185 : i32 to index
      %get3A_1697 = arith.index_cast %get3A_1695 : i32 to index
      %get3A_1698 = arith.constant 0 : index
      %get3A_1699 = tpu.vector_load %arg14[%get3A_1696, %get3A_1697, %get3A_1698] {strides = array<i32>} : memref<2x80x64xf32, #tpu.memory_space<vmem>>, vector<1x1x16xf32>,
      %get3A_1700 = vector.shape_cast %get3A_1699 : vector<1x1x16xf32> to vector<16xf32>
      %mul3A_1701 = arith.mulf %get3A_1700, %get3A_1610 : vector<16xf32>
      %add3A_1702 = arith.addf %add3A_1670, %mul3A_1701 : vector<16xf32>
      %get3A_1703 = arith.constant 42 : i32
      %get3A_1704 = arith.index_cast %rem3A_185 : i32 to index
      %get3A_1705 = arith.index_cast %get3A_1703 : i32 to index
      %get3A_1706 = arith.constant 16 : index
      %get3A_1707 = tpu.vector_load %arg14[%get3A_1704, %get3A_1705, %get3A_1706] {strides = array<i32>} : memref<2x80x64xf32, #tpu.memory_space<vmem>>, vector<1x1x16xf32>,
      %get3A_1708 = vector.shape_cast %get3A_1707 : vector<1x1x16xf32> to vector<16xf32>
      %mul3A_1709 = arith.mulf %get3A_1708, %get3A_1614 : vector<16xf32>
      %add3A_1710 = arith.addf %add3A_1678, %mul3A_1709 : vector<16xf32>
      %get3A_1711 = arith.constant 42 : i32
      %get3A_1712 = arith.index_cast %rem3A_185 : i32 to index
      %get3A_1713 = arith.index_cast %get3A_1711 : i32 to index
      %get3A_1714 = arith.constant 32 : index
      %get3A_1715 = tpu.vector_load %arg14[%get3A_1712, %get3A_1713, %get3A_1714] {strides = array<i32>} : memref<2x80x64xf32, #tpu.memory_space<vmem>>, vector<1x1x16xf32>,
      %get3A_1716 = vector.shape_cast %get3A_1715 : vector<1x1x16xf32> to vector<16xf32>
      %mul3A_1717 = arith.mulf %get3A_1716, %get3A_1618 : vector<16xf32>
      %add3A_1718 = arith.addf %add3A_1686, %mul3A_1717 : vector<16xf32>
      %get3A_1719 = arith.constant 42 : i32
      %get3A_1720 = arith.index_cast %rem3A_185 : i32 to index
      %get3A_1721 = arith.index_cast %get3A_1719 : i32 to index
      %get3A_1722 = arith.constant 48 : index
      %get3A_1723 = tpu.vector_load %arg14[%get3A_1720, %get3A_1721, %get3A_1722] {strides = array<i32>} : memref<2x80x64xf32, #tpu.memory_space<vmem>>, vector<1x1x16xf32>,
      %get3A_1724 = vector.shape_cast %get3A_1723 : vector<1x1x16xf32> to vector<16xf32>
      %mul3A_1725 = arith.mulf %get3A_1724, %get3A_1622 : vector<16xf32>
      %add3A_1726 = arith.addf %add3A_1694, %mul3A_1725 : vector<16xf32>
      %get3A_1727 = arith.constant 43 : i32
      %get3A_1728 = arith.index_cast %rem3A_185 : i32 to index
      %get3A_1729 = arith.index_cast %get3A_1727 : i32 to index
      %get3A_1730 = arith.constant 0 : index
      %get3A_1731 = tpu.vector_load %arg14[%get3A_1728, %get3A_1729, %get3A_1730] {strides = array<i32>} : memref<2x80x64xf32, #tpu.memory_space<vmem>>, vector<1x1x16xf32>,
      %get3A_1732 = vector.shape_cast %get3A_1731 : vector<1x1x16xf32> to vector<16xf32>
      %mul3A_1733 = arith.mulf %get3A_1732, %get3A_1610 : vector<16xf32>
      %add3A_1734 = arith.addf %add3A_1702, %mul3A_1733 : vector<16xf32>
      %get3A_1735 = arith.constant 43 : i32
      %get3A_1736 = arith.index_cast %rem3A_185 : i32 to index
      %get3A_1737 = arith.index_cast %get3A_1735 : i32 to index
      %get3A_1738 = arith.constant 16 : index
      %get3A_1739 = tpu.vector_load %arg14[%get3A_1736, %get3A_1737, %get3A_1738] {strides = array<i32>} : memref<2x80x64xf32, #tpu.memory_space<vmem>>, vector<1x1x16xf32>,
      %get3A_1740 = vector.shape_cast %get3A_1739 : vector<1x1x16xf32> to vector<16xf32>
      %mul3A_1741 = arith.mulf %get3A_1740, %get3A_1614 : vector<16xf32>
      %add3A_1742 = arith.addf %add3A_1710, %mul3A_1741 : vector<16xf32>
      %get3A_1743 = arith.constant 43 : i32
      %get3A_1744 = arith.index_cast %rem3A_185 : i32 to index
      %get3A_1745 = arith.index_cast %get3A_1743 : i32 to index
      %get3A_1746 = arith.constant 32 : index
      %get3A_1747 = tpu.vector_load %arg14[%get3A_1744, %get3A_1745, %get3A_1746] {strides = array<i32>} : memref<2x80x64xf32, #tpu.memory_space<vmem>>, vector<1x1x16xf32>,
      %get3A_1748 = vector.shape_cast %get3A_1747 : vector<1x1x16xf32> to vector<16xf32>
      %mul3A_1749 = arith.mulf %get3A_1748, %get3A_1618 : vector<16xf32>
      %add3A_1750 = arith.addf %add3A_1718, %mul3A_1749 : vector<16xf32>
      %get3A_1751 = arith.constant 43 : i32
      %get3A_1752 = arith.index_cast %rem3A_185 : i32 to index
      %get3A_1753 = arith.index_cast %get3A_1751 : i32 to index
      %get3A_1754 = arith.constant 48 : index
      %get3A_1755 = tpu.vector_load %arg14[%get3A_1752, %get3A_1753, %get3A_1754] {strides = array<i32>} : memref<2x80x64xf32, #tpu.memory_space<vmem>>, vector<1x1x16xf32>,
      %get3A_1756 = vector.shape_cast %get3A_1755 : vector<1x1x16xf32> to vector<16xf32>
      %mul3A_1757 = arith.mulf %get3A_1756, %get3A_1622 : vector<16xf32>
      %add3A_1758 = arith.addf %add3A_1726, %mul3A_1757 : vector<16xf32>
      %get3A_1759 = arith.constant 44 : i32
      %get3A_1760 = arith.index_cast %rem3A_185 : i32 to index
      %get3A_1761 = arith.index_cast %get3A_1759 : i32 to index
      %get3A_1762 = arith.constant 0 : index
      %get3A_1763 = tpu.vector_load %arg14[%get3A_1760, %get3A_1761, %get3A_1762] {strides = array<i32>} : memref<2x80x64xf32, #tpu.memory_space<vmem>>, vector<1x1x16xf32>,
      %get3A_1764 = vector.shape_cast %get3A_1763 : vector<1x1x16xf32> to vector<16xf32>
      %mul3A_1765 = arith.mulf %get3A_1764, %get3A_1610 : vector<16xf32>
      %add3A_1766 = arith.addf %add3A_1734, %mul3A_1765 : vector<16xf32>
      %get3A_1767 = arith.constant 44 : i32
      %get3A_1768 = arith.index_cast %rem3A_185 : i32 to index
      %get3A_1769 = arith.index_cast %get3A_1767 : i32 to index
      %get3A_1770 = arith.constant 16 : index
      %get3A_1771 = tpu.vector_load %arg14[%get3A_1768, %get3A_1769, %get3A_1770] {strides = array<i32>} : memref<2x80x64xf32, #tpu.memory_space<vmem>>, vector<1x1x16xf32>,
      %get3A_1772 = vector.shape_cast %get3A_1771 : vector<1x1x16xf32> to vector<16xf32>
      %mul3A_1773 = arith.mulf %get3A_1772, %get3A_1614 : vector<16xf32>
      %add3A_1774 = arith.addf %add3A_1742, %mul3A_1773 : vector<16xf32>
      %get3A_1775 = arith.constant 44 : i32
      %get3A_1776 = arith.index_cast %rem3A_185 : i32 to index
      %get3A_1777 = arith.index_cast %get3A_1775 : i32 to index
      %get3A_1778 = arith.constant 32 : index
      %get3A_1779 = tpu.vector_load %arg14[%get3A_1776, %get3A_1777, %get3A_1778] {strides = array<i32>} : memref<2x80x64xf32, #tpu.memory_space<vmem>>, vector<1x1x16xf32>,
      %get3A_1780 = vector.shape_cast %get3A_1779 : vector<1x1x16xf32> to vector<16xf32>
      %mul3A_1781 = arith.mulf %get3A_1780, %get3A_1618 : vector<16xf32>
      %add3A_1782 = arith.addf %add3A_1750, %mul3A_1781 : vector<16xf32>
      %get3A_1783 = arith.constant 44 : i32
      %get3A_1784 = arith.index_cast %rem3A_185 : i32 to index
      %get3A_1785 = arith.index_cast %get3A_1783 : i32 to index
      %get3A_1786 = arith.constant 48 : index
      %get3A_1787 = tpu.vector_load %arg14[%get3A_1784, %get3A_1785, %get3A_1786] {strides = array<i32>} : memref<2x80x64xf32, #tpu.memory_space<vmem>>, vector<1x1x16xf32>,
      %get3A_1788 = vector.shape_cast %get3A_1787 : vector<1x1x16xf32> to vector<16xf32>
      %mul3A_1789 = arith.mulf %get3A_1788, %get3A_1622 : vector<16xf32>
      %add3A_1790 = arith.addf %add3A_1758, %mul3A_1789 : vector<16xf32>
      %get3A_1791 = arith.constant 45 : i32
      %get3A_1792 = arith.index_cast %rem3A_185 : i32 to index
      %get3A_1793 = arith.index_cast %get3A_1791 : i32 to index
      %get3A_1794 = arith.constant 0 : index
      %get3A_1795 = tpu.vector_load %arg14[%get3A_1792, %get3A_1793, %get3A_1794] {strides = array<i32>} : memref<2x80x64xf32, #tpu.memory_space<vmem>>, vector<1x1x16xf32>,
      %get3A_1796 = vector.shape_cast %get3A_1795 : vector<1x1x16xf32> to vector<16xf32>
      %mul3A_1797 = arith.mulf %get3A_1796, %get3A_1610 : vector<16xf32>
      %add3A_1798 = arith.addf %add3A_1766, %mul3A_1797 : vector<16xf32>
      %get3A_1799 = arith.constant 45 : i32
      %get3A_1800 = arith.index_cast %rem3A_185 : i32 to index
      %get3A_1801 = arith.index_cast %get3A_1799 : i32 to index
      %get3A_1802 = arith.constant 16 : index
      %get3A_1803 = tpu.vector_load %arg14[%get3A_1800, %get3A_1801, %get3A_1802] {strides = array<i32>} : memref<2x80x64xf32, #tpu.memory_space<vmem>>, vector<1x1x16xf32>,
      %get3A_1804 = vector.shape_cast %get3A_1803 : vector<1x1x16xf32> to vector<16xf32>
      %mul3A_1805 = arith.mulf %get3A_1804, %get3A_1614 : vector<16xf32>
      %add3A_1806 = arith.addf %add3A_1774, %mul3A_1805 : vector<16xf32>
      %get3A_1807 = arith.constant 45 : i32
      %get3A_1808 = arith.index_cast %rem3A_185 : i32 to index
      %get3A_1809 = arith.index_cast %get3A_1807 : i32 to index
      %get3A_1810 = arith.constant 32 : index
      %get3A_1811 = tpu.vector_load %arg14[%get3A_1808, %get3A_1809, %get3A_1810] {strides = array<i32>} : memref<2x80x64xf32, #tpu.memory_space<vmem>>, vector<1x1x16xf32>,
      %get3A_1812 = vector.shape_cast %get3A_1811 : vector<1x1x16xf32> to vector<16xf32>
      %mul3A_1813 = arith.mulf %get3A_1812, %get3A_1618 : vector<16xf32>
      %add3A_1814 = arith.addf %add3A_1782, %mul3A_1813 : vector<16xf32>
      %get3A_1815 = arith.constant 45 : i32
      %get3A_1816 = arith.index_cast %rem3A_185 : i32 to index
      %get3A_1817 = arith.index_cast %get3A_1815 : i32 to index
      %get3A_1818 = arith.constant 48 : index
      %get3A_1819 = tpu.vector_load %arg14[%get3A_1816, %get3A_1817, %get3A_1818] {strides = array<i32>} : memref<2x80x64xf32, #tpu.memory_space<vmem>>, vector<1x1x16xf32>,
      %get3A_1820 = vector.shape_cast %get3A_1819 : vector<1x1x16xf32> to vector<16xf32>
      %mul3A_1821 = arith.mulf %get3A_1820, %get3A_1622 : vector<16xf32>
      %add3A_1822 = arith.addf %add3A_1790, %mul3A_1821 : vector<16xf32>
      %get3A_1823 = arith.constant 46 : i32
      %get3A_1824 = arith.index_cast %rem3A_185 : i32 to index
      %get3A_1825 = arith.index_cast %get3A_1823 : i32 to index
      %get3A_1826 = arith.constant 0 : index
      %get3A_1827 = tpu.vector_load %arg14[%get3A_1824, %get3A_1825, %get3A_1826] {strides = array<i32>} : memref<2x80x64xf32, #tpu.memory_space<vmem>>, vector<1x1x16xf32>,
      %get3A_1828 = vector.shape_cast %get3A_1827 : vector<1x1x16xf32> to vector<16xf32>
      %mul3A_1829 = arith.mulf %get3A_1828, %get3A_1610 : vector<16xf32>
      %add3A_1830 = arith.addf %add3A_1798, %mul3A_1829 : vector<16xf32>
      %get3A_1831 = arith.constant 46 : i32
      %get3A_1832 = arith.index_cast %rem3A_185 : i32 to index
      %get3A_1833 = arith.index_cast %get3A_1831 : i32 to index
      %get3A_1834 = arith.constant 16 : index
      %get3A_1835 = tpu.vector_load %arg14[%get3A_1832, %get3A_1833, %get3A_1834] {strides = array<i32>} : memref<2x80x64xf32, #tpu.memory_space<vmem>>, vector<1x1x16xf32>,
      %get3A_1836 = vector.shape_cast %get3A_1835 : vector<1x1x16xf32> to vector<16xf32>
      %mul3A_1837 = arith.mulf %get3A_1836, %get3A_1614 : vector<16xf32>
      %add3A_1838 = arith.addf %add3A_1806, %mul3A_1837 : vector<16xf32>
      %get3A_1839 = arith.constant 46 : i32
      %get3A_1840 = arith.index_cast %rem3A_185 : i32 to index
      %get3A_1841 = arith.index_cast %get3A_1839 : i32 to index
      %get3A_1842 = arith.constant 32 : index
      %get3A_1843 = tpu.vector_load %arg14[%get3A_1840, %get3A_1841, %get3A_1842] {strides = array<i32>} : memref<2x80x64xf32, #tpu.memory_space<vmem>>, vector<1x1x16xf32>,
      %get3A_1844 = vector.shape_cast %get3A_1843 : vector<1x1x16xf32> to vector<16xf32>
      %mul3A_1845 = arith.mulf %get3A_1844, %get3A_1618 : vector<16xf32>
      %add3A_1846 = arith.addf %add3A_1814, %mul3A_1845 : vector<16xf32>
      %get3A_1847 = arith.constant 46 : i32
      %get3A_1848 = arith.index_cast %rem3A_185 : i32 to index
      %get3A_1849 = arith.index_cast %get3A_1847 : i32 to index
      %get3A_1850 = arith.constant 48 : index
      %get3A_1851 = tpu.vector_load %arg14[%get3A_1848, %get3A_1849, %get3A_1850] {strides = array<i32>} : memref<2x80x64xf32, #tpu.memory_space<vmem>>, vector<1x1x16xf32>,
      %get3A_1852 = vector.shape_cast %get3A_1851 : vector<1x1x16xf32> to vector<16xf32>
      %mul3A_1853 = arith.mulf %get3A_1852, %get3A_1622 : vector<16xf32>
      %add3A_1854 = arith.addf %add3A_1822, %mul3A_1853 : vector<16xf32>
      %get3A_1855 = arith.constant 47 : i32
      %get3A_1856 = arith.index_cast %rem3A_185 : i32 to index
      %get3A_1857 = arith.index_cast %get3A_1855 : i32 to index
      %get3A_1858 = arith.constant 0 : index
      %get3A_1859 = tpu.vector_load %arg14[%get3A_1856, %get3A_1857, %get3A_1858] {strides = array<i32>} : memref<2x80x64xf32, #tpu.memory_space<vmem>>, vector<1x1x16xf32>,
      %get3A_1860 = vector.shape_cast %get3A_1859 : vector<1x1x16xf32> to vector<16xf32>
      %mul3A_1861 = arith.mulf %get3A_1860, %get3A_1610 : vector<16xf32>
      %add3A_1862 = arith.addf %add3A_1830, %mul3A_1861 : vector<16xf32>
      %get3A_1863 = arith.constant 47 : i32
      %get3A_1864 = arith.index_cast %rem3A_185 : i32 to index
      %get3A_1865 = arith.index_cast %get3A_1863 : i32 to index
      %get3A_1866 = arith.constant 16 : index
      %get3A_1867 = tpu.vector_load %arg14[%get3A_1864, %get3A_1865, %get3A_1866] {strides = array<i32>} : memref<2x80x64xf32, #tpu.memory_space<vmem>>, vector<1x1x16xf32>,
      %get3A_1868 = vector.shape_cast %get3A_1867 : vector<1x1x16xf32> to vector<16xf32>
      %mul3A_1869 = arith.mulf %get3A_1868, %get3A_1614 : vector<16xf32>
      %add3A_1870 = arith.addf %add3A_1838, %mul3A_1869 : vector<16xf32>
      %get3A_1871 = arith.constant 47 : i32
      %get3A_1872 = arith.index_cast %rem3A_185 : i32 to index
      %get3A_1873 = arith.index_cast %get3A_1871 : i32 to index
      %get3A_1874 = arith.constant 32 : index
      %get3A_1875 = tpu.vector_load %arg14[%get3A_1872, %get3A_1873, %get3A_1874] {strides = array<i32>} : memref<2x80x64xf32, #tpu.memory_space<vmem>>, vector<1x1x16xf32>,
      %get3A_1876 = vector.shape_cast %get3A_1875 : vector<1x1x16xf32> to vector<16xf32>
      %mul3A_1877 = arith.mulf %get3A_1876, %get3A_1618 : vector<16xf32>
      %add3A_1878 = arith.addf %add3A_1846, %mul3A_1877 : vector<16xf32>
      %get3A_1879 = arith.constant 47 : i32
      %get3A_1880 = arith.index_cast %rem3A_185 : i32 to index
      %get3A_1881 = arith.index_cast %get3A_1879 : i32 to index
      %get3A_1882 = arith.constant 48 : index
      %get3A_1883 = tpu.vector_load %arg14[%get3A_1880, %get3A_1881, %get3A_1882] {strides = array<i32>} : memref<2x80x64xf32, #tpu.memory_space<vmem>>, vector<1x1x16xf32>,
      %get3A_1884 = vector.shape_cast %get3A_1883 : vector<1x1x16xf32> to vector<16xf32>
      %mul3A_1885 = arith.mulf %get3A_1884, %get3A_1622 : vector<16xf32>
      %add3A_1886 = arith.addf %add3A_1854, %mul3A_1885 : vector<16xf32>
      %get3A_1887 = arith.constant 48 : i32
      %get3A_1888 = arith.index_cast %rem3A_185 : i32 to index
      %get3A_1889 = arith.index_cast %get3A_1887 : i32 to index
      %get3A_1890 = arith.constant 0 : index
      %get3A_1891 = tpu.vector_load %arg14[%get3A_1888, %get3A_1889, %get3A_1890] {strides = array<i32>} : memref<2x80x64xf32, #tpu.memory_space<vmem>>, vector<1x1x16xf32>,
      %get3A_1892 = vector.shape_cast %get3A_1891 : vector<1x1x16xf32> to vector<16xf32>
      %mul3A_1893 = arith.mulf %get3A_1892, %get3A_1610 : vector<16xf32>
      %add3A_1894 = arith.addf %add3A_1862, %mul3A_1893 : vector<16xf32>
      %get3A_1895 = arith.constant 48 : i32
      %get3A_1896 = arith.index_cast %rem3A_185 : i32 to index
      %get3A_1897 = arith.index_cast %get3A_1895 : i32 to index
      %get3A_1898 = arith.constant 16 : index
      %get3A_1899 = tpu.vector_load %arg14[%get3A_1896, %get3A_1897, %get3A_1898] {strides = array<i32>} : memref<2x80x64xf32, #tpu.memory_space<vmem>>, vector<1x1x16xf32>,
      %get3A_1900 = vector.shape_cast %get3A_1899 : vector<1x1x16xf32> to vector<16xf32>
      %mul3A_1901 = arith.mulf %get3A_1900, %get3A_1614 : vector<16xf32>
      %add3A_1902 = arith.addf %add3A_1870, %mul3A_1901 : vector<16xf32>
      %get3A_1903 = arith.constant 48 : i32
      %get3A_1904 = arith.index_cast %rem3A_185 : i32 to index
      %get3A_1905 = arith.index_cast %get3A_1903 : i32 to index
      %get3A_1906 = arith.constant 32 : index
      %get3A_1907 = tpu.vector_load %arg14[%get3A_1904, %get3A_1905, %get3A_1906] {strides = array<i32>} : memref<2x80x64xf32, #tpu.memory_space<vmem>>, vector<1x1x16xf32>,
      %get3A_1908 = vector.shape_cast %get3A_1907 : vector<1x1x16xf32> to vector<16xf32>
      %mul3A_1909 = arith.mulf %get3A_1908, %get3A_1618 : vector<16xf32>
      %add3A_1910 = arith.addf %add3A_1878, %mul3A_1909 : vector<16xf32>
      %get3A_1911 = arith.constant 48 : i32
      %get3A_1912 = arith.index_cast %rem3A_185 : i32 to index
      %get3A_1913 = arith.index_cast %get3A_1911 : i32 to index
      %get3A_1914 = arith.constant 48 : index
      %get3A_1915 = tpu.vector_load %arg14[%get3A_1912, %get3A_1913, %get3A_1914] {strides = array<i32>} : memref<2x80x64xf32, #tpu.memory_space<vmem>>, vector<1x1x16xf32>,
      %get3A_1916 = vector.shape_cast %get3A_1915 : vector<1x1x16xf32> to vector<16xf32>
      %mul3A_1917 = arith.mulf %get3A_1916, %get3A_1622 : vector<16xf32>
      %add3A_1918 = arith.addf %add3A_1886, %mul3A_1917 : vector<16xf32>
      %get3A_1919 = arith.constant 49 : i32
      %get3A_1920 = arith.index_cast %rem3A_185 : i32 to index
      %get3A_1921 = arith.index_cast %get3A_1919 : i32 to index
      %get3A_1922 = arith.constant 0 : index
      %get3A_1923 = tpu.vector_load %arg14[%get3A_1920, %get3A_1921, %get3A_1922] {strides = array<i32>} : memref<2x80x64xf32, #tpu.memory_space<vmem>>, vector<1x1x16xf32>,
      %get3A_1924 = vector.shape_cast %get3A_1923 : vector<1x1x16xf32> to vector<16xf32>
      %mul3A_1925 = arith.mulf %get3A_1924, %get3A_1610 : vector<16xf32>
      %add3A_1926 = arith.addf %add3A_1894, %mul3A_1925 : vector<16xf32>
      %get3A_1927 = arith.constant 49 : i32
      %get3A_1928 = arith.index_cast %rem3A_185 : i32 to index
      %get3A_1929 = arith.index_cast %get3A_1927 : i32 to index
      %get3A_1930 = arith.constant 16 : index
      %get3A_1931 = tpu.vector_load %arg14[%get3A_1928, %get3A_1929, %get3A_1930] {strides = array<i32>} : memref<2x80x64xf32, #tpu.memory_space<vmem>>, vector<1x1x16xf32>,
      %get3A_1932 = vector.shape_cast %get3A_1931 : vector<1x1x16xf32> to vector<16xf32>
      %mul3A_1933 = arith.mulf %get3A_1932, %get3A_1614 : vector<16xf32>
      %add3A_1934 = arith.addf %add3A_1902, %mul3A_1933 : vector<16xf32>
      %get3A_1935 = arith.constant 49 : i32
      %get3A_1936 = arith.index_cast %rem3A_185 : i32 to index
      %get3A_1937 = arith.index_cast %get3A_1935 : i32 to index
      %get3A_1938 = arith.constant 32 : index
      %get3A_1939 = tpu.vector_load %arg14[%get3A_1936, %get3A_1937, %get3A_1938] {strides = array<i32>} : memref<2x80x64xf32, #tpu.memory_space<vmem>>, vector<1x1x16xf32>,
      %get3A_1940 = vector.shape_cast %get3A_1939 : vector<1x1x16xf32> to vector<16xf32>
      %mul3A_1941 = arith.mulf %get3A_1940, %get3A_1618 : vector<16xf32>
      %add3A_1942 = arith.addf %add3A_1910, %mul3A_1941 : vector<16xf32>
      %get3A_1943 = arith.constant 49 : i32
      %get3A_1944 = arith.index_cast %rem3A_185 : i32 to index
      %get3A_1945 = arith.index_cast %get3A_1943 : i32 to index
      %get3A_1946 = arith.constant 48 : index
      %get3A_1947 = tpu.vector_load %arg14[%get3A_1944, %get3A_1945, %get3A_1946] {strides = array<i32>} : memref<2x80x64xf32, #tpu.memory_space<vmem>>, vector<1x1x16xf32>,
      %get3A_1948 = vector.shape_cast %get3A_1947 : vector<1x1x16xf32> to vector<16xf32>
      %mul3A_1949 = arith.mulf %get3A_1948, %get3A_1622 : vector<16xf32>
      %add3A_1950 = arith.addf %add3A_1918, %mul3A_1949 : vector<16xf32>
      %get3A_1951 = arith.constant 50 : i32
      %get3A_1952 = arith.index_cast %rem3A_185 : i32 to index
      %get3A_1953 = arith.index_cast %get3A_1951 : i32 to index
      %get3A_1954 = arith.constant 0 : index
      %get3A_1955 = tpu.vector_load %arg14[%get3A_1952, %get3A_1953, %get3A_1954] {strides = array<i32>} : memref<2x80x64xf32, #tpu.memory_space<vmem>>, vector<1x1x16xf32>,
      %get3A_1956 = vector.shape_cast %get3A_1955 : vector<1x1x16xf32> to vector<16xf32>
      %mul3A_1957 = arith.mulf %get3A_1956, %get3A_1610 : vector<16xf32>
      %add3A_1958 = arith.addf %add3A_1926, %mul3A_1957 : vector<16xf32>
      %get3A_1959 = arith.constant 50 : i32
      %get3A_1960 = arith.index_cast %rem3A_185 : i32 to index
      %get3A_1961 = arith.index_cast %get3A_1959 : i32 to index
      %get3A_1962 = arith.constant 16 : index
      %get3A_1963 = tpu.vector_load %arg14[%get3A_1960, %get3A_1961, %get3A_1962] {strides = array<i32>} : memref<2x80x64xf32, #tpu.memory_space<vmem>>, vector<1x1x16xf32>,
      %get3A_1964 = vector.shape_cast %get3A_1963 : vector<1x1x16xf32> to vector<16xf32>
      %mul3A_1965 = arith.mulf %get3A_1964, %get3A_1614 : vector<16xf32>
      %add3A_1966 = arith.addf %add3A_1934, %mul3A_1965 : vector<16xf32>
      %get3A_1967 = arith.constant 50 : i32
      %get3A_1968 = arith.index_cast %rem3A_185 : i32 to index
      %get3A_1969 = arith.index_cast %get3A_1967 : i32 to index
      %get3A_1970 = arith.constant 32 : index
      %get3A_1971 = tpu.vector_load %arg14[%get3A_1968, %get3A_1969, %get3A_1970] {strides = array<i32>} : memref<2x80x64xf32, #tpu.memory_space<vmem>>, vector<1x1x16xf32>,
      %get3A_1972 = vector.shape_cast %get3A_1971 : vector<1x1x16xf32> to vector<16xf32>
      %mul3A_1973 = arith.mulf %get3A_1972, %get3A_1618 : vector<16xf32>
      %add3A_1974 = arith.addf %add3A_1942, %mul3A_1973 : vector<16xf32>
      %get3A_1975 = arith.constant 50 : i32
      %get3A_1976 = arith.index_cast %rem3A_185 : i32 to index
      %get3A_1977 = arith.index_cast %get3A_1975 : i32 to index
      %get3A_1978 = arith.constant 48 : index
      %get3A_1979 = tpu.vector_load %arg14[%get3A_1976, %get3A_1977, %get3A_1978] {strides = array<i32>} : memref<2x80x64xf32, #tpu.memory_space<vmem>>, vector<1x1x16xf32>,
      %get3A_1980 = vector.shape_cast %get3A_1979 : vector<1x1x16xf32> to vector<16xf32>
      %mul3A_1981 = arith.mulf %get3A_1980, %get3A_1622 : vector<16xf32>
      %add3A_1982 = arith.addf %add3A_1950, %mul3A_1981 : vector<16xf32>
      %get3A_1983 = arith.constant 51 : i32
      %get3A_1984 = arith.index_cast %rem3A_185 : i32 to index
      %get3A_1985 = arith.index_cast %get3A_1983 : i32 to index
      %get3A_1986 = arith.constant 0 : index
      %get3A_1987 = tpu.vector_load %arg14[%get3A_1984, %get3A_1985, %get3A_1986] {strides = array<i32>} : memref<2x80x64xf32, #tpu.memory_space<vmem>>, vector<1x1x16xf32>,
      %get3A_1988 = vector.shape_cast %get3A_1987 : vector<1x1x16xf32> to vector<16xf32>
      %mul3A_1989 = arith.mulf %get3A_1988, %get3A_1610 : vector<16xf32>
      %add3A_1990 = arith.addf %add3A_1958, %mul3A_1989 : vector<16xf32>
      %get3A_1991 = arith.constant 51 : i32
      %get3A_1992 = arith.index_cast %rem3A_185 : i32 to index
      %get3A_1993 = arith.index_cast %get3A_1991 : i32 to index
      %get3A_1994 = arith.constant 16 : index
      %get3A_1995 = tpu.vector_load %arg14[%get3A_1992, %get3A_1993, %get3A_1994] {strides = array<i32>} : memref<2x80x64xf32, #tpu.memory_space<vmem>>, vector<1x1x16xf32>,
      %get3A_1996 = vector.shape_cast %get3A_1995 : vector<1x1x16xf32> to vector<16xf32>
      %mul3A_1997 = arith.mulf %get3A_1996, %get3A_1614 : vector<16xf32>
      %add3A_1998 = arith.addf %add3A_1966, %mul3A_1997 : vector<16xf32>
      %get3A_1999 = arith.constant 51 : i32
      %get3A_2000 = arith.index_cast %rem3A_185 : i32 to index
      %get3A_2001 = arith.index_cast %get3A_1999 : i32 to index
      %get3A_2002 = arith.constant 32 : index
      %get3A_2003 = tpu.vector_load %arg14[%get3A_2000, %get3A_2001, %get3A_2002] {strides = array<i32>} : memref<2x80x64xf32, #tpu.memory_space<vmem>>, vector<1x1x16xf32>,
      %get3A_2004 = vector.shape_cast %get3A_2003 : vector<1x1x16xf32> to vector<16xf32>
      %mul3A_2005 = arith.mulf %get3A_2004, %get3A_1618 : vector<16xf32>
      %add3A_2006 = arith.addf %add3A_1974, %mul3A_2005 : vector<16xf32>
      %get3A_2007 = arith.constant 51 : i32
      %get3A_2008 = arith.index_cast %rem3A_185 : i32 to index
      %get3A_2009 = arith.index_cast %get3A_2007 : i32 to index
      %get3A_2010 = arith.constant 48 : index
      %get3A_2011 = tpu.vector_load %arg14[%get3A_2008, %get3A_2009, %get3A_2010] {strides = array<i32>} : memref<2x80x64xf32, #tpu.memory_space<vmem>>, vector<1x1x16xf32>,
      %get3A_2012 = vector.shape_cast %get3A_2011 : vector<1x1x16xf32> to vector<16xf32>
      %mul3A_2013 = arith.mulf %get3A_2012, %get3A_1622 : vector<16xf32>
      %add3A_2014 = arith.addf %add3A_1982, %mul3A_2013 : vector<16xf32>
      %get3A_2015 = arith.constant 52 : i32
      %get3A_2016 = arith.index_cast %rem3A_185 : i32 to index
      %get3A_2017 = arith.index_cast %get3A_2015 : i32 to index
      %get3A_2018 = arith.constant 0 : index
      %get3A_2019 = tpu.vector_load %arg14[%get3A_2016, %get3A_2017, %get3A_2018] {strides = array<i32>} : memref<2x80x64xf32, #tpu.memory_space<vmem>>, vector<1x1x16xf32>,
      %get3A_2020 = vector.shape_cast %get3A_2019 : vector<1x1x16xf32> to vector<16xf32>
      %mul3A_2021 = arith.mulf %get3A_2020, %get3A_1610 : vector<16xf32>
      %add3A_2022 = arith.addf %add3A_1990, %mul3A_2021 : vector<16xf32>
      %get3A_2023 = arith.constant 52 : i32
      %get3A_2024 = arith.index_cast %rem3A_185 : i32 to index
      %get3A_2025 = arith.index_cast %get3A_2023 : i32 to index
      %get3A_2026 = arith.constant 16 : index
      %get3A_2027 = tpu.vector_load %arg14[%get3A_2024, %get3A_2025, %get3A_2026] {strides = array<i32>} : memref<2x80x64xf32, #tpu.memory_space<vmem>>, vector<1x1x16xf32>,
      %get3A_2028 = vector.shape_cast %get3A_2027 : vector<1x1x16xf32> to vector<16xf32>
      %mul3A_2029 = arith.mulf %get3A_2028, %get3A_1614 : vector<16xf32>
      %add3A_2030 = arith.addf %add3A_1998, %mul3A_2029 : vector<16xf32>
      %get3A_2031 = arith.constant 52 : i32
      %get3A_2032 = arith.index_cast %rem3A_185 : i32 to index
      %get3A_2033 = arith.index_cast %get3A_2031 : i32 to index
      %get3A_2034 = arith.constant 32 : index
      %get3A_2035 = tpu.vector_load %arg14[%get3A_2032, %get3A_2033, %get3A_2034] {strides = array<i32>} : memref<2x80x64xf32, #tpu.memory_space<vmem>>, vector<1x1x16xf32>,
      %get3A_2036 = vector.shape_cast %get3A_2035 : vector<1x1x16xf32> to vector<16xf32>
      %mul3A_2037 = arith.mulf %get3A_2036, %get3A_1618 : vector<16xf32>
      %add3A_2038 = arith.addf %add3A_2006, %mul3A_2037 : vector<16xf32>
      %get3A_2039 = arith.constant 52 : i32
      %get3A_2040 = arith.index_cast %rem3A_185 : i32 to index
      %get3A_2041 = arith.index_cast %get3A_2039 : i32 to index
      %get3A_2042 = arith.constant 48 : index
      %get3A_2043 = tpu.vector_load %arg14[%get3A_2040, %get3A_2041, %get3A_2042] {strides = array<i32>} : memref<2x80x64xf32, #tpu.memory_space<vmem>>, vector<1x1x16xf32>,
      %get3A_2044 = vector.shape_cast %get3A_2043 : vector<1x1x16xf32> to vector<16xf32>
      %mul3A_2045 = arith.mulf %get3A_2044, %get3A_1622 : vector<16xf32>
      %add3A_2046 = arith.addf %add3A_2014, %mul3A_2045 : vector<16xf32>
      %get3A_2047 = arith.constant 53 : i32
      %get3A_2048 = arith.index_cast %rem3A_185 : i32 to index
      %get3A_2049 = arith.index_cast %get3A_2047 : i32 to index
      %get3A_2050 = arith.constant 0 : index
      %get3A_2051 = tpu.vector_load %arg14[%get3A_2048, %get3A_2049, %get3A_2050] {strides = array<i32>} : memref<2x80x64xf32, #tpu.memory_space<vmem>>, vector<1x1x16xf32>,
      %get3A_2052 = vector.shape_cast %get3A_2051 : vector<1x1x16xf32> to vector<16xf32>
      %mul3A_2053 = arith.mulf %get3A_2052, %get3A_1610 : vector<16xf32>
      %add3A_2054 = arith.addf %add3A_2022, %mul3A_2053 : vector<16xf32>
      %get3A_2055 = arith.constant 53 : i32
      %get3A_2056 = arith.index_cast %rem3A_185 : i32 to index
      %get3A_2057 = arith.index_cast %get3A_2055 : i32 to index
      %get3A_2058 = arith.constant 16 : index
      %get3A_2059 = tpu.vector_load %arg14[%get3A_2056, %get3A_2057, %get3A_2058] {strides = array<i32>} : memref<2x80x64xf32, #tpu.memory_space<vmem>>, vector<1x1x16xf32>,
      %get3A_2060 = vector.shape_cast %get3A_2059 : vector<1x1x16xf32> to vector<16xf32>
      %mul3A_2061 = arith.mulf %get3A_2060, %get3A_1614 : vector<16xf32>
      %add3A_2062 = arith.addf %add3A_2030, %mul3A_2061 : vector<16xf32>
      %get3A_2063 = arith.constant 53 : i32
      %get3A_2064 = arith.index_cast %rem3A_185 : i32 to index
      %get3A_2065 = arith.index_cast %get3A_2063 : i32 to index
      %get3A_2066 = arith.constant 32 : index
      %get3A_2067 = tpu.vector_load %arg14[%get3A_2064, %get3A_2065, %get3A_2066] {strides = array<i32>} : memref<2x80x64xf32, #tpu.memory_space<vmem>>, vector<1x1x16xf32>,
      %get3A_2068 = vector.shape_cast %get3A_2067 : vector<1x1x16xf32> to vector<16xf32>
      %mul3A_2069 = arith.mulf %get3A_2068, %get3A_1618 : vector<16xf32>
      %add3A_2070 = arith.addf %add3A_2038, %mul3A_2069 : vector<16xf32>
      %get3A_2071 = arith.constant 53 : i32
      %get3A_2072 = arith.index_cast %rem3A_185 : i32 to index
      %get3A_2073 = arith.index_cast %get3A_2071 : i32 to index
      %get3A_2074 = arith.constant 48 : index
      %get3A_2075 = tpu.vector_load %arg14[%get3A_2072, %get3A_2073, %get3A_2074] {strides = array<i32>} : memref<2x80x64xf32, #tpu.memory_space<vmem>>, vector<1x1x16xf32>,
      %get3A_2076 = vector.shape_cast %get3A_2075 : vector<1x1x16xf32> to vector<16xf32>
      %mul3A_2077 = arith.mulf %get3A_2076, %get3A_1622 : vector<16xf32>
      %add3A_2078 = arith.addf %add3A_2046, %mul3A_2077 : vector<16xf32>
      %get3A_2079 = arith.constant 54 : i32
      %get3A_2080 = arith.index_cast %rem3A_185 : i32 to index
      %get3A_2081 = arith.index_cast %get3A_2079 : i32 to index
      %get3A_2082 = arith.constant 0 : index
      %get3A_2083 = tpu.vector_load %arg14[%get3A_2080, %get3A_2081, %get3A_2082] {strides = array<i32>} : memref<2x80x64xf32, #tpu.memory_space<vmem>>, vector<1x1x16xf32>,
      %get3A_2084 = vector.shape_cast %get3A_2083 : vector<1x1x16xf32> to vector<16xf32>
      %mul3A_2085 = arith.mulf %get3A_2084, %get3A_1610 : vector<16xf32>
      %add3A_2086 = arith.addf %add3A_2054, %mul3A_2085 : vector<16xf32>
      %get3A_2087 = arith.constant 54 : i32
      %get3A_2088 = arith.index_cast %rem3A_185 : i32 to index
      %get3A_2089 = arith.index_cast %get3A_2087 : i32 to index
      %get3A_2090 = arith.constant 16 : index
      %get3A_2091 = tpu.vector_load %arg14[%get3A_2088, %get3A_2089, %get3A_2090] {strides = array<i32>} : memref<2x80x64xf32, #tpu.memory_space<vmem>>, vector<1x1x16xf32>,
      %get3A_2092 = vector.shape_cast %get3A_2091 : vector<1x1x16xf32> to vector<16xf32>
      %mul3A_2093 = arith.mulf %get3A_2092, %get3A_1614 : vector<16xf32>
      %add3A_2094 = arith.addf %add3A_2062, %mul3A_2093 : vector<16xf32>
      %get3A_2095 = arith.constant 54 : i32
      %get3A_2096 = arith.index_cast %rem3A_185 : i32 to index
      %get3A_2097 = arith.index_cast %get3A_2095 : i32 to index
      %get3A_2098 = arith.constant 32 : index
      %get3A_2099 = tpu.vector_load %arg14[%get3A_2096, %get3A_2097, %get3A_2098] {strides = array<i32>} : memref<2x80x64xf32, #tpu.memory_space<vmem>>, vector<1x1x16xf32>,
      %get3A_2100 = vector.shape_cast %get3A_2099 : vector<1x1x16xf32> to vector<16xf32>
      %mul3A_2101 = arith.mulf %get3A_2100, %get3A_1618 : vector<16xf32>
      %add3A_2102 = arith.addf %add3A_2070, %mul3A_2101 : vector<16xf32>
      %get3A_2103 = arith.constant 54 : i32
      %get3A_2104 = arith.index_cast %rem3A_185 : i32 to index
      %get3A_2105 = arith.index_cast %get3A_2103 : i32 to index
      %get3A_2106 = arith.constant 48 : index
      %get3A_2107 = tpu.vector_load %arg14[%get3A_2104, %get3A_2105, %get3A_2106] {strides = array<i32>} : memref<2x80x64xf32, #tpu.memory_space<vmem>>, vector<1x1x16xf32>,
      %get3A_2108 = vector.shape_cast %get3A_2107 : vector<1x1x16xf32> to vector<16xf32>
      %mul3A_2109 = arith.mulf %get3A_2108, %get3A_1622 : vector<16xf32>
      %add3A_2110 = arith.addf %add3A_2078, %mul3A_2109 : vector<16xf32>
      %get3A_2111 = arith.constant 55 : i32
      %get3A_2112 = arith.index_cast %rem3A_185 : i32 to index
      %get3A_2113 = arith.index_cast %get3A_2111 : i32 to index
      %get3A_2114 = arith.constant 0 : index
      %get3A_2115 = tpu.vector_load %arg14[%get3A_2112, %get3A_2113, %get3A_2114] {strides = array<i32>} : memref<2x80x64xf32, #tpu.memory_space<vmem>>, vector<1x1x16xf32>,
      %get3A_2116 = vector.shape_cast %get3A_2115 : vector<1x1x16xf32> to vector<16xf32>
      %mul3A_2117 = arith.mulf %get3A_2116, %get3A_1610 : vector<16xf32>
      %add3A_2118 = arith.addf %add3A_2086, %mul3A_2117 : vector<16xf32>
      %get3A_2119 = arith.constant 55 : i32
      %get3A_2120 = arith.index_cast %rem3A_185 : i32 to index
      %get3A_2121 = arith.index_cast %get3A_2119 : i32 to index
      %get3A_2122 = arith.constant 16 : index
      %get3A_2123 = tpu.vector_load %arg14[%get3A_2120, %get3A_2121, %get3A_2122] {strides = array<i32>} : memref<2x80x64xf32, #tpu.memory_space<vmem>>, vector<1x1x16xf32>,
      %get3A_2124 = vector.shape_cast %get3A_2123 : vector<1x1x16xf32> to vector<16xf32>
      %mul3A_2125 = arith.mulf %get3A_2124, %get3A_1614 : vector<16xf32>
      %add3A_2126 = arith.addf %add3A_2094, %mul3A_2125 : vector<16xf32>
      %get3A_2127 = arith.constant 55 : i32
      %get3A_2128 = arith.index_cast %rem3A_185 : i32 to index
      %get3A_2129 = arith.index_cast %get3A_2127 : i32 to index
      %get3A_2130 = arith.constant 32 : index
      %get3A_2131 = tpu.vector_load %arg14[%get3A_2128, %get3A_2129, %get3A_2130] {strides = array<i32>} : memref<2x80x64xf32, #tpu.memory_space<vmem>>, vector<1x1x16xf32>,
      %get3A_2132 = vector.shape_cast %get3A_2131 : vector<1x1x16xf32> to vector<16xf32>
      %mul3A_2133 = arith.mulf %get3A_2132, %get3A_1618 : vector<16xf32>
      %add3A_2134 = arith.addf %add3A_2102, %mul3A_2133 : vector<16xf32>
      %get3A_2135 = arith.constant 55 : i32
      %get3A_2136 = arith.index_cast %rem3A_185 : i32 to index
      %get3A_2137 = arith.index_cast %get3A_2135 : i32 to index
      %get3A_2138 = arith.constant 48 : index
      %get3A_2139 = tpu.vector_load %arg14[%get3A_2136, %get3A_2137, %get3A_2138] {strides = array<i32>} : memref<2x80x64xf32, #tpu.memory_space<vmem>>, vector<1x1x16xf32>,
      %get3A_2140 = vector.shape_cast %get3A_2139 : vector<1x1x16xf32> to vector<16xf32>
      %mul3A_2141 = arith.mulf %get3A_2140, %get3A_1622 : vector<16xf32>
      %add3A_2142 = arith.addf %add3A_2110, %mul3A_2141 : vector<16xf32>
      %get3A_2143 = arith.constant 56 : i32
      %get3A_2144 = arith.index_cast %rem3A_185 : i32 to index
      %get3A_2145 = arith.index_cast %get3A_2143 : i32 to index
      %get3A_2146 = arith.constant 0 : index
      %get3A_2147 = tpu.vector_load %arg14[%get3A_2144, %get3A_2145, %get3A_2146] {strides = array<i32>} : memref<2x80x64xf32, #tpu.memory_space<vmem>>, vector<1x1x16xf32>,
      %get3A_2148 = vector.shape_cast %get3A_2147 : vector<1x1x16xf32> to vector<16xf32>
      %mul3A_2149 = arith.mulf %get3A_2148, %get3A_1610 : vector<16xf32>
      %add3A_2150 = arith.addf %add3A_2118, %mul3A_2149 : vector<16xf32>
      %get3A_2151 = arith.constant 56 : i32
      %get3A_2152 = arith.index_cast %rem3A_185 : i32 to index
      %get3A_2153 = arith.index_cast %get3A_2151 : i32 to index
      %get3A_2154 = arith.constant 16 : index
      %get3A_2155 = tpu.vector_load %arg14[%get3A_2152, %get3A_2153, %get3A_2154] {strides = array<i32>} : memref<2x80x64xf32, #tpu.memory_space<vmem>>, vector<1x1x16xf32>,
      %get3A_2156 = vector.shape_cast %get3A_2155 : vector<1x1x16xf32> to vector<16xf32>
      %mul3A_2157 = arith.mulf %get3A_2156, %get3A_1614 : vector<16xf32>
      %add3A_2158 = arith.addf %add3A_2126, %mul3A_2157 : vector<16xf32>
      %get3A_2159 = arith.constant 56 : i32
      %get3A_2160 = arith.index_cast %rem3A_185 : i32 to index
      %get3A_2161 = arith.index_cast %get3A_2159 : i32 to index
      %get3A_2162 = arith.constant 32 : index
      %get3A_2163 = tpu.vector_load %arg14[%get3A_2160, %get3A_2161, %get3A_2162] {strides = array<i32>} : memref<2x80x64xf32, #tpu.memory_space<vmem>>, vector<1x1x16xf32>,
      %get3A_2164 = vector.shape_cast %get3A_2163 : vector<1x1x16xf32> to vector<16xf32>
      %mul3A_2165 = arith.mulf %get3A_2164, %get3A_1618 : vector<16xf32>
      %add3A_2166 = arith.addf %add3A_2134, %mul3A_2165 : vector<16xf32>
      %get3A_2167 = arith.constant 56 : i32
      %get3A_2168 = arith.index_cast %rem3A_185 : i32 to index
      %get3A_2169 = arith.index_cast %get3A_2167 : i32 to index
      %get3A_2170 = arith.constant 48 : index
      %get3A_2171 = tpu.vector_load %arg14[%get3A_2168, %get3A_2169, %get3A_2170] {strides = array<i32>} : memref<2x80x64xf32, #tpu.memory_space<vmem>>, vector<1x1x16xf32>,
      %get3A_2172 = vector.shape_cast %get3A_2171 : vector<1x1x16xf32> to vector<16xf32>
      %mul3A_2173 = arith.mulf %get3A_2172, %get3A_1622 : vector<16xf32>
      %add3A_2174 = arith.addf %add3A_2142, %mul3A_2173 : vector<16xf32>
      %get3A_2175 = arith.constant 57 : i32
      %get3A_2176 = arith.index_cast %rem3A_185 : i32 to index
      %get3A_2177 = arith.index_cast %get3A_2175 : i32 to index
      %get3A_2178 = arith.constant 0 : index
      %get3A_2179 = tpu.vector_load %arg14[%get3A_2176, %get3A_2177, %get3A_2178] {strides = array<i32>} : memref<2x80x64xf32, #tpu.memory_space<vmem>>, vector<1x1x16xf32>,
      %get3A_2180 = vector.shape_cast %get3A_2179 : vector<1x1x16xf32> to vector<16xf32>
      %mul3A_2181 = arith.mulf %get3A_2180, %get3A_1610 : vector<16xf32>
      %add3A_2182 = arith.addf %add3A_2150, %mul3A_2181 : vector<16xf32>
      %get3A_2183 = arith.constant 57 : i32
      %get3A_2184 = arith.index_cast %rem3A_185 : i32 to index
      %get3A_2185 = arith.index_cast %get3A_2183 : i32 to index
      %get3A_2186 = arith.constant 16 : index
      %get3A_2187 = tpu.vector_load %arg14[%get3A_2184, %get3A_2185, %get3A_2186] {strides = array<i32>} : memref<2x80x64xf32, #tpu.memory_space<vmem>>, vector<1x1x16xf32>,
      %get3A_2188 = vector.shape_cast %get3A_2187 : vector<1x1x16xf32> to vector<16xf32>
      %mul3A_2189 = arith.mulf %get3A_2188, %get3A_1614 : vector<16xf32>
      %add3A_2190 = arith.addf %add3A_2158, %mul3A_2189 : vector<16xf32>
      %get3A_2191 = arith.constant 57 : i32
      %get3A_2192 = arith.index_cast %rem3A_185 : i32 to index
      %get3A_2193 = arith.index_cast %get3A_2191 : i32 to index
      %get3A_2194 = arith.constant 32 : index
      %get3A_2195 = tpu.vector_load %arg14[%get3A_2192, %get3A_2193, %get3A_2194] {strides = array<i32>} : memref<2x80x64xf32, #tpu.memory_space<vmem>>, vector<1x1x16xf32>,
      %get3A_2196 = vector.shape_cast %get3A_2195 : vector<1x1x16xf32> to vector<16xf32>
      %mul3A_2197 = arith.mulf %get3A_2196, %get3A_1618 : vector<16xf32>
      %add3A_2198 = arith.addf %add3A_2166, %mul3A_2197 : vector<16xf32>
      %get3A_2199 = arith.constant 57 : i32
      %get3A_2200 = arith.index_cast %rem3A_185 : i32 to index
      %get3A_2201 = arith.index_cast %get3A_2199 : i32 to index
      %get3A_2202 = arith.constant 48 : index
      %get3A_2203 = tpu.vector_load %arg14[%get3A_2200, %get3A_2201, %get3A_2202] {strides = array<i32>} : memref<2x80x64xf32, #tpu.memory_space<vmem>>, vector<1x1x16xf32>,
      %get3A_2204 = vector.shape_cast %get3A_2203 : vector<1x1x16xf32> to vector<16xf32>
      %mul3A_2205 = arith.mulf %get3A_2204, %get3A_1622 : vector<16xf32>
      %add3A_2206 = arith.addf %add3A_2174, %mul3A_2205 : vector<16xf32>
      %get3A_2207 = arith.constant 58 : i32
      %get3A_2208 = arith.index_cast %rem3A_185 : i32 to index
      %get3A_2209 = arith.index_cast %get3A_2207 : i32 to index
      %get3A_2210 = arith.constant 0 : index
      %get3A_2211 = tpu.vector_load %arg14[%get3A_2208, %get3A_2209, %get3A_2210] {strides = array<i32>} : memref<2x80x64xf32, #tpu.memory_space<vmem>>, vector<1x1x16xf32>,
      %get3A_2212 = vector.shape_cast %get3A_2211 : vector<1x1x16xf32> to vector<16xf32>
      %mul3A_2213 = arith.mulf %get3A_2212, %get3A_1610 : vector<16xf32>
      %add3A_2214 = arith.addf %add3A_2182, %mul3A_2213 : vector<16xf32>
      %get3A_2215 = arith.constant 58 : i32
      %get3A_2216 = arith.index_cast %rem3A_185 : i32 to index
      %get3A_2217 = arith.index_cast %get3A_2215 : i32 to index
      %get3A_2218 = arith.constant 16 : index
      %get3A_2219 = tpu.vector_load %arg14[%get3A_2216, %get3A_2217, %get3A_2218] {strides = array<i32>} : memref<2x80x64xf32, #tpu.memory_space<vmem>>, vector<1x1x16xf32>,
      %get3A_2220 = vector.shape_cast %get3A_2219 : vector<1x1x16xf32> to vector<16xf32>
      %mul3A_2221 = arith.mulf %get3A_2220, %get3A_1614 : vector<16xf32>
      %add3A_2222 = arith.addf %add3A_2190, %mul3A_2221 : vector<16xf32>
      %get3A_2223 = arith.constant 58 : i32
      %get3A_2224 = arith.index_cast %rem3A_185 : i32 to index
      %get3A_2225 = arith.index_cast %get3A_2223 : i32 to index
      %get3A_2226 = arith.constant 32 : index
      %get3A_2227 = tpu.vector_load %arg14[%get3A_2224, %get3A_2225, %get3A_2226] {strides = array<i32>} : memref<2x80x64xf32, #tpu.memory_space<vmem>>, vector<1x1x16xf32>,
      %get3A_2228 = vector.shape_cast %get3A_2227 : vector<1x1x16xf32> to vector<16xf32>
      %mul3A_2229 = arith.mulf %get3A_2228, %get3A_1618 : vector<16xf32>
      %add3A_2230 = arith.addf %add3A_2198, %mul3A_2229 : vector<16xf32>
      %get3A_2231 = arith.constant 58 : i32
      %get3A_2232 = arith.index_cast %rem3A_185 : i32 to index
      %get3A_2233 = arith.index_cast %get3A_2231 : i32 to index
      %get3A_2234 = arith.constant 48 : index
      %get3A_2235 = tpu.vector_load %arg14[%get3A_2232, %get3A_2233, %get3A_2234] {strides = array<i32>} : memref<2x80x64xf32, #tpu.memory_space<vmem>>, vector<1x1x16xf32>,
      %get3A_2236 = vector.shape_cast %get3A_2235 : vector<1x1x16xf32> to vector<16xf32>
      %mul3A_2237 = arith.mulf %get3A_2236, %get3A_1622 : vector<16xf32>
      %add3A_2238 = arith.addf %add3A_2206, %mul3A_2237 : vector<16xf32>
      %get3A_2239 = arith.constant 59 : i32
      %get3A_2240 = arith.index_cast %rem3A_185 : i32 to index
      %get3A_2241 = arith.index_cast %get3A_2239 : i32 to index
      %get3A_2242 = arith.constant 0 : index
      %get3A_2243 = tpu.vector_load %arg14[%get3A_2240, %get3A_2241, %get3A_2242] {strides = array<i32>} : memref<2x80x64xf32, #tpu.memory_space<vmem>>, vector<1x1x16xf32>,
      %get3A_2244 = vector.shape_cast %get3A_2243 : vector<1x1x16xf32> to vector<16xf32>
      %mul3A_2245 = arith.mulf %get3A_2244, %get3A_1610 : vector<16xf32>
      %add3A_2246 = arith.addf %add3A_2214, %mul3A_2245 : vector<16xf32>
      %get3A_2247 = arith.constant 59 : i32
      %get3A_2248 = arith.index_cast %rem3A_185 : i32 to index
      %get3A_2249 = arith.index_cast %get3A_2247 : i32 to index
      %get3A_2250 = arith.constant 16 : index
      %get3A_2251 = tpu.vector_load %arg14[%get3A_2248, %get3A_2249, %get3A_2250] {strides = array<i32>} : memref<2x80x64xf32, #tpu.memory_space<vmem>>, vector<1x1x16xf32>,
      %get3A_2252 = vector.shape_cast %get3A_2251 : vector<1x1x16xf32> to vector<16xf32>
      %mul3A_2253 = arith.mulf %get3A_2252, %get3A_1614 : vector<16xf32>
      %add3A_2254 = arith.addf %add3A_2222, %mul3A_2253 : vector<16xf32>
      %get3A_2255 = arith.constant 59 : i32
      %get3A_2256 = arith.index_cast %rem3A_185 : i32 to index
      %get3A_2257 = arith.index_cast %get3A_2255 : i32 to index
      %get3A_2258 = arith.constant 32 : index
      %get3A_2259 = tpu.vector_load %arg14[%get3A_2256, %get3A_2257, %get3A_2258] {strides = array<i32>} : memref<2x80x64xf32, #tpu.memory_space<vmem>>, vector<1x1x16xf32>,
      %get3A_2260 = vector.shape_cast %get3A_2259 : vector<1x1x16xf32> to vector<16xf32>
      %mul3A_2261 = arith.mulf %get3A_2260, %get3A_1618 : vector<16xf32>
      %add3A_2262 = arith.addf %add3A_2230, %mul3A_2261 : vector<16xf32>
      %get3A_2263 = arith.constant 59 : i32
      %get3A_2264 = arith.index_cast %rem3A_185 : i32 to index
      %get3A_2265 = arith.index_cast %get3A_2263 : i32 to index
      %get3A_2266 = arith.constant 48 : index
      %get3A_2267 = tpu.vector_load %arg14[%get3A_2264, %get3A_2265, %get3A_2266] {strides = array<i32>} : memref<2x80x64xf32, #tpu.memory_space<vmem>>, vector<1x1x16xf32>,
      %get3A_2268 = vector.shape_cast %get3A_2267 : vector<1x1x16xf32> to vector<16xf32>
      %mul3A_2269 = arith.mulf %get3A_2268, %get3A_1622 : vector<16xf32>
      %add3A_2270 = arith.addf %add3A_2238, %mul3A_2269 : vector<16xf32>
      %add3A_2271 = arith.addf %add3A_2246, %add3A_2254 : vector<16xf32>
      %add3A_2272 = arith.addf %add3A_2271, %add3A_2262 : vector<16xf32>
      %add3A_2273 = arith.addf %add3A_2272, %add3A_2270 : vector<16xf32>
      %swap3A_2274 = arith.index_cast %add3A_1606 : i32 to index
      %swap3A_2275 = arith.constant 0 : index
      %swap3A_2276 = tpu.vector_load %arg16[%swap3A_2274, %swap3A_2275] {strides = array<i32>} : memref<512x16xf32, #tpu.memory_space<vmem>>, vector<1x16xf32>,
      %swap3A_2277 = vector.shape_cast %swap3A_2276 : vector<1x16xf32> to vector<16xf32>
      %swap3A_2278 = vector.shape_cast %add3A_2273 : vector<16xf32> to vector<1x16xf32>
      tpu.vector_store %arg16[%swap3A_2274, %swap3A_2275], %swap3A_2278 {strides = array<i32>} : memref<512x16xf32, #tpu.memory_space<vmem>>, vector<1x16xf32>,
      %get3A_2279 = arith.index_cast %add3A_1606 : i32 to index
      %get3A_2280 = arith.constant 0 : index
      %get3A_2281 = tpu.vector_load %arg13[%get3A_2279, %get3A_2280] {strides = array<i32>} : memref<512x64xf32, #tpu.memory_space<vmem>>, vector<1x16xf32>,
      %get3A_2282 = vector.shape_cast %get3A_2281 : vector<1x16xf32> to vector<16xf32>
      %get3A_2283 = arith.index_cast %add3A_1606 : i32 to index
      %get3A_2284 = arith.constant 16 : index
      %get3A_2285 = tpu.vector_load %arg13[%get3A_2283, %get3A_2284] {strides = array<i32>} : memref<512x64xf32, #tpu.memory_space<vmem>>, vector<1x16xf32>,
      %get3A_2286 = vector.shape_cast %get3A_2285 : vector<1x16xf32> to vector<16xf32>
      %get3A_2287 = arith.index_cast %add3A_1606 : i32 to index
      %get3A_2288 = arith.constant 32 : index
      %get3A_2289 = tpu.vector_load %arg13[%get3A_2287, %get3A_2288] {strides = array<i32>} : memref<512x64xf32, #tpu.memory_space<vmem>>, vector<1x16xf32>,
      %get3A_2290 = vector.shape_cast %get3A_2289 : vector<1x16xf32> to vector<16xf32>
      %get3A_2291 = arith.index_cast %add3A_1606 : i32 to index
      %get3A_2292 = arith.constant 48 : index
      %get3A_2293 = tpu.vector_load %arg13[%get3A_2291, %get3A_2292] {strides = array<i32>} : memref<512x64xf32, #tpu.memory_space<vmem>>, vector<1x16xf32>,
      %get3A_2294 = vector.shape_cast %get3A_2293 : vector<1x16xf32> to vector<16xf32>
      %mul3A_2295 = arith.mulf %get3A_2282, %get3A_1610 : vector<16xf32>
      %mul3A_2296 = arith.mulf %get3A_2286, %get3A_1614 : vector<16xf32>
      %add3A_2297 = arith.addf %mul3A_2295, %mul3A_2296 : vector<16xf32>
      %mul3A_2298 = arith.mulf %get3A_2290, %get3A_1618 : vector<16xf32>
      %add3A_2299 = arith.addf %add3A_2297, %mul3A_2298 : vector<16xf32>
      %mul3A_2300 = arith.mulf %get3A_2294, %get3A_1622 : vector<16xf32>
      %add3A_2301 = arith.addf %add3A_2299, %mul3A_2300 : vector<16xf32>
      %swap3A_2302 = arith.index_cast %add3A_1606 : i32 to index
      %swap3A_2303 = arith.constant 0 : index
      %swap3A_2304 = tpu.vector_load %arg15[%swap3A_2302, %swap3A_2303] {strides = array<i32>} : memref<512x16xf32, #tpu.memory_space<vmem>>, vector<1x16xf32>,
      %swap3A_2305 = vector.shape_cast %swap3A_2304 : vector<1x16xf32> to vector<16xf32>
      %swap3A_2306 = vector.shape_cast %add3A_2301 : vector<16xf32> to vector<1x16xf32>
      tpu.vector_store %arg15[%swap3A_2302, %swap3A_2303], %swap3A_2306 {strides = array<i32>} : memref<512x16xf32, #tpu.memory_space<vmem>>, vector<1x16xf32>,
      %mul3A_2307 = arith.constant 4 : i32
      %mul3A_2308 = arith.muli %scan3A_184, %mul3A_2307 : i32
      %add3A_2309 = arith.constant 3 : i32
      %add3A_2310 = arith.addi %mul3A_2308, %add3A_2309 : i32
      %get3A_2311 = arith.index_cast %add3A_2310 : i32 to index
      %get3A_2312 = arith.constant 0 : index
      %get3A_2313 = tpu.vector_load %arg12[%get3A_2311, %get3A_2312] {strides = array<i32>} : memref<512x64xf32, #tpu.memory_space<vmem>>, vector<1x16xf32>,
      %get3A_2314 = vector.shape_cast %get3A_2313 : vector<1x16xf32> to vector<16xf32>
      %get3A_2315 = arith.index_cast %add3A_2310 : i32 to index
      %get3A_2316 = arith.constant 16 : index
      %get3A_2317 = tpu.vector_load %arg12[%get3A_2315, %get3A_2316] {strides = array<i32>} : memref<512x64xf32, #tpu.memory_space<vmem>>, vector<1x16xf32>,
      %get3A_2318 = vector.shape_cast %get3A_2317 : vector<1x16xf32> to vector<16xf32>
      %get3A_2319 = arith.index_cast %add3A_2310 : i32 to index
      %get3A_2320 = arith.constant 32 : index
      %get3A_2321 = tpu.vector_load %arg12[%get3A_2319, %get3A_2320] {strides = array<i32>} : memref<512x64xf32, #tpu.memory_space<vmem>>, vector<1x16xf32>,
      %get3A_2322 = vector.shape_cast %get3A_2321 : vector<1x16xf32> to vector<16xf32>
      %get3A_2323 = arith.index_cast %add3A_2310 : i32 to index
      %get3A_2324 = arith.constant 48 : index
      %get3A_2325 = tpu.vector_load %arg12[%get3A_2323, %get3A_2324] {strides = array<i32>} : memref<512x64xf32, #tpu.memory_space<vmem>>, vector<1x16xf32>,
      %get3A_2326 = vector.shape_cast %get3A_2325 : vector<1x16xf32> to vector<16xf32>
      %broadcast_in_dim3A_2327 = arith.constant 0.000000e+00 : f32
      %broadcast_in_dim3A_2328 = vector.broadcast %broadcast_in_dim3A_2327 : f32 to vector<16xf32>
      %broadcast_in_dim3A_2329 = arith.constant 0.000000e+00 : f32
      %broadcast_in_dim3A_2330 = vector.broadcast %broadcast_in_dim3A_2329 : f32 to vector<16xf32>
      %broadcast_in_dim3A_2331 = arith.constant 0.000000e+00 : f32
      %broadcast_in_dim3A_2332 = vector.broadcast %broadcast_in_dim3A_2331 : f32 to vector<16xf32>
      %broadcast_in_dim3A_2333 = arith.constant 0.000000e+00 : f32
      %broadcast_in_dim3A_2334 = vector.broadcast %broadcast_in_dim3A_2333 : f32 to vector<16xf32>
      %get3A_2335 = arith.constant 60 : i32
      %get3A_2336 = arith.index_cast %rem3A_185 : i32 to index
      %get3A_2337 = arith.index_cast %get3A_2335 : i32 to index
      %get3A_2338 = arith.constant 0 : index
      %get3A_2339 = tpu.vector_load %arg14[%get3A_2336, %get3A_2337, %get3A_2338] {strides = array<i32>} : memref<2x80x64xf32, #tpu.memory_space<vmem>>, vector<1x1x16xf32>,
      %get3A_2340 = vector.shape_cast %get3A_2339 : vector<1x1x16xf32> to vector<16xf32>
      %mul3A_2341 = arith.mulf %get3A_2340, %get3A_2314 : vector<16xf32>
      %add3A_2342 = arith.addf %broadcast_in_dim3A_2328, %mul3A_2341 : vector<16xf32>
      %get3A_2343 = arith.constant 60 : i32
      %get3A_2344 = arith.index_cast %rem3A_185 : i32 to index
      %get3A_2345 = arith.index_cast %get3A_2343 : i32 to index
      %get3A_2346 = arith.constant 16 : index
      %get3A_2347 = tpu.vector_load %arg14[%get3A_2344, %get3A_2345, %get3A_2346] {strides = array<i32>} : memref<2x80x64xf32, #tpu.memory_space<vmem>>, vector<1x1x16xf32>,
      %get3A_2348 = vector.shape_cast %get3A_2347 : vector<1x1x16xf32> to vector<16xf32>
      %mul3A_2349 = arith.mulf %get3A_2348, %get3A_2318 : vector<16xf32>
      %add3A_2350 = arith.addf %broadcast_in_dim3A_2330, %mul3A_2349 : vector<16xf32>
      %get3A_2351 = arith.constant 60 : i32
      %get3A_2352 = arith.index_cast %rem3A_185 : i32 to index
      %get3A_2353 = arith.index_cast %get3A_2351 : i32 to index
      %get3A_2354 = arith.constant 32 : index
      %get3A_2355 = tpu.vector_load %arg14[%get3A_2352, %get3A_2353, %get3A_2354] {strides = array<i32>} : memref<2x80x64xf32, #tpu.memory_space<vmem>>, vector<1x1x16xf32>,
      %get3A_2356 = vector.shape_cast %get3A_2355 : vector<1x1x16xf32> to vector<16xf32>
      %mul3A_2357 = arith.mulf %get3A_2356, %get3A_2322 : vector<16xf32>
      %add3A_2358 = arith.addf %broadcast_in_dim3A_2332, %mul3A_2357 : vector<16xf32>
      %get3A_2359 = arith.constant 60 : i32
      %get3A_2360 = arith.index_cast %rem3A_185 : i32 to index
      %get3A_2361 = arith.index_cast %get3A_2359 : i32 to index
      %get3A_2362 = arith.constant 48 : index
      %get3A_2363 = tpu.vector_load %arg14[%get3A_2360, %get3A_2361, %get3A_2362] {strides = array<i32>} : memref<2x80x64xf32, #tpu.memory_space<vmem>>, vector<1x1x16xf32>,
      %get3A_2364 = vector.shape_cast %get3A_2363 : vector<1x1x16xf32> to vector<16xf32>
      %mul3A_2365 = arith.mulf %get3A_2364, %get3A_2326 : vector<16xf32>
      %add3A_2366 = arith.addf %broadcast_in_dim3A_2334, %mul3A_2365 : vector<16xf32>
      %get3A_2367 = arith.constant 61 : i32
      %get3A_2368 = arith.index_cast %rem3A_185 : i32 to index
      %get3A_2369 = arith.index_cast %get3A_2367 : i32 to index
      %get3A_2370 = arith.constant 0 : index
      %get3A_2371 = tpu.vector_load %arg14[%get3A_2368, %get3A_2369, %get3A_2370] {strides = array<i32>} : memref<2x80x64xf32, #tpu.memory_space<vmem>>, vector<1x1x16xf32>,
      %get3A_2372 = vector.shape_cast %get3A_2371 : vector<1x1x16xf32> to vector<16xf32>
      %mul3A_2373 = arith.mulf %get3A_2372, %get3A_2314 : vector<16xf32>
      %add3A_2374 = arith.addf %add3A_2342, %mul3A_2373 : vector<16xf32>
      %get3A_2375 = arith.constant 61 : i32
      %get3A_2376 = arith.index_cast %rem3A_185 : i32 to index
      %get3A_2377 = arith.index_cast %get3A_2375 : i32 to index
      %get3A_2378 = arith.constant 16 : index
      %get3A_2379 = tpu.vector_load %arg14[%get3A_2376, %get3A_2377, %get3A_2378] {strides = array<i32>} : memref<2x80x64xf32, #tpu.memory_space<vmem>>, vector<1x1x16xf32>,
      %get3A_2380 = vector.shape_cast %get3A_2379 : vector<1x1x16xf32> to vector<16xf32>
      %mul3A_2381 = arith.mulf %get3A_2380, %get3A_2318 : vector<16xf32>
      %add3A_2382 = arith.addf %add3A_2350, %mul3A_2381 : vector<16xf32>
      %get3A_2383 = arith.constant 61 : i32
      %get3A_2384 = arith.index_cast %rem3A_185 : i32 to index
      %get3A_2385 = arith.index_cast %get3A_2383 : i32 to index
      %get3A_2386 = arith.constant 32 : index
      %get3A_2387 = tpu.vector_load %arg14[%get3A_2384, %get3A_2385, %get3A_2386] {strides = array<i32>} : memref<2x80x64xf32, #tpu.memory_space<vmem>>, vector<1x1x16xf32>,
      %get3A_2388 = vector.shape_cast %get3A_2387 : vector<1x1x16xf32> to vector<16xf32>
      %mul3A_2389 = arith.mulf %get3A_2388, %get3A_2322 : vector<16xf32>
      %add3A_2390 = arith.addf %add3A_2358, %mul3A_2389 : vector<16xf32>
      %get3A_2391 = arith.constant 61 : i32
      %get3A_2392 = arith.index_cast %rem3A_185 : i32 to index
      %get3A_2393 = arith.index_cast %get3A_2391 : i32 to index
      %get3A_2394 = arith.constant 48 : index
      %get3A_2395 = tpu.vector_load %arg14[%get3A_2392, %get3A_2393, %get3A_2394] {strides = array<i32>} : memref<2x80x64xf32, #tpu.memory_space<vmem>>, vector<1x1x16xf32>,
      %get3A_2396 = vector.shape_cast %get3A_2395 : vector<1x1x16xf32> to vector<16xf32>
      %mul3A_2397 = arith.mulf %get3A_2396, %get3A_2326 : vector<16xf32>
      %add3A_2398 = arith.addf %add3A_2366, %mul3A_2397 : vector<16xf32>
      %get3A_2399 = arith.constant 62 : i32
      %get3A_2400 = arith.index_cast %rem3A_185 : i32 to index
      %get3A_2401 = arith.index_cast %get3A_2399 : i32 to index
      %get3A_2402 = arith.constant 0 : index
      %get3A_2403 = tpu.vector_load %arg14[%get3A_2400, %get3A_2401, %get3A_2402] {strides = array<i32>} : memref<2x80x64xf32, #tpu.memory_space<vmem>>, vector<1x1x16xf32>,
      %get3A_2404 = vector.shape_cast %get3A_2403 : vector<1x1x16xf32> to vector<16xf32>
      %mul3A_2405 = arith.mulf %get3A_2404, %get3A_2314 : vector<16xf32>
      %add3A_2406 = arith.addf %add3A_2374, %mul3A_2405 : vector<16xf32>
      %get3A_2407 = arith.constant 62 : i32
      %get3A_2408 = arith.index_cast %rem3A_185 : i32 to index
      %get3A_2409 = arith.index_cast %get3A_2407 : i32 to index
      %get3A_2410 = arith.constant 16 : index
      %get3A_2411 = tpu.vector_load %arg14[%get3A_2408, %get3A_2409, %get3A_2410] {strides = array<i32>} : memref<2x80x64xf32, #tpu.memory_space<vmem>>, vector<1x1x16xf32>,
      %get3A_2412 = vector.shape_cast %get3A_2411 : vector<1x1x16xf32> to vector<16xf32>
      %mul3A_2413 = arith.mulf %get3A_2412, %get3A_2318 : vector<16xf32>
      %add3A_2414 = arith.addf %add3A_2382, %mul3A_2413 : vector<16xf32>
      %get3A_2415 = arith.constant 62 : i32
      %get3A_2416 = arith.index_cast %rem3A_185 : i32 to index
      %get3A_2417 = arith.index_cast %get3A_2415 : i32 to index
      %get3A_2418 = arith.constant 32 : index
      %get3A_2419 = tpu.vector_load %arg14[%get3A_2416, %get3A_2417, %get3A_2418] {strides = array<i32>} : memref<2x80x64xf32, #tpu.memory_space<vmem>>, vector<1x1x16xf32>,
      %get3A_2420 = vector.shape_cast %get3A_2419 : vector<1x1x16xf32> to vector<16xf32>
      %mul3A_2421 = arith.mulf %get3A_2420, %get3A_2322 : vector<16xf32>
      %add3A_2422 = arith.addf %add3A_2390, %mul3A_2421 : vector<16xf32>
      %get3A_2423 = arith.constant 62 : i32
      %get3A_2424 = arith.index_cast %rem3A_185 : i32 to index
      %get3A_2425 = arith.index_cast %get3A_2423 : i32 to index
      %get3A_2426 = arith.constant 48 : index
      %get3A_2427 = tpu.vector_load %arg14[%get3A_2424, %get3A_2425, %get3A_2426] {strides = array<i32>} : memref<2x80x64xf32, #tpu.memory_space<vmem>>, vector<1x1x16xf32>,
      %get3A_2428 = vector.shape_cast %get3A_2427 : vector<1x1x16xf32> to vector<16xf32>
      %mul3A_2429 = arith.mulf %get3A_2428, %get3A_2326 : vector<16xf32>
      %add3A_2430 = arith.addf %add3A_2398, %mul3A_2429 : vector<16xf32>
      %get3A_2431 = arith.constant 63 : i32
      %get3A_2432 = arith.index_cast %rem3A_185 : i32 to index
      %get3A_2433 = arith.index_cast %get3A_2431 : i32 to index
      %get3A_2434 = arith.constant 0 : index
      %get3A_2435 = tpu.vector_load %arg14[%get3A_2432, %get3A_2433, %get3A_2434] {strides = array<i32>} : memref<2x80x64xf32, #tpu.memory_space<vmem>>, vector<1x1x16xf32>,
      %get3A_2436 = vector.shape_cast %get3A_2435 : vector<1x1x16xf32> to vector<16xf32>
      %mul3A_2437 = arith.mulf %get3A_2436, %get3A_2314 : vector<16xf32>
      %add3A_2438 = arith.addf %add3A_2406, %mul3A_2437 : vector<16xf32>
      %get3A_2439 = arith.constant 63 : i32
      %get3A_2440 = arith.index_cast %rem3A_185 : i32 to index
      %get3A_2441 = arith.index_cast %get3A_2439 : i32 to index
      %get3A_2442 = arith.constant 16 : index
      %get3A_2443 = tpu.vector_load %arg14[%get3A_2440, %get3A_2441, %get3A_2442] {strides = array<i32>} : memref<2x80x64xf32, #tpu.memory_space<vmem>>, vector<1x1x16xf32>,
      %get3A_2444 = vector.shape_cast %get3A_2443 : vector<1x1x16xf32> to vector<16xf32>
      %mul3A_2445 = arith.mulf %get3A_2444, %get3A_2318 : vector<16xf32>
      %add3A_2446 = arith.addf %add3A_2414, %mul3A_2445 : vector<16xf32>
      %get3A_2447 = arith.constant 63 : i32
      %get3A_2448 = arith.index_cast %rem3A_185 : i32 to index
      %get3A_2449 = arith.index_cast %get3A_2447 : i32 to index
      %get3A_2450 = arith.constant 32 : index
      %get3A_2451 = tpu.vector_load %arg14[%get3A_2448, %get3A_2449, %get3A_2450] {strides = array<i32>} : memref<2x80x64xf32, #tpu.memory_space<vmem>>, vector<1x1x16xf32>,
      %get3A_2452 = vector.shape_cast %get3A_2451 : vector<1x1x16xf32> to vector<16xf32>
      %mul3A_2453 = arith.mulf %get3A_2452, %get3A_2322 : vector<16xf32>
      %add3A_2454 = arith.addf %add3A_2422, %mul3A_2453 : vector<16xf32>
      %get3A_2455 = arith.constant 63 : i32
      %get3A_2456 = arith.index_cast %rem3A_185 : i32 to index
      %get3A_2457 = arith.index_cast %get3A_2455 : i32 to index
      %get3A_2458 = arith.constant 48 : index
      %get3A_2459 = tpu.vector_load %arg14[%get3A_2456, %get3A_2457, %get3A_2458] {strides = array<i32>} : memref<2x80x64xf32, #tpu.memory_space<vmem>>, vector<1x1x16xf32>,
      %get3A_2460 = vector.shape_cast %get3A_2459 : vector<1x1x16xf32> to vector<16xf32>
      %mul3A_2461 = arith.mulf %get3A_2460, %get3A_2326 : vector<16xf32>
      %add3A_2462 = arith.addf %add3A_2430, %mul3A_2461 : vector<16xf32>
      %get3A_2463 = arith.constant 64 : i32
      %get3A_2464 = arith.index_cast %rem3A_185 : i32 to index
      %get3A_2465 = arith.index_cast %get3A_2463 : i32 to index
      %get3A_2466 = arith.constant 0 : index
      %get3A_2467 = tpu.vector_load %arg14[%get3A_2464, %get3A_2465, %get3A_2466] {strides = array<i32>} : memref<2x80x64xf32, #tpu.memory_space<vmem>>, vector<1x1x16xf32>,
      %get3A_2468 = vector.shape_cast %get3A_2467 : vector<1x1x16xf32> to vector<16xf32>
      %mul3A_2469 = arith.mulf %get3A_2468, %get3A_2314 : vector<16xf32>
      %add3A_2470 = arith.addf %add3A_2438, %mul3A_2469 : vector<16xf32>
      %get3A_2471 = arith.constant 64 : i32
      %get3A_2472 = arith.index_cast %rem3A_185 : i32 to index
      %get3A_2473 = arith.index_cast %get3A_2471 : i32 to index
      %get3A_2474 = arith.constant 16 : index
      %get3A_2475 = tpu.vector_load %arg14[%get3A_2472, %get3A_2473, %get3A_2474] {strides = array<i32>} : memref<2x80x64xf32, #tpu.memory_space<vmem>>, vector<1x1x16xf32>,
      %get3A_2476 = vector.shape_cast %get3A_2475 : vector<1x1x16xf32> to vector<16xf32>
      %mul3A_2477 = arith.mulf %get3A_2476, %get3A_2318 : vector<16xf32>
      %add3A_2478 = arith.addf %add3A_2446, %mul3A_2477 : vector<16xf32>
      %get3A_2479 = arith.constant 64 : i32
      %get3A_2480 = arith.index_cast %rem3A_185 : i32 to index
      %get3A_2481 = arith.index_cast %get3A_2479 : i32 to index
      %get3A_2482 = arith.constant 32 : index
      %get3A_2483 = tpu.vector_load %arg14[%get3A_2480, %get3A_2481, %get3A_2482] {strides = array<i32>} : memref<2x80x64xf32, #tpu.memory_space<vmem>>, vector<1x1x16xf32>,
      %get3A_2484 = vector.shape_cast %get3A_2483 : vector<1x1x16xf32> to vector<16xf32>
      %mul3A_2485 = arith.mulf %get3A_2484, %get3A_2322 : vector<16xf32>
      %add3A_2486 = arith.addf %add3A_2454, %mul3A_2485 : vector<16xf32>
      %get3A_2487 = arith.constant 64 : i32
      %get3A_2488 = arith.index_cast %rem3A_185 : i32 to index
      %get3A_2489 = arith.index_cast %get3A_2487 : i32 to index
      %get3A_2490 = arith.constant 48 : index
      %get3A_2491 = tpu.vector_load %arg14[%get3A_2488, %get3A_2489, %get3A_2490] {strides = array<i32>} : memref<2x80x64xf32, #tpu.memory_space<vmem>>, vector<1x1x16xf32>,
      %get3A_2492 = vector.shape_cast %get3A_2491 : vector<1x1x16xf32> to vector<16xf32>
      %mul3A_2493 = arith.mulf %get3A_2492, %get3A_2326 : vector<16xf32>
      %add3A_2494 = arith.addf %add3A_2462, %mul3A_2493 : vector<16xf32>
      %get3A_2495 = arith.constant 65 : i32
      %get3A_2496 = arith.index_cast %rem3A_185 : i32 to index
      %get3A_2497 = arith.index_cast %get3A_2495 : i32 to index
      %get3A_2498 = arith.constant 0 : index
      %get3A_2499 = tpu.vector_load %arg14[%get3A_2496, %get3A_2497, %get3A_2498] {strides = array<i32>} : memref<2x80x64xf32, #tpu.memory_space<vmem>>, vector<1x1x16xf32>,
      %get3A_2500 = vector.shape_cast %get3A_2499 : vector<1x1x16xf32> to vector<16xf32>
      %mul3A_2501 = arith.mulf %get3A_2500, %get3A_2314 : vector<16xf32>
      %add3A_2502 = arith.addf %add3A_2470, %mul3A_2501 : vector<16xf32>
      %get3A_2503 = arith.constant 65 : i32
      %get3A_2504 = arith.index_cast %rem3A_185 : i32 to index
      %get3A_2505 = arith.index_cast %get3A_2503 : i32 to index
      %get3A_2506 = arith.constant 16 : index
      %get3A_2507 = tpu.vector_load %arg14[%get3A_2504, %get3A_2505, %get3A_2506] {strides = array<i32>} : memref<2x80x64xf32, #tpu.memory_space<vmem>>, vector<1x1x16xf32>,
      %get3A_2508 = vector.shape_cast %get3A_2507 : vector<1x1x16xf32> to vector<16xf32>
      %mul3A_2509 = arith.mulf %get3A_2508, %get3A_2318 : vector<16xf32>
      %add3A_2510 = arith.addf %add3A_2478, %mul3A_2509 : vector<16xf32>
      %get3A_2511 = arith.constant 65 : i32
      %get3A_2512 = arith.index_cast %rem3A_185 : i32 to index
      %get3A_2513 = arith.index_cast %get3A_2511 : i32 to index
      %get3A_2514 = arith.constant 32 : index
      %get3A_2515 = tpu.vector_load %arg14[%get3A_2512, %get3A_2513, %get3A_2514] {strides = array<i32>} : memref<2x80x64xf32, #tpu.memory_space<vmem>>, vector<1x1x16xf32>,
      %get3A_2516 = vector.shape_cast %get3A_2515 : vector<1x1x16xf32> to vector<16xf32>
      %mul3A_2517 = arith.mulf %get3A_2516, %get3A_2322 : vector<16xf32>
      %add3A_2518 = arith.addf %add3A_2486, %mul3A_2517 : vector<16xf32>
      %get3A_2519 = arith.constant 65 : i32
      %get3A_2520 = arith.index_cast %rem3A_185 : i32 to index
      %get3A_2521 = arith.index_cast %get3A_2519 : i32 to index
      %get3A_2522 = arith.constant 48 : index
      %get3A_2523 = tpu.vector_load %arg14[%get3A_2520, %get3A_2521, %get3A_2522] {strides = array<i32>} : memref<2x80x64xf32, #tpu.memory_space<vmem>>, vector<1x1x16xf32>,
      %get3A_2524 = vector.shape_cast %get3A_2523 : vector<1x1x16xf32> to vector<16xf32>
      %mul3A_2525 = arith.mulf %get3A_2524, %get3A_2326 : vector<16xf32>
      %add3A_2526 = arith.addf %add3A_2494, %mul3A_2525 : vector<16xf32>
      %get3A_2527 = arith.constant 66 : i32
      %get3A_2528 = arith.index_cast %rem3A_185 : i32 to index
      %get3A_2529 = arith.index_cast %get3A_2527 : i32 to index
      %get3A_2530 = arith.constant 0 : index
      %get3A_2531 = tpu.vector_load %arg14[%get3A_2528, %get3A_2529, %get3A_2530] {strides = array<i32>} : memref<2x80x64xf32, #tpu.memory_space<vmem>>, vector<1x1x16xf32>,
      %get3A_2532 = vector.shape_cast %get3A_2531 : vector<1x1x16xf32> to vector<16xf32>
      %mul3A_2533 = arith.mulf %get3A_2532, %get3A_2314 : vector<16xf32>
      %add3A_2534 = arith.addf %add3A_2502, %mul3A_2533 : vector<16xf32>
      %get3A_2535 = arith.constant 66 : i32
      %get3A_2536 = arith.index_cast %rem3A_185 : i32 to index
      %get3A_2537 = arith.index_cast %get3A_2535 : i32 to index
      %get3A_2538 = arith.constant 16 : index
      %get3A_2539 = tpu.vector_load %arg14[%get3A_2536, %get3A_2537, %get3A_2538] {strides = array<i32>} : memref<2x80x64xf32, #tpu.memory_space<vmem>>, vector<1x1x16xf32>,
      %get3A_2540 = vector.shape_cast %get3A_2539 : vector<1x1x16xf32> to vector<16xf32>
      %mul3A_2541 = arith.mulf %get3A_2540, %get3A_2318 : vector<16xf32>
      %add3A_2542 = arith.addf %add3A_2510, %mul3A_2541 : vector<16xf32>
      %get3A_2543 = arith.constant 66 : i32
      %get3A_2544 = arith.index_cast %rem3A_185 : i32 to index
      %get3A_2545 = arith.index_cast %get3A_2543 : i32 to index
      %get3A_2546 = arith.constant 32 : index
      %get3A_2547 = tpu.vector_load %arg14[%get3A_2544, %get3A_2545, %get3A_2546] {strides = array<i32>} : memref<2x80x64xf32, #tpu.memory_space<vmem>>, vector<1x1x16xf32>,
      %get3A_2548 = vector.shape_cast %get3A_2547 : vector<1x1x16xf32> to vector<16xf32>
      %mul3A_2549 = arith.mulf %get3A_2548, %get3A_2322 : vector<16xf32>
      %add3A_2550 = arith.addf %add3A_2518, %mul3A_2549 : vector<16xf32>
      %get3A_2551 = arith.constant 66 : i32
      %get3A_2552 = arith.index_cast %rem3A_185 : i32 to index
      %get3A_2553 = arith.index_cast %get3A_2551 : i32 to index
      %get3A_2554 = arith.constant 48 : index
      %get3A_2555 = tpu.vector_load %arg14[%get3A_2552, %get3A_2553, %get3A_2554] {strides = array<i32>} : memref<2x80x64xf32, #tpu.memory_space<vmem>>, vector<1x1x16xf32>,
      %get3A_2556 = vector.shape_cast %get3A_2555 : vector<1x1x16xf32> to vector<16xf32>
      %mul3A_2557 = arith.mulf %get3A_2556, %get3A_2326 : vector<16xf32>
      %add3A_2558 = arith.addf %add3A_2526, %mul3A_2557 : vector<16xf32>
      %get3A_2559 = arith.constant 67 : i32
      %get3A_2560 = arith.index_cast %rem3A_185 : i32 to index
      %get3A_2561 = arith.index_cast %get3A_2559 : i32 to index
      %get3A_2562 = arith.constant 0 : index
      %get3A_2563 = tpu.vector_load %arg14[%get3A_2560, %get3A_2561, %get3A_2562] {strides = array<i32>} : memref<2x80x64xf32, #tpu.memory_space<vmem>>, vector<1x1x16xf32>,
      %get3A_2564 = vector.shape_cast %get3A_2563 : vector<1x1x16xf32> to vector<16xf32>
      %mul3A_2565 = arith.mulf %get3A_2564, %get3A_2314 : vector<16xf32>
      %add3A_2566 = arith.addf %add3A_2534, %mul3A_2565 : vector<16xf32>
      %get3A_2567 = arith.constant 67 : i32
      %get3A_2568 = arith.index_cast %rem3A_185 : i32 to index
      %get3A_2569 = arith.index_cast %get3A_2567 : i32 to index
      %get3A_2570 = arith.constant 16 : index
      %get3A_2571 = tpu.vector_load %arg14[%get3A_2568, %get3A_2569, %get3A_2570] {strides = array<i32>} : memref<2x80x64xf32, #tpu.memory_space<vmem>>, vector<1x1x16xf32>,
      %get3A_2572 = vector.shape_cast %get3A_2571 : vector<1x1x16xf32> to vector<16xf32>
      %mul3A_2573 = arith.mulf %get3A_2572, %get3A_2318 : vector<16xf32>
      %add3A_2574 = arith.addf %add3A_2542, %mul3A_2573 : vector<16xf32>
      %get3A_2575 = arith.constant 67 : i32
      %get3A_2576 = arith.index_cast %rem3A_185 : i32 to index
      %get3A_2577 = arith.index_cast %get3A_2575 : i32 to index
      %get3A_2578 = arith.constant 32 : index
      %get3A_2579 = tpu.vector_load %arg14[%get3A_2576, %get3A_2577, %get3A_2578] {strides = array<i32>} : memref<2x80x64xf32, #tpu.memory_space<vmem>>, vector<1x1x16xf32>,
      %get3A_2580 = vector.shape_cast %get3A_2579 : vector<1x1x16xf32> to vector<16xf32>
      %mul3A_2581 = arith.mulf %get3A_2580, %get3A_2322 : vector<16xf32>
      %add3A_2582 = arith.addf %add3A_2550, %mul3A_2581 : vector<16xf32>
      %get3A_2583 = arith.constant 67 : i32
      %get3A_2584 = arith.index_cast %rem3A_185 : i32 to index
      %get3A_2585 = arith.index_cast %get3A_2583 : i32 to index
      %get3A_2586 = arith.constant 48 : index
      %get3A_2587 = tpu.vector_load %arg14[%get3A_2584, %get3A_2585, %get3A_2586] {strides = array<i32>} : memref<2x80x64xf32, #tpu.memory_space<vmem>>, vector<1x1x16xf32>,
      %get3A_2588 = vector.shape_cast %get3A_2587 : vector<1x1x16xf32> to vector<16xf32>
      %mul3A_2589 = arith.mulf %get3A_2588, %get3A_2326 : vector<16xf32>
      %add3A_2590 = arith.addf %add3A_2558, %mul3A_2589 : vector<16xf32>
      %get3A_2591 = arith.constant 68 : i32
      %get3A_2592 = arith.index_cast %rem3A_185 : i32 to index
      %get3A_2593 = arith.index_cast %get3A_2591 : i32 to index
      %get3A_2594 = arith.constant 0 : index
      %get3A_2595 = tpu.vector_load %arg14[%get3A_2592, %get3A_2593, %get3A_2594] {strides = array<i32>} : memref<2x80x64xf32, #tpu.memory_space<vmem>>, vector<1x1x16xf32>,
      %get3A_2596 = vector.shape_cast %get3A_2595 : vector<1x1x16xf32> to vector<16xf32>
      %mul3A_2597 = arith.mulf %get3A_2596, %get3A_2314 : vector<16xf32>
      %add3A_2598 = arith.addf %add3A_2566, %mul3A_2597 : vector<16xf32>
      %get3A_2599 = arith.constant 68 : i32
      %get3A_2600 = arith.index_cast %rem3A_185 : i32 to index
      %get3A_2601 = arith.index_cast %get3A_2599 : i32 to index
      %get3A_2602 = arith.constant 16 : index
      %get3A_2603 = tpu.vector_load %arg14[%get3A_2600, %get3A_2601, %get3A_2602] {strides = array<i32>} : memref<2x80x64xf32, #tpu.memory_space<vmem>>, vector<1x1x16xf32>,
      %get3A_2604 = vector.shape_cast %get3A_2603 : vector<1x1x16xf32> to vector<16xf32>
      %mul3A_2605 = arith.mulf %get3A_2604, %get3A_2318 : vector<16xf32>
      %add3A_2606 = arith.addf %add3A_2574, %mul3A_2605 : vector<16xf32>
      %get3A_2607 = arith.constant 68 : i32
      %get3A_2608 = arith.index_cast %rem3A_185 : i32 to index
      %get3A_2609 = arith.index_cast %get3A_2607 : i32 to index
      %get3A_2610 = arith.constant 32 : index
      %get3A_2611 = tpu.vector_load %arg14[%get3A_2608, %get3A_2609, %get3A_2610] {strides = array<i32>} : memref<2x80x64xf32, #tpu.memory_space<vmem>>, vector<1x1x16xf32>,
      %get3A_2612 = vector.shape_cast %get3A_2611 : vector<1x1x16xf32> to vector<16xf32>
      %mul3A_2613 = arith.mulf %get3A_2612, %get3A_2322 : vector<16xf32>
      %add3A_2614 = arith.addf %add3A_2582, %mul3A_2613 : vector<16xf32>
      %get3A_2615 = arith.constant 68 : i32
      %get3A_2616 = arith.index_cast %rem3A_185 : i32 to index
      %get3A_2617 = arith.index_cast %get3A_2615 : i32 to index
      %get3A_2618 = arith.constant 48 : index
      %get3A_2619 = tpu.vector_load %arg14[%get3A_2616, %get3A_2617, %get3A_2618] {strides = array<i32>} : memref<2x80x64xf32, #tpu.memory_space<vmem>>, vector<1x1x16xf32>,
      %get3A_2620 = vector.shape_cast %get3A_2619 : vector<1x1x16xf32> to vector<16xf32>
      %mul3A_2621 = arith.mulf %get3A_2620, %get3A_2326 : vector<16xf32>
      %add3A_2622 = arith.addf %add3A_2590, %mul3A_2621 : vector<16xf32>
      %get3A_2623 = arith.constant 69 : i32
      %get3A_2624 = arith.index_cast %rem3A_185 : i32 to index
      %get3A_2625 = arith.index_cast %get3A_2623 : i32 to index
      %get3A_2626 = arith.constant 0 : index
      %get3A_2627 = tpu.vector_load %arg14[%get3A_2624, %get3A_2625, %get3A_2626] {strides = array<i32>} : memref<2x80x64xf32, #tpu.memory_space<vmem>>, vector<1x1x16xf32>,
      %get3A_2628 = vector.shape_cast %get3A_2627 : vector<1x1x16xf32> to vector<16xf32>
      %mul3A_2629 = arith.mulf %get3A_2628, %get3A_2314 : vector<16xf32>
      %add3A_2630 = arith.addf %add3A_2598, %mul3A_2629 : vector<16xf32>
      %get3A_2631 = arith.constant 69 : i32
      %get3A_2632 = arith.index_cast %rem3A_185 : i32 to index
      %get3A_2633 = arith.index_cast %get3A_2631 : i32 to index
      %get3A_2634 = arith.constant 16 : index
      %get3A_2635 = tpu.vector_load %arg14[%get3A_2632, %get3A_2633, %get3A_2634] {strides = array<i32>} : memref<2x80x64xf32, #tpu.memory_space<vmem>>, vector<1x1x16xf32>,
      %get3A_2636 = vector.shape_cast %get3A_2635 : vector<1x1x16xf32> to vector<16xf32>
      %mul3A_2637 = arith.mulf %get3A_2636, %get3A_2318 : vector<16xf32>
      %add3A_2638 = arith.addf %add3A_2606, %mul3A_2637 : vector<16xf32>
      %get3A_2639 = arith.constant 69 : i32
      %get3A_2640 = arith.index_cast %rem3A_185 : i32 to index
      %get3A_2641 = arith.index_cast %get3A_2639 : i32 to index
      %get3A_2642 = arith.constant 32 : index
      %get3A_2643 = tpu.vector_load %arg14[%get3A_2640, %get3A_2641, %get3A_2642] {strides = array<i32>} : memref<2x80x64xf32, #tpu.memory_space<vmem>>, vector<1x1x16xf32>,
      %get3A_2644 = vector.shape_cast %get3A_2643 : vector<1x1x16xf32> to vector<16xf32>
      %mul3A_2645 = arith.mulf %get3A_2644, %get3A_2322 : vector<16xf32>
      %add3A_2646 = arith.addf %add3A_2614, %mul3A_2645 : vector<16xf32>
      %get3A_2647 = arith.constant 69 : i32
      %get3A_2648 = arith.index_cast %rem3A_185 : i32 to index
      %get3A_2649 = arith.index_cast %get3A_2647 : i32 to index
      %get3A_2650 = arith.constant 48 : index
      %get3A_2651 = tpu.vector_load %arg14[%get3A_2648, %get3A_2649, %get3A_2650] {strides = array<i32>} : memref<2x80x64xf32, #tpu.memory_space<vmem>>, vector<1x1x16xf32>,
      %get3A_2652 = vector.shape_cast %get3A_2651 : vector<1x1x16xf32> to vector<16xf32>
      %mul3A_2653 = arith.mulf %get3A_2652, %get3A_2326 : vector<16xf32>
      %add3A_2654 = arith.addf %add3A_2622, %mul3A_2653 : vector<16xf32>
      %get3A_2655 = arith.constant 70 : i32
      %get3A_2656 = arith.index_cast %rem3A_185 : i32 to index
      %get3A_2657 = arith.index_cast %get3A_2655 : i32 to index
      %get3A_2658 = arith.constant 0 : index
      %get3A_2659 = tpu.vector_load %arg14[%get3A_2656, %get3A_2657, %get3A_2658] {strides = array<i32>} : memref<2x80x64xf32, #tpu.memory_space<vmem>>, vector<1x1x16xf32>,
      %get3A_2660 = vector.shape_cast %get3A_2659 : vector<1x1x16xf32> to vector<16xf32>
      %mul3A_2661 = arith.mulf %get3A_2660, %get3A_2314 : vector<16xf32>
      %add3A_2662 = arith.addf %add3A_2630, %mul3A_2661 : vector<16xf32>
      %get3A_2663 = arith.constant 70 : i32
      %get3A_2664 = arith.index_cast %rem3A_185 : i32 to index
      %get3A_2665 = arith.index_cast %get3A_2663 : i32 to index
      %get3A_2666 = arith.constant 16 : index
      %get3A_2667 = tpu.vector_load %arg14[%get3A_2664, %get3A_2665, %get3A_2666] {strides = array<i32>} : memref<2x80x64xf32, #tpu.memory_space<vmem>>, vector<1x1x16xf32>,
      %get3A_2668 = vector.shape_cast %get3A_2667 : vector<1x1x16xf32> to vector<16xf32>
      %mul3A_2669 = arith.mulf %get3A_2668, %get3A_2318 : vector<16xf32>
      %add3A_2670 = arith.addf %add3A_2638, %mul3A_2669 : vector<16xf32>
      %get3A_2671 = arith.constant 70 : i32
      %get3A_2672 = arith.index_cast %rem3A_185 : i32 to index
      %get3A_2673 = arith.index_cast %get3A_2671 : i32 to index
      %get3A_2674 = arith.constant 32 : index
      %get3A_2675 = tpu.vector_load %arg14[%get3A_2672, %get3A_2673, %get3A_2674] {strides = array<i32>} : memref<2x80x64xf32, #tpu.memory_space<vmem>>, vector<1x1x16xf32>,
      %get3A_2676 = vector.shape_cast %get3A_2675 : vector<1x1x16xf32> to vector<16xf32>
      %mul3A_2677 = arith.mulf %get3A_2676, %get3A_2322 : vector<16xf32>
      %add3A_2678 = arith.addf %add3A_2646, %mul3A_2677 : vector<16xf32>
      %get3A_2679 = arith.constant 70 : i32
      %get3A_2680 = arith.index_cast %rem3A_185 : i32 to index
      %get3A_2681 = arith.index_cast %get3A_2679 : i32 to index
      %get3A_2682 = arith.constant 48 : index
      %get3A_2683 = tpu.vector_load %arg14[%get3A_2680, %get3A_2681, %get3A_2682] {strides = array<i32>} : memref<2x80x64xf32, #tpu.memory_space<vmem>>, vector<1x1x16xf32>,
      %get3A_2684 = vector.shape_cast %get3A_2683 : vector<1x1x16xf32> to vector<16xf32>
      %mul3A_2685 = arith.mulf %get3A_2684, %get3A_2326 : vector<16xf32>
      %add3A_2686 = arith.addf %add3A_2654, %mul3A_2685 : vector<16xf32>
      %get3A_2687 = arith.constant 71 : i32
      %get3A_2688 = arith.index_cast %rem3A_185 : i32 to index
      %get3A_2689 = arith.index_cast %get3A_2687 : i32 to index
      %get3A_2690 = arith.constant 0 : index
      %get3A_2691 = tpu.vector_load %arg14[%get3A_2688, %get3A_2689, %get3A_2690] {strides = array<i32>} : memref<2x80x64xf32, #tpu.memory_space<vmem>>, vector<1x1x16xf32>,
      %get3A_2692 = vector.shape_cast %get3A_2691 : vector<1x1x16xf32> to vector<16xf32>
      %mul3A_2693 = arith.mulf %get3A_2692, %get3A_2314 : vector<16xf32>
      %add3A_2694 = arith.addf %add3A_2662, %mul3A_2693 : vector<16xf32>
      %get3A_2695 = arith.constant 71 : i32
      %get3A_2696 = arith.index_cast %rem3A_185 : i32 to index
      %get3A_2697 = arith.index_cast %get3A_2695 : i32 to index
      %get3A_2698 = arith.constant 16 : index
      %get3A_2699 = tpu.vector_load %arg14[%get3A_2696, %get3A_2697, %get3A_2698] {strides = array<i32>} : memref<2x80x64xf32, #tpu.memory_space<vmem>>, vector<1x1x16xf32>,
      %get3A_2700 = vector.shape_cast %get3A_2699 : vector<1x1x16xf32> to vector<16xf32>
      %mul3A_2701 = arith.mulf %get3A_2700, %get3A_2318 : vector<16xf32>
      %add3A_2702 = arith.addf %add3A_2670, %mul3A_2701 : vector<16xf32>
      %get3A_2703 = arith.constant 71 : i32
      %get3A_2704 = arith.index_cast %rem3A_185 : i32 to index
      %get3A_2705 = arith.index_cast %get3A_2703 : i32 to index
      %get3A_2706 = arith.constant 32 : index
      %get3A_2707 = tpu.vector_load %arg14[%get3A_2704, %get3A_2705, %get3A_2706] {strides = array<i32>} : memref<2x80x64xf32, #tpu.memory_space<vmem>>, vector<1x1x16xf32>,
      %get3A_2708 = vector.shape_cast %get3A_2707 : vector<1x1x16xf32> to vector<16xf32>
      %mul3A_2709 = arith.mulf %get3A_2708, %get3A_2322 : vector<16xf32>
      %add3A_2710 = arith.addf %add3A_2678, %mul3A_2709 : vector<16xf32>
      %get3A_2711 = arith.constant 71 : i32
      %get3A_2712 = arith.index_cast %rem3A_185 : i32 to index
      %get3A_2713 = arith.index_cast %get3A_2711 : i32 to index
      %get3A_2714 = arith.constant 48 : index
      %get3A_2715 = tpu.vector_load %arg14[%get3A_2712, %get3A_2713, %get3A_2714] {strides = array<i32>} : memref<2x80x64xf32, #tpu.memory_space<vmem>>, vector<1x1x16xf32>,
      %get3A_2716 = vector.shape_cast %get3A_2715 : vector<1x1x16xf32> to vector<16xf32>
      %mul3A_2717 = arith.mulf %get3A_2716, %get3A_2326 : vector<16xf32>
      %add3A_2718 = arith.addf %add3A_2686, %mul3A_2717 : vector<16xf32>
      %get3A_2719 = arith.constant 72 : i32
      %get3A_2720 = arith.index_cast %rem3A_185 : i32 to index
      %get3A_2721 = arith.index_cast %get3A_2719 : i32 to index
      %get3A_2722 = arith.constant 0 : index
      %get3A_2723 = tpu.vector_load %arg14[%get3A_2720, %get3A_2721, %get3A_2722] {strides = array<i32>} : memref<2x80x64xf32, #tpu.memory_space<vmem>>, vector<1x1x16xf32>,
      %get3A_2724 = vector.shape_cast %get3A_2723 : vector<1x1x16xf32> to vector<16xf32>
      %mul3A_2725 = arith.mulf %get3A_2724, %get3A_2314 : vector<16xf32>
      %add3A_2726 = arith.addf %add3A_2694, %mul3A_2725 : vector<16xf32>
      %get3A_2727 = arith.constant 72 : i32
      %get3A_2728 = arith.index_cast %rem3A_185 : i32 to index
      %get3A_2729 = arith.index_cast %get3A_2727 : i32 to index
      %get3A_2730 = arith.constant 16 : index
      %get3A_2731 = tpu.vector_load %arg14[%get3A_2728, %get3A_2729, %get3A_2730] {strides = array<i32>} : memref<2x80x64xf32, #tpu.memory_space<vmem>>, vector<1x1x16xf32>,
      %get3A_2732 = vector.shape_cast %get3A_2731 : vector<1x1x16xf32> to vector<16xf32>
      %mul3A_2733 = arith.mulf %get3A_2732, %get3A_2318 : vector<16xf32>
      %add3A_2734 = arith.addf %add3A_2702, %mul3A_2733 : vector<16xf32>
      %get3A_2735 = arith.constant 72 : i32
      %get3A_2736 = arith.index_cast %rem3A_185 : i32 to index
      %get3A_2737 = arith.index_cast %get3A_2735 : i32 to index
      %get3A_2738 = arith.constant 32 : index
      %get3A_2739 = tpu.vector_load %arg14[%get3A_2736, %get3A_2737, %get3A_2738] {strides = array<i32>} : memref<2x80x64xf32, #tpu.memory_space<vmem>>, vector<1x1x16xf32>,
      %get3A_2740 = vector.shape_cast %get3A_2739 : vector<1x1x16xf32> to vector<16xf32>
      %mul3A_2741 = arith.mulf %get3A_2740, %get3A_2322 : vector<16xf32>
      %add3A_2742 = arith.addf %add3A_2710, %mul3A_2741 : vector<16xf32>
      %get3A_2743 = arith.constant 72 : i32
      %get3A_2744 = arith.index_cast %rem3A_185 : i32 to index
      %get3A_2745 = arith.index_cast %get3A_2743 : i32 to index
      %get3A_2746 = arith.constant 48 : index
      %get3A_2747 = tpu.vector_load %arg14[%get3A_2744, %get3A_2745, %get3A_2746] {strides = array<i32>} : memref<2x80x64xf32, #tpu.memory_space<vmem>>, vector<1x1x16xf32>,
      %get3A_2748 = vector.shape_cast %get3A_2747 : vector<1x1x16xf32> to vector<16xf32>
      %mul3A_2749 = arith.mulf %get3A_2748, %get3A_2326 : vector<16xf32>
      %add3A_2750 = arith.addf %add3A_2718, %mul3A_2749 : vector<16xf32>
      %get3A_2751 = arith.constant 73 : i32
      %get3A_2752 = arith.index_cast %rem3A_185 : i32 to index
      %get3A_2753 = arith.index_cast %get3A_2751 : i32 to index
      %get3A_2754 = arith.constant 0 : index
      %get3A_2755 = tpu.vector_load %arg14[%get3A_2752, %get3A_2753, %get3A_2754] {strides = array<i32>} : memref<2x80x64xf32, #tpu.memory_space<vmem>>, vector<1x1x16xf32>,
      %get3A_2756 = vector.shape_cast %get3A_2755 : vector<1x1x16xf32> to vector<16xf32>
      %mul3A_2757 = arith.mulf %get3A_2756, %get3A_2314 : vector<16xf32>
      %add3A_2758 = arith.addf %add3A_2726, %mul3A_2757 : vector<16xf32>
      %get3A_2759 = arith.constant 73 : i32
      %get3A_2760 = arith.index_cast %rem3A_185 : i32 to index
      %get3A_2761 = arith.index_cast %get3A_2759 : i32 to index
      %get3A_2762 = arith.constant 16 : index
      %get3A_2763 = tpu.vector_load %arg14[%get3A_2760, %get3A_2761, %get3A_2762] {strides = array<i32>} : memref<2x80x64xf32, #tpu.memory_space<vmem>>, vector<1x1x16xf32>,
      %get3A_2764 = vector.shape_cast %get3A_2763 : vector<1x1x16xf32> to vector<16xf32>
      %mul3A_2765 = arith.mulf %get3A_2764, %get3A_2318 : vector<16xf32>
      %add3A_2766 = arith.addf %add3A_2734, %mul3A_2765 : vector<16xf32>
      %get3A_2767 = arith.constant 73 : i32
      %get3A_2768 = arith.index_cast %rem3A_185 : i32 to index
      %get3A_2769 = arith.index_cast %get3A_2767 : i32 to index
      %get3A_2770 = arith.constant 32 : index
      %get3A_2771 = tpu.vector_load %arg14[%get3A_2768, %get3A_2769, %get3A_2770] {strides = array<i32>} : memref<2x80x64xf32, #tpu.memory_space<vmem>>, vector<1x1x16xf32>,
      %get3A_2772 = vector.shape_cast %get3A_2771 : vector<1x1x16xf32> to vector<16xf32>
      %mul3A_2773 = arith.mulf %get3A_2772, %get3A_2322 : vector<16xf32>
      %add3A_2774 = arith.addf %add3A_2742, %mul3A_2773 : vector<16xf32>
      %get3A_2775 = arith.constant 73 : i32
      %get3A_2776 = arith.index_cast %rem3A_185 : i32 to index
      %get3A_2777 = arith.index_cast %get3A_2775 : i32 to index
      %get3A_2778 = arith.constant 48 : index
      %get3A_2779 = tpu.vector_load %arg14[%get3A_2776, %get3A_2777, %get3A_2778] {strides = array<i32>} : memref<2x80x64xf32, #tpu.memory_space<vmem>>, vector<1x1x16xf32>,
      %get3A_2780 = vector.shape_cast %get3A_2779 : vector<1x1x16xf32> to vector<16xf32>
      %mul3A_2781 = arith.mulf %get3A_2780, %get3A_2326 : vector<16xf32>
      %add3A_2782 = arith.addf %add3A_2750, %mul3A_2781 : vector<16xf32>
      %get3A_2783 = arith.constant 74 : i32
      %get3A_2784 = arith.index_cast %rem3A_185 : i32 to index
      %get3A_2785 = arith.index_cast %get3A_2783 : i32 to index
      %get3A_2786 = arith.constant 0 : index
      %get3A_2787 = tpu.vector_load %arg14[%get3A_2784, %get3A_2785, %get3A_2786] {strides = array<i32>} : memref<2x80x64xf32, #tpu.memory_space<vmem>>, vector<1x1x16xf32>,
      %get3A_2788 = vector.shape_cast %get3A_2787 : vector<1x1x16xf32> to vector<16xf32>
      %mul3A_2789 = arith.mulf %get3A_2788, %get3A_2314 : vector<16xf32>
      %add3A_2790 = arith.addf %add3A_2758, %mul3A_2789 : vector<16xf32>
      %get3A_2791 = arith.constant 74 : i32
      %get3A_2792 = arith.index_cast %rem3A_185 : i32 to index
      %get3A_2793 = arith.index_cast %get3A_2791 : i32 to index
      %get3A_2794 = arith.constant 16 : index
      %get3A_2795 = tpu.vector_load %arg14[%get3A_2792, %get3A_2793, %get3A_2794] {strides = array<i32>} : memref<2x80x64xf32, #tpu.memory_space<vmem>>, vector<1x1x16xf32>,
      %get3A_2796 = vector.shape_cast %get3A_2795 : vector<1x1x16xf32> to vector<16xf32>
      %mul3A_2797 = arith.mulf %get3A_2796, %get3A_2318 : vector<16xf32>
      %add3A_2798 = arith.addf %add3A_2766, %mul3A_2797 : vector<16xf32>
      %get3A_2799 = arith.constant 74 : i32
      %get3A_2800 = arith.index_cast %rem3A_185 : i32 to index
      %get3A_2801 = arith.index_cast %get3A_2799 : i32 to index
      %get3A_2802 = arith.constant 32 : index
      %get3A_2803 = tpu.vector_load %arg14[%get3A_2800, %get3A_2801, %get3A_2802] {strides = array<i32>} : memref<2x80x64xf32, #tpu.memory_space<vmem>>, vector<1x1x16xf32>,
      %get3A_2804 = vector.shape_cast %get3A_2803 : vector<1x1x16xf32> to vector<16xf32>
      %mul3A_2805 = arith.mulf %get3A_2804, %get3A_2322 : vector<16xf32>
      %add3A_2806 = arith.addf %add3A_2774, %mul3A_2805 : vector<16xf32>
      %get3A_2807 = arith.constant 74 : i32
      %get3A_2808 = arith.index_cast %rem3A_185 : i32 to index
      %get3A_2809 = arith.index_cast %get3A_2807 : i32 to index
      %get3A_2810 = arith.constant 48 : index
      %get3A_2811 = tpu.vector_load %arg14[%get3A_2808, %get3A_2809, %get3A_2810] {strides = array<i32>} : memref<2x80x64xf32, #tpu.memory_space<vmem>>, vector<1x1x16xf32>,
      %get3A_2812 = vector.shape_cast %get3A_2811 : vector<1x1x16xf32> to vector<16xf32>
      %mul3A_2813 = arith.mulf %get3A_2812, %get3A_2326 : vector<16xf32>
      %add3A_2814 = arith.addf %add3A_2782, %mul3A_2813 : vector<16xf32>
      %get3A_2815 = arith.constant 75 : i32
      %get3A_2816 = arith.index_cast %rem3A_185 : i32 to index
      %get3A_2817 = arith.index_cast %get3A_2815 : i32 to index
      %get3A_2818 = arith.constant 0 : index
      %get3A_2819 = tpu.vector_load %arg14[%get3A_2816, %get3A_2817, %get3A_2818] {strides = array<i32>} : memref<2x80x64xf32, #tpu.memory_space<vmem>>, vector<1x1x16xf32>,
      %get3A_2820 = vector.shape_cast %get3A_2819 : vector<1x1x16xf32> to vector<16xf32>
      %mul3A_2821 = arith.mulf %get3A_2820, %get3A_2314 : vector<16xf32>
      %add3A_2822 = arith.addf %add3A_2790, %mul3A_2821 : vector<16xf32>
      %get3A_2823 = arith.constant 75 : i32
      %get3A_2824 = arith.index_cast %rem3A_185 : i32 to index
      %get3A_2825 = arith.index_cast %get3A_2823 : i32 to index
      %get3A_2826 = arith.constant 16 : index
      %get3A_2827 = tpu.vector_load %arg14[%get3A_2824, %get3A_2825, %get3A_2826] {strides = array<i32>} : memref<2x80x64xf32, #tpu.memory_space<vmem>>, vector<1x1x16xf32>,
      %get3A_2828 = vector.shape_cast %get3A_2827 : vector<1x1x16xf32> to vector<16xf32>
      %mul3A_2829 = arith.mulf %get3A_2828, %get3A_2318 : vector<16xf32>
      %add3A_2830 = arith.addf %add3A_2798, %mul3A_2829 : vector<16xf32>
      %get3A_2831 = arith.constant 75 : i32
      %get3A_2832 = arith.index_cast %rem3A_185 : i32 to index
      %get3A_2833 = arith.index_cast %get3A_2831 : i32 to index
      %get3A_2834 = arith.constant 32 : index
      %get3A_2835 = tpu.vector_load %arg14[%get3A_2832, %get3A_2833, %get3A_2834] {strides = array<i32>} : memref<2x80x64xf32, #tpu.memory_space<vmem>>, vector<1x1x16xf32>,
      %get3A_2836 = vector.shape_cast %get3A_2835 : vector<1x1x16xf32> to vector<16xf32>
      %mul3A_2837 = arith.mulf %get3A_2836, %get3A_2322 : vector<16xf32>
      %add3A_2838 = arith.addf %add3A_2806, %mul3A_2837 : vector<16xf32>
      %get3A_2839 = arith.constant 75 : i32
      %get3A_2840 = arith.index_cast %rem3A_185 : i32 to index
      %get3A_2841 = arith.index_cast %get3A_2839 : i32 to index
      %get3A_2842 = arith.constant 48 : index
      %get3A_2843 = tpu.vector_load %arg14[%get3A_2840, %get3A_2841, %get3A_2842] {strides = array<i32>} : memref<2x80x64xf32, #tpu.memory_space<vmem>>, vector<1x1x16xf32>,
      %get3A_2844 = vector.shape_cast %get3A_2843 : vector<1x1x16xf32> to vector<16xf32>
      %mul3A_2845 = arith.mulf %get3A_2844, %get3A_2326 : vector<16xf32>
      %add3A_2846 = arith.addf %add3A_2814, %mul3A_2845 : vector<16xf32>
      %get3A_2847 = arith.constant 76 : i32
      %get3A_2848 = arith.index_cast %rem3A_185 : i32 to index
      %get3A_2849 = arith.index_cast %get3A_2847 : i32 to index
      %get3A_2850 = arith.constant 0 : index
      %get3A_2851 = tpu.vector_load %arg14[%get3A_2848, %get3A_2849, %get3A_2850] {strides = array<i32>} : memref<2x80x64xf32, #tpu.memory_space<vmem>>, vector<1x1x16xf32>,
      %get3A_2852 = vector.shape_cast %get3A_2851 : vector<1x1x16xf32> to vector<16xf32>
      %mul3A_2853 = arith.mulf %get3A_2852, %get3A_2314 : vector<16xf32>
      %add3A_2854 = arith.addf %add3A_2822, %mul3A_2853 : vector<16xf32>
      %get3A_2855 = arith.constant 76 : i32
      %get3A_2856 = arith.index_cast %rem3A_185 : i32 to index
      %get3A_2857 = arith.index_cast %get3A_2855 : i32 to index
      %get3A_2858 = arith.constant 16 : index
      %get3A_2859 = tpu.vector_load %arg14[%get3A_2856, %get3A_2857, %get3A_2858] {strides = array<i32>} : memref<2x80x64xf32, #tpu.memory_space<vmem>>, vector<1x1x16xf32>,
      %get3A_2860 = vector.shape_cast %get3A_2859 : vector<1x1x16xf32> to vector<16xf32>
      %mul3A_2861 = arith.mulf %get3A_2860, %get3A_2318 : vector<16xf32>
      %add3A_2862 = arith.addf %add3A_2830, %mul3A_2861 : vector<16xf32>
      %get3A_2863 = arith.constant 76 : i32
      %get3A_2864 = arith.index_cast %rem3A_185 : i32 to index
      %get3A_2865 = arith.index_cast %get3A_2863 : i32 to index
      %get3A_2866 = arith.constant 32 : index
      %get3A_2867 = tpu.vector_load %arg14[%get3A_2864, %get3A_2865, %get3A_2866] {strides = array<i32>} : memref<2x80x64xf32, #tpu.memory_space<vmem>>, vector<1x1x16xf32>,
      %get3A_2868 = vector.shape_cast %get3A_2867 : vector<1x1x16xf32> to vector<16xf32>
      %mul3A_2869 = arith.mulf %get3A_2868, %get3A_2322 : vector<16xf32>
      %add3A_2870 = arith.addf %add3A_2838, %mul3A_2869 : vector<16xf32>
      %get3A_2871 = arith.constant 76 : i32
      %get3A_2872 = arith.index_cast %rem3A_185 : i32 to index
      %get3A_2873 = arith.index_cast %get3A_2871 : i32 to index
      %get3A_2874 = arith.constant 48 : index
      %get3A_2875 = tpu.vector_load %arg14[%get3A_2872, %get3A_2873, %get3A_2874] {strides = array<i32>} : memref<2x80x64xf32, #tpu.memory_space<vmem>>, vector<1x1x16xf32>,
      %get3A_2876 = vector.shape_cast %get3A_2875 : vector<1x1x16xf32> to vector<16xf32>
      %mul3A_2877 = arith.mulf %get3A_2876, %get3A_2326 : vector<16xf32>
      %add3A_2878 = arith.addf %add3A_2846, %mul3A_2877 : vector<16xf32>
      %get3A_2879 = arith.constant 77 : i32
      %get3A_2880 = arith.index_cast %rem3A_185 : i32 to index
      %get3A_2881 = arith.index_cast %get3A_2879 : i32 to index
      %get3A_2882 = arith.constant 0 : index
      %get3A_2883 = tpu.vector_load %arg14[%get3A_2880, %get3A_2881, %get3A_2882] {strides = array<i32>} : memref<2x80x64xf32, #tpu.memory_space<vmem>>, vector<1x1x16xf32>,
      %get3A_2884 = vector.shape_cast %get3A_2883 : vector<1x1x16xf32> to vector<16xf32>
      %mul3A_2885 = arith.mulf %get3A_2884, %get3A_2314 : vector<16xf32>
      %add3A_2886 = arith.addf %add3A_2854, %mul3A_2885 : vector<16xf32>
      %get3A_2887 = arith.constant 77 : i32
      %get3A_2888 = arith.index_cast %rem3A_185 : i32 to index
      %get3A_2889 = arith.index_cast %get3A_2887 : i32 to index
      %get3A_2890 = arith.constant 16 : index
      %get3A_2891 = tpu.vector_load %arg14[%get3A_2888, %get3A_2889, %get3A_2890] {strides = array<i32>} : memref<2x80x64xf32, #tpu.memory_space<vmem>>, vector<1x1x16xf32>,
      %get3A_2892 = vector.shape_cast %get3A_2891 : vector<1x1x16xf32> to vector<16xf32>
      %mul3A_2893 = arith.mulf %get3A_2892, %get3A_2318 : vector<16xf32>
      %add3A_2894 = arith.addf %add3A_2862, %mul3A_2893 : vector<16xf32>
      %get3A_2895 = arith.constant 77 : i32
      %get3A_2896 = arith.index_cast %rem3A_185 : i32 to index
      %get3A_2897 = arith.index_cast %get3A_2895 : i32 to index
      %get3A_2898 = arith.constant 32 : index
      %get3A_2899 = tpu.vector_load %arg14[%get3A_2896, %get3A_2897, %get3A_2898] {strides = array<i32>} : memref<2x80x64xf32, #tpu.memory_space<vmem>>, vector<1x1x16xf32>,
      %get3A_2900 = vector.shape_cast %get3A_2899 : vector<1x1x16xf32> to vector<16xf32>
      %mul3A_2901 = arith.mulf %get3A_2900, %get3A_2322 : vector<16xf32>
      %add3A_2902 = arith.addf %add3A_2870, %mul3A_2901 : vector<16xf32>
      %get3A_2903 = arith.constant 77 : i32
      %get3A_2904 = arith.index_cast %rem3A_185 : i32 to index
      %get3A_2905 = arith.index_cast %get3A_2903 : i32 to index
      %get3A_2906 = arith.constant 48 : index
      %get3A_2907 = tpu.vector_load %arg14[%get3A_2904, %get3A_2905, %get3A_2906] {strides = array<i32>} : memref<2x80x64xf32, #tpu.memory_space<vmem>>, vector<1x1x16xf32>,
      %get3A_2908 = vector.shape_cast %get3A_2907 : vector<1x1x16xf32> to vector<16xf32>
      %mul3A_2909 = arith.mulf %get3A_2908, %get3A_2326 : vector<16xf32>
      %add3A_2910 = arith.addf %add3A_2878, %mul3A_2909 : vector<16xf32>
      %get3A_2911 = arith.constant 78 : i32
      %get3A_2912 = arith.index_cast %rem3A_185 : i32 to index
      %get3A_2913 = arith.index_cast %get3A_2911 : i32 to index
      %get3A_2914 = arith.constant 0 : index
      %get3A_2915 = tpu.vector_load %arg14[%get3A_2912, %get3A_2913, %get3A_2914] {strides = array<i32>} : memref<2x80x64xf32, #tpu.memory_space<vmem>>, vector<1x1x16xf32>,
      %get3A_2916 = vector.shape_cast %get3A_2915 : vector<1x1x16xf32> to vector<16xf32>
      %mul3A_2917 = arith.mulf %get3A_2916, %get3A_2314 : vector<16xf32>
      %add3A_2918 = arith.addf %add3A_2886, %mul3A_2917 : vector<16xf32>
      %get3A_2919 = arith.constant 78 : i32
      %get3A_2920 = arith.index_cast %rem3A_185 : i32 to index
      %get3A_2921 = arith.index_cast %get3A_2919 : i32 to index
      %get3A_2922 = arith.constant 16 : index
      %get3A_2923 = tpu.vector_load %arg14[%get3A_2920, %get3A_2921, %get3A_2922] {strides = array<i32>} : memref<2x80x64xf32, #tpu.memory_space<vmem>>, vector<1x1x16xf32>,
      %get3A_2924 = vector.shape_cast %get3A_2923 : vector<1x1x16xf32> to vector<16xf32>
      %mul3A_2925 = arith.mulf %get3A_2924, %get3A_2318 : vector<16xf32>
      %add3A_2926 = arith.addf %add3A_2894, %mul3A_2925 : vector<16xf32>
      %get3A_2927 = arith.constant 78 : i32
      %get3A_2928 = arith.index_cast %rem3A_185 : i32 to index
      %get3A_2929 = arith.index_cast %get3A_2927 : i32 to index
      %get3A_2930 = arith.constant 32 : index
      %get3A_2931 = tpu.vector_load %arg14[%get3A_2928, %get3A_2929, %get3A_2930] {strides = array<i32>} : memref<2x80x64xf32, #tpu.memory_space<vmem>>, vector<1x1x16xf32>,
      %get3A_2932 = vector.shape_cast %get3A_2931 : vector<1x1x16xf32> to vector<16xf32>
      %mul3A_2933 = arith.mulf %get3A_2932, %get3A_2322 : vector<16xf32>
      %add3A_2934 = arith.addf %add3A_2902, %mul3A_2933 : vector<16xf32>
      %get3A_2935 = arith.constant 78 : i32
      %get3A_2936 = arith.index_cast %rem3A_185 : i32 to index
      %get3A_2937 = arith.index_cast %get3A_2935 : i32 to index
      %get3A_2938 = arith.constant 48 : index
      %get3A_2939 = tpu.vector_load %arg14[%get3A_2936, %get3A_2937, %get3A_2938] {strides = array<i32>} : memref<2x80x64xf32, #tpu.memory_space<vmem>>, vector<1x1x16xf32>,
      %get3A_2940 = vector.shape_cast %get3A_2939 : vector<1x1x16xf32> to vector<16xf32>
      %mul3A_2941 = arith.mulf %get3A_2940, %get3A_2326 : vector<16xf32>
      %add3A_2942 = arith.addf %add3A_2910, %mul3A_2941 : vector<16xf32>
      %get3A_2943 = arith.constant 79 : i32
      %get3A_2944 = arith.index_cast %rem3A_185 : i32 to index
      %get3A_2945 = arith.index_cast %get3A_2943 : i32 to index
      %get3A_2946 = arith.constant 0 : index
      %get3A_2947 = tpu.vector_load %arg14[%get3A_2944, %get3A_2945, %get3A_2946] {strides = array<i32>} : memref<2x80x64xf32, #tpu.memory_space<vmem>>, vector<1x1x16xf32>,
      %get3A_2948 = vector.shape_cast %get3A_2947 : vector<1x1x16xf32> to vector<16xf32>
      %mul3A_2949 = arith.mulf %get3A_2948, %get3A_2314 : vector<16xf32>
      %add3A_2950 = arith.addf %add3A_2918, %mul3A_2949 : vector<16xf32>
      %get3A_2951 = arith.constant 79 : i32
      %get3A_2952 = arith.index_cast %rem3A_185 : i32 to index
      %get3A_2953 = arith.index_cast %get3A_2951 : i32 to index
      %get3A_2954 = arith.constant 16 : index
      %get3A_2955 = tpu.vector_load %arg14[%get3A_2952, %get3A_2953, %get3A_2954] {strides = array<i32>} : memref<2x80x64xf32, #tpu.memory_space<vmem>>, vector<1x1x16xf32>,
      %get3A_2956 = vector.shape_cast %get3A_2955 : vector<1x1x16xf32> to vector<16xf32>
      %mul3A_2957 = arith.mulf %get3A_2956, %get3A_2318 : vector<16xf32>
      %add3A_2958 = arith.addf %add3A_2926, %mul3A_2957 : vector<16xf32>
      %get3A_2959 = arith.constant 79 : i32
      %get3A_2960 = arith.index_cast %rem3A_185 : i32 to index
      %get3A_2961 = arith.index_cast %get3A_2959 : i32 to index
      %get3A_2962 = arith.constant 32 : index
      %get3A_2963 = tpu.vector_load %arg14[%get3A_2960, %get3A_2961, %get3A_2962] {strides = array<i32>} : memref<2x80x64xf32, #tpu.memory_space<vmem>>, vector<1x1x16xf32>,
      %get3A_2964 = vector.shape_cast %get3A_2963 : vector<1x1x16xf32> to vector<16xf32>
      %mul3A_2965 = arith.mulf %get3A_2964, %get3A_2322 : vector<16xf32>
      %add3A_2966 = arith.addf %add3A_2934, %mul3A_2965 : vector<16xf32>
      %get3A_2967 = arith.constant 79 : i32
      %get3A_2968 = arith.index_cast %rem3A_185 : i32 to index
      %get3A_2969 = arith.index_cast %get3A_2967 : i32 to index
      %get3A_2970 = arith.constant 48 : index
      %get3A_2971 = tpu.vector_load %arg14[%get3A_2968, %get3A_2969, %get3A_2970] {strides = array<i32>} : memref<2x80x64xf32, #tpu.memory_space<vmem>>, vector<1x1x16xf32>,
      %get3A_2972 = vector.shape_cast %get3A_2971 : vector<1x1x16xf32> to vector<16xf32>
      %mul3A_2973 = arith.mulf %get3A_2972, %get3A_2326 : vector<16xf32>
      %add3A_2974 = arith.addf %add3A_2942, %mul3A_2973 : vector<16xf32>
      %add3A_2975 = arith.addf %add3A_2950, %add3A_2958 : vector<16xf32>
      %add3A_2976 = arith.addf %add3A_2975, %add3A_2966 : vector<16xf32>
      %add3A_2977 = arith.addf %add3A_2976, %add3A_2974 : vector<16xf32>
      %swap3A_2978 = arith.index_cast %add3A_2310 : i32 to index
      %swap3A_2979 = arith.constant 0 : index
      %swap3A_2980 = tpu.vector_load %arg16[%swap3A_2978, %swap3A_2979] {strides = array<i32>} : memref<512x16xf32, #tpu.memory_space<vmem>>, vector<1x16xf32>,
      %swap3A_2981 = vector.shape_cast %swap3A_2980 : vector<1x16xf32> to vector<16xf32>
      %swap3A_2982 = vector.shape_cast %add3A_2977 : vector<16xf32> to vector<1x16xf32>
      tpu.vector_store %arg16[%swap3A_2978, %swap3A_2979], %swap3A_2982 {strides = array<i32>} : memref<512x16xf32, #tpu.memory_space<vmem>>, vector<1x16xf32>,
      %get3A_2983 = arith.index_cast %add3A_2310 : i32 to index
      %get3A_2984 = arith.constant 0 : index
      %get3A_2985 = tpu.vector_load %arg13[%get3A_2983, %get3A_2984] {strides = array<i32>} : memref<512x64xf32, #tpu.memory_space<vmem>>, vector<1x16xf32>,
      %get3A_2986 = vector.shape_cast %get3A_2985 : vector<1x16xf32> to vector<16xf32>
      %get3A_2987 = arith.index_cast %add3A_2310 : i32 to index
      %get3A_2988 = arith.constant 16 : index
      %get3A_2989 = tpu.vector_load %arg13[%get3A_2987, %get3A_2988] {strides = array<i32>} : memref<512x64xf32, #tpu.memory_space<vmem>>, vector<1x16xf32>,
      %get3A_2990 = vector.shape_cast %get3A_2989 : vector<1x16xf32> to vector<16xf32>
      %get3A_2991 = arith.index_cast %add3A_2310 : i32 to index
      %get3A_2992 = arith.constant 32 : index
      %get3A_2993 = tpu.vector_load %arg13[%get3A_2991, %get3A_2992] {strides = array<i32>} : memref<512x64xf32, #tpu.memory_space<vmem>>, vector<1x16xf32>,
      %get3A_2994 = vector.shape_cast %get3A_2993 : vector<1x16xf32> to vector<16xf32>
      %get3A_2995 = arith.index_cast %add3A_2310 : i32 to index
      %get3A_2996 = arith.constant 48 : index
      %get3A_2997 = tpu.vector_load %arg13[%get3A_2995, %get3A_2996] {strides = array<i32>} : memref<512x64xf32, #tpu.memory_space<vmem>>, vector<1x16xf32>,
      %get3A_2998 = vector.shape_cast %get3A_2997 : vector<1x16xf32> to vector<16xf32>
      %mul3A_2999 = arith.mulf %get3A_2986, %get3A_2314 : vector<16xf32>
      %mul3A_3000 = arith.mulf %get3A_2990, %get3A_2318 : vector<16xf32>
      %add3A_3001 = arith.addf %mul3A_2999, %mul3A_3000 : vector<16xf32>
      %mul3A_3002 = arith.mulf %get3A_2994, %get3A_2322 : vector<16xf32>
      %add3A_3003 = arith.addf %add3A_3001, %mul3A_3002 : vector<16xf32>
      %mul3A_3004 = arith.mulf %get3A_2998, %get3A_2326 : vector<16xf32>
      %add3A_3005 = arith.addf %add3A_3003, %mul3A_3004 : vector<16xf32>
      %swap3A_3006 = arith.index_cast %add3A_2310 : i32 to index
      %swap3A_3007 = arith.constant 0 : index
      %swap3A_3008 = tpu.vector_load %arg15[%swap3A_3006, %swap3A_3007] {strides = array<i32>} : memref<512x16xf32, #tpu.memory_space<vmem>>, vector<1x16xf32>,
      %swap3A_3009 = vector.shape_cast %swap3A_3008 : vector<1x16xf32> to vector<16xf32>
      %swap3A_3010 = vector.shape_cast %add3A_3005 : vector<16xf32> to vector<1x16xf32>
      tpu.vector_store %arg15[%swap3A_3006, %swap3A_3007], %swap3A_3010 {strides = array<i32>} : memref<512x16xf32, #tpu.memory_space<vmem>>, vector<1x16xf32>,
    }
    %scan3A_183 = arith.constant 128 : i32
    "tpu.region"() ({
      %run_scoped3A = tpu.sem_alloc : memref<!tpu.dma_semaphore, #tpu.memory_space<semaphore_mem>>
      %dma_start3A_184 = arith.constant 0 : i32
      %dma_start3A_185 = tpu.memref_slice %arg7[%mul3A_2, %dma_start3A_184] : memref<16384x16xf32, #tpu.memory_space<hbm>> -> memref<512x16xf32, #tpu.memory_space<hbm>>
      %dma_start3A_186 = arith.constant 0 : i32
      %dma_start3A_187 = tpu.memref_slice %arg7[%mul3A_2, %dma_start3A_186] : memref<16384x16xf32, #tpu.memory_space<hbm>> -> memref<512x16xf32, #tpu.memory_space<hbm>>
      tpu.enqueue_dma source(%arg15 : memref<512x16xf32, #tpu.memory_space<vmem>>) target(%dma_start3A_187 : memref<512x16xf32, #tpu.memory_space<hbm>>) target_semaphore(%run_scoped3A : memref<!tpu.dma_semaphore, #tpu.memory_space<semaphore_mem>>)
      %dma_wait3A_188 = arith.constant 0 : i32
      %dma_wait3A_189 = tpu.memref_slice %arg7[%mul3A_2, %dma_wait3A_188] : memref<16384x16xf32, #tpu.memory_space<hbm>> -> memref<512x16xf32, #tpu.memory_space<hbm>>
      %dma_wait3A_190 = arith.constant 0 : i32
      %dma_wait3A_191 = tpu.memref_slice %arg7[%mul3A_2, %dma_wait3A_190] : memref<16384x16xf32, #tpu.memory_space<hbm>> -> memref<512x16xf32, #tpu.memory_space<hbm>>
      tpu.wait_dma2 semaphore(%run_scoped3A : memref<!tpu.dma_semaphore, #tpu.memory_space<semaphore_mem>>) src(%arg15 : memref<512x16xf32, #tpu.memory_space<vmem>>) dst(%dma_wait3A_191 : memref<512x16xf32, #tpu.memory_space<hbm>>)
      tpu.yield
    }) : () -> ()
    "tpu.region"() ({
      %run_scoped3A = tpu.sem_alloc : memref<!tpu.dma_semaphore, #tpu.memory_space<semaphore_mem>>
      %dma_start3A_184 = arith.constant 0 : i32
      %dma_start3A_185 = tpu.memref_slice %arg8[%mul3A_2, %dma_start3A_184] : memref<16384x16xf32, #tpu.memory_space<hbm>> -> memref<512x16xf32, #tpu.memory_space<hbm>>
      %dma_start3A_186 = arith.constant 0 : i32
      %dma_start3A_187 = tpu.memref_slice %arg8[%mul3A_2, %dma_start3A_186] : memref<16384x16xf32, #tpu.memory_space<hbm>> -> memref<512x16xf32, #tpu.memory_space<hbm>>
      tpu.enqueue_dma source(%arg16 : memref<512x16xf32, #tpu.memory_space<vmem>>) target(%dma_start3A_187 : memref<512x16xf32, #tpu.memory_space<hbm>>) target_semaphore(%run_scoped3A : memref<!tpu.dma_semaphore, #tpu.memory_space<semaphore_mem>>)
      %dma_wait3A_188 = arith.constant 0 : i32
      %dma_wait3A_189 = tpu.memref_slice %arg8[%mul3A_2, %dma_wait3A_188] : memref<16384x16xf32, #tpu.memory_space<hbm>> -> memref<512x16xf32, #tpu.memory_space<hbm>>
      %dma_wait3A_190 = arith.constant 0 : i32
      %dma_wait3A_191 = tpu.memref_slice %arg8[%mul3A_2, %dma_wait3A_190] : memref<16384x16xf32, #tpu.memory_space<hbm>> -> memref<512x16xf32, #tpu.memory_space<hbm>>
      tpu.wait_dma2 semaphore(%run_scoped3A : memref<!tpu.dma_semaphore, #tpu.memory_space<semaphore_mem>>) src(%arg16 : memref<512x16xf32, #tpu.memory_space<vmem>>) dst(%dma_wait3A_191 : memref<512x16xf32, #tpu.memory_space<hbm>>)
      tpu.yield
    }) : () -> ()
    return
  }
}

module attributes {stable_mosaic.version = 14 : i64} {
  func.func @_tc_loss_body(%arg0: memref<2048x128xf32, #tpu.memory_space<vmem>>, %arg1: memref<2048x128xf32, #tpu.memory_space<vmem>>, %arg2: memref<1x1xf32, #tpu.memory_space<smem>>) attributes {dimension_semantics = [], scalar_prefetch = 0 : i64, scratch_operands = 0 : i64, tpu.core_type = #tpu.core_type<tc>} {
    %iota3A = tpu.iota {dimensions = array<i32: 0>} : vector<128x8xi32>
    %iota3A_0 = tpu.iota {dimensions = array<i32: 1>} : vector<128x8xi32>
    %jit3A = arith.constant 16 : i32
    %div3A = vector.broadcast %jit3A : i32 to vector<128x8xi32>
    %div3A_1 = arith.divsi %iota3A, %div3A : vector<128x8xi32>
    %sign3A = arith.constant 0 : i32
    %sign3A_2 = vector.broadcast %sign3A : i32 to vector<128x8xi32>
    %sign3A_3 = arith.cmpi sgt, %iota3A, %sign3A_2 : vector<128x8xi32>
    %sign3A_4 = arith.extui %sign3A_3 : vector<128x8xi1> to vector<128x8xi32>
    %sign3A_5 = arith.constant 0 : i32
    %sign3A_6 = vector.broadcast %sign3A_5 : i32 to vector<128x8xi32>
    %sign3A_7 = arith.cmpi slt, %iota3A, %sign3A_6 : vector<128x8xi32>
    %sign3A_8 = arith.extui %sign3A_7 : vector<128x8xi1> to vector<128x8xi32>
    %sign3A_9 = arith.subi %sign3A_4, %sign3A_8 : vector<128x8xi32>
    %sign3A_10 = arith.constant 0 : i32
    %sign3A_11 = arith.cmpi sgt, %jit3A, %sign3A_10 : i32
    %sign3A_12 = arith.extui %sign3A_11 : i1 to i32
    %sign3A_13 = arith.constant 0 : i32
    %sign3A_14 = arith.cmpi slt, %jit3A, %sign3A_13 : i32
    %sign3A_15 = arith.extui %sign3A_14 : i1 to i32
    %sign3A_16 = arith.subi %sign3A_12, %sign3A_15 : i32
    %ne3A = vector.broadcast %sign3A_16 : i32 to vector<128x8xi32>
    %ne3A_17 = arith.cmpi ne, %sign3A_9, %ne3A : vector<128x8xi32>
    %rem3A = vector.broadcast %jit3A : i32 to vector<128x8xi32>
    %rem3A_18 = arith.remsi %iota3A, %rem3A : vector<128x8xi32>
    %ne3A_19 = arith.constant 0 : i32
    %ne3A_20 = vector.broadcast %ne3A_19 : i32 to vector<128x8xi32>
    %ne3A_21 = arith.cmpi ne, %rem3A_18, %ne3A_20 : vector<128x8xi32>
    %and3A = arith.andi %ne3A_17, %ne3A_21 : vector<128x8xi1>
    %sub3A = arith.constant 1 : i32
    %sub3A_22 = vector.broadcast %sub3A : i32 to vector<128x8xi32>
    %sub3A_23 = arith.subi %div3A_1, %sub3A_22 : vector<128x8xi32>
    %select_n3A = arith.select %and3A, %sub3A_23, %div3A_1 : vector<128x8xi1>, vector<128x8xi32>
    %eq3A = arith.cmpi eq, %select_n3A, %iota3A_0 : vector<128x8xi32>
    %jit3A_24 = arith.constant 1.000000e+00 : f32
    %jit3A_25 = arith.constant 0.000000e+00 : f32
    %broadcast_in_dim3A = vector.broadcast %jit3A_24 : f32 to vector<128x8xf32>
    %broadcast_in_dim3A_26 = vector.broadcast %jit3A_25 : f32 to vector<128x8xf32>
    %select_n3A_27 = arith.select %eq3A, %broadcast_in_dim3A, %broadcast_in_dim3A_26 : vector<128x8xi1>, vector<128x8xf32>
    %get3A = arith.constant 0 : index
    %get3A_28 = arith.constant 0 : index
    %get3A_29 = vector.load %arg0[%get3A, %get3A_28] : memref<2048x128xf32, #tpu.memory_space<vmem>>, vector<2048x128xf32>
    %dot_general3A = arith.constant dense<0.000000e+00> : vector<2048x8xf32>
    %dot_general3A_30 = tpu.matmul %get3A_29, %select_n3A_27, %dot_general3A {dimension_numbers = #tpu.dot_dimension_numbers<[1], [0], [0], [1], [0, 0, 1, 1], [], []>, precision = #tpu.contract_precision<fp32>, transpose_lhs_hint = false} : vector<2048x128xf32>, vector<128x8xf32>, vector<2048x8xf32> -> vector<2048x8xf32>
    %get3A_31 = arith.constant 0 : index
    %get3A_32 = arith.constant 0 : index
    %get3A_33 = vector.load %arg1[%get3A_31, %get3A_32] : memref<2048x128xf32, #tpu.memory_space<vmem>>, vector<2048x128xf32>
    %dot_general3A_34 = arith.constant dense<0.000000e+00> : vector<2048x8xf32>
    %dot_general3A_35 = tpu.matmul %get3A_33, %select_n3A_27, %dot_general3A_34 {dimension_numbers = #tpu.dot_dimension_numbers<[1], [0], [0], [1], [0, 0, 1, 1], [], []>, precision = #tpu.contract_precision<fp32>, transpose_lhs_hint = false} : vector<2048x128xf32>, vector<128x8xf32>, vector<2048x8xf32> -> vector<2048x8xf32>
    %min3A = arith.constant 0.000000e+00 : f32
    %min3A_36 = vector.broadcast %min3A : f32 to vector<2048x8xf32>
    %min3A_37 = arith.minimumf %dot_general3A_30, %min3A_36 : vector<2048x8xf32>
    %abs3A = math.absf %dot_general3A_30 : vector<2048x8xf32>
    %neg3A = arith.constant 0.000000e+00 : f32
    %neg3A_38 = vector.broadcast %neg3A : f32 to vector<2048x8xf32>
    %neg3A_39 = arith.subf %neg3A_38, %abs3A : vector<2048x8xf32>
    %exp3A = math.exp %neg3A_39 : vector<2048x8xf32>
    %log1p3A = math.log1p %exp3A : vector<2048x8xf32>
    %sub3A_40 = arith.subf %min3A_37, %log1p3A : vector<2048x8xf32>
    %min3A_41 = arith.constant 0.000000e+00 : f32
    %min3A_42 = vector.broadcast %min3A_41 : f32 to vector<2048x8xf32>
    %min3A_43 = arith.minimumf %dot_general3A_35, %min3A_42 : vector<2048x8xf32>
    %abs3A_44 = math.absf %dot_general3A_35 : vector<2048x8xf32>
    %neg3A_45 = arith.constant 0.000000e+00 : f32
    %neg3A_46 = vector.broadcast %neg3A_45 : f32 to vector<2048x8xf32>
    %neg3A_47 = arith.subf %neg3A_46, %abs3A_44 : vector<2048x8xf32>
    %exp3A_48 = math.exp %neg3A_47 : vector<2048x8xf32>
    %log1p3A_49 = math.log1p %exp3A_48 : vector<2048x8xf32>
    %sub3A_50 = arith.subf %min3A_43, %log1p3A_49 : vector<2048x8xf32>
    %sub3A_51 = arith.constant 1.000000e+00 : f32
    %sub3A_52 = vector.broadcast %sub3A_51 : f32 to vector<2048x8xf32>
    %sub3A_53 = arith.subf %sub3A_52, %sub3A_40 : vector<2048x8xf32>
    %square3A = arith.mulf %sub3A_53, %sub3A_53 : vector<2048x8xf32>
    %reduce_sum3A = vector.shape_cast %square3A : vector<2048x8xf32> to vector<1x2048x8xf32>
    %reduce_sum3A_54 = arith.constant dense<0.000000e+00> : vector<1xf32>
    %reduce_sum3A_55 = vector.multi_reduction <add>, %reduce_sum3A, %reduce_sum3A_54 [1, 2] : vector<1x2048x8xf32> to vector<1xf32>
    %reduce_sum3A_56 = vector.shape_cast %reduce_sum3A_55 : vector<1xf32> to vector<1x1x1xf32>
    %reduce_sum3A_57 = vector.extract %reduce_sum3A_56[0, 0, 0] : f32 from vector<1x1x1xf32>
    %square3A_58 = arith.mulf %sub3A_50, %sub3A_50 : vector<2048x8xf32>
    %reduce_sum3A_59 = vector.shape_cast %square3A_58 : vector<2048x8xf32> to vector<1x2048x8xf32>
    %reduce_sum3A_60 = arith.constant dense<0.000000e+00> : vector<1xf32>
    %reduce_sum3A_61 = vector.multi_reduction <add>, %reduce_sum3A_59, %reduce_sum3A_60 [1, 2] : vector<1x2048x8xf32> to vector<1xf32>
    %reduce_sum3A_62 = vector.shape_cast %reduce_sum3A_61 : vector<1xf32> to vector<1x1x1xf32>
    %reduce_sum3A_63 = vector.extract %reduce_sum3A_62[0, 0, 0] : f32 from vector<1x1x1xf32>
    %add3A = arith.addf %reduce_sum3A_57, %reduce_sum3A_63 : f32
    %swap3A = arith.constant 0 : index
    %swap3A_64 = arith.constant 0 : index
    %swap3A_65 = memref.load %arg2[%swap3A, %swap3A_64] : memref<1x1xf32, #tpu.memory_space<smem>>
    memref.store %add3A, %arg2[%swap3A, %swap3A_64] : memref<1x1xf32, #tpu.memory_space<smem>>
    return
  }
}

</mosaic_0001>

<sc_bundles>
// kernel: kernel.4.cloned.1.call-start
scs
__scs_entry_jumppad:
0x0: {  	(pc) =	sbr.rel $0x88, $3  }
0x1: {  	(tag) =	ssettag $0x0;
	lr =	simm.s32 $0x1  }
0x2: {  	[smem:$0x3F9C] =	sst lr;
	_ =	strace $0xD0000000  }
0x3: {  	_ = 	snop  }
0x4: {  	_ = 	snop  }
0x5: {  	_ = 	snop  }
0x6: {  	_ = 	snop  }
0x7: {  	_ = 	snop  }
__scs_overlays_trampoline_lowered:
0x8: {  	[smem:$0x3FAB] =	sst s0  }
0x9: {  	[smem:$0x3FAC] =	sst s1  }
0xa: {  	[smem:$0x3FAD] =	sst s2  }
0xb: {  	[smem:$0x3FAE] =	sst s3  }
0xc: {  	[smem:$0x3FAF] =	sst s4  }
0xd: {  	[smem:$0x3FB0] =	sst s5  }
0xe: {  	[smem:$0x3FB1] =	sst s6  }
0xf: {  	[smem:$0x3FB2] =	sst s7  }
0x10: {  	[smem:$0x3FB3] =	sst s8  }
0x11: {  	[smem:$0x3FB4] =	sst s9;
	s0 =	simm.s32 @!p0 $0x0  }
0x12: {  	s1 =	sld [smem:$0x3F9A];
	s0 =	simm.s32 @p0 $0x1  }
0x13: {  	[smem:$0x3FB5] =	sst s0;
	s0 =	simm.s32 @!p1 $0x0  }
0x14: {  	s2 =	sld [smem:$0x3F99];
	s0 =	simm.s32 @p1 $0x1  }
0x15: {  	[smem:$0x3FB6] =	sst s0;
	s0 =	simm.s32 @!p2 $0x0  }
0x16: {  	s3 =	sld [smem:$0x3FDB];
	s0 =	simm.s32 @p2 $0x1  }
0x17: {  	s4 =	simm.s32 $0x1BF5;
	[smem:$0x3FB8] =	sst s0  }
0x18: {  	s0 =	sld [smem:$0x3F9B];
	_ =	swait.ge [sflag:s4], $0x0  }
0x19: {  	s7 =	sld [smem:$0x3F9C]  }
0x1a: {  	s8 =	sadd.s32 $0xFFFFE003, lr  }
0x1b: {  	s9 =	sadd.s32 $0xFFFFFEF7, lr;
	s5 =	simm.s32 $0xFFFFFFFF;
	p2 =	slt.u32 s8, $0xFFFFF086  }
0x1c: {  	p1 =	slt.u32 s9, $0xF7A;
	s5 =	simm.s32 @!p2 $0x0  }
0x1d: {  	s5 =	simm.s32 @p1 $0x1;
	p0 =	seq.s32 s7, s2  }
0x1e: {  	s7 =	smul.u32 @!p0 $0xF7A, s2;
	p2 =	seq.s32 @!p0 s5, $0x0  }
0x1f: {  	s9 =	smul.u32 $0xF7A, s1;
	s8 =	simm.s32 @!p0 $0x1BF5;
	p2 =	por !p2, p0  }
0x20: {  	[sflag:s8] =	ssyncset.s32 @!p0 $0xFFFFF086;
	s6 =	sadd.s32 @!p0 s3, s7;
	s7 =	simm.s32 @!p0 $0x108  }
0x21: {  	s3 =	sadd.s32 s3, s9;
	s6 =	sadd.s32 @!p0 $0x88, s6;
	s7 =	simm.s32 @p2 $0x1082  }
0x22: {  	[simem:s7], [sflag:s8] =	dma.local @!p0 [hbm:s6], $0xF7A  }
0x23: {  	s9 =	sor.u32 $0xD0000000, s2;
	s6 =	simm.s32 $0x108;
	_ =	swait.ge @!p0 [sflag:s8], $0x0  }
0x24: {  	s3 =	sadd.s32 $0x88, s3;
	s6 =	simm.s32 @!p1 $0x1082;
	[sflag:s4] =	ssyncset.s32 $0xFFFFF086  }
0x25: {  	[simem:s6], [sflag:s4] =	dma.local [hbm:s3], $0xF7A  }
0x26: {  	[smem:$0x3F9C] =	sst s1;
	(tag) =	ssettag s2;
	_ =	strace s9  }
0x27: {  	s1 =	sld [smem:$0x3FAC]  }
0x28: {  	s2 =	sld [smem:$0x3FAD]  }
0x29: {  	s4 =	sld [smem:$0x3FAF]  }
0x2a: {  	p0 =	seq.s32 s5, $0x0;
	s5 =	sld [smem:$0x3FB0]  }
0x2b: {  	s6 =	sld [smem:$0x3FB1]  }
0x2c: {  	s7 =	sld [smem:$0x3FB2]  }
0x2d: {  	s3 =	simm.s32 $0x108;
	s8 =	sld [smem:$0x3FB3]  }
0x2e: {  	s3 =	simm.s32 @!p0 $0x1082;
	s9 =	sld [smem:$0x3FB4]  }
0x2f: {  	lr =	sadd.s32 s0, s3;
	s0 =	sld [smem:$0x3FAB]  }
0x30: {  	s3 =	sld [smem:$0x3FAE]  }
0x31: {  	[smem:$0x3FB7] =	sst s10  }
0x32: {  	s10 =	sld [smem:$0x3FB5];
	_ =	sdelay $0x3  }
0x33: {  	p0 =	seq.s32 s10, $0x1;
	s10 =	sld [smem:$0x3FB7];
	_ =	sdelay $0x3  }
0x34: {  	[smem:$0x3FB7] =	sst s10  }
0x35: {  	s10 =	sld [smem:$0x3FB6];
	_ =	sdelay $0x3  }
0x36: {  	p1 =	seq.s32 s10, $0x1;
	s10 =	sld [smem:$0x3FB7];
	_ =	sdelay $0x3  }
0x37: {  	[smem:$0x3FB7] =	sst s10  }
0x38: {  	s10 =	sld [smem:$0x3FB8]  }
0x39: {  	_ = 	snop;
	(pc) =	sbr.ind lr, $3  }
0x3a: {  	_ = 	snop  }
0x3b: {  	_ = 	snop  }
0x3c: {  	p2 =	seq.s32 s10, $0x1;
	s10 =	sld [smem:$0x3FB7]  }
0x3d: {  	_ =	shalt  }
0x3e: {  	_ =	shalt  }
0x3f: {  	_ =	shalt  }
0x40: {  	_ =	shalt  }
0x41: {  	_ =	shalt  }
0x42: {  	_ =	shalt  }
0x43: {  	_ =	shalt  }
0x44: {  	_ =	shalt  }
0x45: {  	_ =	shalt  }
0x46: {  	_ =	shalt  }
0x47: {  	_ =	shalt  }
0x48: {  	_ =	shalt  }
0x49: {  	_ =	shalt  }
0x4a: {  	_ =	shalt  }
0x4b: {  	_ =	shalt  }
0x4c: {  	_ =	shalt  }
0x4d: {  	_ =	shalt  }
0x4e: {  	_ =	shalt  }
0x4f: {  	_ =	shalt  }
0x50: {  	_ =	shalt  }
0x51: {  	_ =	shalt  }
0x52: {  	_ =	shalt  }
0x53: {  	_ =	shalt  }
0x54: {  	_ =	shalt  }
0x55: {  	_ =	shalt  }
0x56: {  	_ =	shalt  }
0x57: {  	_ =	shalt  }
0x58: {  	_ =	shalt  }
0x59: {  	_ =	shalt  }
0x5a: {  	_ =	shalt  }
0x5b: {  	_ =	shalt  }
0x5c: {  	_ =	shalt  }
0x5d: {  	_ =	shalt  }
0x5e: {  	_ =	shalt  }
0x5f: {  	_ =	shalt  }
0x60: {  	_ =	shalt  }
0x61: {  	_ =	shalt  }
0x62: {  	_ =	shalt  }
0x63: {  	_ =	shalt  }
0x64: {  	_ =	shalt  }
0x65: {  	_ =	shalt  }
0x66: {  	_ =	shalt  }
0x67: {  	_ =	shalt  }
0x68: {  	_ =	shalt  }
0x69: {  	_ =	shalt  }
0x6a: {  	_ =	shalt  }
0x6b: {  	_ =	shalt  }
0x6c: {  	_ =	shalt  }
0x6d: {  	_ =	shalt  }
0x6e: {  	_ =	shalt  }
0x6f: {  	_ =	shalt  }
0x70: {  	_ =	shalt  }
0x71: {  	_ =	shalt  }
0x72: {  	_ =	shalt  }
0x73: {  	_ =	shalt  }
0x74: {  	_ =	shalt  }
0x75: {  	_ =	shalt  }
0x76: {  	_ =	shalt  }
0x77: {  	_ =	shalt  }
0x78: {  	_ =	shalt  }
0x79: {  	_ =	shalt  }
0x7a: {  	_ =	shalt  }
0x7b: {  	_ =	shalt  }
0x7c: {  	_ =	shalt  }
0x7d: {  	_ =	shalt  }
0x7e: {  	_ =	shalt  }
0x7f: {  	_ =	shalt  }
0x80: {  	_ =	shalt  }
0x81: {  	_ =	shalt  }
0x82: {  	_ =	shalt  }
0x83: {  	_ =	shalt  }
0x84: {  	_ =	shalt  }
0x85: {  	_ =	shalt  }
0x86: {  	_ =	shalt  }
0x87: {  	_ =	shalt  }
.Lfunc_end0:
.L_simem_size_0:
called_computation_lowered:
.L_overlay_start_0:
0x88: {  	s2 =	sld [smem:$0x3FD9]  }
0x89: {  	s3 =	sld [smem:$0x3FFE];
	_ =	sdelay $0x1  }
0x8a: {  	s1 =	srdreg.scid  }
0x8b: {  	s0 =	sand.u32 $0x1, s1  }
0x8c: {  	s17 =	sshll.u32 s0, $0xA;
	s2 =	sadd.s32 s3, s2  }
0x8d: {  	s2 =	sadd.s32 s2, s17  }
0x8e: {  	[smem:$0x3FC3] =	sst s2  }
0x8f: {  	_ = 	snop  }
0x90: {  	s2 =	sld [smem:$0x3FC7]  }
0x91: {  	s18 =	sld [smem:$0x3FC6];
	(tm) =	ssettm $0x1  }
0x92: {  	s4 =	sld [smem:$0x3FFB];
	_ =	sdelay $0x3  }
0x93: {  	_ =	strace s4  }
0x94: {  	s4 =	sld [smem:$0x3FFC];
	_ =	sdelay $0x3  }
0x95: {  	_ =	strace s4  }
0x96: {  	s4 =	sld [smem:$0x3FFD];
	_ =	sdelay $0x3  }
0x97: {  	_ =	strace s4  }
0x98: {  	_ =	strace $0x8FFFFFFF  }
0x99: {  	s19 =	sld [smem:$0x3FDB];
	_ =	sdelay $0x1  }
0x9a: {  	s5 =	simm.s32 $_scs_section_size  }
0x9b: {  	s6 =	simm.s32 $_size__tile_overlayer_lowered;
	s7 =	simm.s32 $_tile_overlayer_lowered  }
0x9c: {  	s22 =	simm.s32 $0x1BFF;
	s21 =	sshll.u32 s7, $0x1;
	s4 =	sadd.s32 s5, s19  }
0x9d: {  	s8 =	simm.s32 $0x0;
	s20 =	sshll.u32 s6, $0x1;
	s6 =	sadd.s32 s21, s4  }
0x9e: {  	[timem:s8], [sflag:s22] =	dma.local [hbm:s6], s20  }
0x9f: {  	_ =	swait.ge [sflag:s22], s20  }
0xa0: {  	s5 =	ssub.s32 $0x0, s20;
	[sflag:s22] =	ssyncset.done $0x0  }
0xa1: {  	[sflag:s22] =	ssyncadd.s32 s5;
	_ =	sdelay $0x1  }
0xa2: {  	s23 =	simm.s32 $0x1B8B  }
0xa3: {  	_ =	swait.ge [sflag:s23], $0x1  }
0xa4: {  	[sflag:s23] =	ssyncset.done $0x0  }
0xa5: {  	s25 =	simm.s32 $0x1B8E;
	s24 =	sld [smem:$0x3FFE];
	[sflag:s23] =	ssyncadd.s32 $0xFFFFFFFF  }
0xa6: {  	s26 =	simm.s32 $execute0_lowered;
	[smem:$0x3FD2] =	sst s25  }
0xa7: {  	s6 =	sshll.u32 s26, $0x1;
	_ =	strace $0x80000046;
	[dreg:$0x1] =	wrdreg $0xFFFFFFFF  }
0xa8: {  	s28 =	simm.s32 $_size_execute0_lowered;
	s4 =	sadd.s32 s4, s6;
	[dreg:$0x0] =	wrdreg $0x0  }
0xa9: {  	s6 =	sshll.u32 s28, $0x1;
	[dreg:$0x2] =	wrdreg s4  }
0xaa: {  	[dreg:$0x3] =	wrdreg s6  }
0xab: {  	[dreg:$0x4] =	wrdreg $0xC0  }
0xac: {  	_ =	task [dreg:s8], $0x5FFFF  }
0xad: {  	[dreg:$0x1] =	wrdreg $0xFFFFFFFF  }
0xae: {  	[dreg:$0x0] =	wrdreg $0x60  }
0xaf: {  	[dreg:$0x2] =	wrdreg s24  }
0xb0: {  	[dreg:$0x3] =	wrdreg s2  }
0xb1: {  	[dreg:$0x4] =	wrdreg s18  }
0xb2: {  	[dreg:$0x5] =	wrdreg $0x9  }
0xb3: {  	_ =	task.clear_ibuf [dreg:s8], $0x6FFFF;
	_ =	strace $0x90000046  }
0xb4: {  	s29 =	simm.s32 $0x9;
	_ =	strace $0x80000048  }
0xb5: {  	_ =	swait.ge [sflag:s29], $0x1  }
0xb6: {  	[sflag:s29] =	ssyncadd.s32 $0xFFFFFFFF  }
0xb7: {  	_ =	strace $0x90000048  }
0xb8: {  	_ =	sfence  }
0xb9: {  	s30 =	sld [smem:$0x0];
	_ =	sdelay $0x2  }
0xba: {  	s31 =	sshll.u32 s1, $0xD;
	s1 =	sshrl.u32 s1, $0x2  }
0xbb: {  	s3 =	sand.u32 $0x4000, s31;
	s1 =	sadd.s32 s1, s30  }
0xbc: {  	s0 =	sor.u32 s3, s0;
	s1 =	sshll.u32 s1, $0x11  }
0xbd: {  	s0 =	sor.u32 s1, s0  }
0xbe: {  	s0 =	sadd.s32 $0x8F2B, s0  }
0xbf: {  	[sflag:s0] =	ssyncadd.remote.s32 $0x1  }
0xc0: {  	_ =	sfence.sel $0xFFFF  }
0xc1: {  	[dreg:$0x0] =	wrdreg $0xFFFFFFFF;
	(pc) =	sbr.abs _section_cstart, $3  }
0xc2: {  	[dreg:$0x1] =	wrdreg $0xFFFFFFFF  }
0xc3: {  	_ =	task.clear_ibuf [dreg:s8], $0x2FFFF;
	_ =	strace $0x9FFFFFFF  }
0xc4: {  	(tm) =	ssettm $0x7FFFFFFF  }
0xc5: {  	_ =	shalt  }
tec
execute0_lowered:
.L_overlay_start_1:
0x0: {  	(tag) =	ssettag $0x1  }
0x1: {  	s0 =	rddreg [dreg:$0x0]  }
0x2: {  	s1 =	rddreg [dreg:$0x1]  }
0x3: {  	s6 =	rddreg [dreg:$0x2]  }
0x4: {  	s3 =	srdreg.scid;
	s4 =	stileid.u32  }
0x5: {  	s2 =	simm.s32 $0x0;
	s11 =	simm.s32 $0x3;
	s12 =	simm.s32 $0x200  }
0x6: {  	s13 =	simm.s32 $0x400;
	s14 =	simm.s32 $0x80;
	s25 =	simm.s32 $0xEC00  }
0x7: {  	s28 =	simm.s32 $0x10C00;
	s29 =	simm.s32 $0x50;
	s30 =	simm.s32 $0x12C00  }
0x8: {  	s31 =	simm.s32 $0x1;
	s15 =	simm.s32 $0x17400;
	s16 =	simm.s32 $0x0  }
0x9: {  	s5 =	sand.u32 $0x1, s3;
	s26 =	sshll.u32 s4, $0x1;
	[smem:$0x7FF] =	sst s2  }
0xa: {  	s3 =	sadd.s32 $0x16E4400, s0;
	s4 =	sadd.s32 $0xF43200, s0;
	s7 =	sor.u32 s5, s26  }
0xb: {  	_ =	strace $0x80000047;
	s5 =	ssub.s32 $0x2, s5;
	s8 =	smul.u32 $0x500, s7  }
0xc: {  	s9 =	sshll.u32 s7, $0xA;
	s10 =	sshrl.u32 s5, $0x1;
	s7 =	sshll.u32 s7, $0x6  }
0xd: {  	s26 =	simm.s32 $0x380;
	s10 =	ssub.s32 s5, s10;
	s5 =	sadd.s32 s1, s7  }
0xe: {  	s6 =	sadd.s32 s6, s7;
	s1 =	simm.s32 $0x15400;
	s8 =	sadd.s32 s8, s0  }
0xf: {  	s0 =	sadd.s32 s9, s0;
	s10 =	smax.u32 s10, $0x1;
	s7 =	sadd.s32 $0xE00, s8  }
0x10: {  	s8 =	sadd.s32 $0xAE00, s0;
	s9 =	sadd.s32 $0x12E00, s0;
	s0 =	simm.s32 $0x2  }
.LBB2_1:
0x11: {  	[tilespmem:s2], [sflag:$0x3] =	stream.linear.gather [hbm4b:s5+s2], $0x200, $0x38;
	[tilespmem:$0x19400] =	vst v63  }
0x12: {  	_ =	swait.ge [sflag:s11], $0x200  }
0x13: {  	[sflag:s11] =	ssyncset.done $0x0  }
0x14: {  	[sflag:s11] =	ssyncadd.s32 $0xFFFFFE00  }
0x15: {  	[tilespmem:s12], [sflag:$0x3] =	stream.linear.gather [hbm4b:s6+s2], $0x200, $0x38;
	[tilespmem:$0x19400] =	vst v63  }
0x16: {  	_ =	swait.ge [sflag:s11], $0x200  }
0x17: {  	[sflag:s11] =	ssyncset.done $0x0  }
0x18: {  	[sflag:s11] =	ssyncadd.s32 $0xFFFFFE00  }
0x19: {  	[tilespmem:s13], [sflag:$0x3] =	stream.linear.gather [hbm4b:s7+s2], $0x2800, $0x38;
	[tilespmem:$0x19400] =	vst v63  }
0x1a: {  	_ =	swait.ge [sflag:s11], $0x2800  }
0x1b: {  	[sflag:s11] =	ssyncset.done $0x0  }
0x1c: {  	s17 =	simm.s32 $0x2C00;
	[sflag:s11] =	ssyncadd.s32 $0xFFFFD800  }
0x1d: {  	[tilespmem:s17], [sflag:$0x1] =	stream.indirect.gather [hbm4b:s3+s14], $0x40, s2, s14, $0xb8;
	[tilespmem:$0x19400] =	vst v63  }
0x1e: {  	s23 =	simm.s32 $0x4C00  }
0x1f: {  	[tilespmem:s23], [sflag:$0x1] =	stream.indirect.gather [hbm4b:s3+s14], $0x40, s14, s14, $0xb8;
	[tilespmem:$0x19400] =	vst v63  }
0x20: {  	s24 =	simm.s32 $0x100;
	s18 =	simm.s32 $0x6C00  }
0x21: {  	[tilespmem:s18], [sflag:$0x1] =	stream.indirect.gather [hbm4b:s3+s14], $0x40, s24, s14, $0xb8;
	[tilespmem:$0x19400] =	vst v63  }
0x22: {  	s19 =	simm.s32 $0x180;
	s20 =	simm.s32 $0x8C00  }
0x23: {  	[tilespmem:s20], [sflag:$0x1] =	stream.indirect.gather [hbm4b:s3+s14], $0x40, s19, s14, $0xb8;
	[tilespmem:$0x19400] =	vst v63  }
0x24: {  	s21 =	simm.s32 $0xAC00  }
0x25: {  	[tilespmem:s21], [sflag:$0x1] =	stream.indirect.gather [hbm4b:s4+s14], $0x40, s12, s14, $0xb8;
	[tilespmem:$0x19400] =	vst v63  }
0x26: {  	s22 =	simm.s32 $0x280;
	s23 =	simm.s32 $0xCC00  }
0x27: {  	[tilespmem:s23], [sflag:$0x1] =	stream.indirect.gather [hbm4b:s4+s14], $0x40, s22, s14, $0xb8;
	[tilespmem:$0x19400] =	vst v63  }
0x28: {  	s24 =	simm.s32 $0x300  }
0x29: {  	[tilespmem:s25], [sflag:$0x1] =	stream.indirect.gather [hbm4b:s4+s14], $0x40, s24, s14, $0xb8;
	[tilespmem:$0x19400] =	vst v63  }
0x2a: {  	_ = 	snop  }
0x2b: {  	[tilespmem:s28], [sflag:$0x1] =	stream.indirect.gather [hbm4b:s4+s14], $0x40, s26, s14, $0xb8;
	[tilespmem:$0x19400] =	vst v63  }
0x2c: {  	_ = 	snop  }
0x2d: {  	[tilespmem:s30], [sflag:$0x2] =	stream.indirect.gather [hbm4b:s4+s29], $0x40, s13, s29, $0xb8;
	[tilespmem:$0x19400] =	vst v63  }
0x2e: {  	_ =	swait.ge [sflag:s31], $0x2000  }
0x2f: {  	[sflag:s31] =	ssyncset.done $0x0  }
0x30: {  	[sflag:s31] =	ssyncadd.s32 $0xFFFFE000  }
0x31: {  	_ =	swait.ge [sflag:s31], $0x2000  }
0x32: {  	[sflag:s31] =	ssyncset.done $0x0  }
0x33: {  	[sflag:s31] =	ssyncadd.s32 $0xFFFFE000  }
0x34: {  	_ =	swait.ge [sflag:s31], $0x2000  }
0x35: {  	[sflag:s31] =	ssyncset.done $0x0  }
0x36: {  	[sflag:s31] =	ssyncadd.s32 $0xFFFFE000  }
0x37: {  	_ =	swait.ge [sflag:s31], $0x2000  }
0x38: {  	[sflag:s31] =	ssyncset.done $0x0  }
0x39: {  	[sflag:s31] =	ssyncadd.s32 $0xFFFFE000  }
0x3a: {  	_ =	swait.ge [sflag:s31], $0x2000  }
0x3b: {  	[sflag:s31] =	ssyncset.done $0x0  }
0x3c: {  	[sflag:s31] =	ssyncadd.s32 $0xFFFFE000  }
0x3d: {  	_ =	swait.ge [sflag:s31], $0x2000  }
0x3e: {  	[sflag:s31] =	ssyncset.done $0x0  }
0x3f: {  	[sflag:s31] =	ssyncadd.s32 $0xFFFFE000  }
0x40: {  	_ =	swait.ge [sflag:s31], $0x2000  }
0x41: {  	[sflag:s31] =	ssyncset.done $0x0  }
0x42: {  	[sflag:s31] =	ssyncadd.s32 $0xFFFFE000  }
0x43: {  	s17 =	simm.s32 $0x450;
	_ =	swait.ge [sflag:s31], $0x2000  }
0x44: {  	s18 =	simm.s32 $0x2C80;
	s19 =	simm.s32 $0xAC80;
	[sflag:s31] =	ssyncset.done $0x0  }
0x45: {  	s20 =	simm.s32 $0x0;
	s21 =	simm.s32 $0x0;
	[sflag:s31] =	ssyncadd.s32 $0xFFFFE000  }
.LBB2_2:
0x46: {  	s22 =	sand.u32 $0x1, s21;
	p0 =	seq.s32 s20, $0x7F00  }
0x47: {  	s23 =	sxor.u32 @!p0 $0x1, s22  }
0x48: {  	s23 =	smul.u32 @!p0 $0x5000, s23  }
0x49: {  	_ =	swait.ge [sflag:s0], $0x1400  }
0x4a: {  	[sflag:s0] =	ssyncset.done $0x0;
	s23 =	sshrl.u32 @!p0 s23, $0x2  }
0x4b: {  	s24 =	simm.s32 @!p0 $0x50;
	[sflag:s0] =	ssyncadd.s32 $0xFFFFEC00;
	s23 =	sadd.s32 @!p0 $0x12C00, s23  }
0x4c: {  	[tilespmem:s23], [sflag:$0x2] =	stream.indirect.gather @!p0 [hbm4b:s4+s24], $0x40, s17, s24, $0xb8;
	[tilespmem:$0x19400] =	vst v63  }
0x4d: {  	v1 =	vld [tilespmem:s18+$0xFFFFFF80]  }
0x4e: {  	s22 =	smul.u32 $0x5000, s22;
	v2 =	vld [tilespmem:s18+$0xFFFFFF90]  }
0x4f: {  	v3 =	vld [tilespmem:s18+$0xFFFFFFA0]  }
0x50: {  	s22 =	sshrl.u32 s22, $0x2;
	v0 =	vld [tilespmem:s18+$0xFFFFFFB0]  }
0x51: {  	v4 =	vld [tilespmem:s22+$0x12C00]  }
0x52: {  	v5 =	vld [tilespmem:s22+$0x12C10]  }
0x53: {  	v6 =	vld [tilespmem:s22+$0x12C20]  }
0x54: {  	v7 =	vld [tilespmem:s22+$0x12C30]  }
0x55: {  	v8 =	vld [tilespmem:s22+$0x12C40]  }
0x56: {  	v9 =	vld [tilespmem:s22+$0x12C50]  }
0x57: {  	v10 =	vld [tilespmem:s22+$0x12C60]  }
0x58: {  	v11 =	vld [tilespmem:s22+$0x12C70]  }
0x59: {  	v12 =	vld [tilespmem:s22+$0x12C80]  }
0x5a: {  	v13 =	vld [tilespmem:s22+$0x12C90]  }
0x5b: {  	v14 =	vld [tilespmem:s22+$0x12CA0]  }
0x5c: {  	v15 =	vld [tilespmem:s22+$0x12CB0]  }
0x5d: {  	v16 =	vld [tilespmem:s22+$0x12CC0]  }
0x5e: {  	v17 =	vld [tilespmem:s22+$0x12CD0]  }
0x5f: {  	v18 =	vld [tilespmem:s22+$0x12CE0]  }
0x60: {  	v19 =	vld [tilespmem:s22+$0x12CF0]  }
0x61: {  	v20 =	vld [tilespmem:s22+$0x12D00]  }
0x62: {  	v21 =	vld [tilespmem:s22+$0x12D10]  }
0x63: {  	v22 =	vld [tilespmem:s22+$0x12D20]  }
0x64: {  	v23 =	vld [tilespmem:s22+$0x12D30]  }
0x65: {  	v24 =	vld [tilespmem:s22+$0x12D40]  }
0x66: {  	v25 =	vld [tilespmem:s22+$0x12D50]  }
0x67: {  	v26 =	vld [tilespmem:s22+$0x12D60]  }
0x68: {  	v27 =	vld [tilespmem:s22+$0x12D70]  }
0x69: {  	v28 =	vld [tilespmem:s22+$0x12D80]  }
0x6a: {  	v29 =	vld [tilespmem:s22+$0x12D90]  }
0x6b: {  	v30 =	vld [tilespmem:s22+$0x12DA0];
	v4 =	vmul.f32 v4, v1  }
0x6c: {  	v31 =	vld [tilespmem:s22+$0x12DB0];
	v5 =	vmul.f32 v5, v2;
	v6 =	vmul.f32 v6, v3  }
0x6d: {  	v32 =	vld [tilespmem:s22+$0x12DC0];
	v7 =	vmul.f32 v7, v0;
	v8 =	vmul.f32 v8, v1  }
0x6e: {  	v33 =	vld [tilespmem:s22+$0x12DD0];
	v9 =	vmul.f32 v9, v2;
	v47 =	vmul.f32 v10, v3  }
0x6f: {  	v34 =	vld [tilespmem:s22+$0x12DE0];
	v48 =	vmul.f32 v11, v0;
	v49 =	vmul.f32 v12, v1  }
0x70: {  	v35 =	vld [tilespmem:s22+$0x12DF0];
	v50 =	vmul.f32 v13, v2;
	v51 =	vmul.f32 v14, v3  }
0x71: {  	v36 =	vld [tilespmem:s22+$0x12E00];
	v52 =	vmul.f32 v15, v0;
	v53 =	vmul.f32 v16, v1  }
0x72: {  	v37 =	vld [tilespmem:s22+$0x12E10];
	v54 =	vmul.f32 v17, v2;
	v55 =	vmul.f32 v18, v3  }
0x73: {  	v38 =	vld [tilespmem:s22+$0x12E20];
	v56 =	vmul.f32 v19, v0;
	v57 =	vmul.f32 v20, v1  }
0x74: {  	v58 =	vld [tilespmem:s22+$0x12E90];
	v59 =	vmul.f32 v21, v2;
	v60 =	vmul.f32 v22, v3  }
0x75: {  	v63 =	vld [tilespmem:s22+$0x12EC0];
	v61 =	vmul.f32 v23, v0;
	v62 =	vmul.f32 v24, v1  }
0x76: {  	v40 =	vld [tilespmem:s22+$0x12F20];
	v25 =	vmul.f32 v25, v2;
	v26 =	vmul.f32 v26, v3  }
0x77: {  	v42 =	vld [tilespmem:s22+$0x12F30];
	v27 =	vmul.f32 v27, v0;
	v28 =	vmul.f32 v28, v1  }
0x78: {  	v45 =	vld [tilespmem:s22+$0x12F40];
	v29 =	vmul.f32 v29, v2;
	v30 =	vmul.f32 v30, v3  }
0x79: {  	v10 =	vld [tilespmem:s22+$0x12E30];
	v31 =	vmul.f32 v31, v0;
	v32 =	vmul.f32 v32, v1  }
0x7a: {  	v12 =	vld [tilespmem:s22+$0x12E40];
	v39 =	vmul.f32 v33, v2;
	v41 =	vmul.f32 v34, v3  }
0x7b: {  	v11 =	vld [tilespmem:s22+$0x12E60];
	v43 =	vmul.f32 v35, v0;
	v44 =	vmul.f32 v36, v1;
	v4 =	vadd.f32 $0.0e+00, v4  }
0x7c: {  	v21 =	vld [tilespmem:s22+$0x12EF0];
	v46 =	vmul.f32 v37, v2;
	v5 =	vadd.f32 $0.0e+00, v5;
	v6 =	vadd.f32 $0.0e+00, v6  }
0x7d: {  	v24 =	vld [tilespmem:s22+$0x12F00];
	v58 =	vmul.f32 v58, v2;
	v7 =	vadd.f32 $0.0e+00, v7;
	v4 =	vadd.f32 v8, v4  }
0x7e: {  	v14 =	vld [tilespmem:s22+$0x12E50];
	v63 =	vmul.f32 v63, v1;
	v5 =	vadd.f32 v9, v5;
	v6 =	vadd.f32 v47, v6  }
0x7f: {  	v13 =	vld [tilespmem:s22+$0x12E70];
	v7 =	vadd.f32 v48, v7;
	v47 =	vmul.f32 v38, v3;
	v38 =	vmul.f32 v40, v3  }
0x80: {  	v16 =	vld [tilespmem:s22+$0x12E80];
	v40 =	vmul.f32 v42, v0;
	v11 =	vmul.f32 v11, v3;
	v4 =	vadd.f32 v49, v4  }
0x81: {  	v15 =	vld [tilespmem:s22+$0x12EA0];
	v33 =	vmul.f32 v21, v0;
	v5 =	vadd.f32 v50, v5;
	v6 =	vadd.f32 v51, v6  }
0x82: {  	v17 =	vld [tilespmem:s22+$0x12EB0];
	v35 =	vmul.f32 v24, v1;
	v7 =	vadd.f32 v52, v7;
	v4 =	vadd.f32 v53, v4  }
0x83: {  	v22 =	vld [tilespmem:s22+$0x12ED0];
	v49 =	vmul.f32 v10, v0;
	v5 =	vadd.f32 v54, v5;
	v6 =	vadd.f32 v55, v6  }
0x84: {  	v19 =	vld [tilespmem:s22+$0x12EE0];
	v51 =	vmul.f32 v12, v1;
	v7 =	vadd.f32 v56, v7;
	v4 =	vadd.f32 v57, v4  }
0x85: {  	v34 =	vld [tilespmem:s22+$0x12FE0];
	v53 =	vmul.f32 v14, v2;
	v5 =	vadd.f32 v59, v5;
	v6 =	vadd.f32 v60, v6  }
0x86: {  	v48 =	vld [tilespmem:s22+$0x12F50];
	v55 =	vmul.f32 v13, v0;
	v7 =	vadd.f32 v61, v7;
	v4 =	vadd.f32 v62, v4  }
0x87: {  	v50 =	vld [tilespmem:s22+$0x12F60];
	v56 =	vmul.f32 v16, v1;
	v5 =	vadd.f32 v25, v5;
	v6 =	vadd.f32 v26, v6  }
0x88: {  	v54 =	vld [tilespmem:s22+$0x12F80];
	v60 =	vmul.f32 v15, v3;
	v7 =	vadd.f32 v27, v7;
	v4 =	vadd.f32 v28, v4  }
0x89: {  	v57 =	vld [tilespmem:s22+$0x12F90];
	v62 =	vmul.f32 v17, v0;
	v5 =	vadd.f32 v29, v5;
	v6 =	vadd.f32 v30, v6  }
0x8a: {  	v26 =	vld [tilespmem:s22+$0x12F10];
	v7 =	vadd.f32 v31, v7;
	v29 =	vmul.f32 v22, v2;
	v4 =	vadd.f32 v32, v4  }
0x8b: {  	v27 =	vld [tilespmem:s22+$0x12FC0];
	v31 =	vmul.f32 v19, v3;
	v5 =	vadd.f32 v39, v5;
	v6 =	vadd.f32 v41, v6  }
0x8c: {  	v25 =	vld [tilespmem:s22+$0x130D0];
	v7 =	vadd.f32 v43, v7;
	v41 =	vmul.f32 v45, v1;
	v43 =	vmul.f32 v48, v2  }
0x8d: {  	v52 =	vld [tilespmem:s22+$0x12F70];
	v45 =	vmul.f32 v50, v3;
	v48 =	vmul.f32 v54, v1  }
0x8e: {  	v61 =	vld [tilespmem:s22+$0x12FB0];
	v50 =	vmul.f32 v57, v2;
	v4 =	vadd.f32 v44, v4;
	v5 =	vadd.f32 v46, v5  }
0x8f: {  	v59 =	vld [tilespmem:s22+$0x12FA0];
	v57 =	vmul.f32 v34, v3;
	v37 =	vmul.f32 v26, v2;
	v6 =	vadd.f32 v47, v6  }
0x90: {  	v36 =	vld [tilespmem:s22+$0x12FF0];
	v54 =	vmul.f32 v27, v1;
	v4 =	vadd.f32 v51, v4;
	v5 =	vadd.f32 v53, v5  }
0x91: {  	v32 =	vld [tilespmem:s22+$0x12FD0];
	v34 =	vmul.f32 v25, v2;
	v7 =	vadd.f32 v49, v7;
	v6 =	vadd.f32 v11, v6  }
0x92: {  	v39 =	vld [tilespmem:s22+$0x13000];
	v47 =	vmul.f32 v52, v0;
	v4 =	vadd.f32 v56, v4;
	v5 =	vadd.f32 v58, v5  }
0x93: {  	v42 =	vld [tilespmem:s22+$0x13010];
	v52 =	vmul.f32 v61, v0;
	v7 =	vadd.f32 v55, v7;
	v6 =	vadd.f32 v60, v6  }
0x94: {  	v44 =	vld [tilespmem:s22+$0x13020];
	v11 =	vmul.f32 v59, v3;
	v4 =	vadd.f32 v63, v4;
	v5 =	vadd.f32 v29, v5  }
0x95: {  	v46 =	vld [tilespmem:s22+$0x13030];
	v59 =	vmul.f32 v36, v0;
	v7 =	vadd.f32 v62, v7;
	v6 =	vadd.f32 v31, v6  }
0x96: {  	v49 =	vld [tilespmem:s22+$0x13040];
	v56 =	vmul.f32 v32, v2;
	v4 =	vadd.f32 v35, v4;
	v5 =	vadd.f32 v37, v5  }
0x97: {  	v61 =	vld [tilespmem:s22+$0x13090];
	v60 =	vmul.f32 v39, v1;
	v7 =	vadd.f32 v33, v7;
	v6 =	vadd.f32 v38, v6  }
0x98: {  	v51 =	vld [tilespmem:s22+$0x13050];
	v62 =	vmul.f32 v42, v2;
	v4 =	vadd.f32 v41, v4;
	v5 =	vadd.f32 v43, v5  }
0x99: {  	v53 =	vld [tilespmem:s22+$0x13060];
	v21 =	vmul.f32 v44, v3;
	v7 =	vadd.f32 v40, v7;
	v6 =	vadd.f32 v45, v6  }
0x9a: {  	v58 =	vld [tilespmem:s22+$0x13080];
	v23 =	vmul.f32 v46, v0;
	v4 =	vadd.f32 v48, v4;
	v5 =	vadd.f32 v50, v5  }
0x9b: {  	v24 =	vmul.f32 v49, v1;
	v63 =	vld [tilespmem:s22+$0x130A0];
	v7 =	vadd.f32 v47, v7;
	v6 =	vadd.f32 v11, v6  }
0x9c: {  	v55 =	vld [tilespmem:s22+$0x13070];
	v30 =	vmul.f32 v61, v2;
	v4 =	vadd.f32 v54, v4;
	v5 =	vadd.f32 v56, v5  }
0x9d: {  	v22 =	vld [tilespmem:s22+$0x130C0];
	v26 =	vmul.f32 v51, v2;
	v7 =	vadd.f32 v52, v7;
	v6 =	vadd.f32 v57, v6  }
0x9e: {  	v27 =	vld [tilespmem:s22+$0x130B0];
	v12 =	vmul.f32 v53, v3;
	v4 =	vadd.f32 v60, v4;
	v5 =	vadd.f32 v62, v5  }
0x9f: {  	v29 =	vld [tilespmem:s22+$0x130E0];
	v28 =	vmul.f32 v58, v1;
	v7 =	vadd.f32 v59, v7;
	v6 =	vadd.f32 v21, v6  }
0xa0: {  	v31 =	vmul.f32 v63, v3;
	v4 =	vadd.f32 v24, v4;
	v5 =	vadd.f32 v26, v5  }
0xa1: {  	v32 =	vld [tilespmem:s22+$0x130F0];
	v11 =	vmul.f32 v55, v0;
	v7 =	vadd.f32 v23, v7;
	v6 =	vadd.f32 v12, v6  }
0xa2: {  	v33 =	vmul.f32 v22, v1;
	v4 =	vadd.f32 v28, v4;
	v5 =	vadd.f32 v30, v5  }
0xa3: {  	v35 =	vmul.f32 v27, v0;
	v7 =	vadd.f32 v11, v7;
	v6 =	vadd.f32 v31, v6  }
0xa4: {  	v36 =	vmul.f32 v29, v3;
	v4 =	vadd.f32 v33, v4;
	v5 =	vadd.f32 v34, v5  }
0xa5: {  	v7 =	vadd.f32 v35, v7  }
0xa6: {  	v37 =	vmul.f32 v32, v0;
	v6 =	vadd.f32 v36, v6;
	v4 =	vadd.f32 v5, v4;
	_ =	sdelay $0x1  }
0xa7: {  	v38 =	vadd.f32 v37, v7;
	v4 =	vadd.f32 v6, v4;
	_ =	sdelay $0x1  }
0xa8: {  	v4 =	vadd.f32 v38, v4  }
0xa9: {  	s24 =	sshra.s32 s20, $0x2  }
0xaa: {  	[tilespmem:s24+$0x17400] =	vst v4  }
0xab: {  	v4 =	vld [tilespmem:s19+$0xFFFFFF80]  }
0xac: {  	v39 =	vld [tilespmem:s19+$0xFFFFFF90];
	_ =	sdelay $0x1  }
0xad: {  	v40 =	vld [tilespmem:s19+$0xFFFFFFA0];
	_ =	sdelay $0x1  }
0xae: {  	v41 =	vld [tilespmem:s19+$0xFFFFFFB0]  }
0xaf: {  	v1 =	vmul.f32 v4, v1;
	v2 =	vmul.f32 v39, v2;
	_ =	sdelay $0x1  }
0xb0: {  	v42 =	vmul.f32 v40, v3;
	v1 =	vadd.f32 v2, v1;
	_ =	sdelay $0x1  }
0xb1: {  	v0 =	vmul.f32 v41, v0;
	v1 =	vadd.f32 v42, v1;
	_ =	sdelay $0x1  }
0xb2: {  	v0 =	vadd.f32 v0, v1;
	_ =	sdelay $0x1  }
0xb3: {  	[tilespmem:s24+$0x15400] =	vst v0  }
0xb4: {  	v2 =	vld [tilespmem:s18+$0xFFFFFFC0]  }
0xb5: {  	v3 =	vld [tilespmem:s18+$0xFFFFFFD0]  }
0xb6: {  	v1 =	vld [tilespmem:s18+$0xFFFFFFE0]  }
0xb7: {  	v0 =	vld [tilespmem:s18+$0xFFFFFFF0]  }
0xb8: {  	v43 =	vld [tilespmem:s22+$0x13100]  }
0xb9: {  	v44 =	vld [tilespmem:s22+$0x13110]  }
0xba: {  	v45 =	vld [tilespmem:s22+$0x13120]  }
0xbb: {  	v46 =	vld [tilespmem:s22+$0x13130]  }
0xbc: {  	v47 =	vld [tilespmem:s22+$0x13140]  }
0xbd: {  	v48 =	vld [tilespmem:s22+$0x13150]  }
0xbe: {  	v49 =	vld [tilespmem:s22+$0x13160]  }
0xbf: {  	v50 =	vld [tilespmem:s22+$0x13170]  }
0xc0: {  	v51 =	vld [tilespmem:s22+$0x13180]  }
0xc1: {  	v52 =	vld [tilespmem:s22+$0x13190]  }
0xc2: {  	v53 =	vld [tilespmem:s22+$0x131A0]  }
0xc3: {  	v54 =	vld [tilespmem:s22+$0x131B0]  }
0xc4: {  	v55 =	vld [tilespmem:s22+$0x131C0]  }
0xc5: {  	v56 =	vld [tilespmem:s22+$0x131D0]  }
0xc6: {  	v57 =	vld [tilespmem:s22+$0x131E0]  }
0xc7: {  	v58 =	vld [tilespmem:s22+$0x131F0]  }
0xc8: {  	v59 =	vld [tilespmem:s22+$0x13200]  }
0xc9: {  	v60 =	vld [tilespmem:s22+$0x13210]  }
0xca: {  	v61 =	vld [tilespmem:s22+$0x13220]  }
0xcb: {  	v62 =	vld [tilespmem:s22+$0x13230]  }
0xcc: {  	v63 =	vld [tilespmem:s22+$0x13240]  }
0xcd: {  	v25 =	vld [tilespmem:s22+$0x13250]  }
0xce: {  	v26 =	vld [tilespmem:s22+$0x13260]  }
0xcf: {  	v27 =	vld [tilespmem:s22+$0x13270]  }
0xd0: {  	v28 =	vld [tilespmem:s22+$0x13280]  }
0xd1: {  	v29 =	vld [tilespmem:s22+$0x13290]  }
0xd2: {  	v30 =	vld [tilespmem:s22+$0x132A0];
	v4 =	vmul.f32 v43, v2  }
0xd3: {  	v31 =	vld [tilespmem:s22+$0x132B0];
	v5 =	vmul.f32 v44, v3;
	v6 =	vmul.f32 v45, v1  }
0xd4: {  	v40 =	vld [tilespmem:s22+$0x132C0];
	v7 =	vmul.f32 v46, v0;
	v8 =	vmul.f32 v47, v2  }
0xd5: {  	v41 =	vld [tilespmem:s22+$0x132D0];
	v9 =	vmul.f32 v48, v3;
	v46 =	vmul.f32 v49, v1  }
0xd6: {  	v42 =	vld [tilespmem:s22+$0x132E0];
	v47 =	vmul.f32 v50, v0;
	v48 =	vmul.f32 v51, v2  }
0xd7: {  	v38 =	vld [tilespmem:s22+$0x13320];
	v49 =	vmul.f32 v52, v3;
	v50 =	vmul.f32 v53, v1  }
0xd8: {  	v10 =	vld [tilespmem:s22+$0x13330];
	v51 =	vmul.f32 v54, v0;
	v52 =	vmul.f32 v55, v2  }
0xd9: {  	v12 =	vld [tilespmem:s22+$0x13340];
	v53 =	vmul.f32 v56, v3;
	v54 =	vmul.f32 v57, v1  }
0xda: {  	v14 =	vld [tilespmem:s22+$0x13350];
	v55 =	vmul.f32 v58, v0;
	v56 =	vmul.f32 v59, v2  }
0xdb: {  	v11 =	vld [tilespmem:s22+$0x13360];
	v58 =	vmul.f32 v60, v3;
	v60 =	vmul.f32 v61, v1  }
0xdc: {  	v24 =	vld [tilespmem:s22+$0x13400];
	v61 =	vmul.f32 v62, v0;
	v62 =	vmul.f32 v63, v2  }
0xdd: {  	v39 =	vld [tilespmem:s22+$0x13420];
	v25 =	vmul.f32 v25, v3;
	v26 =	vmul.f32 v26, v1  }
0xde: {  	v43 =	vld [tilespmem:s22+$0x132F0];
	v27 =	vmul.f32 v27, v0;
	v28 =	vmul.f32 v28, v2  }
0xdf: {  	v44 =	vld [tilespmem:s22+$0x13300];
	v29 =	vmul.f32 v29, v3;
	v30 =	vmul.f32 v30, v1  }
0xe0: {  	v45 =	vld [tilespmem:s22+$0x13310];
	v31 =	vmul.f32 v31, v0;
	v32 =	vmul.f32 v40, v2  }
0xe1: {  	v57 =	vld [tilespmem:s22+$0x13390];
	v33 =	vmul.f32 v41, v3;
	v40 =	vmul.f32 v42, v1  }
0xe2: {  	v59 =	vld [tilespmem:s22+$0x133A0];
	v11 =	vmul.f32 v11, v1;
	v4 =	vadd.f32 $0.0e+00, v4;
	v5 =	vadd.f32 $0.0e+00, v5  }
0xe3: {  	v41 =	vld [tilespmem:s22+$0x13430];
	v34 =	vmul.f32 v24, v2;
	v6 =	vadd.f32 $0.0e+00, v6;
	v7 =	vadd.f32 $0.0e+00, v7  }
0xe4: {  	v13 =	vld [tilespmem:s22+$0x13370];
	v37 =	vmul.f32 v39, v1;
	v4 =	vadd.f32 v8, v4;
	v5 =	vadd.f32 v9, v5  }
0xe5: {  	v16 =	vld [tilespmem:s22+$0x13380];
	v6 =	vadd.f32 v46, v6;
	v46 =	vmul.f32 v38, v1;
	v42 =	vmul.f32 v43, v0  }
0xe6: {  	v17 =	vld [tilespmem:s22+$0x133B0];
	v7 =	vadd.f32 v47, v7;
	v43 =	vmul.f32 v44, v2;
	v45 =	vmul.f32 v45, v3  }
0xe7: {  	v22 =	vld [tilespmem:s22+$0x133D0];
	v57 =	vmul.f32 v57, v3;
	v59 =	vmul.f32 v59, v1;
	v4 =	vadd.f32 v48, v4  }
0xe8: {  	v19 =	vld [tilespmem:s22+$0x133E0];
	v39 =	vmul.f32 v41, v0;
	v5 =	vadd.f32 v49, v5;
	v6 =	vadd.f32 v50, v6  }
0xe9: {  	v21 =	vld [tilespmem:s22+$0x133F0];
	v7 =	vadd.f32 v51, v7;
	v48 =	vmul.f32 v10, v0;
	v4 =	vadd.f32 v52, v4  }
0xea: {  	v63 =	vld [tilespmem:s22+$0x133C0];
	v50 =	vmul.f32 v12, v2;
	v5 =	vadd.f32 v53, v5;
	v6 =	vadd.f32 v54, v6  }
0xeb: {  	v35 =	vld [tilespmem:s22+$0x134F0];
	v7 =	vadd.f32 v55, v7;
	v52 =	vmul.f32 v14, v3;
	v4 =	vadd.f32 v56, v4  }
0xec: {  	v47 =	vld [tilespmem:s22+$0x13450];
	v54 =	vmul.f32 v13, v0;
	v5 =	vadd.f32 v58, v5;
	v6 =	vadd.f32 v60, v6  }
0xed: {  	v44 =	vld [tilespmem:s22+$0x13440];
	v55 =	vmul.f32 v16, v2;
	v7 =	vadd.f32 v61, v7;
	v4 =	vadd.f32 v62, v4  }
0xee: {  	v49 =	vld [tilespmem:s22+$0x13460];
	v61 =	vmul.f32 v17, v0;
	v5 =	vadd.f32 v25, v5;
	v6 =	vadd.f32 v26, v6  }
0xef: {  	v53 =	vld [tilespmem:s22+$0x13480];
	v7 =	vadd.f32 v27, v7;
	v62 =	vmul.f32 v63, v2;
	v4 =	vadd.f32 v28, v4  }
0xf0: {  	v56 =	vld [tilespmem:s22+$0x13490];
	v27 =	vmul.f32 v22, v3;
	v5 =	vadd.f32 v29, v5;
	v6 =	vadd.f32 v30, v6  }
0xf1: {  	v26 =	vld [tilespmem:s22+$0x13410];
	v7 =	vadd.f32 v31, v7;
	v29 =	vmul.f32 v19, v1;
	v4 =	vadd.f32 v32, v4  }
0xf2: {  	v63 =	vld [tilespmem:s22+$0x134C0];
	v5 =	vadd.f32 v33, v5;
	v6 =	vadd.f32 v40, v6;
	v32 =	vmul.f32 v21, v0  }
0xf3: {  	v51 =	vld [tilespmem:s22+$0x13470];
	v7 =	vadd.f32 v42, v7;
	v40 =	vmul.f32 v44, v2;
	v42 =	vmul.f32 v47, v3  }
0xf4: {  	v60 =	vld [tilespmem:s22+$0x134B0];
	v44 =	vmul.f32 v49, v1;
	v47 =	vmul.f32 v53, v2  }
0xf5: {  	v58 =	vld [tilespmem:s22+$0x134A0];
	v49 =	vmul.f32 v56, v3;
	v4 =	vadd.f32 v43, v4;
	v5 =	vadd.f32 v45, v5  }
0xf6: {  	v33 =	vld [tilespmem:s22+$0x134E0];
	v36 =	vmul.f32 v26, v3;
	v6 =	vadd.f32 v46, v6;
	v7 =	vadd.f32 v48, v7  }
0xf7: {  	v31 =	vld [tilespmem:s22+$0x134D0];
	v53 =	vmul.f32 v63, v2;
	v4 =	vadd.f32 v50, v4;
	v5 =	vadd.f32 v52, v5  }
0xf8: {  	v38 =	vld [tilespmem:s22+$0x13500];
	v46 =	vmul.f32 v51, v0;
	v6 =	vadd.f32 v11, v6;
	v7 =	vadd.f32 v54, v7  }
0xf9: {  	v41 =	vld [tilespmem:s22+$0x13510];
	v51 =	vmul.f32 v60, v0;
	v4 =	vadd.f32 v55, v4;
	v5 =	vadd.f32 v57, v5  }
0xfa: {  	v20 =	vld [tilespmem:s22+$0x135C0];
	v11 =	vmul.f32 v58, v1;
	v58 =	vmul.f32 v35, v0;
	v6 =	vadd.f32 v59, v6  }
0xfb: {  	v43 =	vld [tilespmem:s22+$0x13520];
	v56 =	vmul.f32 v33, v1;
	v4 =	vadd.f32 v62, v4;
	v5 =	vadd.f32 v27, v5  }
0xfc: {  	v45 =	vld [tilespmem:s22+$0x13530];
	v7 =	vadd.f32 v61, v7;
	v55 =	vmul.f32 v31, v3;
	v6 =	vadd.f32 v29, v6  }
0xfd: {  	v48 =	vld [tilespmem:s22+$0x13540];
	v59 =	vmul.f32 v38, v2;
	v4 =	vadd.f32 v34, v4;
	v5 =	vadd.f32 v36, v5  }
0xfe: {  	v60 =	vld [tilespmem:s22+$0x13590];
	v61 =	vmul.f32 v41, v3;
	v7 =	vadd.f32 v32, v7;
	v6 =	vadd.f32 v37, v6  }
0xff: {  	v50 =	vld [tilespmem:s22+$0x13550];
	v31 =	vmul.f32 v20, v2;
	v4 =	vadd.f32 v40, v4;
	v5 =	vadd.f32 v42, v5  }
0x100: {  	v52 =	vld [tilespmem:s22+$0x13560];
	v63 =	vmul.f32 v43, v1;
	v7 =	vadd.f32 v39, v7;
	v6 =	vadd.f32 v44, v6  }
0x101: {  	v57 =	vld [tilespmem:s22+$0x13580];
	v21 =	vmul.f32 v45, v0;
	v4 =	vadd.f32 v47, v4;
	v5 =	vadd.f32 v49, v5  }
0x102: {  	v22 =	vmul.f32 v48, v2;
	v62 =	vld [tilespmem:s22+$0x135A0];
	v7 =	vadd.f32 v46, v7;
	v6 =	vadd.f32 v11, v6  }
0x103: {  	v54 =	vld [tilespmem:s22+$0x13570];
	v28 =	vmul.f32 v60, v3;
	v4 =	vadd.f32 v53, v4;
	v5 =	vadd.f32 v55, v5  }
0x104: {  	v23 =	vld [tilespmem:s22+$0x135D0];
	v24 =	vmul.f32 v50, v3;
	v7 =	vadd.f32 v51, v7;
	v6 =	vadd.f32 v56, v6  }
0x105: {  	v25 =	vld [tilespmem:s22+$0x135B0];
	v12 =	vmul.f32 v52, v1;
	v4 =	vadd.f32 v59, v4;
	v5 =	vadd.f32 v61, v5  }
0x106: {  	v27 =	vld [tilespmem:s22+$0x135E0];
	v26 =	vmul.f32 v57, v2;
	v7 =	vadd.f32 v58, v7;
	v6 =	vadd.f32 v63, v6  }
0x107: {  	v29 =	vmul.f32 v62, v1;
	v4 =	vadd.f32 v22, v4;
	v5 =	vadd.f32 v24, v5  }
0x108: {  	v30 =	vld [tilespmem:s22+$0x135F0];
	v11 =	vmul.f32 v54, v0;
	v7 =	vadd.f32 v21, v7;
	v6 =	vadd.f32 v12, v6  }
0x109: {  	v32 =	vmul.f32 v23, v3;
	v4 =	vadd.f32 v26, v4;
	v5 =	vadd.f32 v28, v5  }
0x10a: {  	v33 =	vmul.f32 v25, v0;
	v7 =	vadd.f32 v11, v7;
	v6 =	vadd.f32 v29, v6  }
0x10b: {  	v34 =	vmul.f32 v27, v1;
	v4 =	vadd.f32 v31, v4;
	v5 =	vadd.f32 v32, v5  }
0x10c: {  	v7 =	vadd.f32 v33, v7  }
0x10d: {  	v35 =	vmul.f32 v30, v0;
	v6 =	vadd.f32 v34, v6;
	v4 =	vadd.f32 v5, v4;
	_ =	sdelay $0x1  }
0x10e: {  	v36 =	vadd.f32 v35, v7;
	v4 =	vadd.f32 v6, v4;
	_ =	sdelay $0x1  }
0x10f: {  	v4 =	vadd.f32 v36, v4;
	_ =	sdelay $0x1  }
0x110: {  	[tilespmem:s24+$0x17410] =	vst v4  }
0x111: {  	v4 =	vld [tilespmem:s19+$0xFFFFFFC0]  }
0x112: {  	v37 =	vld [tilespmem:s19+$0xFFFFFFD0];
	_ =	sdelay $0x1  }
0x113: {  	v38 =	vld [tilespmem:s19+$0xFFFFFFE0];
	_ =	sdelay $0x1  }
0x114: {  	v39 =	vld [tilespmem:s19+$0xFFFFFFF0]  }
0x115: {  	v2 =	vmul.f32 v4, v2;
	v3 =	vmul.f32 v37, v3;
	_ =	sdelay $0x1  }
0x116: {  	v1 =	vmul.f32 v38, v1;
	v2 =	vadd.f32 v3, v2;
	_ =	sdelay $0x1  }
0x117: {  	v0 =	vmul.f32 v39, v0;
	v1 =	vadd.f32 v1, v2;
	_ =	sdelay $0x1  }
0x118: {  	v0 =	vadd.f32 v0, v1;
	_ =	sdelay $0x1  }
0x119: {  	[tilespmem:s24+$0x15410] =	vst v0  }
0x11a: {  	v2 =	vld [tilespmem:s18+$0x0]  }
0x11b: {  	v3 =	vld [tilespmem:s18+$0x10]  }
0x11c: {  	v1 =	vld [tilespmem:s18+$0x20]  }
0x11d: {  	v0 =	vld [tilespmem:s18+$0x30]  }
0x11e: {  	v40 =	vld [tilespmem:s22+$0x13600]  }
0x11f: {  	v41 =	vld [tilespmem:s22+$0x13610]  }
0x120: {  	v42 =	vld [tilespmem:s22+$0x13620]  }
0x121: {  	v43 =	vld [tilespmem:s22+$0x13630]  }
0x122: {  	v44 =	vld [tilespmem:s22+$0x13640]  }
0x123: {  	v45 =	vld [tilespmem:s22+$0x13650]  }
0x124: {  	v46 =	vld [tilespmem:s22+$0x13660]  }
0x125: {  	v47 =	vld [tilespmem:s22+$0x13670]  }
0x126: {  	v48 =	vld [tilespmem:s22+$0x13680]  }
0x127: {  	v49 =	vld [tilespmem:s22+$0x13690]  }
0x128: {  	v50 =	vld [tilespmem:s22+$0x136A0]  }
0x129: {  	v51 =	vld [tilespmem:s22+$0x136B0]  }
0x12a: {  	v52 =	vld [tilespmem:s22+$0x136C0]  }
0x12b: {  	v53 =	vld [tilespmem:s22+$0x136D0]  }
0x12c: {  	v54 =	vld [tilespmem:s22+$0x136E0]  }
0x12d: {  	v55 =	vld [tilespmem:s22+$0x136F0]  }
0x12e: {  	v56 =	vld [tilespmem:s22+$0x13700]  }
0x12f: {  	v57 =	vld [tilespmem:s22+$0x13710]  }
0x130: {  	v58 =	vld [tilespmem:s22+$0x13720]  }
0x131: {  	v59 =	vld [tilespmem:s22+$0x13730]  }
0x132: {  	v60 =	vld [tilespmem:s22+$0x13740]  }
0x133: {  	v61 =	vld [tilespmem:s22+$0x13750]  }
0x134: {  	v62 =	vld [tilespmem:s22+$0x13760]  }
0x135: {  	v63 =	vld [tilespmem:s22+$0x13770]  }
0x136: {  	v28 =	vld [tilespmem:s22+$0x13780]  }
0x137: {  	v29 =	vld [tilespmem:s22+$0x13790]  }
0x138: {  	v30 =	vld [tilespmem:s22+$0x137A0]  }
0x139: {  	v31 =	vld [tilespmem:s22+$0x137B0];
	v4 =	vmul.f32 v40, v2;
	v5 =	vmul.f32 v41, v3  }
0x13a: {  	v32 =	vld [tilespmem:s22+$0x137C0];
	v6 =	vmul.f32 v42, v1;
	v7 =	vmul.f32 v43, v0  }
0x13b: {  	v33 =	vld [tilespmem:s22+$0x137D0];
	v8 =	vmul.f32 v44, v2;
	v9 =	vmul.f32 v45, v3  }
0x13c: {  	v34 =	vld [tilespmem:s22+$0x137E0];
	v43 =	vmul.f32 v46, v1;
	v44 =	vmul.f32 v47, v0  }
0x13d: {  	v38 =	vld [tilespmem:s22+$0x13820];
	v45 =	vmul.f32 v48, v2;
	v46 =	vmul.f32 v49, v3  }
0x13e: {  	v10 =	vld [tilespmem:s22+$0x13830];
	v47 =	vmul.f32 v50, v1;
	v48 =	vmul.f32 v51, v0  }
0x13f: {  	v12 =	vld [tilespmem:s22+$0x13840];
	v49 =	vmul.f32 v52, v2;
	v50 =	vmul.f32 v53, v3  }
0x140: {  	v14 =	vld [tilespmem:s22+$0x13850];
	v51 =	vmul.f32 v54, v1;
	v52 =	vmul.f32 v55, v0  }
0x141: {  	v11 =	vld [tilespmem:s22+$0x13860];
	v53 =	vmul.f32 v56, v2;
	v55 =	vmul.f32 v57, v3  }
0x142: {  	v13 =	vld [tilespmem:s22+$0x13870];
	v56 =	vmul.f32 v58, v1;
	v57 =	vmul.f32 v59, v0  }
0x143: {  	v21 =	vld [tilespmem:s22+$0x138F0];
	v58 =	vmul.f32 v60, v2;
	v59 =	vmul.f32 v61, v3  }
0x144: {  	v25 =	vld [tilespmem:s22+$0x13930];
	v60 =	vmul.f32 v62, v1;
	v62 =	vmul.f32 v63, v0  }
0x145: {  	v40 =	vld [tilespmem:s22+$0x137F0];
	v28 =	vmul.f32 v28, v2;
	v29 =	vmul.f32 v29, v3  }
0x146: {  	v41 =	vld [tilespmem:s22+$0x13800];
	v30 =	vmul.f32 v30, v1;
	v31 =	vmul.f32 v31, v0  }
0x147: {  	v42 =	vld [tilespmem:s22+$0x13810];
	v32 =	vmul.f32 v32, v2;
	v33 =	vmul.f32 v33, v3  }
0x148: {  	v54 =	vld [tilespmem:s22+$0x13890];
	v34 =	vmul.f32 v34, v1;
	v11 =	vmul.f32 v11, v1;
	v4 =	vadd.f32 $0.0e+00, v4  }
0x149: {  	v61 =	vld [tilespmem:s22+$0x138D0];
	v27 =	vmul.f32 v21, v0;
	v5 =	vadd.f32 $0.0e+00, v5;
	v6 =	vadd.f32 $0.0e+00, v6  }
0x14a: {  	v16 =	vld [tilespmem:s22+$0x13880];
	v36 =	vmul.f32 v25, v0;
	v7 =	vadd.f32 $0.0e+00, v7;
	v4 =	vadd.f32 v8, v4  }
0x14b: {  	v15 =	vld [tilespmem:s22+$0x138A0];
	v5 =	vadd.f32 v9, v5;
	v6 =	vadd.f32 v43, v6;
	v43 =	vmul.f32 v38, v1  }
0x14c: {  	v17 =	vld [tilespmem:s22+$0x138B0];
	v7 =	vadd.f32 v44, v7;
	v39 =	vmul.f32 v40, v0;
	v40 =	vmul.f32 v41, v2  }
0x14d: {  	v20 =	vld [tilespmem:s22+$0x138C0];
	v42 =	vmul.f32 v42, v3;
	v54 =	vmul.f32 v54, v3;
	v4 =	vadd.f32 v45, v4  }
0x14e: {  	v24 =	vld [tilespmem:s22+$0x13900];
	v61 =	vmul.f32 v61, v3;
	v5 =	vadd.f32 v46, v5;
	v6 =	vadd.f32 v47, v6  }
0x14f: {  	v41 =	vld [tilespmem:s22+$0x13940];
	v7 =	vadd.f32 v48, v7;
	v45 =	vmul.f32 v10, v0;
	v4 =	vadd.f32 v49, v4  }
0x150: {  	v46 =	vld [tilespmem:s22+$0x13960];
	v47 =	vmul.f32 v12, v2;
	v5 =	vadd.f32 v50, v5;
	v6 =	vadd.f32 v51, v6  }
0x151: {  	v26 =	vld [tilespmem:s22+$0x13910];
	v7 =	vadd.f32 v52, v7;
	v49 =	vmul.f32 v14, v3;
	v51 =	vmul.f32 v13, v0  }
0x152: {  	v63 =	vld [tilespmem:s22+$0x138E0];
	v52 =	vmul.f32 v16, v2;
	v4 =	vadd.f32 v53, v4;
	v5 =	vadd.f32 v55, v5  }
0x153: {  	v23 =	vld [tilespmem:s22+$0x13920];
	v6 =	vadd.f32 v56, v6;
	v7 =	vadd.f32 v57, v7;
	v56 =	vmul.f32 v15, v1  }
0x154: {  	v53 =	vld [tilespmem:s22+$0x13990];
	v37 =	vmul.f32 v41, v2;
	v4 =	vadd.f32 v58, v4;
	v5 =	vadd.f32 v59, v5  }
0x155: {  	v44 =	vld [tilespmem:s22+$0x13950];
	v41 =	vmul.f32 v46, v1;
	v6 =	vadd.f32 v60, v6;
	v7 =	vadd.f32 v62, v7  }
0x156: {  	v48 =	vld [tilespmem:s22+$0x13970];
	v58 =	vmul.f32 v17, v0;
	v59 =	vmul.f32 v20, v2;
	v4 =	vadd.f32 v28, v4  }
0x157: {  	v50 =	vld [tilespmem:s22+$0x13980];
	v62 =	vmul.f32 v63, v1;
	v5 =	vadd.f32 v29, v5;
	v6 =	vadd.f32 v30, v6  }
0x158: {  	v60 =	vld [tilespmem:s22+$0x139C0];
	v7 =	vadd.f32 v31, v7;
	v31 =	vmul.f32 v24, v2;
	v4 =	vadd.f32 v32, v4  }
0x159: {  	v57 =	vld [tilespmem:s22+$0x139B0];
	v46 =	vmul.f32 v53, v3;
	v5 =	vadd.f32 v33, v5;
	v6 =	vadd.f32 v34, v6  }
0x15a: {  	v29 =	vld [tilespmem:s22+$0x139E0];
	v7 =	vadd.f32 v39, v7;
	v33 =	vmul.f32 v26, v3;
	v34 =	vmul.f32 v23, v1  }
0x15b: {  	v20 =	vld [tilespmem:s22+$0x13AD0];
	v39 =	vmul.f32 v44, v3;
	v4 =	vadd.f32 v40, v4;
	v5 =	vadd.f32 v42, v5  }
0x15c: {  	v55 =	vld [tilespmem:s22+$0x139A0];
	v44 =	vmul.f32 v50, v2;
	v6 =	vadd.f32 v43, v6;
	v7 =	vadd.f32 v45, v7  }
0x15d: {  	v32 =	vld [tilespmem:s22+$0x139F0];
	v50 =	vmul.f32 v60, v2;
	v4 =	vadd.f32 v47, v4;
	v5 =	vadd.f32 v49, v5  }
0x15e: {  	v63 =	vld [tilespmem:s22+$0x139D0];
	v43 =	vmul.f32 v48, v0;
	v48 =	vmul.f32 v57, v0;
	v6 =	vadd.f32 v11, v6  }
0x15f: {  	v35 =	vld [tilespmem:s22+$0x13A00];
	v53 =	vmul.f32 v29, v1;
	v4 =	vadd.f32 v52, v4;
	v5 =	vadd.f32 v54, v5  }
0x160: {  	v38 =	vld [tilespmem:s22+$0x13A10];
	v29 =	vmul.f32 v20, v3;
	v7 =	vadd.f32 v51, v7;
	v6 =	vadd.f32 v56, v6  }
0x161: {  	v40 =	vld [tilespmem:s22+$0x13A20];
	v11 =	vmul.f32 v55, v1;
	v4 =	vadd.f32 v59, v4;
	v5 =	vadd.f32 v61, v5  }
0x162: {  	v45 =	vld [tilespmem:s22+$0x13A40];
	v55 =	vmul.f32 v32, v0;
	v7 =	vadd.f32 v58, v7;
	v6 =	vadd.f32 v62, v6  }
0x163: {  	v57 =	vld [tilespmem:s22+$0x13A90];
	v52 =	vmul.f32 v63, v3;
	v4 =	vadd.f32 v31, v4;
	v5 =	vadd.f32 v33, v5  }
0x164: {  	v42 =	vld [tilespmem:s22+$0x13A30];
	v56 =	vmul.f32 v35, v2;
	v7 =	vadd.f32 v27, v7;
	v6 =	vadd.f32 v34, v6  }
0x165: {  	v47 =	vld [tilespmem:s22+$0x13A50];
	v58 =	vmul.f32 v38, v3;
	v4 =	vadd.f32 v37, v4;
	v5 =	vadd.f32 v39, v5  }
0x166: {  	v49 =	vld [tilespmem:s22+$0x13A60];
	v60 =	vmul.f32 v40, v1;
	v7 =	vadd.f32 v36, v7;
	v6 =	vadd.f32 v41, v6  }
0x167: {  	v54 =	vld [tilespmem:s22+$0x13A80];
	v63 =	vmul.f32 v45, v2;
	v4 =	vadd.f32 v44, v4;
	v5 =	vadd.f32 v46, v5  }
0x168: {  	v25 =	vmul.f32 v57, v3;
	v59 =	vld [tilespmem:s22+$0x13AA0];
	v7 =	vadd.f32 v43, v7;
	v6 =	vadd.f32 v11, v6  }
0x169: {  	v51 =	vld [tilespmem:s22+$0x13A70];
	v62 =	vmul.f32 v42, v0;
	v4 =	vadd.f32 v50, v4;
	v5 =	vadd.f32 v52, v5  }
0x16a: {  	v61 =	vld [tilespmem:s22+$0x13AC0];
	v21 =	vmul.f32 v47, v3;
	v7 =	vadd.f32 v48, v7;
	v6 =	vadd.f32 v53, v6  }
0x16b: {  	v22 =	vld [tilespmem:s22+$0x13AB0];
	v12 =	vmul.f32 v49, v1;
	v4 =	vadd.f32 v56, v4;
	v5 =	vadd.f32 v58, v5  }
0x16c: {  	v24 =	vld [tilespmem:s22+$0x13AE0];
	v23 =	vmul.f32 v54, v2;
	v7 =	vadd.f32 v55, v7;
	v6 =	vadd.f32 v60, v6  }
0x16d: {  	v26 =	vmul.f32 v59, v1;
	v4 =	vadd.f32 v63, v4;
	v5 =	vadd.f32 v21, v5  }
0x16e: {  	v27 =	vld [tilespmem:s22+$0x13AF0];
	v11 =	vmul.f32 v51, v0;
	v7 =	vadd.f32 v62, v7;
	v6 =	vadd.f32 v12, v6  }
0x16f: {  	v28 =	vmul.f32 v61, v2;
	v4 =	vadd.f32 v23, v4;
	v5 =	vadd.f32 v25, v5  }
0x170: {  	v30 =	vmul.f32 v22, v0;
	v7 =	vadd.f32 v11, v7;
	v6 =	vadd.f32 v26, v6  }
0x171: {  	v31 =	vmul.f32 v24, v1;
	v4 =	vadd.f32 v28, v4;
	v5 =	vadd.f32 v29, v5  }
0x172: {  	v7 =	vadd.f32 v30, v7  }
0x173: {  	v32 =	vmul.f32 v27, v0;
	v6 =	vadd.f32 v31, v6;
	v4 =	vadd.f32 v5, v4;
	_ =	sdelay $0x1  }
0x174: {  	v33 =	vadd.f32 v32, v7;
	v4 =	vadd.f32 v6, v4;
	_ =	sdelay $0x1  }
0x175: {  	v4 =	vadd.f32 v33, v4;
	_ =	sdelay $0x1  }
0x176: {  	[tilespmem:s24+$0x17420] =	vst v4  }
0x177: {  	v4 =	vld [tilespmem:s19+$0x0]  }
0x178: {  	v34 =	vld [tilespmem:s19+$0x10];
	_ =	sdelay $0x1  }
0x179: {  	v35 =	vld [tilespmem:s19+$0x20];
	_ =	sdelay $0x1  }
0x17a: {  	v36 =	vld [tilespmem:s19+$0x30]  }
0x17b: {  	v2 =	vmul.f32 v4, v2;
	v3 =	vmul.f32 v34, v3;
	_ =	sdelay $0x1  }
0x17c: {  	v1 =	vmul.f32 v35, v1;
	v2 =	vadd.f32 v3, v2;
	_ =	sdelay $0x1  }
0x17d: {  	v0 =	vmul.f32 v36, v0;
	v1 =	vadd.f32 v1, v2;
	_ =	sdelay $0x1  }
0x17e: {  	v0 =	vadd.f32 v0, v1;
	_ =	sdelay $0x1  }
0x17f: {  	[tilespmem:s24+$0x15420] =	vst v0  }
0x180: {  	v2 =	vld [tilespmem:s18+$0x40]  }
0x181: {  	v3 =	vld [tilespmem:s18+$0x50]  }
0x182: {  	v1 =	vld [tilespmem:s18+$0x60]  }
0x183: {  	v0 =	vld [tilespmem:s18+$0x70]  }
0x184: {  	v37 =	vld [tilespmem:s22+$0x13B00]  }
0x185: {  	v38 =	vld [tilespmem:s22+$0x13B10]  }
0x186: {  	v39 =	vld [tilespmem:s22+$0x13B20]  }
0x187: {  	v7 =	vld [tilespmem:s22+$0x13B30]  }
0x188: {  	v8 =	vld [tilespmem:s22+$0x13B40]  }
0x189: {  	v56 =	vld [tilespmem:s22+$0x13B50]  }
0x18a: {  	v57 =	vld [tilespmem:s22+$0x13B60]  }
0x18b: {  	v58 =	vld [tilespmem:s22+$0x13B70]  }
0x18c: {  	v59 =	vld [tilespmem:s22+$0x13B80]  }
0x18d: {  	v60 =	vld [tilespmem:s22+$0x13B90]  }
0x18e: {  	v61 =	vld [tilespmem:s22+$0x13BA0]  }
0x18f: {  	v62 =	vld [tilespmem:s22+$0x13BB0]  }
0x190: {  	v63 =	vld [tilespmem:s22+$0x13BC0]  }
0x191: {  	v40 =	vld [tilespmem:s22+$0x13BD0]  }
0x192: {  	v41 =	vld [tilespmem:s22+$0x13BE0]  }
0x193: {  	v42 =	vld [tilespmem:s22+$0x13BF0]  }
0x194: {  	v43 =	vld [tilespmem:s22+$0x13C00]  }
0x195: {  	v44 =	vld [tilespmem:s22+$0x13C10]  }
0x196: {  	v45 =	vld [tilespmem:s22+$0x13C20]  }
0x197: {  	v46 =	vld [tilespmem:s22+$0x13C30]  }
0x198: {  	v47 =	vld [tilespmem:s22+$0x13C40]  }
0x199: {  	v48 =	vld [tilespmem:s22+$0x13C50]  }
0x19a: {  	v49 =	vld [tilespmem:s22+$0x13C60]  }
0x19b: {  	v50 =	vld [tilespmem:s22+$0x13C70]  }
0x19c: {  	v51 =	vld [tilespmem:s22+$0x13C80]  }
0x19d: {  	v52 =	vld [tilespmem:s22+$0x13C90]  }
0x19e: {  	v53 =	vld [tilespmem:s22+$0x13CA0]  }
0x19f: {  	v54 =	vld [tilespmem:s22+$0x13CB0];
	v4 =	vmul.f32 v37, v2  }
0x1a0: {  	v55 =	vld [tilespmem:s22+$0x13CC0];
	v5 =	vmul.f32 v38, v3;
	v6 =	vmul.f32 v39, v1  }
0x1a1: {  	v33 =	vld [tilespmem:s22+$0x13CD0];
	v7 =	vmul.f32 v7, v0;
	v8 =	vmul.f32 v8, v2  }
0x1a2: {  	v34 =	vld [tilespmem:s22+$0x13CE0];
	v9 =	vmul.f32 v56, v3;
	v56 =	vmul.f32 v57, v1  }
0x1a3: {  	v35 =	vld [tilespmem:s22+$0x13CF0];
	v57 =	vmul.f32 v58, v0;
	v58 =	vmul.f32 v59, v2  }
0x1a4: {  	v36 =	vld [tilespmem:s22+$0x13D00];
	v59 =	vmul.f32 v60, v3;
	v60 =	vmul.f32 v61, v1  }
0x1a5: {  	v10 =	vld [tilespmem:s22+$0x13D30];
	v61 =	vmul.f32 v62, v0;
	v62 =	vmul.f32 v63, v2  }
0x1a6: {  	v12 =	vld [tilespmem:s22+$0x13D40];
	v63 =	vmul.f32 v40, v3;
	v39 =	vmul.f32 v41, v1  }
0x1a7: {  	v14 =	vld [tilespmem:s22+$0x13D50];
	v40 =	vmul.f32 v42, v0;
	v41 =	vmul.f32 v43, v2  }
0x1a8: {  	v11 =	vld [tilespmem:s22+$0x13D60];
	v43 =	vmul.f32 v44, v3;
	v44 =	vmul.f32 v45, v1  }
0x1a9: {  	v13 =	vld [tilespmem:s22+$0x13D70];
	v45 =	vmul.f32 v46, v0;
	v46 =	vmul.f32 v47, v2  }
0x1aa: {  	v16 =	vld [tilespmem:s22+$0x13D80];
	v47 =	vmul.f32 v48, v3;
	v48 =	vmul.f32 v49, v1  }
0x1ab: {  	v15 =	vld [tilespmem:s22+$0x13DA0];
	v49 =	vmul.f32 v50, v0;
	v51 =	vmul.f32 v51, v2  }
0x1ac: {  	v42 =	vld [tilespmem:s22+$0x13D90];
	v52 =	vmul.f32 v52, v3;
	v53 =	vmul.f32 v53, v1;
	v4 =	vadd.f32 $0.0e+00, v4  }
0x1ad: {  	v50 =	vld [tilespmem:s22+$0x13DE0];
	v54 =	vmul.f32 v54, v0;
	v5 =	vadd.f32 $0.0e+00, v5;
	v6 =	vadd.f32 $0.0e+00, v6  }
0x1ae: {  	v17 =	vld [tilespmem:s22+$0x13DB0];
	v55 =	vmul.f32 v55, v2;
	v7 =	vadd.f32 $0.0e+00, v7;
	v4 =	vadd.f32 v8, v4  }
0x1af: {  	v37 =	vld [tilespmem:s22+$0x13D10];
	v11 =	vmul.f32 v11, v1;
	v5 =	vadd.f32 v9, v5;
	v6 =	vadd.f32 v56, v6  }
0x1b0: {  	v20 =	vld [tilespmem:s22+$0x13DC0];
	v7 =	vadd.f32 v57, v7;
	v56 =	vmul.f32 v33, v3;
	v57 =	vmul.f32 v34, v1  }
0x1b1: {  	v32 =	vld [tilespmem:s22+$0x13F60];
	v33 =	vmul.f32 v10, v0;
	v42 =	vmul.f32 v42, v3  }
0x1b2: {  	v38 =	vld [tilespmem:s22+$0x13D20];
	v50 =	vmul.f32 v50, v1;
	v4 =	vadd.f32 v58, v4;
	v5 =	vadd.f32 v59, v5  }
0x1b3: {  	v22 =	vld [tilespmem:s22+$0x13DD0];
	v6 =	vadd.f32 v60, v6;
	v58 =	vmul.f32 v35, v0;
	v59 =	vmul.f32 v36, v2  }
0x1b4: {  	v21 =	vld [tilespmem:s22+$0x13DF0];
	v7 =	vadd.f32 v61, v7;
	v61 =	vmul.f32 v37, v3;
	v35 =	vmul.f32 v12, v2  }
0x1b5: {  	v60 =	vld [tilespmem:s22+$0x13E40];
	v37 =	vmul.f32 v14, v3;
	v4 =	vadd.f32 v62, v4;
	v5 =	vadd.f32 v63, v5  }
0x1b6: {  	v24 =	vld [tilespmem:s22+$0x13E00];
	v12 =	vmul.f32 v32, v1;
	v6 =	vadd.f32 v39, v6;
	v7 =	vadd.f32 v40, v7  }
0x1b7: {  	v62 =	vmul.f32 v38, v1;
	v38 =	vld [tilespmem:s22+$0x13E80];
	v39 =	vmul.f32 v13, v0;
	v4 =	vadd.f32 v41, v4  }
0x1b8: {  	v26 =	vld [tilespmem:s22+$0x13E10];
	v40 =	vmul.f32 v16, v2;
	v5 =	vadd.f32 v43, v5;
	v6 =	vadd.f32 v44, v6  }
0x1b9: {  	v34 =	vld [tilespmem:s22+$0x13E60];
	v7 =	vadd.f32 v45, v7;
	v44 =	vmul.f32 v15, v1;
	v4 =	vadd.f32 v46, v4  }
0x1ba: {  	v41 =	vld [tilespmem:s22+$0x13E90];
	v60 =	vmul.f32 v60, v2;
	v5 =	vadd.f32 v47, v5;
	v6 =	vadd.f32 v48, v6  }
0x1bb: {  	v45 =	vld [tilespmem:s22+$0x13EB0];
	v7 =	vadd.f32 v49, v7;
	v46 =	vmul.f32 v17, v0;
	v47 =	vmul.f32 v20, v2  }
0x1bc: {  	v23 =	vld [tilespmem:s22+$0x13E20];
	v49 =	vmul.f32 v22, v3;
	v27 =	vmul.f32 v38, v2;
	v4 =	vadd.f32 v51, v4  }
0x1bd: {  	v25 =	vld [tilespmem:s22+$0x13E30];
	v5 =	vadd.f32 v52, v5;
	v6 =	vadd.f32 v53, v6;
	v52 =	vmul.f32 v21, v0  }
0x1be: {  	v36 =	vld [tilespmem:s22+$0x13E70];
	v7 =	vadd.f32 v54, v7;
	v54 =	vmul.f32 v24, v2;
	v24 =	vmul.f32 v34, v1  }
0x1bf: {  	v63 =	vld [tilespmem:s22+$0x13E50];
	v29 =	vmul.f32 v41, v3;
	v4 =	vadd.f32 v55, v4;
	v5 =	vadd.f32 v56, v5  }
0x1c0: {  	v48 =	vld [tilespmem:s22+$0x13EC0];
	v31 =	vmul.f32 v45, v0;
	v6 =	vadd.f32 v57, v6;
	v7 =	vadd.f32 v58, v7  }
0x1c1: {  	v30 =	vld [tilespmem:s22+$0x13F50];
	v56 =	vmul.f32 v26, v3;
	v4 =	vadd.f32 v59, v4;
	v5 =	vadd.f32 v61, v5  }
0x1c2: {  	v53 =	vld [tilespmem:s22+$0x13EE0];
	v57 =	vmul.f32 v23, v1;
	v6 =	vadd.f32 v62, v6;
	v7 =	vadd.f32 v33, v7  }
0x1c3: {  	v43 =	vld [tilespmem:s22+$0x13EA0];
	v26 =	vmul.f32 v36, v0;
	v4 =	vadd.f32 v35, v4;
	v5 =	vadd.f32 v37, v5  }
0x1c4: {  	v51 =	vld [tilespmem:s22+$0x13ED0];
	v59 =	vmul.f32 v25, v0;
	v62 =	vmul.f32 v63, v3;
	v6 =	vadd.f32 v11, v6  }
0x1c5: {  	v55 =	vld [tilespmem:s22+$0x13EF0];
	v33 =	vmul.f32 v48, v2;
	v4 =	vadd.f32 v40, v4;
	v5 =	vadd.f32 v42, v5  }
0x1c6: {  	v58 =	vld [tilespmem:s22+$0x13F00];
	v48 =	vmul.f32 v30, v3;
	v7 =	vadd.f32 v39, v7;
	v6 =	vadd.f32 v44, v6  }
0x1c7: {  	v28 =	vld [tilespmem:s22+$0x13F40];
	v36 =	vmul.f32 v53, v1;
	v4 =	vadd.f32 v47, v4;
	v5 =	vadd.f32 v49, v5  }
0x1c8: {  	v61 =	vld [tilespmem:s22+$0x13F10];
	v11 =	vmul.f32 v43, v1;
	v7 =	vadd.f32 v46, v7;
	v6 =	vadd.f32 v50, v6  }
0x1c9: {  	v63 =	vld [tilespmem:s22+$0x13F20];
	v35 =	vmul.f32 v51, v3;
	v4 =	vadd.f32 v54, v4;
	v5 =	vadd.f32 v56, v5  }
0x1ca: {  	v25 =	vld [tilespmem:s22+$0x13F30];
	v38 =	vmul.f32 v55, v0;
	v7 =	vadd.f32 v52, v7;
	v6 =	vadd.f32 v57, v6  }
0x1cb: {  	v37 =	vld [tilespmem:s22+$0x13F80];
	v39 =	vmul.f32 v58, v2;
	v4 =	vadd.f32 v60, v4;
	v5 =	vadd.f32 v62, v5  }
0x1cc: {  	v40 =	vld [tilespmem:s22+$0x13F90];
	v46 =	vmul.f32 v28, v2;
	v7 =	vadd.f32 v59, v7;
	v6 =	vadd.f32 v24, v6  }
0x1cd: {  	v42 =	vld [tilespmem:s22+$0x13FA0];
	v41 =	vmul.f32 v61, v3;
	v4 =	vadd.f32 v27, v4;
	v5 =	vadd.f32 v29, v5  }
0x1ce: {  	v44 =	vld [tilespmem:s22+$0x13FC0];
	v43 =	vmul.f32 v63, v1;
	v7 =	vadd.f32 v26, v7;
	v6 =	vadd.f32 v11, v6  }
0x1cf: {  	v34 =	vld [tilespmem:s22+$0x13F70];
	v45 =	vmul.f32 v25, v0;
	v4 =	vadd.f32 v33, v4;
	v5 =	vadd.f32 v35, v5  }
0x1d0: {  	v47 =	vld [tilespmem:s22+$0x13FD0];
	v50 =	vmul.f32 v37, v2;
	v7 =	vadd.f32 v31, v7;
	v6 =	vadd.f32 v36, v6  }
0x1d1: {  	v49 =	vld [tilespmem:s22+$0x13FB0];
	v52 =	vmul.f32 v40, v3;
	v4 =	vadd.f32 v39, v4;
	v5 =	vadd.f32 v41, v5  }
0x1d2: {  	v51 =	vld [tilespmem:s22+$0x13FE0];
	v53 =	vmul.f32 v42, v1;
	v7 =	vadd.f32 v38, v7;
	v6 =	vadd.f32 v43, v6  }
0x1d3: {  	v55 =	vmul.f32 v44, v2;
	v4 =	vadd.f32 v46, v4;
	v5 =	vadd.f32 v48, v5  }
0x1d4: {  	v54 =	vld [tilespmem:s22+$0x13FF0];
	v11 =	vmul.f32 v34, v0;
	v7 =	vadd.f32 v45, v7;
	v6 =	vadd.f32 v12, v6  }
0x1d5: {  	v56 =	vmul.f32 v47, v3;
	v4 =	vadd.f32 v50, v4;
	v5 =	vadd.f32 v52, v5  }
0x1d6: {  	v57 =	vmul.f32 v49, v0;
	v7 =	vadd.f32 v11, v7;
	v6 =	vadd.f32 v53, v6  }
0x1d7: {  	v58 =	vmul.f32 v51, v1;
	v4 =	vadd.f32 v55, v4;
	v5 =	vadd.f32 v56, v5  }
0x1d8: {  	v7 =	vadd.f32 v57, v7  }
0x1d9: {  	v59 =	vmul.f32 v54, v0;
	v6 =	vadd.f32 v58, v6;
	v4 =	vadd.f32 v5, v4;
	_ =	sdelay $0x1  }
0x1da: {  	v60 =	vadd.f32 v59, v7;
	v4 =	vadd.f32 v6, v4;
	_ =	sdelay $0x1  }
0x1db: {  	v4 =	vadd.f32 v60, v4;
	_ =	sdelay $0x1  }
0x1dc: {  	[tilespmem:s24+$0x17430] =	vst v4  }
0x1dd: {  	v4 =	vld [tilespmem:s19+$0x40]  }
0x1de: {  	v61 =	vld [tilespmem:s19+$0x50];
	_ =	sdelay $0x1  }
0x1df: {  	v62 =	vld [tilespmem:s19+$0x60];
	_ =	sdelay $0x1  }
0x1e0: {  	v63 =	vld [tilespmem:s19+$0x70]  }
0x1e1: {  	v2 =	vmul.f32 v4, v2;
	v3 =	vmul.f32 v61, v3;
	_ =	sdelay $0x1  }
0x1e2: {  	s20 =	sadd.s32 $0x100, s20;
	v1 =	vmul.f32 v62, v1;
	v2 =	vadd.f32 v3, v2  }
0x1e3: {  	p0 =	sne.s32 s20, $0x8000  }
.Ltmp0:
0x1e4: {  	v0 =	vmul.f32 v63, v0;
	v1 =	vadd.f32 v1, v2;
	(pc) =	sbr.rel @p0 .LBB2_2-.Ltmp0, $4  }
0x1e5: {  	_ = 	snop  }
0x1e6: {  	v0 =	vadd.f32 v0, v1  }
0x1e7: {  	s21 =	sadd.s32 $0x1, s21  }
0x1e8: {  	s17 =	sadd.s32 $0x50, s17;
	s18 =	sadd.s32 $0x100, s18;
	s19 =	sadd.s32 $0x100, s19;
	[tilespmem:s24+$0x15430] =	vst v0  }
0x1e9: {  	[hbm4b:s8+s2] =	stream.linear.scatter [tilespmem:s1], [sflag:$0x3], $0x2000, $0x38;
	[tilespmem:$0x19400] =	vst v63  }
0x1ea: {  	s16 =	sadd.s32 $0x1, s16;
	_ =	swait.ge [sflag:s11], $0x2000  }
0x1eb: {  	p0 =	sne.s32 s16, s10;
	[sflag:s11] =	ssyncset.done $0x0  }
.Ltmp1:
0x1ec: {  	[sflag:s11] =	ssyncadd.s32 $0xFFFFE000;
	(pc) =	sbr.rel @p0 .LBB2_1-.Ltmp1, $4  }
0x1ed: {  	[hbm4b:s9+s2] =	stream.linear.scatter [tilespmem:s15], [sflag:$0x3], $0x2000, $0x38;
	[tilespmem:$0x19400] =	vst v63  }
0x1ee: {  	_ =	swait.ge [sflag:s11], $0x2000  }
0x1ef: {  	[sflag:s11] =	ssyncset.done $0x0  }
0x1f0: {  	[sflag:s11] =	ssyncadd.s32 $0xFFFFE000  }
0x1f1: {  	_ =	sfence.sel $0x180000  }
0x1f2: {  	[bflag:$0x0] =	sbarrier.arrive $0xFFFF  }
0x1f3: {  	_ =	strace $0x90000047  }
0x1f4: {  	s0 =	stileid.u32;
	[bflag:$0x2] =	sbarrier.arrive $0xFFFF  }
0x1f5: {  	p0 =	sne.s32 s0, $0x0;
	s0 =	rddreg [dreg:$0x3]  }
0x1f6: {  	s0 =	sadd.s32 @!p0 $0x100000, s0  }
0x1f7: {  	[sflag:s0] =	ssyncadd.tile.s32 @!p0 $0x1;
	_ =	shalt  }
.Lfunc_end2:
_tile_overlayer_lowered:
.L_overlay_start_2:
0x1f8: {  	(tag) =	ssettag $0x2  }
0x1f9: {  	s0 =	rddreg [dreg:$0x0];
	s2 =	stileid.u32  }
0x1fa: {  	s1 =	rddreg [dreg:$0x1];
	p0 =	sne.s32 s2, $0x0  }
0x1fb: {  	s3 =	rddreg [dreg:$0x2];
	[bflag:$0x3] =	sbarrier.arrive $0xFFFF;
	s2 =	simm.s32 @!p0 $0x1C03  }
0x1fc: {  	[timem:s3], [sflag:s2] =	dma.local @!p0 [hbm:s0], s1  }
0x1fd: {  	s0 =	simm.s32 @!p0 $0x3  }
0x1fe: {  	_ =	swait.ge @!p0 [sflag:s0], s1  }
0x1ff: {  	s1 =	ssub.s32 @!p0 $0x0, s1;
	[sflag:s0] =	ssyncset.done @!p0 $0x0  }
0x200: {  	[sflag:s0] =	ssyncadd.s32 @!p0 s1  }
0x201: {  	[bflag:$0x3] =	sbarrier.arrive $0xFFFF  }
0x202: {  	_ =	shalt  }

</sc_bundles>
